<compile_context>
chip_gen: v7x
topology: tpu7x:2x2x1
jax: 0.10.2.dev20260603
libtpu: 0.0.44.dev20260713+nightly
codegen_flags: <defaults>
</compile_context>

<pallas_src>
import functools

import jax
import jax.numpy as jnp
from jax import lax
from jax.experimental import pallas as pl
from jax.experimental.pallas import tpu as pltpu
from jax.experimental.pallas import tpu_sc as plsc

N = 10000
E = 320000
NUM_GRAPHS = 256
CHUNK = 128
K_BLK = 48
EI_PAD = 4608
N_TILE = 624
N_TAIL = N - 16 * N_TILE
N_CHUNKS = E // CHUNK

_PREC = jax.lax.Precision.HIGHEST


def _dot(a, b, dim):
    return jax.lax.dot_general(
        a, b, (((1,), (dim,)), ((), ())),
        precision=_PREC, preferred_element_type=jnp.float32)


def _sc_agg(h, src, dst, zeros, feat_split):
    mesh = plsc.VectorSubcoreMesh(core_axis_name="c", subcore_axis_name="s")
    n_workers = 16 if feat_split else 32
    base_cnt = N_CHUNKS // n_workers
    n_rem = N_CHUNKS % n_workers
    max_cnt = base_cnt + (1 if n_rem else 0)
    n_blocks = -(-max_cnt // K_BLK)
    n_idx = K_BLK * CHUNK

    @functools.partial(
        pl.kernel,
        mesh=mesh,
        out_type=jax.ShapeDtypeStruct((2 * N, 128), jnp.float32),
        scratch_types=[
            pltpu.VMEM((n_idx,), jnp.int32),
            pltpu.VMEM((n_idx,), jnp.int32),
            pltpu.VMEM((CHUNK,), jnp.int32),
            pltpu.VMEM((CHUNK,), jnp.int32),
            pltpu.VMEM((CHUNK, 128), jnp.float32),
            pltpu.VMEM((CHUNK, 128), jnp.float32),
            pltpu.VMEM_SHARED((N, 128), jnp.float32),
            pltpu.SemaphoreType.DMA,
            pltpu.SemaphoreType.DMA,
            pltpu.SemaphoreType.DMA,
            pltpu.SemaphoreType.DMA,
        ],
    )
    def k(h_hbm, src_hbm, dst_hbm, z_hbm, out_hbm, src_all, dst_all,
          dst_v0, dst_v1, rows0, rows1, acc_sh, sem0, sem1, ssem0, ssem1):
        c = lax.axis_index("c")
        s = lax.axis_index("s")
        w = s if feat_split else c * 16 + s
        start = w * base_cnt + jnp.minimum(w, n_rem)
        cnt = base_cnt + (w < n_rem).astype(jnp.int32)

        dst_bufs = (dst_v0, dst_v1)
        row_bufs = (rows0, rows1)
        sems = (sem0, sem1)
        ssems = (ssem0, ssem1)
        row_off = jnp.full((16,), c * N, dtype=jnp.int32)

        pltpu.sync_copy(z_hbm, acc_sh.at[pl.ds(s * N_TILE, N_TILE)])

        @pl.when(s == 0)
        def _():
            pltpu.sync_copy(z_hbm.at[pl.ds(0, N_TAIL)],
                            acc_sh.at[pl.ds(16 * N_TILE, N_TAIL)])

        plsc.subcore_barrier()

        def issue_gather(i, b, guard):
            @pl.when(guard)
            def _():
                pltpu.async_copy(
                    h_hbm.at[src_all.at[pl.ds(i * CHUNK, CHUNK)]],
                    row_bufs[b], sems[b])

        def drain_scatter(b, guard):
            @pl.when(guard)
            def _():
                pltpu.make_async_copy(row_bufs[b], acc_sh.at[dst_bufs[b]],
                                      ssems[b]).wait()

        def block_body(blk, carry):
            kk0 = blk * K_BLK
            ib = (start + kk0) * CHUNK
            pltpu.sync_copy(src_hbm.at[pl.ds(ib, n_idx)], src_all)
            pltpu.sync_copy(dst_hbm.at[pl.ds(ib, n_idx)], dst_all)

            if feat_split:
                def adj(i, cy):
                    sl = pl.ds(i * 16, 16)
                    src_all[sl] = src_all[sl] + row_off
                    return cy

                lax.fori_loop(0, n_idx // 16, adj, 0)

            drain_scatter(0, (kk0 >= 2) & (kk0 - 2 < cnt))
            issue_gather(0, 0, kk0 < cnt)

            def step(i, b, prefetch):
                kk = kk0 + i

                if prefetch:
                    drain_scatter(1 - b, (kk >= 1) & (kk - 1 < cnt))
                    issue_gather(i + 1, 1 - b, kk + 1 < cnt)

                @pl.when(kk < cnt)
                def _():
                    for t in range(CHUNK // 16):
                        dst_bufs[b][pl.ds(t * 16, 16)] = (
                            dst_all[pl.ds(i * CHUNK + t * 16, 16)])
                    pltpu.make_async_copy(
                        h_hbm.at[src_all.at[pl.ds(i * CHUNK, CHUNK)]],
                        row_bufs[b], sems[b]).wait()
                    pltpu.async_copy(row_bufs[b], acc_sh.at[dst_bufs[b]],
                                     ssems[b], add=True)

            def pair(jj, cy):
                step(jj * 2, 0, True)
                step(jj * 2 + 1, 1, True)
                return cy

            lax.fori_loop(0, K_BLK // 2 - 1, pair, 0)
            step(K_BLK - 2, 0, True)
            step(K_BLK - 1, 1, False)
            return carry

        lax.fori_loop(0, n_blocks, block_body, 0)

        kk_last = (n_blocks - 1) * K_BLK
        drain_scatter(0, (kk_last + K_BLK - 2 >= 0) & (kk_last + K_BLK - 2 < cnt))
        drain_scatter(1, kk_last + K_BLK - 1 < cnt)
        plsc.subcore_barrier()

        pltpu.sync_copy(acc_sh.at[pl.ds(s * N_TILE, N_TILE)],
                        out_hbm.at[pl.ds(c * N + s * N_TILE, N_TILE)])

        @pl.when(s == 0)
        def _():
            pltpu.sync_copy(acc_sh.at[pl.ds(16 * N_TILE, N_TAIL)],
                            out_hbm.at[pl.ds(c * N + 16 * N_TILE, N_TAIL)])

    return k(h, src, dst, zeros)


BLK = 2000


def _tc_layer1(agg, x, w_rel, w_root, b):
    def body(a_ref, x_ref, wrel_ref, wroot_ref, b_ref, o_ref):
        wrel = wrel_ref[...]
        h = (_dot(a_ref[0], wrel, 1) + _dot(a_ref[1], wrel, 1)
             + _dot(x_ref[...], wroot_ref[...], 1) + b_ref[...])
        o_ref[...] = jnp.maximum(h, 0.0)

    return pl.pallas_call(
        body,
        grid=(N // BLK,),
        in_specs=[
            pl.BlockSpec((2, BLK, 128), lambda i: (0, i, 0)),
            pl.BlockSpec((BLK, 128), lambda i: (i, 0)),
            pl.BlockSpec((128, 128), lambda i: (0, 0)),
            pl.BlockSpec((128, 128), lambda i: (0, 0)),
            pl.BlockSpec((1, 128), lambda i: (0, 0)),
        ],
        out_specs=pl.BlockSpec((BLK, 128), lambda i: (i, 0)),
        out_shape=jax.ShapeDtypeStruct((N, 128), jnp.float32),
    )(agg, x, w_rel, w_root, b.reshape(1, 128))


def _tc_layer2(agg, h1, w_rel, w_root, b):
    def body(a_ref, h_ref, wrel_ref, wroot_ref, b_ref, o_ref):
        wrel = wrel_ref[...]
        h = (_dot(a_ref[0], wrel, 1) + _dot(a_ref[1], wrel, 1)
             + _dot(h_ref[...], wroot_ref[...], 1) + b_ref[...])
        h = jnp.maximum(h, 0.0)
        o_ref[0] = h[:, :128]
        o_ref[1] = h[:, 128:]

    return pl.pallas_call(
        body,
        grid=(N // BLK,),
        in_specs=[
            pl.BlockSpec((2, BLK, 128), lambda i: (0, i, 0)),
            pl.BlockSpec((BLK, 128), lambda i: (i, 0)),
            pl.BlockSpec((256, 128), lambda i: (0, 0)),
            pl.BlockSpec((256, 128), lambda i: (0, 0)),
            pl.BlockSpec((1, 256), lambda i: (0, 0)),
        ],
        out_specs=pl.BlockSpec((2, BLK, 128), lambda i: (0, i, 0)),
        out_shape=jax.ShapeDtypeStruct((2, N, 128), jnp.float32),
    )(agg, h1, w_rel, w_root, b.reshape(1, 256))


def _tc_layer3_fc_pool(agg, h2, w_rel, w_root, b, wfc, bfc, gamma, beta,
                       batch3d):
    def body(a_ref, h_ref, wrel_ref, wroot_ref, b_ref, wfc_ref, bfc_ref,
             g_ref, be_ref, ids_ref, atom_ref, pool_ref):
        h3 = (_dot(a_ref[0], wrel_ref[...][:, :128], 1)
              + _dot(a_ref[1], wrel_ref[...][:, 128:], 1)
              + _dot(h_ref[0], wroot_ref[...][:, :128], 1)
              + _dot(h_ref[1], wroot_ref[...][:, 128:], 1)
              + b_ref[...])
        h3 = jnp.maximum(h3, 0.0)
        hf = _dot(h3, wfc_ref[...], 1) + bfc_ref[...]
        mu = jnp.mean(hf, axis=-1, keepdims=True)
        var = jnp.mean((hf - mu) ** 2, axis=-1, keepdims=True)
        ln = (hf - mu) * jax.lax.rsqrt(var + 1e-5) * g_ref[...] + be_ref[...]
        atom = jnp.maximum(ln, 0.0)
        atom_ref[...] = atom

        ids = ids_ref[0, 0, :]
        gids = jax.lax.broadcasted_iota(jnp.int32, (NUM_GRAPHS, BLK), 0)
        onehot = (gids == ids[None, :]).astype(jnp.float32)
        part = jax.lax.dot_general(
            onehot, atom, (((1,), (0,)), ((), ())),
            precision=_PREC, preferred_element_type=jnp.float32)

        @pl.when(pl.program_id(0) == 0)
        def _():
            pool_ref[...] = jnp.zeros_like(pool_ref)

        pool_ref[...] += part

    return pl.pallas_call(
        body,
        grid=(N // BLK,),
        in_specs=[
            pl.BlockSpec((2, BLK, 128), lambda i: (0, i, 0)),
            pl.BlockSpec((2, BLK, 128), lambda i: (0, i, 0)),
            pl.BlockSpec((256, 256), lambda i: (0, 0)),
            pl.BlockSpec((256, 256), lambda i: (0, 0)),
            pl.BlockSpec((1, 256), lambda i: (0, 0)),
            pl.BlockSpec((128, 256), lambda i: (0, 0)),
            pl.BlockSpec((1, 128), lambda i: (0, 0)),
            pl.BlockSpec((1, 128), lambda i: (0, 0)),
            pl.BlockSpec((1, 128), lambda i: (0, 0)),
            pl.BlockSpec((1, 1, BLK), lambda i: (i, 0, 0)),
        ],
        out_specs=[
            pl.BlockSpec((BLK, 128), lambda i: (i, 0)),
            pl.BlockSpec((NUM_GRAPHS, 128), lambda i: (0, 0)),
        ],
        out_shape=[
            jax.ShapeDtypeStruct((N, 128), jnp.float32),
            jax.ShapeDtypeStruct((NUM_GRAPHS, 128), jnp.float32),
        ],
    )(agg, h2, w_rel, w_root, b.reshape(1, 256), wfc, bfc.reshape(1, 128),
      gamma.reshape(1, 128), beta.reshape(1, 128), batch3d)


def kernel(x_l, edge_index_l, batch_l, W1_root, W1_rel, b1, W2_root, W2_rel,
           b2, W3_root, W3_rel, b3, Wfc, bfc, gamma, beta):
    pad = jnp.zeros((2, EI_PAD), jnp.int32)
    ei = jnp.concatenate([edge_index_l, pad], axis=1)
    src = ei[0]
    dst = ei[1]
    zeros = jnp.zeros((N_TILE, 128), jnp.float32)
    batch3d = batch_l.reshape(N // BLK, 1, BLK)

    agg1 = _sc_agg(x_l, src, dst, zeros, False).reshape(2, N, 128)
    h1 = _tc_layer1(agg1, x_l, W1_rel, W1_root, b1)

    agg2 = _sc_agg(h1, src, dst, zeros, False).reshape(2, N, 128)
    h2 = _tc_layer2(agg2, h1, W2_rel, W2_root, b2)

    agg3 = _sc_agg(h2.reshape(2 * N, 128), src, dst, zeros,
                   True).reshape(2, N, 128)
    x_atom, x_pool = _tc_layer3_fc_pool(agg3, h2, W3_rel, W3_root, b3, Wfc,
                                        bfc, gamma, beta, batch3d)
    return (x_atom, x_pool)

# --- scband reference (transcript-rebuilt; emitter-appended) ---
"""Pipeline reference for scband-ligand-gcn-55757265436927 (READ-ONLY COPY).

The authoritative reference and input builder live on the scoring server;
editing this copy changes nothing except your own understanding.
"""

import jax, jax.numpy as jnp
import numpy as np

N = 10000
E = 320000
D_IN = 128
H = 128
D_OUT = 128
NUM_GRAPHS = 256


def setup_inputs(seed: int = 0):
    key = jax.random.key(seed)
    ks = jax.random.split(key, 16)
    x_l = jax.random.normal(ks[0], (N, D_IN), dtype=jnp.float32)
    edge_index_l = jax.random.randint(ks[1], (2, E), 0, N, dtype=jnp.int32)
    batch_l = jnp.sort(jax.random.randint(ks[2], (N,), 0, NUM_GRAPHS, dtype=jnp.int32))
    def lin(k, out_d, in_d):
        return jax.random.normal(k, (out_d, in_d), dtype=jnp.float32) * (1.0 / np.sqrt(in_d))
    params = {
        'W1_root': lin(ks[3], H, D_IN),
        'W1_rel': lin(ks[4], H, D_IN),
        'b1': jnp.zeros((H,), jnp.float32),
        'W2_root': lin(ks[5], 2 * H, H),
        'W2_rel': lin(ks[6], 2 * H, H),
        'b2': jnp.zeros((2 * H,), jnp.float32),
        'W3_root': lin(ks[7], 2 * H, 2 * H),
        'W3_rel': lin(ks[8], 2 * H, 2 * H),
        'b3': jnp.zeros((2 * H,), jnp.float32),
        'Wfc': lin(ks[9], D_OUT, 2 * H),
        'bfc': jnp.zeros((D_OUT,), jnp.float32),
        'gamma': jnp.ones((D_OUT,), jnp.float32),
        'beta': jnp.zeros((D_OUT,), jnp.float32),
    }
    out = {'x_l': x_l, 'edge_index_l': edge_index_l, 'batch_l': batch_l}
    out.update(params)
    return out


def _graph_conv(x, src, dst, W_root, W_rel, b):
    # PyG GraphConv: out = lin_rel(sum_{j in N(i)} x_j) + lin_root(x_i)
    msgs = jnp.take(x, src, axis=0)
    agg = jax.ops.segment_sum(msgs, dst, num_segments=N)
    return agg @ W_rel.T + b + x @ W_root.T


def _layer_norm(h, gamma, beta, eps=1e-5):
    mu = jnp.mean(h, axis=-1, keepdims=True)
    var = jnp.mean((h - mu) ** 2, axis=-1, keepdims=True)
    return (h - mu) / jnp.sqrt(var + eps) * gamma + beta


def reference(x_l, edge_index_l, batch_l, W1_root, W1_rel, b1, W2_root, W2_rel, b2, W3_root, W3_rel, b3, Wfc, bfc, gamma, beta):
    src = edge_index_l[0]
    dst = edge_index_l[1]
    h = jax.nn.relu(_graph_conv(x_l, src, dst, W1_root, W1_rel, b1))
    h = jax.nn.relu(_graph_conv(h, src, dst, W2_root, W2_rel, b2))
    h = jax.nn.relu(_graph_conv(h, src, dst, W3_root, W3_rel, b3))
    # l_fc1: Linear -> LayerNorm -> Dropout(0.01, eval=identity) -> ReLU
    x_atom = jax.nn.relu(_layer_norm(h @ Wfc.T + bfc, gamma, beta))
    # global_add_pool
    x_pool = jax.ops.segment_sum(x_atom, batch_l, num_segments=NUM_GRAPHS)
    return (x_atom, x_pool)

if __name__ == "__main__":
    import jax
    _d = setup_inputs()
    print(jax.jit(kernel)(*tuple(_d.values())))

</pallas_src>

<mosaic_0001>
#map = affine_map<(d0, d1) -> (0, 0)>
#map1 = affine_map<(d0, d1) -> (0)>
module attributes {stable_mosaic.version = 14 : i64} {
  func.func @k(%arg0: i32, %arg1: i32, %arg2: memref<10000x128xf32, #tpu.memory_space<hbm>>, %arg3: memref<324608xi32, #tpu.memory_space<hbm>>, %arg4: memref<324608xi32, #tpu.memory_space<hbm>>, %arg5: memref<624x128xf32, #tpu.memory_space<hbm>>, %arg6: memref<20000x128xf32, #tpu.memory_space<hbm>>, %arg7: memref<6144xi32, #tpu.memory_space<vmem>>, %arg8: memref<6144xi32, #tpu.memory_space<vmem>>, %arg9: memref<128xi32, #tpu.memory_space<vmem>>, %arg10: memref<128xi32, #tpu.memory_space<vmem>>, %arg11: memref<128x128xf32, #tpu.memory_space<vmem>>, %arg12: memref<128x128xf32, #tpu.memory_space<vmem>>, %arg13: memref<10000x128xf32, #tpu.memory_space<vmem_shared>>, %arg14: memref<!tpu.dma_semaphore, #tpu.memory_space<semaphore_mem>>, %arg15: memref<!tpu.dma_semaphore, #tpu.memory_space<semaphore_mem>>, %arg16: memref<!tpu.dma_semaphore, #tpu.memory_space<semaphore_mem>>, %arg17: memref<!tpu.dma_semaphore, #tpu.memory_space<semaphore_mem>>) attributes {dimension_semantics = [#tpu.dimension_semantics<core_parallel>, #tpu.dimension_semantics<subcore_parallel>], iteration_bounds = array<i64: 2, 16>, scalar_prefetch = 0 : i64, scratch_operands = 11 : i64, tpu.core_type = #tpu.core_type<sc_vector_subcore>, window_params = [{transform_indices = #map}, {transform_indices = #map1}, {transform_indices = #map1}, {transform_indices = #map}, {transform_indices = #map}]} {
    %mul3A = arith.constant 16 : i32
    %mul3A_0 = arith.muli %arg0, %mul3A : i32
    %add3A = arith.addi %mul3A_0, %arg1 : i32
    %mul3A_1 = arith.constant 78 : i32
    %mul3A_2 = arith.muli %add3A, %mul3A_1 : i32
    %min3A = arith.constant 4 : i32
    %min3A_3 = arith.minsi %add3A, %min3A : i32
    %add3A_4 = arith.addi %mul3A_2, %min3A_3 : i32
    %lt3A = arith.constant 4 : i32
    %lt3A_5 = arith.cmpi slt, %add3A, %lt3A : i32
    %convert_element_type3A = arith.extui %lt3A_5 : i1 to i32
    %add3A_6 = arith.constant 78 : i32
    %add3A_7 = arith.addi %add3A_6, %convert_element_type3A : i32
    %mul3A_8 = arith.constant 10000 : i32
    %mul3A_9 = arith.muli %arg0, %mul3A_8 : i32
    %broadcast_in_dim3A = vector.broadcast %mul3A_9 : i32 to vector<16xi32>
    %mul3A_10 = arith.constant 624 : i32
    %mul3A_11 = arith.muli %arg1, %mul3A_10 : i32
    "tpu.region"() ({
      %run_scoped3A = tpu.sem_alloc : memref<!tpu.dma_semaphore, #tpu.memory_space<semaphore_mem>>
      %dma_start3A = arith.constant 0 : i32
      %dma_start3A_43 = tpu.memref_slice %arg13[%mul3A_11, %dma_start3A] : memref<10000x128xf32, #tpu.memory_space<vmem_shared>> -> memref<624x128xf32, #tpu.memory_space<vmem_shared>>
      tpu.enqueue_dma source(%arg5 : memref<624x128xf32, #tpu.memory_space<hbm>>) target(%dma_start3A_43 : memref<624x128xf32, #tpu.memory_space<vmem_shared>>) target_semaphore(%run_scoped3A : memref<!tpu.dma_semaphore, #tpu.memory_space<semaphore_mem>>)
      %dma_wait3A = arith.constant 0 : i32
      %dma_wait3A_44 = tpu.memref_slice %arg13[%mul3A_11, %dma_wait3A] : memref<10000x128xf32, #tpu.memory_space<vmem_shared>> -> memref<624x128xf32, #tpu.memory_space<vmem_shared>>
      tpu.wait_dma2 semaphore(%run_scoped3A : memref<!tpu.dma_semaphore, #tpu.memory_space<semaphore_mem>>) src(%arg5 : memref<624x128xf32, #tpu.memory_space<hbm>>) dst(%dma_wait3A_44 : memref<624x128xf32, #tpu.memory_space<vmem_shared>>)
      tpu.yield
    }) : () -> ()
    %eq3A = arith.constant 0 : i32
    %eq3A_12 = arith.cmpi eq, %arg1, %eq3A : i32
    %convert_element_type3A_13 = arith.extui %eq3A_12 : i1 to i32
    %cond3A = arith.constant 0 : i32
    %cond3A_14 = arith.cmpi ne, %convert_element_type3A_13, %cond3A : i32
    scf.if %cond3A_14 {
      "tpu.region"() ({
        %run_scoped3A = tpu.sem_alloc : memref<!tpu.dma_semaphore, #tpu.memory_space<semaphore_mem>>
        %dma_start3A = arith.constant 9984 : i32
        %dma_start3A_43 = arith.constant 0 : i32
        %dma_start3A_44 = tpu.memref_slice %arg13[%dma_start3A, %dma_start3A_43] : memref<10000x128xf32, #tpu.memory_space<vmem_shared>> -> memref<16x128xf32, #tpu.memory_space<vmem_shared>>
        %dma_start3A_45 = arith.constant 0 : i32
        %dma_start3A_46 = arith.constant 0 : i32
        %dma_start3A_47 = tpu.memref_slice %arg5[%dma_start3A_45, %dma_start3A_46] : memref<624x128xf32, #tpu.memory_space<hbm>> -> memref<16x128xf32, #tpu.memory_space<hbm>>
        tpu.enqueue_dma source(%dma_start3A_47 : memref<16x128xf32, #tpu.memory_space<hbm>>) target(%dma_start3A_44 : memref<16x128xf32, #tpu.memory_space<vmem_shared>>) target_semaphore(%run_scoped3A : memref<!tpu.dma_semaphore, #tpu.memory_space<semaphore_mem>>)
        %dma_wait3A = arith.constant 9984 : i32
        %dma_wait3A_48 = arith.constant 0 : i32
        %dma_wait3A_49 = tpu.memref_slice %arg13[%dma_wait3A, %dma_wait3A_48] : memref<10000x128xf32, #tpu.memory_space<vmem_shared>> -> memref<16x128xf32, #tpu.memory_space<vmem_shared>>
        %dma_wait3A_50 = arith.constant 0 : i32
        %dma_wait3A_51 = arith.constant 0 : i32
        %dma_wait3A_52 = tpu.memref_slice %arg5[%dma_wait3A_50, %dma_wait3A_51] : memref<624x128xf32, #tpu.memory_space<hbm>> -> memref<16x128xf32, #tpu.memory_space<hbm>>
        tpu.wait_dma2 semaphore(%run_scoped3A : memref<!tpu.dma_semaphore, #tpu.memory_space<semaphore_mem>>) src(%dma_wait3A_52 : memref<16x128xf32, #tpu.memory_space<hbm>>) dst(%dma_wait3A_49 : memref<16x128xf32, #tpu.memory_space<vmem_shared>>)
        tpu.yield
      }) : () -> ()
    } else {
    }
    %barrier3A = arith.constant 0 : index
    tpu.barrier barrier_id(%barrier3A)
    %scan3A = arith.constant 0 : i32
    %scan3A_15 = arith.constant 0 : i32
    %scan3A_16 = arith.constant 2 : i32
    %scan3A_17 = arith.addi %scan3A_15, %scan3A_16 : i32
    %scan3A_18 = arith.constant 1 : i32
    scf.for %scan3A_43 = %scan3A_15 to %scan3A_17 step %scan3A_18  : i32 {
      %mul3A_44 = arith.constant 48 : i32
      %mul3A_45 = arith.muli %scan3A_43, %mul3A_44 : i32
      %add3A_46 = arith.addi %add3A_4, %mul3A_45 : i32
      %mul3A_47 = arith.constant 128 : i32
      %mul3A_48 = arith.muli %add3A_46, %mul3A_47 : i32
      "tpu.region"() ({
        %run_scoped3A = tpu.sem_alloc : memref<!tpu.dma_semaphore, #tpu.memory_space<semaphore_mem>>
        %dma_start3A = tpu.memref_slice %arg3[%mul3A_48] : memref<324608xi32, #tpu.memory_space<hbm>> -> memref<6144xi32, #tpu.memory_space<hbm>>
        %dma_start3A_93 = tpu.memref_slice %arg3[%mul3A_48] : memref<324608xi32, #tpu.memory_space<hbm>> -> memref<6144xi32, #tpu.memory_space<hbm>>
        tpu.enqueue_dma source(%dma_start3A_93 : memref<6144xi32, #tpu.memory_space<hbm>>) target(%arg7 : memref<6144xi32, #tpu.memory_space<vmem>>) target_semaphore(%run_scoped3A : memref<!tpu.dma_semaphore, #tpu.memory_space<semaphore_mem>>)
        %dma_wait3A = tpu.memref_slice %arg3[%mul3A_48] : memref<324608xi32, #tpu.memory_space<hbm>> -> memref<6144xi32, #tpu.memory_space<hbm>>
        %dma_wait3A_94 = tpu.memref_slice %arg3[%mul3A_48] : memref<324608xi32, #tpu.memory_space<hbm>> -> memref<6144xi32, #tpu.memory_space<hbm>>
        tpu.wait_dma2 semaphore(%run_scoped3A : memref<!tpu.dma_semaphore, #tpu.memory_space<semaphore_mem>>) src(%dma_wait3A_94 : memref<6144xi32, #tpu.memory_space<hbm>>) dst(%arg7 : memref<6144xi32, #tpu.memory_space<vmem>>)
        tpu.yield
      }) : () -> ()
      "tpu.region"() ({
        %run_scoped3A = tpu.sem_alloc : memref<!tpu.dma_semaphore, #tpu.memory_space<semaphore_mem>>
        %dma_start3A = tpu.memref_slice %arg4[%mul3A_48] : memref<324608xi32, #tpu.memory_space<hbm>> -> memref<6144xi32, #tpu.memory_space<hbm>>
        %dma_start3A_93 = tpu.memref_slice %arg4[%mul3A_48] : memref<324608xi32, #tpu.memory_space<hbm>> -> memref<6144xi32, #tpu.memory_space<hbm>>
        tpu.enqueue_dma source(%dma_start3A_93 : memref<6144xi32, #tpu.memory_space<hbm>>) target(%arg8 : memref<6144xi32, #tpu.memory_space<vmem>>) target_semaphore(%run_scoped3A : memref<!tpu.dma_semaphore, #tpu.memory_space<semaphore_mem>>)
        %dma_wait3A = tpu.memref_slice %arg4[%mul3A_48] : memref<324608xi32, #tpu.memory_space<hbm>> -> memref<6144xi32, #tpu.memory_space<hbm>>
        %dma_wait3A_94 = tpu.memref_slice %arg4[%mul3A_48] : memref<324608xi32, #tpu.memory_space<hbm>> -> memref<6144xi32, #tpu.memory_space<hbm>>
        tpu.wait_dma2 semaphore(%run_scoped3A : memref<!tpu.dma_semaphore, #tpu.memory_space<semaphore_mem>>) src(%dma_wait3A_94 : memref<6144xi32, #tpu.memory_space<hbm>>) dst(%arg8 : memref<6144xi32, #tpu.memory_space<vmem>>)
        tpu.yield
      }) : () -> ()
      %ge3A = arith.constant 2 : i32
      %ge3A_49 = arith.cmpi sge, %mul3A_45, %ge3A : i32
      %sub3A = arith.constant 2 : i32
      %sub3A_50 = arith.subi %mul3A_45, %sub3A : i32
      %lt3A_51 = arith.cmpi slt, %sub3A_50, %add3A_7 : i32
      %and3A_52 = arith.andi %ge3A_49, %lt3A_51 : i1
      %convert_element_type3A_53 = arith.extui %and3A_52 : i1 to i32
      %cond3A_54 = arith.constant 0 : i32
      %cond3A_55 = arith.cmpi ne, %convert_element_type3A_53, %cond3A_54 : i32
      scf.if %cond3A_55 {
        %dma_wait3A = arith.constant 0 : i32
        %dma_wait3A_93 = arith.constant 0 : i32
        %dma_wait3A_94 = tpu.memref_slice %arg13[%dma_wait3A, %dma_wait3A_93] : memref<10000x128xf32, #tpu.memory_space<vmem_shared>> -> memref<10000x128xf32, #tpu.memory_space<vmem_shared>>
        tpu.wait_indirect_dma semaphore(%arg16 : memref<!tpu.dma_semaphore, #tpu.memory_space<semaphore_mem>>) src(%arg11 : memref<128x128xf32, #tpu.memory_space<vmem>>) dst(%dma_wait3A_94 : memref<10000x128xf32, #tpu.memory_space<vmem_shared>>)
      } else {
      }
      %lt3A_56 = arith.cmpi slt, %mul3A_45, %add3A_7 : i32
      %convert_element_type3A_57 = arith.extui %lt3A_56 : i1 to i32
      %cond3A_58 = arith.constant 0 : i32
      %cond3A_59 = arith.cmpi ne, %convert_element_type3A_57, %cond3A_58 : i32
      scf.if %cond3A_59 {
        %dma_start3A = arith.constant 0 : i32
        %dma_start3A_93 = tpu.memref_slice %arg7[%dma_start3A] : memref<6144xi32, #tpu.memory_space<vmem>> -> memref<128xi32, #tpu.memory_space<vmem>>
        %dma_start3A_94 = arith.constant 0 : i32
        %dma_start3A_95 = arith.constant 0 : i32
        %dma_start3A_96 = tpu.memref_slice %arg2[%dma_start3A_94, %dma_start3A_95] : memref<10000x128xf32, #tpu.memory_space<hbm>> -> memref<10000x128xf32, #tpu.memory_space<hbm>>
        tpu.enqueue_indirect_dma source(%dma_start3A_96 : memref<10000x128xf32, #tpu.memory_space<hbm>>) target(%arg11 : memref<128x128xf32, #tpu.memory_space<vmem>>) offsets(%dma_start3A_93 : memref<128xi32, #tpu.memory_space<vmem>>) semaphore(%arg14 : memref<!tpu.dma_semaphore, #tpu.memory_space<semaphore_mem>>)
      } else {
      }
      %scan3A_60 = arith.constant 0 : i32
      %scan3A_61 = arith.constant 0 : i32
      %scan3A_62 = arith.constant 23 : i32
      %scan3A_63 = arith.addi %scan3A_61, %scan3A_62 : i32
      %scan3A_64 = arith.constant 1 : i32
      scf.for %scan3A_93 = %scan3A_61 to %scan3A_63 step %scan3A_64  : i32 {
        %mul3A_94 = arith.constant 2 : i32
        %mul3A_95 = arith.muli %scan3A_93, %mul3A_94 : i32
        %add3A_96 = arith.addi %mul3A_45, %mul3A_95 : i32
        %ge3A_97 = arith.constant 1 : i32
        %ge3A_98 = arith.cmpi sge, %add3A_96, %ge3A_97 : i32
        %sub3A_99 = arith.constant 1 : i32
        %sub3A_100 = arith.subi %add3A_96, %sub3A_99 : i32
        %lt3A_101 = arith.cmpi slt, %sub3A_100, %add3A_7 : i32
        %and3A_102 = arith.andi %ge3A_98, %lt3A_101 : i1
        %convert_element_type3A_103 = arith.extui %and3A_102 : i1 to i32
        %cond3A_104 = arith.constant 0 : i32
        %cond3A_105 = arith.cmpi ne, %convert_element_type3A_103, %cond3A_104 : i32
        scf.if %cond3A_105 {
          %dma_wait3A = arith.constant 0 : i32
          %dma_wait3A_144 = arith.constant 0 : i32
          %dma_wait3A_145 = tpu.memref_slice %arg13[%dma_wait3A, %dma_wait3A_144] : memref<10000x128xf32, #tpu.memory_space<vmem_shared>> -> memref<10000x128xf32, #tpu.memory_space<vmem_shared>>
          tpu.wait_indirect_dma semaphore(%arg17 : memref<!tpu.dma_semaphore, #tpu.memory_space<semaphore_mem>>) src(%arg12 : memref<128x128xf32, #tpu.memory_space<vmem>>) dst(%dma_wait3A_145 : memref<10000x128xf32, #tpu.memory_space<vmem_shared>>)
        } else {
        }
        %add3A_106 = arith.constant 1 : i32
        %add3A_107 = arith.addi %mul3A_95, %add3A_106 : i32
        %add3A_108 = arith.constant 1 : i32
        %add3A_109 = arith.addi %add3A_96, %add3A_108 : i32
        %lt3A_110 = arith.cmpi slt, %add3A_109, %add3A_7 : i32
        %convert_element_type3A_111 = arith.extui %lt3A_110 : i1 to i32
        %cond3A_112 = arith.constant 0 : i32
        %cond3A_113 = arith.cmpi ne, %convert_element_type3A_111, %cond3A_112 : i32
        scf.if %cond3A_113 {
          %mul3A_144 = arith.constant 128 : i32
          %mul3A_145 = arith.muli %add3A_107, %mul3A_144 : i32
          %dma_start3A = tpu.memref_slice %arg7[%mul3A_145] : memref<6144xi32, #tpu.memory_space<vmem>> -> memref<128xi32, #tpu.memory_space<vmem>>
          %dma_start3A_146 = arith.constant 0 : i32
          %dma_start3A_147 = arith.constant 0 : i32
          %dma_start3A_148 = tpu.memref_slice %arg2[%dma_start3A_146, %dma_start3A_147] : memref<10000x128xf32, #tpu.memory_space<hbm>> -> memref<10000x128xf32, #tpu.memory_space<hbm>>
          tpu.enqueue_indirect_dma source(%dma_start3A_148 : memref<10000x128xf32, #tpu.memory_space<hbm>>) target(%arg12 : memref<128x128xf32, #tpu.memory_space<vmem>>) offsets(%dma_start3A : memref<128xi32, #tpu.memory_space<vmem>>) semaphore(%arg15 : memref<!tpu.dma_semaphore, #tpu.memory_space<semaphore_mem>>)
        } else {
        }
        %lt3A_114 = arith.cmpi slt, %add3A_96, %add3A_7 : i32
        %convert_element_type3A_115 = arith.extui %lt3A_114 : i1 to i32
        %cond3A_116 = arith.constant 0 : i32
        %cond3A_117 = arith.cmpi ne, %convert_element_type3A_115, %cond3A_116 : i32
        scf.if %cond3A_117 {
          %mul3A_144 = arith.constant 128 : i32
          %mul3A_145 = arith.muli %mul3A_95, %mul3A_144 : i32
          %add3A_146 = arith.constant 0 : i32
          %add3A_147 = arith.addi %mul3A_145, %add3A_146 : i32
          %get3A = arith.index_cast %add3A_147 : i32 to index
          %get3A_148 = tpu.vector_load %arg8[%get3A] {strides = array<i32>} : memref<6144xi32, #tpu.memory_space<vmem>>, vector<16xi32>,
          %get3A_149 = vector.shape_cast %get3A_148 : vector<16xi32> to vector<16xi32>
          %swap3A = arith.constant 0 : index
          %swap3A_150 = tpu.vector_load %arg9[%swap3A] {strides = array<i32>} : memref<128xi32, #tpu.memory_space<vmem>>, vector<16xi32>,
          %swap3A_151 = vector.shape_cast %swap3A_150 : vector<16xi32> to vector<16xi32>
          %swap3A_152 = vector.shape_cast %get3A_149 : vector<16xi32> to vector<16xi32>
          tpu.vector_store %arg9[%swap3A], %swap3A_152 {strides = array<i32>} : memref<128xi32, #tpu.memory_space<vmem>>, vector<16xi32>,
          %mul3A_153 = arith.constant 128 : i32
          %mul3A_154 = arith.muli %mul3A_95, %mul3A_153 : i32
          %add3A_155 = arith.constant 16 : i32
          %add3A_156 = arith.addi %mul3A_154, %add3A_155 : i32
          %get3A_157 = arith.index_cast %add3A_156 : i32 to index
          %get3A_158 = tpu.vector_load %arg8[%get3A_157] {strides = array<i32>} : memref<6144xi32, #tpu.memory_space<vmem>>, vector<16xi32>,
          %get3A_159 = vector.shape_cast %get3A_158 : vector<16xi32> to vector<16xi32>
          %swap3A_160 = arith.constant 16 : index
          %swap3A_161 = tpu.vector_load %arg9[%swap3A_160] {strides = array<i32>} : memref<128xi32, #tpu.memory_space<vmem>>, vector<16xi32>,
          %swap3A_162 = vector.shape_cast %swap3A_161 : vector<16xi32> to vector<16xi32>
          %swap3A_163 = vector.shape_cast %get3A_159 : vector<16xi32> to vector<16xi32>
          tpu.vector_store %arg9[%swap3A_160], %swap3A_163 {strides = array<i32>} : memref<128xi32, #tpu.memory_space<vmem>>, vector<16xi32>,
          %mul3A_164 = arith.constant 128 : i32
          %mul3A_165 = arith.muli %mul3A_95, %mul3A_164 : i32
          %add3A_166 = arith.constant 32 : i32
          %add3A_167 = arith.addi %mul3A_165, %add3A_166 : i32
          %get3A_168 = arith.index_cast %add3A_167 : i32 to index
          %get3A_169 = tpu.vector_load %arg8[%get3A_168] {strides = array<i32>} : memref<6144xi32, #tpu.memory_space<vmem>>, vector<16xi32>,
          %get3A_170 = vector.shape_cast %get3A_169 : vector<16xi32> to vector<16xi32>
          %swap3A_171 = arith.constant 32 : index
          %swap3A_172 = tpu.vector_load %arg9[%swap3A_171] {strides = array<i32>} : memref<128xi32, #tpu.memory_space<vmem>>, vector<16xi32>,
          %swap3A_173 = vector.shape_cast %swap3A_172 : vector<16xi32> to vector<16xi32>
          %swap3A_174 = vector.shape_cast %get3A_170 : vector<16xi32> to vector<16xi32>
          tpu.vector_store %arg9[%swap3A_171], %swap3A_174 {strides = array<i32>} : memref<128xi32, #tpu.memory_space<vmem>>, vector<16xi32>,
          %mul3A_175 = arith.constant 128 : i32
          %mul3A_176 = arith.muli %mul3A_95, %mul3A_175 : i32
          %add3A_177 = arith.constant 48 : i32
          %add3A_178 = arith.addi %mul3A_176, %add3A_177 : i32
          %get3A_179 = arith.index_cast %add3A_178 : i32 to index
          %get3A_180 = tpu.vector_load %arg8[%get3A_179] {strides = array<i32>} : memref<6144xi32, #tpu.memory_space<vmem>>, vector<16xi32>,
          %get3A_181 = vector.shape_cast %get3A_180 : vector<16xi32> to vector<16xi32>
          %swap3A_182 = arith.constant 48 : index
          %swap3A_183 = tpu.vector_load %arg9[%swap3A_182] {strides = array<i32>} : memref<128xi32, #tpu.memory_space<vmem>>, vector<16xi32>,
          %swap3A_184 = vector.shape_cast %swap3A_183 : vector<16xi32> to vector<16xi32>
          %swap3A_185 = vector.shape_cast %get3A_181 : vector<16xi32> to vector<16xi32>
          tpu.vector_store %arg9[%swap3A_182], %swap3A_185 {strides = array<i32>} : memref<128xi32, #tpu.memory_space<vmem>>, vector<16xi32>,
          %mul3A_186 = arith.constant 128 : i32
          %mul3A_187 = arith.muli %mul3A_95, %mul3A_186 : i32
          %add3A_188 = arith.constant 64 : i32
          %add3A_189 = arith.addi %mul3A_187, %add3A_188 : i32
          %get3A_190 = arith.index_cast %add3A_189 : i32 to index
          %get3A_191 = tpu.vector_load %arg8[%get3A_190] {strides = array<i32>} : memref<6144xi32, #tpu.memory_space<vmem>>, vector<16xi32>,
          %get3A_192 = vector.shape_cast %get3A_191 : vector<16xi32> to vector<16xi32>
          %swap3A_193 = arith.constant 64 : index
          %swap3A_194 = tpu.vector_load %arg9[%swap3A_193] {strides = array<i32>} : memref<128xi32, #tpu.memory_space<vmem>>, vector<16xi32>,
          %swap3A_195 = vector.shape_cast %swap3A_194 : vector<16xi32> to vector<16xi32>
          %swap3A_196 = vector.shape_cast %get3A_192 : vector<16xi32> to vector<16xi32>
          tpu.vector_store %arg9[%swap3A_193], %swap3A_196 {strides = array<i32>} : memref<128xi32, #tpu.memory_space<vmem>>, vector<16xi32>,
          %mul3A_197 = arith.constant 128 : i32
          %mul3A_198 = arith.muli %mul3A_95, %mul3A_197 : i32
          %add3A_199 = arith.constant 80 : i32
          %add3A_200 = arith.addi %mul3A_198, %add3A_199 : i32
          %get3A_201 = arith.index_cast %add3A_200 : i32 to index
          %get3A_202 = tpu.vector_load %arg8[%get3A_201] {strides = array<i32>} : memref<6144xi32, #tpu.memory_space<vmem>>, vector<16xi32>,
          %get3A_203 = vector.shape_cast %get3A_202 : vector<16xi32> to vector<16xi32>
          %swap3A_204 = arith.constant 80 : index
          %swap3A_205 = tpu.vector_load %arg9[%swap3A_204] {strides = array<i32>} : memref<128xi32, #tpu.memory_space<vmem>>, vector<16xi32>,
          %swap3A_206 = vector.shape_cast %swap3A_205 : vector<16xi32> to vector<16xi32>
          %swap3A_207 = vector.shape_cast %get3A_203 : vector<16xi32> to vector<16xi32>
          tpu.vector_store %arg9[%swap3A_204], %swap3A_207 {strides = array<i32>} : memref<128xi32, #tpu.memory_space<vmem>>, vector<16xi32>,
          %mul3A_208 = arith.constant 128 : i32
          %mul3A_209 = arith.muli %mul3A_95, %mul3A_208 : i32
          %add3A_210 = arith.constant 96 : i32
          %add3A_211 = arith.addi %mul3A_209, %add3A_210 : i32
          %get3A_212 = arith.index_cast %add3A_211 : i32 to index
          %get3A_213 = tpu.vector_load %arg8[%get3A_212] {strides = array<i32>} : memref<6144xi32, #tpu.memory_space<vmem>>, vector<16xi32>,
          %get3A_214 = vector.shape_cast %get3A_213 : vector<16xi32> to vector<16xi32>
          %swap3A_215 = arith.constant 96 : index
          %swap3A_216 = tpu.vector_load %arg9[%swap3A_215] {strides = array<i32>} : memref<128xi32, #tpu.memory_space<vmem>>, vector<16xi32>,
          %swap3A_217 = vector.shape_cast %swap3A_216 : vector<16xi32> to vector<16xi32>
          %swap3A_218 = vector.shape_cast %get3A_214 : vector<16xi32> to vector<16xi32>
          tpu.vector_store %arg9[%swap3A_215], %swap3A_218 {strides = array<i32>} : memref<128xi32, #tpu.memory_space<vmem>>, vector<16xi32>,
          %mul3A_219 = arith.constant 128 : i32
          %mul3A_220 = arith.muli %mul3A_95, %mul3A_219 : i32
          %add3A_221 = arith.constant 112 : i32
          %add3A_222 = arith.addi %mul3A_220, %add3A_221 : i32
          %get3A_223 = arith.index_cast %add3A_222 : i32 to index
          %get3A_224 = tpu.vector_load %arg8[%get3A_223] {strides = array<i32>} : memref<6144xi32, #tpu.memory_space<vmem>>, vector<16xi32>,
          %get3A_225 = vector.shape_cast %get3A_224 : vector<16xi32> to vector<16xi32>
          %swap3A_226 = arith.constant 112 : index
          %swap3A_227 = tpu.vector_load %arg9[%swap3A_226] {strides = array<i32>} : memref<128xi32, #tpu.memory_space<vmem>>, vector<16xi32>,
          %swap3A_228 = vector.shape_cast %swap3A_227 : vector<16xi32> to vector<16xi32>
          %swap3A_229 = vector.shape_cast %get3A_225 : vector<16xi32> to vector<16xi32>
          tpu.vector_store %arg9[%swap3A_226], %swap3A_229 {strides = array<i32>} : memref<128xi32, #tpu.memory_space<vmem>>, vector<16xi32>,
          %mul3A_230 = arith.constant 128 : i32
          %mul3A_231 = arith.muli %mul3A_95, %mul3A_230 : i32
          %dma_wait3A = tpu.memref_slice %arg7[%mul3A_231] : memref<6144xi32, #tpu.memory_space<vmem>> -> memref<128xi32, #tpu.memory_space<vmem>>
          %dma_wait3A_232 = arith.constant 0 : i32
          %dma_wait3A_233 = arith.constant 0 : i32
          %dma_wait3A_234 = tpu.memref_slice %arg2[%dma_wait3A_232, %dma_wait3A_233] : memref<10000x128xf32, #tpu.memory_space<hbm>> -> memref<10000x128xf32, #tpu.memory_space<hbm>>
          tpu.wait_indirect_dma semaphore(%arg14 : memref<!tpu.dma_semaphore, #tpu.memory_space<semaphore_mem>>) src(%dma_wait3A_234 : memref<10000x128xf32, #tpu.memory_space<hbm>>) dst(%arg11 : memref<128x128xf32, #tpu.memory_space<vmem>>)
          %dma_start3A = arith.constant 0 : i32
          %dma_start3A_235 = arith.constant 0 : i32
          %dma_start3A_236 = tpu.memref_slice %arg13[%dma_start3A, %dma_start3A_235] : memref<10000x128xf32, #tpu.memory_space<vmem_shared>> -> memref<10000x128xf32, #tpu.memory_space<vmem_shared>>
          tpu.enqueue_indirect_dma source(%arg11 : memref<128x128xf32, #tpu.memory_space<vmem>>) target(%dma_start3A_236 : memref<10000x128xf32, #tpu.memory_space<vmem_shared>>) offsets(%arg9 : memref<128xi32, #tpu.memory_space<vmem>>) semaphore(%arg16 : memref<!tpu.dma_semaphore, #tpu.memory_space<semaphore_mem>>) {add = true}
        } else {
        }
        %mul3A_118 = arith.constant 2 : i32
        %mul3A_119 = arith.muli %scan3A_93, %mul3A_118 : i32
        %add3A_120 = arith.constant 1 : i32
        %add3A_121 = arith.addi %mul3A_119, %add3A_120 : i32
        %add3A_122 = arith.addi %mul3A_45, %add3A_121 : i32
        %ge3A_123 = arith.constant 1 : i32
        %ge3A_124 = arith.cmpi sge, %add3A_122, %ge3A_123 : i32
        %sub3A_125 = arith.constant 1 : i32
        %sub3A_126 = arith.subi %add3A_122, %sub3A_125 : i32
        %lt3A_127 = arith.cmpi slt, %sub3A_126, %add3A_7 : i32
        %and3A_128 = arith.andi %ge3A_124, %lt3A_127 : i1
        %convert_element_type3A_129 = arith.extui %and3A_128 : i1 to i32
        %cond3A_130 = arith.constant 0 : i32
        %cond3A_131 = arith.cmpi ne, %convert_element_type3A_129, %cond3A_130 : i32
        scf.if %cond3A_131 {
          %dma_wait3A = arith.constant 0 : i32
          %dma_wait3A_144 = arith.constant 0 : i32
          %dma_wait3A_145 = tpu.memref_slice %arg13[%dma_wait3A, %dma_wait3A_144] : memref<10000x128xf32, #tpu.memory_space<vmem_shared>> -> memref<10000x128xf32, #tpu.memory_space<vmem_shared>>
          tpu.wait_indirect_dma semaphore(%arg16 : memref<!tpu.dma_semaphore, #tpu.memory_space<semaphore_mem>>) src(%arg11 : memref<128x128xf32, #tpu.memory_space<vmem>>) dst(%dma_wait3A_145 : memref<10000x128xf32, #tpu.memory_space<vmem_shared>>)
        } else {
        }
        %add3A_132 = arith.constant 1 : i32
        %add3A_133 = arith.addi %add3A_121, %add3A_132 : i32
        %add3A_134 = arith.constant 1 : i32
        %add3A_135 = arith.addi %add3A_122, %add3A_134 : i32
        %lt3A_136 = arith.cmpi slt, %add3A_135, %add3A_7 : i32
        %convert_element_type3A_137 = arith.extui %lt3A_136 : i1 to i32
        %cond3A_138 = arith.constant 0 : i32
        %cond3A_139 = arith.cmpi ne, %convert_element_type3A_137, %cond3A_138 : i32
        scf.if %cond3A_139 {
          %mul3A_144 = arith.constant 128 : i32
          %mul3A_145 = arith.muli %add3A_133, %mul3A_144 : i32
          %dma_start3A = tpu.memref_slice %arg7[%mul3A_145] : memref<6144xi32, #tpu.memory_space<vmem>> -> memref<128xi32, #tpu.memory_space<vmem>>
          %dma_start3A_146 = arith.constant 0 : i32
          %dma_start3A_147 = arith.constant 0 : i32
          %dma_start3A_148 = tpu.memref_slice %arg2[%dma_start3A_146, %dma_start3A_147] : memref<10000x128xf32, #tpu.memory_space<hbm>> -> memref<10000x128xf32, #tpu.memory_space<hbm>>
          tpu.enqueue_indirect_dma source(%dma_start3A_148 : memref<10000x128xf32, #tpu.memory_space<hbm>>) target(%arg11 : memref<128x128xf32, #tpu.memory_space<vmem>>) offsets(%dma_start3A : memref<128xi32, #tpu.memory_space<vmem>>) semaphore(%arg14 : memref<!tpu.dma_semaphore, #tpu.memory_space<semaphore_mem>>)
        } else {
        }
        %lt3A_140 = arith.cmpi slt, %add3A_122, %add3A_7 : i32
        %convert_element_type3A_141 = arith.extui %lt3A_140 : i1 to i32
        %cond3A_142 = arith.constant 0 : i32
        %cond3A_143 = arith.cmpi ne, %convert_element_type3A_141, %cond3A_142 : i32
        scf.if %cond3A_143 {
          %mul3A_144 = arith.constant 128 : i32
          %mul3A_145 = arith.muli %add3A_121, %mul3A_144 : i32
          %add3A_146 = arith.constant 0 : i32
          %add3A_147 = arith.addi %mul3A_145, %add3A_146 : i32
          %get3A = arith.index_cast %add3A_147 : i32 to index
          %get3A_148 = tpu.vector_load %arg8[%get3A] {strides = array<i32>} : memref<6144xi32, #tpu.memory_space<vmem>>, vector<16xi32>,
          %get3A_149 = vector.shape_cast %get3A_148 : vector<16xi32> to vector<16xi32>
          %swap3A = arith.constant 0 : index
          %swap3A_150 = tpu.vector_load %arg10[%swap3A] {strides = array<i32>} : memref<128xi32, #tpu.memory_space<vmem>>, vector<16xi32>,
          %swap3A_151 = vector.shape_cast %swap3A_150 : vector<16xi32> to vector<16xi32>
          %swap3A_152 = vector.shape_cast %get3A_149 : vector<16xi32> to vector<16xi32>
          tpu.vector_store %arg10[%swap3A], %swap3A_152 {strides = array<i32>} : memref<128xi32, #tpu.memory_space<vmem>>, vector<16xi32>,
          %mul3A_153 = arith.constant 128 : i32
          %mul3A_154 = arith.muli %add3A_121, %mul3A_153 : i32
          %add3A_155 = arith.constant 16 : i32
          %add3A_156 = arith.addi %mul3A_154, %add3A_155 : i32
          %get3A_157 = arith.index_cast %add3A_156 : i32 to index
          %get3A_158 = tpu.vector_load %arg8[%get3A_157] {strides = array<i32>} : memref<6144xi32, #tpu.memory_space<vmem>>, vector<16xi32>,
          %get3A_159 = vector.shape_cast %get3A_158 : vector<16xi32> to vector<16xi32>
          %swap3A_160 = arith.constant 16 : index
          %swap3A_161 = tpu.vector_load %arg10[%swap3A_160] {strides = array<i32>} : memref<128xi32, #tpu.memory_space<vmem>>, vector<16xi32>,
          %swap3A_162 = vector.shape_cast %swap3A_161 : vector<16xi32> to vector<16xi32>
          %swap3A_163 = vector.shape_cast %get3A_159 : vector<16xi32> to vector<16xi32>
          tpu.vector_store %arg10[%swap3A_160], %swap3A_163 {strides = array<i32>} : memref<128xi32, #tpu.memory_space<vmem>>, vector<16xi32>,
          %mul3A_164 = arith.constant 128 : i32
          %mul3A_165 = arith.muli %add3A_121, %mul3A_164 : i32
          %add3A_166 = arith.constant 32 : i32
          %add3A_167 = arith.addi %mul3A_165, %add3A_166 : i32
          %get3A_168 = arith.index_cast %add3A_167 : i32 to index
          %get3A_169 = tpu.vector_load %arg8[%get3A_168] {strides = array<i32>} : memref<6144xi32, #tpu.memory_space<vmem>>, vector<16xi32>,
          %get3A_170 = vector.shape_cast %get3A_169 : vector<16xi32> to vector<16xi32>
          %swap3A_171 = arith.constant 32 : index
          %swap3A_172 = tpu.vector_load %arg10[%swap3A_171] {strides = array<i32>} : memref<128xi32, #tpu.memory_space<vmem>>, vector<16xi32>,
          %swap3A_173 = vector.shape_cast %swap3A_172 : vector<16xi32> to vector<16xi32>
          %swap3A_174 = vector.shape_cast %get3A_170 : vector<16xi32> to vector<16xi32>
          tpu.vector_store %arg10[%swap3A_171], %swap3A_174 {strides = array<i32>} : memref<128xi32, #tpu.memory_space<vmem>>, vector<16xi32>,
          %mul3A_175 = arith.constant 128 : i32
          %mul3A_176 = arith.muli %add3A_121, %mul3A_175 : i32
          %add3A_177 = arith.constant 48 : i32
          %add3A_178 = arith.addi %mul3A_176, %add3A_177 : i32
          %get3A_179 = arith.index_cast %add3A_178 : i32 to index
          %get3A_180 = tpu.vector_load %arg8[%get3A_179] {strides = array<i32>} : memref<6144xi32, #tpu.memory_space<vmem>>, vector<16xi32>,
          %get3A_181 = vector.shape_cast %get3A_180 : vector<16xi32> to vector<16xi32>
          %swap3A_182 = arith.constant 48 : index
          %swap3A_183 = tpu.vector_load %arg10[%swap3A_182] {strides = array<i32>} : memref<128xi32, #tpu.memory_space<vmem>>, vector<16xi32>,
          %swap3A_184 = vector.shape_cast %swap3A_183 : vector<16xi32> to vector<16xi32>
          %swap3A_185 = vector.shape_cast %get3A_181 : vector<16xi32> to vector<16xi32>
          tpu.vector_store %arg10[%swap3A_182], %swap3A_185 {strides = array<i32>} : memref<128xi32, #tpu.memory_space<vmem>>, vector<16xi32>,
          %mul3A_186 = arith.constant 128 : i32
          %mul3A_187 = arith.muli %add3A_121, %mul3A_186 : i32
          %add3A_188 = arith.constant 64 : i32
          %add3A_189 = arith.addi %mul3A_187, %add3A_188 : i32
          %get3A_190 = arith.index_cast %add3A_189 : i32 to index
          %get3A_191 = tpu.vector_load %arg8[%get3A_190] {strides = array<i32>} : memref<6144xi32, #tpu.memory_space<vmem>>, vector<16xi32>,
          %get3A_192 = vector.shape_cast %get3A_191 : vector<16xi32> to vector<16xi32>
          %swap3A_193 = arith.constant 64 : index
          %swap3A_194 = tpu.vector_load %arg10[%swap3A_193] {strides = array<i32>} : memref<128xi32, #tpu.memory_space<vmem>>, vector<16xi32>,
          %swap3A_195 = vector.shape_cast %swap3A_194 : vector<16xi32> to vector<16xi32>
          %swap3A_196 = vector.shape_cast %get3A_192 : vector<16xi32> to vector<16xi32>
          tpu.vector_store %arg10[%swap3A_193], %swap3A_196 {strides = array<i32>} : memref<128xi32, #tpu.memory_space<vmem>>, vector<16xi32>,
          %mul3A_197 = arith.constant 128 : i32
          %mul3A_198 = arith.muli %add3A_121, %mul3A_197 : i32
          %add3A_199 = arith.constant 80 : i32
          %add3A_200 = arith.addi %mul3A_198, %add3A_199 : i32
          %get3A_201 = arith.index_cast %add3A_200 : i32 to index
          %get3A_202 = tpu.vector_load %arg8[%get3A_201] {strides = array<i32>} : memref<6144xi32, #tpu.memory_space<vmem>>, vector<16xi32>,
          %get3A_203 = vector.shape_cast %get3A_202 : vector<16xi32> to vector<16xi32>
          %swap3A_204 = arith.constant 80 : index
          %swap3A_205 = tpu.vector_load %arg10[%swap3A_204] {strides = array<i32>} : memref<128xi32, #tpu.memory_space<vmem>>, vector<16xi32>,
          %swap3A_206 = vector.shape_cast %swap3A_205 : vector<16xi32> to vector<16xi32>
          %swap3A_207 = vector.shape_cast %get3A_203 : vector<16xi32> to vector<16xi32>
          tpu.vector_store %arg10[%swap3A_204], %swap3A_207 {strides = array<i32>} : memref<128xi32, #tpu.memory_space<vmem>>, vector<16xi32>,
          %mul3A_208 = arith.constant 128 : i32
          %mul3A_209 = arith.muli %add3A_121, %mul3A_208 : i32
          %add3A_210 = arith.constant 96 : i32
          %add3A_211 = arith.addi %mul3A_209, %add3A_210 : i32
          %get3A_212 = arith.index_cast %add3A_211 : i32 to index
          %get3A_213 = tpu.vector_load %arg8[%get3A_212] {strides = array<i32>} : memref<6144xi32, #tpu.memory_space<vmem>>, vector<16xi32>,
          %get3A_214 = vector.shape_cast %get3A_213 : vector<16xi32> to vector<16xi32>
          %swap3A_215 = arith.constant 96 : index
          %swap3A_216 = tpu.vector_load %arg10[%swap3A_215] {strides = array<i32>} : memref<128xi32, #tpu.memory_space<vmem>>, vector<16xi32>,
          %swap3A_217 = vector.shape_cast %swap3A_216 : vector<16xi32> to vector<16xi32>
          %swap3A_218 = vector.shape_cast %get3A_214 : vector<16xi32> to vector<16xi32>
          tpu.vector_store %arg10[%swap3A_215], %swap3A_218 {strides = array<i32>} : memref<128xi32, #tpu.memory_space<vmem>>, vector<16xi32>,
          %mul3A_219 = arith.constant 128 : i32
          %mul3A_220 = arith.muli %add3A_121, %mul3A_219 : i32
          %add3A_221 = arith.constant 112 : i32
          %add3A_222 = arith.addi %mul3A_220, %add3A_221 : i32
          %get3A_223 = arith.index_cast %add3A_222 : i32 to index
          %get3A_224 = tpu.vector_load %arg8[%get3A_223] {strides = array<i32>} : memref<6144xi32, #tpu.memory_space<vmem>>, vector<16xi32>,
          %get3A_225 = vector.shape_cast %get3A_224 : vector<16xi32> to vector<16xi32>
          %swap3A_226 = arith.constant 112 : index
          %swap3A_227 = tpu.vector_load %arg10[%swap3A_226] {strides = array<i32>} : memref<128xi32, #tpu.memory_space<vmem>>, vector<16xi32>,
          %swap3A_228 = vector.shape_cast %swap3A_227 : vector<16xi32> to vector<16xi32>
          %swap3A_229 = vector.shape_cast %get3A_225 : vector<16xi32> to vector<16xi32>
          tpu.vector_store %arg10[%swap3A_226], %swap3A_229 {strides = array<i32>} : memref<128xi32, #tpu.memory_space<vmem>>, vector<16xi32>,
          %mul3A_230 = arith.constant 128 : i32
          %mul3A_231 = arith.muli %add3A_121, %mul3A_230 : i32
          %dma_wait3A = tpu.memref_slice %arg7[%mul3A_231] : memref<6144xi32, #tpu.memory_space<vmem>> -> memref<128xi32, #tpu.memory_space<vmem>>
          %dma_wait3A_232 = arith.constant 0 : i32
          %dma_wait3A_233 = arith.constant 0 : i32
          %dma_wait3A_234 = tpu.memref_slice %arg2[%dma_wait3A_232, %dma_wait3A_233] : memref<10000x128xf32, #tpu.memory_space<hbm>> -> memref<10000x128xf32, #tpu.memory_space<hbm>>
          tpu.wait_indirect_dma semaphore(%arg15 : memref<!tpu.dma_semaphore, #tpu.memory_space<semaphore_mem>>) src(%dma_wait3A_234 : memref<10000x128xf32, #tpu.memory_space<hbm>>) dst(%arg12 : memref<128x128xf32, #tpu.memory_space<vmem>>)
          %dma_start3A = arith.constant 0 : i32
          %dma_start3A_235 = arith.constant 0 : i32
          %dma_start3A_236 = tpu.memref_slice %arg13[%dma_start3A, %dma_start3A_235] : memref<10000x128xf32, #tpu.memory_space<vmem_shared>> -> memref<10000x128xf32, #tpu.memory_space<vmem_shared>>
          tpu.enqueue_indirect_dma source(%arg12 : memref<128x128xf32, #tpu.memory_space<vmem>>) target(%dma_start3A_236 : memref<10000x128xf32, #tpu.memory_space<vmem_shared>>) offsets(%arg10 : memref<128xi32, #tpu.memory_space<vmem>>) semaphore(%arg17 : memref<!tpu.dma_semaphore, #tpu.memory_space<semaphore_mem>>) {add = true}
        } else {
        }
      }
      %scan3A_65 = arith.constant 23 : i32
      %add3A_66 = arith.constant 46 : i32
      %add3A_67 = arith.addi %mul3A_45, %add3A_66 : i32
      %ge3A_68 = arith.constant 1 : i32
      %ge3A_69 = arith.cmpi sge, %add3A_67, %ge3A_68 : i32
      %sub3A_70 = arith.constant 1 : i32
      %sub3A_71 = arith.subi %add3A_67, %sub3A_70 : i32
      %lt3A_72 = arith.cmpi slt, %sub3A_71, %add3A_7 : i32
      %and3A_73 = arith.andi %ge3A_69, %lt3A_72 : i1
      %convert_element_type3A_74 = arith.extui %and3A_73 : i1 to i32
      %cond3A_75 = arith.constant 0 : i32
      %cond3A_76 = arith.cmpi ne, %convert_element_type3A_74, %cond3A_75 : i32
      scf.if %cond3A_76 {
        %dma_wait3A = arith.constant 0 : i32
        %dma_wait3A_93 = arith.constant 0 : i32
        %dma_wait3A_94 = tpu.memref_slice %arg13[%dma_wait3A, %dma_wait3A_93] : memref<10000x128xf32, #tpu.memory_space<vmem_shared>> -> memref<10000x128xf32, #tpu.memory_space<vmem_shared>>
        tpu.wait_indirect_dma semaphore(%arg17 : memref<!tpu.dma_semaphore, #tpu.memory_space<semaphore_mem>>) src(%arg12 : memref<128x128xf32, #tpu.memory_space<vmem>>) dst(%dma_wait3A_94 : memref<10000x128xf32, #tpu.memory_space<vmem_shared>>)
      } else {
      }
      %add3A_77 = arith.constant 1 : i32
      %add3A_78 = arith.addi %add3A_67, %add3A_77 : i32
      %lt3A_79 = arith.cmpi slt, %add3A_78, %add3A_7 : i32
      %convert_element_type3A_80 = arith.extui %lt3A_79 : i1 to i32
      %cond3A_81 = arith.constant 0 : i32
      %cond3A_82 = arith.cmpi ne, %convert_element_type3A_80, %cond3A_81 : i32
      scf.if %cond3A_82 {
        %dma_start3A = arith.constant 6016 : i32
        %dma_start3A_93 = tpu.memref_slice %arg7[%dma_start3A] : memref<6144xi32, #tpu.memory_space<vmem>> -> memref<128xi32, #tpu.memory_space<vmem>>
        %dma_start3A_94 = arith.constant 0 : i32
        %dma_start3A_95 = arith.constant 0 : i32
        %dma_start3A_96 = tpu.memref_slice %arg2[%dma_start3A_94, %dma_start3A_95] : memref<10000x128xf32, #tpu.memory_space<hbm>> -> memref<10000x128xf32, #tpu.memory_space<hbm>>
        tpu.enqueue_indirect_dma source(%dma_start3A_96 : memref<10000x128xf32, #tpu.memory_space<hbm>>) target(%arg12 : memref<128x128xf32, #tpu.memory_space<vmem>>) offsets(%dma_start3A_93 : memref<128xi32, #tpu.memory_space<vmem>>) semaphore(%arg15 : memref<!tpu.dma_semaphore, #tpu.memory_space<semaphore_mem>>)
      } else {
      }
      %lt3A_83 = arith.cmpi slt, %add3A_67, %add3A_7 : i32
      %convert_element_type3A_84 = arith.extui %lt3A_83 : i1 to i32
      %cond3A_85 = arith.constant 0 : i32
      %cond3A_86 = arith.cmpi ne, %convert_element_type3A_84, %cond3A_85 : i32
      scf.if %cond3A_86 {
        %get3A = arith.constant 5888 : index
        %get3A_93 = tpu.vector_load %arg8[%get3A] {strides = array<i32>} : memref<6144xi32, #tpu.memory_space<vmem>>, vector<16xi32>,
        %get3A_94 = vector.shape_cast %get3A_93 : vector<16xi32> to vector<16xi32>
        %swap3A = arith.constant 0 : index
        %swap3A_95 = tpu.vector_load %arg9[%swap3A] {strides = array<i32>} : memref<128xi32, #tpu.memory_space<vmem>>, vector<16xi32>,
        %swap3A_96 = vector.shape_cast %swap3A_95 : vector<16xi32> to vector<16xi32>
        %swap3A_97 = vector.shape_cast %get3A_94 : vector<16xi32> to vector<16xi32>
        tpu.vector_store %arg9[%swap3A], %swap3A_97 {strides = array<i32>} : memref<128xi32, #tpu.memory_space<vmem>>, vector<16xi32>,
        %get3A_98 = arith.constant 5904 : index
        %get3A_99 = tpu.vector_load %arg8[%get3A_98] {strides = array<i32>} : memref<6144xi32, #tpu.memory_space<vmem>>, vector<16xi32>,
        %get3A_100 = vector.shape_cast %get3A_99 : vector<16xi32> to vector<16xi32>
        %swap3A_101 = arith.constant 16 : index
        %swap3A_102 = tpu.vector_load %arg9[%swap3A_101] {strides = array<i32>} : memref<128xi32, #tpu.memory_space<vmem>>, vector<16xi32>,
        %swap3A_103 = vector.shape_cast %swap3A_102 : vector<16xi32> to vector<16xi32>
        %swap3A_104 = vector.shape_cast %get3A_100 : vector<16xi32> to vector<16xi32>
        tpu.vector_store %arg9[%swap3A_101], %swap3A_104 {strides = array<i32>} : memref<128xi32, #tpu.memory_space<vmem>>, vector<16xi32>,
        %get3A_105 = arith.constant 5920 : index
        %get3A_106 = tpu.vector_load %arg8[%get3A_105] {strides = array<i32>} : memref<6144xi32, #tpu.memory_space<vmem>>, vector<16xi32>,
        %get3A_107 = vector.shape_cast %get3A_106 : vector<16xi32> to vector<16xi32>
        %swap3A_108 = arith.constant 32 : index
        %swap3A_109 = tpu.vector_load %arg9[%swap3A_108] {strides = array<i32>} : memref<128xi32, #tpu.memory_space<vmem>>, vector<16xi32>,
        %swap3A_110 = vector.shape_cast %swap3A_109 : vector<16xi32> to vector<16xi32>
        %swap3A_111 = vector.shape_cast %get3A_107 : vector<16xi32> to vector<16xi32>
        tpu.vector_store %arg9[%swap3A_108], %swap3A_111 {strides = array<i32>} : memref<128xi32, #tpu.memory_space<vmem>>, vector<16xi32>,
        %get3A_112 = arith.constant 5936 : index
        %get3A_113 = tpu.vector_load %arg8[%get3A_112] {strides = array<i32>} : memref<6144xi32, #tpu.memory_space<vmem>>, vector<16xi32>,
        %get3A_114 = vector.shape_cast %get3A_113 : vector<16xi32> to vector<16xi32>
        %swap3A_115 = arith.constant 48 : index
        %swap3A_116 = tpu.vector_load %arg9[%swap3A_115] {strides = array<i32>} : memref<128xi32, #tpu.memory_space<vmem>>, vector<16xi32>,
        %swap3A_117 = vector.shape_cast %swap3A_116 : vector<16xi32> to vector<16xi32>
        %swap3A_118 = vector.shape_cast %get3A_114 : vector<16xi32> to vector<16xi32>
        tpu.vector_store %arg9[%swap3A_115], %swap3A_118 {strides = array<i32>} : memref<128xi32, #tpu.memory_space<vmem>>, vector<16xi32>,
        %get3A_119 = arith.constant 5952 : index
        %get3A_120 = tpu.vector_load %arg8[%get3A_119] {strides = array<i32>} : memref<6144xi32, #tpu.memory_space<vmem>>, vector<16xi32>,
        %get3A_121 = vector.shape_cast %get3A_120 : vector<16xi32> to vector<16xi32>
        %swap3A_122 = arith.constant 64 : index
        %swap3A_123 = tpu.vector_load %arg9[%swap3A_122] {strides = array<i32>} : memref<128xi32, #tpu.memory_space<vmem>>, vector<16xi32>,
        %swap3A_124 = vector.shape_cast %swap3A_123 : vector<16xi32> to vector<16xi32>
        %swap3A_125 = vector.shape_cast %get3A_121 : vector<16xi32> to vector<16xi32>
        tpu.vector_store %arg9[%swap3A_122], %swap3A_125 {strides = array<i32>} : memref<128xi32, #tpu.memory_space<vmem>>, vector<16xi32>,
        %get3A_126 = arith.constant 5968 : index
        %get3A_127 = tpu.vector_load %arg8[%get3A_126] {strides = array<i32>} : memref<6144xi32, #tpu.memory_space<vmem>>, vector<16xi32>,
        %get3A_128 = vector.shape_cast %get3A_127 : vector<16xi32> to vector<16xi32>
        %swap3A_129 = arith.constant 80 : index
        %swap3A_130 = tpu.vector_load %arg9[%swap3A_129] {strides = array<i32>} : memref<128xi32, #tpu.memory_space<vmem>>, vector<16xi32>,
        %swap3A_131 = vector.shape_cast %swap3A_130 : vector<16xi32> to vector<16xi32>
        %swap3A_132 = vector.shape_cast %get3A_128 : vector<16xi32> to vector<16xi32>
        tpu.vector_store %arg9[%swap3A_129], %swap3A_132 {strides = array<i32>} : memref<128xi32, #tpu.memory_space<vmem>>, vector<16xi32>,
        %get3A_133 = arith.constant 5984 : index
        %get3A_134 = tpu.vector_load %arg8[%get3A_133] {strides = array<i32>} : memref<6144xi32, #tpu.memory_space<vmem>>, vector<16xi32>,
        %get3A_135 = vector.shape_cast %get3A_134 : vector<16xi32> to vector<16xi32>
        %swap3A_136 = arith.constant 96 : index
        %swap3A_137 = tpu.vector_load %arg9[%swap3A_136] {strides = array<i32>} : memref<128xi32, #tpu.memory_space<vmem>>, vector<16xi32>,
        %swap3A_138 = vector.shape_cast %swap3A_137 : vector<16xi32> to vector<16xi32>
        %swap3A_139 = vector.shape_cast %get3A_135 : vector<16xi32> to vector<16xi32>
        tpu.vector_store %arg9[%swap3A_136], %swap3A_139 {strides = array<i32>} : memref<128xi32, #tpu.memory_space<vmem>>, vector<16xi32>,
        %get3A_140 = arith.constant 6000 : index
        %get3A_141 = tpu.vector_load %arg8[%get3A_140] {strides = array<i32>} : memref<6144xi32, #tpu.memory_space<vmem>>, vector<16xi32>,
        %get3A_142 = vector.shape_cast %get3A_141 : vector<16xi32> to vector<16xi32>
        %swap3A_143 = arith.constant 112 : index
        %swap3A_144 = tpu.vector_load %arg9[%swap3A_143] {strides = array<i32>} : memref<128xi32, #tpu.memory_space<vmem>>, vector<16xi32>,
        %swap3A_145 = vector.shape_cast %swap3A_144 : vector<16xi32> to vector<16xi32>
        %swap3A_146 = vector.shape_cast %get3A_142 : vector<16xi32> to vector<16xi32>
        tpu.vector_store %arg9[%swap3A_143], %swap3A_146 {strides = array<i32>} : memref<128xi32, #tpu.memory_space<vmem>>, vector<16xi32>,
        %dma_wait3A = arith.constant 5888 : i32
        %dma_wait3A_147 = tpu.memref_slice %arg7[%dma_wait3A] : memref<6144xi32, #tpu.memory_space<vmem>> -> memref<128xi32, #tpu.memory_space<vmem>>
        %dma_wait3A_148 = arith.constant 0 : i32
        %dma_wait3A_149 = arith.constant 0 : i32
        %dma_wait3A_150 = tpu.memref_slice %arg2[%dma_wait3A_148, %dma_wait3A_149] : memref<10000x128xf32, #tpu.memory_space<hbm>> -> memref<10000x128xf32, #tpu.memory_space<hbm>>
        tpu.wait_indirect_dma semaphore(%arg14 : memref<!tpu.dma_semaphore, #tpu.memory_space<semaphore_mem>>) src(%dma_wait3A_150 : memref<10000x128xf32, #tpu.memory_space<hbm>>) dst(%arg11 : memref<128x128xf32, #tpu.memory_space<vmem>>)
        %dma_start3A = arith.constant 0 : i32
        %dma_start3A_151 = arith.constant 0 : i32
        %dma_start3A_152 = tpu.memref_slice %arg13[%dma_start3A, %dma_start3A_151] : memref<10000x128xf32, #tpu.memory_space<vmem_shared>> -> memref<10000x128xf32, #tpu.memory_space<vmem_shared>>
        tpu.enqueue_indirect_dma source(%arg11 : memref<128x128xf32, #tpu.memory_space<vmem>>) target(%dma_start3A_152 : memref<10000x128xf32, #tpu.memory_space<vmem_shared>>) offsets(%arg9 : memref<128xi32, #tpu.memory_space<vmem>>) semaphore(%arg16 : memref<!tpu.dma_semaphore, #tpu.memory_space<semaphore_mem>>) {add = true}
      } else {
      }
      %add3A_87 = arith.constant 47 : i32
      %add3A_88 = arith.addi %mul3A_45, %add3A_87 : i32
      %lt3A_89 = arith.cmpi slt, %add3A_88, %add3A_7 : i32
      %convert_element_type3A_90 = arith.extui %lt3A_89 : i1 to i32
      %cond3A_91 = arith.constant 0 : i32
      %cond3A_92 = arith.cmpi ne, %convert_element_type3A_90, %cond3A_91 : i32
      scf.if %cond3A_92 {
        %get3A = arith.constant 6016 : index
        %get3A_93 = tpu.vector_load %arg8[%get3A] {strides = array<i32>} : memref<6144xi32, #tpu.memory_space<vmem>>, vector<16xi32>,
        %get3A_94 = vector.shape_cast %get3A_93 : vector<16xi32> to vector<16xi32>
        %swap3A = arith.constant 0 : index
        %swap3A_95 = tpu.vector_load %arg10[%swap3A] {strides = array<i32>} : memref<128xi32, #tpu.memory_space<vmem>>, vector<16xi32>,
        %swap3A_96 = vector.shape_cast %swap3A_95 : vector<16xi32> to vector<16xi32>
        %swap3A_97 = vector.shape_cast %get3A_94 : vector<16xi32> to vector<16xi32>
        tpu.vector_store %arg10[%swap3A], %swap3A_97 {strides = array<i32>} : memref<128xi32, #tpu.memory_space<vmem>>, vector<16xi32>,
        %get3A_98 = arith.constant 6032 : index
        %get3A_99 = tpu.vector_load %arg8[%get3A_98] {strides = array<i32>} : memref<6144xi32, #tpu.memory_space<vmem>>, vector<16xi32>,
        %get3A_100 = vector.shape_cast %get3A_99 : vector<16xi32> to vector<16xi32>
        %swap3A_101 = arith.constant 16 : index
        %swap3A_102 = tpu.vector_load %arg10[%swap3A_101] {strides = array<i32>} : memref<128xi32, #tpu.memory_space<vmem>>, vector<16xi32>,
        %swap3A_103 = vector.shape_cast %swap3A_102 : vector<16xi32> to vector<16xi32>
        %swap3A_104 = vector.shape_cast %get3A_100 : vector<16xi32> to vector<16xi32>
        tpu.vector_store %arg10[%swap3A_101], %swap3A_104 {strides = array<i32>} : memref<128xi32, #tpu.memory_space<vmem>>, vector<16xi32>,
        %get3A_105 = arith.constant 6048 : index
        %get3A_106 = tpu.vector_load %arg8[%get3A_105] {strides = array<i32>} : memref<6144xi32, #tpu.memory_space<vmem>>, vector<16xi32>,
        %get3A_107 = vector.shape_cast %get3A_106 : vector<16xi32> to vector<16xi32>
        %swap3A_108 = arith.constant 32 : index
        %swap3A_109 = tpu.vector_load %arg10[%swap3A_108] {strides = array<i32>} : memref<128xi32, #tpu.memory_space<vmem>>, vector<16xi32>,
        %swap3A_110 = vector.shape_cast %swap3A_109 : vector<16xi32> to vector<16xi32>
        %swap3A_111 = vector.shape_cast %get3A_107 : vector<16xi32> to vector<16xi32>
        tpu.vector_store %arg10[%swap3A_108], %swap3A_111 {strides = array<i32>} : memref<128xi32, #tpu.memory_space<vmem>>, vector<16xi32>,
        %get3A_112 = arith.constant 6064 : index
        %get3A_113 = tpu.vector_load %arg8[%get3A_112] {strides = array<i32>} : memref<6144xi32, #tpu.memory_space<vmem>>, vector<16xi32>,
        %get3A_114 = vector.shape_cast %get3A_113 : vector<16xi32> to vector<16xi32>
        %swap3A_115 = arith.constant 48 : index
        %swap3A_116 = tpu.vector_load %arg10[%swap3A_115] {strides = array<i32>} : memref<128xi32, #tpu.memory_space<vmem>>, vector<16xi32>,
        %swap3A_117 = vector.shape_cast %swap3A_116 : vector<16xi32> to vector<16xi32>
        %swap3A_118 = vector.shape_cast %get3A_114 : vector<16xi32> to vector<16xi32>
        tpu.vector_store %arg10[%swap3A_115], %swap3A_118 {strides = array<i32>} : memref<128xi32, #tpu.memory_space<vmem>>, vector<16xi32>,
        %get3A_119 = arith.constant 6080 : index
        %get3A_120 = tpu.vector_load %arg8[%get3A_119] {strides = array<i32>} : memref<6144xi32, #tpu.memory_space<vmem>>, vector<16xi32>,
        %get3A_121 = vector.shape_cast %get3A_120 : vector<16xi32> to vector<16xi32>
        %swap3A_122 = arith.constant 64 : index
        %swap3A_123 = tpu.vector_load %arg10[%swap3A_122] {strides = array<i32>} : memref<128xi32, #tpu.memory_space<vmem>>, vector<16xi32>,
        %swap3A_124 = vector.shape_cast %swap3A_123 : vector<16xi32> to vector<16xi32>
        %swap3A_125 = vector.shape_cast %get3A_121 : vector<16xi32> to vector<16xi32>
        tpu.vector_store %arg10[%swap3A_122], %swap3A_125 {strides = array<i32>} : memref<128xi32, #tpu.memory_space<vmem>>, vector<16xi32>,
        %get3A_126 = arith.constant 6096 : index
        %get3A_127 = tpu.vector_load %arg8[%get3A_126] {strides = array<i32>} : memref<6144xi32, #tpu.memory_space<vmem>>, vector<16xi32>,
        %get3A_128 = vector.shape_cast %get3A_127 : vector<16xi32> to vector<16xi32>
        %swap3A_129 = arith.constant 80 : index
        %swap3A_130 = tpu.vector_load %arg10[%swap3A_129] {strides = array<i32>} : memref<128xi32, #tpu.memory_space<vmem>>, vector<16xi32>,
        %swap3A_131 = vector.shape_cast %swap3A_130 : vector<16xi32> to vector<16xi32>
        %swap3A_132 = vector.shape_cast %get3A_128 : vector<16xi32> to vector<16xi32>
        tpu.vector_store %arg10[%swap3A_129], %swap3A_132 {strides = array<i32>} : memref<128xi32, #tpu.memory_space<vmem>>, vector<16xi32>,
        %get3A_133 = arith.constant 6112 : index
        %get3A_134 = tpu.vector_load %arg8[%get3A_133] {strides = array<i32>} : memref<6144xi32, #tpu.memory_space<vmem>>, vector<16xi32>,
        %get3A_135 = vector.shape_cast %get3A_134 : vector<16xi32> to vector<16xi32>
        %swap3A_136 = arith.constant 96 : index
        %swap3A_137 = tpu.vector_load %arg10[%swap3A_136] {strides = array<i32>} : memref<128xi32, #tpu.memory_space<vmem>>, vector<16xi32>,
        %swap3A_138 = vector.shape_cast %swap3A_137 : vector<16xi32> to vector<16xi32>
        %swap3A_139 = vector.shape_cast %get3A_135 : vector<16xi32> to vector<16xi32>
        tpu.vector_store %arg10[%swap3A_136], %swap3A_139 {strides = array<i32>} : memref<128xi32, #tpu.memory_space<vmem>>, vector<16xi32>,
        %get3A_140 = arith.constant 6128 : index
        %get3A_141 = tpu.vector_load %arg8[%get3A_140] {strides = array<i32>} : memref<6144xi32, #tpu.memory_space<vmem>>, vector<16xi32>,
        %get3A_142 = vector.shape_cast %get3A_141 : vector<16xi32> to vector<16xi32>
        %swap3A_143 = arith.constant 112 : index
        %swap3A_144 = tpu.vector_load %arg10[%swap3A_143] {strides = array<i32>} : memref<128xi32, #tpu.memory_space<vmem>>, vector<16xi32>,
        %swap3A_145 = vector.shape_cast %swap3A_144 : vector<16xi32> to vector<16xi32>
        %swap3A_146 = vector.shape_cast %get3A_142 : vector<16xi32> to vector<16xi32>
        tpu.vector_store %arg10[%swap3A_143], %swap3A_146 {strides = array<i32>} : memref<128xi32, #tpu.memory_space<vmem>>, vector<16xi32>,
        %dma_wait3A = arith.constant 6016 : i32
        %dma_wait3A_147 = tpu.memref_slice %arg7[%dma_wait3A] : memref<6144xi32, #tpu.memory_space<vmem>> -> memref<128xi32, #tpu.memory_space<vmem>>
        %dma_wait3A_148 = arith.constant 0 : i32
        %dma_wait3A_149 = arith.constant 0 : i32
        %dma_wait3A_150 = tpu.memref_slice %arg2[%dma_wait3A_148, %dma_wait3A_149] : memref<10000x128xf32, #tpu.memory_space<hbm>> -> memref<10000x128xf32, #tpu.memory_space<hbm>>
        tpu.wait_indirect_dma semaphore(%arg15 : memref<!tpu.dma_semaphore, #tpu.memory_space<semaphore_mem>>) src(%dma_wait3A_150 : memref<10000x128xf32, #tpu.memory_space<hbm>>) dst(%arg12 : memref<128x128xf32, #tpu.memory_space<vmem>>)
        %dma_start3A = arith.constant 0 : i32
        %dma_start3A_151 = arith.constant 0 : i32
        %dma_start3A_152 = tpu.memref_slice %arg13[%dma_start3A, %dma_start3A_151] : memref<10000x128xf32, #tpu.memory_space<vmem_shared>> -> memref<10000x128xf32, #tpu.memory_space<vmem_shared>>
        tpu.enqueue_indirect_dma source(%arg12 : memref<128x128xf32, #tpu.memory_space<vmem>>) target(%dma_start3A_152 : memref<10000x128xf32, #tpu.memory_space<vmem_shared>>) offsets(%arg10 : memref<128xi32, #tpu.memory_space<vmem>>) semaphore(%arg17 : memref<!tpu.dma_semaphore, #tpu.memory_space<semaphore_mem>>) {add = true}
      } else {
      }
    }
    %scan3A_19 = arith.constant 2 : i32
    %gt3A = arith.constant 94 : i32
    %gt3A_20 = arith.cmpi sgt, %add3A_7, %gt3A : i32
    %and3A = arith.constant true
    %and3A_21 = arith.andi %and3A, %gt3A_20 : i1
    %convert_element_type3A_22 = arith.extui %and3A_21 : i1 to i32
    %cond3A_23 = arith.constant 0 : i32
    %cond3A_24 = arith.cmpi ne, %convert_element_type3A_22, %cond3A_23 : i32
    scf.if %cond3A_24 {
      %dma_wait3A = arith.constant 0 : i32
      %dma_wait3A_43 = arith.constant 0 : i32
      %dma_wait3A_44 = tpu.memref_slice %arg13[%dma_wait3A, %dma_wait3A_43] : memref<10000x128xf32, #tpu.memory_space<vmem_shared>> -> memref<10000x128xf32, #tpu.memory_space<vmem_shared>>
      tpu.wait_indirect_dma semaphore(%arg16 : memref<!tpu.dma_semaphore, #tpu.memory_space<semaphore_mem>>) src(%arg11 : memref<128x128xf32, #tpu.memory_space<vmem>>) dst(%dma_wait3A_44 : memref<10000x128xf32, #tpu.memory_space<vmem_shared>>)
    } else {
    }
    %gt3A_25 = arith.constant 95 : i32
    %gt3A_26 = arith.cmpi sgt, %add3A_7, %gt3A_25 : i32
    %convert_element_type3A_27 = arith.extui %gt3A_26 : i1 to i32
    %cond3A_28 = arith.constant 0 : i32
    %cond3A_29 = arith.cmpi ne, %convert_element_type3A_27, %cond3A_28 : i32
    scf.if %cond3A_29 {
      %dma_wait3A = arith.constant 0 : i32
      %dma_wait3A_43 = arith.constant 0 : i32
      %dma_wait3A_44 = tpu.memref_slice %arg13[%dma_wait3A, %dma_wait3A_43] : memref<10000x128xf32, #tpu.memory_space<vmem_shared>> -> memref<10000x128xf32, #tpu.memory_space<vmem_shared>>
      tpu.wait_indirect_dma semaphore(%arg17 : memref<!tpu.dma_semaphore, #tpu.memory_space<semaphore_mem>>) src(%arg12 : memref<128x128xf32, #tpu.memory_space<vmem>>) dst(%dma_wait3A_44 : memref<10000x128xf32, #tpu.memory_space<vmem_shared>>)
    } else {
    }
    %barrier3A_30 = arith.constant 0 : index
    tpu.barrier barrier_id(%barrier3A_30)
    %mul3A_31 = arith.constant 624 : i32
    %mul3A_32 = arith.muli %arg1, %mul3A_31 : i32
    %mul3A_33 = arith.constant 10000 : i32
    %mul3A_34 = arith.muli %arg0, %mul3A_33 : i32
    %mul3A_35 = arith.constant 624 : i32
    %mul3A_36 = arith.muli %arg1, %mul3A_35 : i32
    %add3A_37 = arith.addi %mul3A_34, %mul3A_36 : i32
    "tpu.region"() ({
      %run_scoped3A = tpu.sem_alloc : memref<!tpu.dma_semaphore, #tpu.memory_space<semaphore_mem>>
      %dma_start3A = arith.constant 0 : i32
      %dma_start3A_43 = tpu.memref_slice %arg6[%add3A_37, %dma_start3A] : memref<20000x128xf32, #tpu.memory_space<hbm>> -> memref<624x128xf32, #tpu.memory_space<hbm>>
      %dma_start3A_44 = arith.constant 0 : i32
      %dma_start3A_45 = tpu.memref_slice %arg13[%mul3A_32, %dma_start3A_44] : memref<10000x128xf32, #tpu.memory_space<vmem_shared>> -> memref<624x128xf32, #tpu.memory_space<vmem_shared>>
      tpu.enqueue_dma source(%dma_start3A_45 : memref<624x128xf32, #tpu.memory_space<vmem_shared>>) target(%dma_start3A_43 : memref<624x128xf32, #tpu.memory_space<hbm>>) target_semaphore(%run_scoped3A : memref<!tpu.dma_semaphore, #tpu.memory_space<semaphore_mem>>)
      %dma_wait3A = arith.constant 0 : i32
      %dma_wait3A_46 = tpu.memref_slice %arg6[%add3A_37, %dma_wait3A] : memref<20000x128xf32, #tpu.memory_space<hbm>> -> memref<624x128xf32, #tpu.memory_space<hbm>>
      %dma_wait3A_47 = arith.constant 0 : i32
      %dma_wait3A_48 = tpu.memref_slice %arg13[%mul3A_32, %dma_wait3A_47] : memref<10000x128xf32, #tpu.memory_space<vmem_shared>> -> memref<624x128xf32, #tpu.memory_space<vmem_shared>>
      tpu.wait_dma2 semaphore(%run_scoped3A : memref<!tpu.dma_semaphore, #tpu.memory_space<semaphore_mem>>) src(%dma_wait3A_48 : memref<624x128xf32, #tpu.memory_space<vmem_shared>>) dst(%dma_wait3A_46 : memref<624x128xf32, #tpu.memory_space<hbm>>)
      tpu.yield
    }) : () -> ()
    %eq3A_38 = arith.constant 0 : i32
    %eq3A_39 = arith.cmpi eq, %arg1, %eq3A_38 : i32
    %convert_element_type3A_40 = arith.extui %eq3A_39 : i1 to i32
    %cond3A_41 = arith.constant 0 : i32
    %cond3A_42 = arith.cmpi ne, %convert_element_type3A_40, %cond3A_41 : i32
    scf.if %cond3A_42 {
      %mul3A_43 = arith.constant 10000 : i32
      %mul3A_44 = arith.muli %arg0, %mul3A_43 : i32
      %add3A_45 = arith.constant 9984 : i32
      %add3A_46 = arith.addi %mul3A_44, %add3A_45 : i32
      "tpu.region"() ({
        %run_scoped3A = tpu.sem_alloc : memref<!tpu.dma_semaphore, #tpu.memory_space<semaphore_mem>>
        %dma_start3A = arith.constant 0 : i32
        %dma_start3A_47 = tpu.memref_slice %arg6[%add3A_46, %dma_start3A] : memref<20000x128xf32, #tpu.memory_space<hbm>> -> memref<16x128xf32, #tpu.memory_space<hbm>>
        %dma_start3A_48 = arith.constant 9984 : i32
        %dma_start3A_49 = arith.constant 0 : i32
        %dma_start3A_50 = tpu.memref_slice %arg13[%dma_start3A_48, %dma_start3A_49] : memref<10000x128xf32, #tpu.memory_space<vmem_shared>> -> memref<16x128xf32, #tpu.memory_space<vmem_shared>>
        tpu.enqueue_dma source(%dma_start3A_50 : memref<16x128xf32, #tpu.memory_space<vmem_shared>>) target(%dma_start3A_47 : memref<16x128xf32, #tpu.memory_space<hbm>>) target_semaphore(%run_scoped3A : memref<!tpu.dma_semaphore, #tpu.memory_space<semaphore_mem>>)
        %dma_wait3A = arith.constant 0 : i32
        %dma_wait3A_51 = tpu.memref_slice %arg6[%add3A_46, %dma_wait3A] : memref<20000x128xf32, #tpu.memory_space<hbm>> -> memref<16x128xf32, #tpu.memory_space<hbm>>
        %dma_wait3A_52 = arith.constant 9984 : i32
        %dma_wait3A_53 = arith.constant 0 : i32
        %dma_wait3A_54 = tpu.memref_slice %arg13[%dma_wait3A_52, %dma_wait3A_53] : memref<10000x128xf32, #tpu.memory_space<vmem_shared>> -> memref<16x128xf32, #tpu.memory_space<vmem_shared>>
        tpu.wait_dma2 semaphore(%run_scoped3A : memref<!tpu.dma_semaphore, #tpu.memory_space<semaphore_mem>>) src(%dma_wait3A_54 : memref<16x128xf32, #tpu.memory_space<vmem_shared>>) dst(%dma_wait3A_51 : memref<16x128xf32, #tpu.memory_space<hbm>>)
        tpu.yield
      }) : () -> ()
    } else {
    }
    return
  }
}

#map = affine_map<(d0, d1) -> (0, 0)>
#map1 = affine_map<(d0, d1) -> (0)>
module attributes {stable_mosaic.version = 14 : i64} {
  func.func @k(%arg0: i32, %arg1: i32, %arg2: memref<10000x128xf32, #tpu.memory_space<hbm>>, %arg3: memref<324608xi32, #tpu.memory_space<hbm>>, %arg4: memref<324608xi32, #tpu.memory_space<hbm>>, %arg5: memref<624x128xf32, #tpu.memory_space<hbm>>, %arg6: memref<20000x128xf32, #tpu.memory_space<hbm>>, %arg7: memref<6144xi32, #tpu.memory_space<vmem>>, %arg8: memref<6144xi32, #tpu.memory_space<vmem>>, %arg9: memref<128xi32, #tpu.memory_space<vmem>>, %arg10: memref<128xi32, #tpu.memory_space<vmem>>, %arg11: memref<128x128xf32, #tpu.memory_space<vmem>>, %arg12: memref<128x128xf32, #tpu.memory_space<vmem>>, %arg13: memref<10000x128xf32, #tpu.memory_space<vmem_shared>>, %arg14: memref<!tpu.dma_semaphore, #tpu.memory_space<semaphore_mem>>, %arg15: memref<!tpu.dma_semaphore, #tpu.memory_space<semaphore_mem>>, %arg16: memref<!tpu.dma_semaphore, #tpu.memory_space<semaphore_mem>>, %arg17: memref<!tpu.dma_semaphore, #tpu.memory_space<semaphore_mem>>) attributes {dimension_semantics = [#tpu.dimension_semantics<core_parallel>, #tpu.dimension_semantics<subcore_parallel>], iteration_bounds = array<i64: 2, 16>, scalar_prefetch = 0 : i64, scratch_operands = 11 : i64, tpu.core_type = #tpu.core_type<sc_vector_subcore>, window_params = [{transform_indices = #map}, {transform_indices = #map1}, {transform_indices = #map1}, {transform_indices = #map}, {transform_indices = #map}]} {
    %mul3A = arith.constant 16 : i32
    %mul3A_0 = arith.muli %arg0, %mul3A : i32
    %add3A = arith.addi %mul3A_0, %arg1 : i32
    %mul3A_1 = arith.constant 78 : i32
    %mul3A_2 = arith.muli %add3A, %mul3A_1 : i32
    %min3A = arith.constant 4 : i32
    %min3A_3 = arith.minsi %add3A, %min3A : i32
    %add3A_4 = arith.addi %mul3A_2, %min3A_3 : i32
    %lt3A = arith.constant 4 : i32
    %lt3A_5 = arith.cmpi slt, %add3A, %lt3A : i32
    %convert_element_type3A = arith.extui %lt3A_5 : i1 to i32
    %add3A_6 = arith.constant 78 : i32
    %add3A_7 = arith.addi %add3A_6, %convert_element_type3A : i32
    %mul3A_8 = arith.constant 10000 : i32
    %mul3A_9 = arith.muli %arg0, %mul3A_8 : i32
    %broadcast_in_dim3A = vector.broadcast %mul3A_9 : i32 to vector<16xi32>
    %mul3A_10 = arith.constant 624 : i32
    %mul3A_11 = arith.muli %arg1, %mul3A_10 : i32
    "tpu.region"() ({
      %run_scoped3A = tpu.sem_alloc : memref<!tpu.dma_semaphore, #tpu.memory_space<semaphore_mem>>
      %dma_start3A = arith.constant 0 : i32
      %dma_start3A_43 = tpu.memref_slice %arg13[%mul3A_11, %dma_start3A] : memref<10000x128xf32, #tpu.memory_space<vmem_shared>> -> memref<624x128xf32, #tpu.memory_space<vmem_shared>>
      tpu.enqueue_dma source(%arg5 : memref<624x128xf32, #tpu.memory_space<hbm>>) target(%dma_start3A_43 : memref<624x128xf32, #tpu.memory_space<vmem_shared>>) target_semaphore(%run_scoped3A : memref<!tpu.dma_semaphore, #tpu.memory_space<semaphore_mem>>)
      %dma_wait3A = arith.constant 0 : i32
      %dma_wait3A_44 = tpu.memref_slice %arg13[%mul3A_11, %dma_wait3A] : memref<10000x128xf32, #tpu.memory_space<vmem_shared>> -> memref<624x128xf32, #tpu.memory_space<vmem_shared>>
      tpu.wait_dma2 semaphore(%run_scoped3A : memref<!tpu.dma_semaphore, #tpu.memory_space<semaphore_mem>>) src(%arg5 : memref<624x128xf32, #tpu.memory_space<hbm>>) dst(%dma_wait3A_44 : memref<624x128xf32, #tpu.memory_space<vmem_shared>>)
      tpu.yield
    }) : () -> ()
    %eq3A = arith.constant 0 : i32
    %eq3A_12 = arith.cmpi eq, %arg1, %eq3A : i32
    %convert_element_type3A_13 = arith.extui %eq3A_12 : i1 to i32
    %cond3A = arith.constant 0 : i32
    %cond3A_14 = arith.cmpi ne, %convert_element_type3A_13, %cond3A : i32
    scf.if %cond3A_14 {
      "tpu.region"() ({
        %run_scoped3A = tpu.sem_alloc : memref<!tpu.dma_semaphore, #tpu.memory_space<semaphore_mem>>
        %dma_start3A = arith.constant 9984 : i32
        %dma_start3A_43 = arith.constant 0 : i32
        %dma_start3A_44 = tpu.memref_slice %arg13[%dma_start3A, %dma_start3A_43] : memref<10000x128xf32, #tpu.memory_space<vmem_shared>> -> memref<16x128xf32, #tpu.memory_space<vmem_shared>>
        %dma_start3A_45 = arith.constant 0 : i32
        %dma_start3A_46 = arith.constant 0 : i32
        %dma_start3A_47 = tpu.memref_slice %arg5[%dma_start3A_45, %dma_start3A_46] : memref<624x128xf32, #tpu.memory_space<hbm>> -> memref<16x128xf32, #tpu.memory_space<hbm>>
        tpu.enqueue_dma source(%dma_start3A_47 : memref<16x128xf32, #tpu.memory_space<hbm>>) target(%dma_start3A_44 : memref<16x128xf32, #tpu.memory_space<vmem_shared>>) target_semaphore(%run_scoped3A : memref<!tpu.dma_semaphore, #tpu.memory_space<semaphore_mem>>)
        %dma_wait3A = arith.constant 9984 : i32
        %dma_wait3A_48 = arith.constant 0 : i32
        %dma_wait3A_49 = tpu.memref_slice %arg13[%dma_wait3A, %dma_wait3A_48] : memref<10000x128xf32, #tpu.memory_space<vmem_shared>> -> memref<16x128xf32, #tpu.memory_space<vmem_shared>>
        %dma_wait3A_50 = arith.constant 0 : i32
        %dma_wait3A_51 = arith.constant 0 : i32
        %dma_wait3A_52 = tpu.memref_slice %arg5[%dma_wait3A_50, %dma_wait3A_51] : memref<624x128xf32, #tpu.memory_space<hbm>> -> memref<16x128xf32, #tpu.memory_space<hbm>>
        tpu.wait_dma2 semaphore(%run_scoped3A : memref<!tpu.dma_semaphore, #tpu.memory_space<semaphore_mem>>) src(%dma_wait3A_52 : memref<16x128xf32, #tpu.memory_space<hbm>>) dst(%dma_wait3A_49 : memref<16x128xf32, #tpu.memory_space<vmem_shared>>)
        tpu.yield
      }) : () -> ()
    } else {
    }
    %barrier3A = arith.constant 0 : index
    tpu.barrier barrier_id(%barrier3A)
    %scan3A = arith.constant 0 : i32
    %scan3A_15 = arith.constant 0 : i32
    %scan3A_16 = arith.constant 2 : i32
    %scan3A_17 = arith.addi %scan3A_15, %scan3A_16 : i32
    %scan3A_18 = arith.constant 1 : i32
    scf.for %scan3A_43 = %scan3A_15 to %scan3A_17 step %scan3A_18  : i32 {
      %mul3A_44 = arith.constant 48 : i32
      %mul3A_45 = arith.muli %scan3A_43, %mul3A_44 : i32
      %add3A_46 = arith.addi %add3A_4, %mul3A_45 : i32
      %mul3A_47 = arith.constant 128 : i32
      %mul3A_48 = arith.muli %add3A_46, %mul3A_47 : i32
      "tpu.region"() ({
        %run_scoped3A = tpu.sem_alloc : memref<!tpu.dma_semaphore, #tpu.memory_space<semaphore_mem>>
        %dma_start3A = tpu.memref_slice %arg3[%mul3A_48] : memref<324608xi32, #tpu.memory_space<hbm>> -> memref<6144xi32, #tpu.memory_space<hbm>>
        %dma_start3A_93 = tpu.memref_slice %arg3[%mul3A_48] : memref<324608xi32, #tpu.memory_space<hbm>> -> memref<6144xi32, #tpu.memory_space<hbm>>
        tpu.enqueue_dma source(%dma_start3A_93 : memref<6144xi32, #tpu.memory_space<hbm>>) target(%arg7 : memref<6144xi32, #tpu.memory_space<vmem>>) target_semaphore(%run_scoped3A : memref<!tpu.dma_semaphore, #tpu.memory_space<semaphore_mem>>)
        %dma_wait3A = tpu.memref_slice %arg3[%mul3A_48] : memref<324608xi32, #tpu.memory_space<hbm>> -> memref<6144xi32, #tpu.memory_space<hbm>>
        %dma_wait3A_94 = tpu.memref_slice %arg3[%mul3A_48] : memref<324608xi32, #tpu.memory_space<hbm>> -> memref<6144xi32, #tpu.memory_space<hbm>>
        tpu.wait_dma2 semaphore(%run_scoped3A : memref<!tpu.dma_semaphore, #tpu.memory_space<semaphore_mem>>) src(%dma_wait3A_94 : memref<6144xi32, #tpu.memory_space<hbm>>) dst(%arg7 : memref<6144xi32, #tpu.memory_space<vmem>>)
        tpu.yield
      }) : () -> ()
      "tpu.region"() ({
        %run_scoped3A = tpu.sem_alloc : memref<!tpu.dma_semaphore, #tpu.memory_space<semaphore_mem>>
        %dma_start3A = tpu.memref_slice %arg4[%mul3A_48] : memref<324608xi32, #tpu.memory_space<hbm>> -> memref<6144xi32, #tpu.memory_space<hbm>>
        %dma_start3A_93 = tpu.memref_slice %arg4[%mul3A_48] : memref<324608xi32, #tpu.memory_space<hbm>> -> memref<6144xi32, #tpu.memory_space<hbm>>
        tpu.enqueue_dma source(%dma_start3A_93 : memref<6144xi32, #tpu.memory_space<hbm>>) target(%arg8 : memref<6144xi32, #tpu.memory_space<vmem>>) target_semaphore(%run_scoped3A : memref<!tpu.dma_semaphore, #tpu.memory_space<semaphore_mem>>)
        %dma_wait3A = tpu.memref_slice %arg4[%mul3A_48] : memref<324608xi32, #tpu.memory_space<hbm>> -> memref<6144xi32, #tpu.memory_space<hbm>>
        %dma_wait3A_94 = tpu.memref_slice %arg4[%mul3A_48] : memref<324608xi32, #tpu.memory_space<hbm>> -> memref<6144xi32, #tpu.memory_space<hbm>>
        tpu.wait_dma2 semaphore(%run_scoped3A : memref<!tpu.dma_semaphore, #tpu.memory_space<semaphore_mem>>) src(%dma_wait3A_94 : memref<6144xi32, #tpu.memory_space<hbm>>) dst(%arg8 : memref<6144xi32, #tpu.memory_space<vmem>>)
        tpu.yield
      }) : () -> ()
      %ge3A = arith.constant 2 : i32
      %ge3A_49 = arith.cmpi sge, %mul3A_45, %ge3A : i32
      %sub3A = arith.constant 2 : i32
      %sub3A_50 = arith.subi %mul3A_45, %sub3A : i32
      %lt3A_51 = arith.cmpi slt, %sub3A_50, %add3A_7 : i32
      %and3A_52 = arith.andi %ge3A_49, %lt3A_51 : i1
      %convert_element_type3A_53 = arith.extui %and3A_52 : i1 to i32
      %cond3A_54 = arith.constant 0 : i32
      %cond3A_55 = arith.cmpi ne, %convert_element_type3A_53, %cond3A_54 : i32
      scf.if %cond3A_55 {
        %dma_wait3A = arith.constant 0 : i32
        %dma_wait3A_93 = arith.constant 0 : i32
        %dma_wait3A_94 = tpu.memref_slice %arg13[%dma_wait3A, %dma_wait3A_93] : memref<10000x128xf32, #tpu.memory_space<vmem_shared>> -> memref<10000x128xf32, #tpu.memory_space<vmem_shared>>
        tpu.wait_indirect_dma semaphore(%arg16 : memref<!tpu.dma_semaphore, #tpu.memory_space<semaphore_mem>>) src(%arg11 : memref<128x128xf32, #tpu.memory_space<vmem>>) dst(%dma_wait3A_94 : memref<10000x128xf32, #tpu.memory_space<vmem_shared>>)
      } else {
      }
      %lt3A_56 = arith.cmpi slt, %mul3A_45, %add3A_7 : i32
      %convert_element_type3A_57 = arith.extui %lt3A_56 : i1 to i32
      %cond3A_58 = arith.constant 0 : i32
      %cond3A_59 = arith.cmpi ne, %convert_element_type3A_57, %cond3A_58 : i32
      scf.if %cond3A_59 {
        %dma_start3A = arith.constant 0 : i32
        %dma_start3A_93 = tpu.memref_slice %arg7[%dma_start3A] : memref<6144xi32, #tpu.memory_space<vmem>> -> memref<128xi32, #tpu.memory_space<vmem>>
        %dma_start3A_94 = arith.constant 0 : i32
        %dma_start3A_95 = arith.constant 0 : i32
        %dma_start3A_96 = tpu.memref_slice %arg2[%dma_start3A_94, %dma_start3A_95] : memref<10000x128xf32, #tpu.memory_space<hbm>> -> memref<10000x128xf32, #tpu.memory_space<hbm>>
        tpu.enqueue_indirect_dma source(%dma_start3A_96 : memref<10000x128xf32, #tpu.memory_space<hbm>>) target(%arg11 : memref<128x128xf32, #tpu.memory_space<vmem>>) offsets(%dma_start3A_93 : memref<128xi32, #tpu.memory_space<vmem>>) semaphore(%arg14 : memref<!tpu.dma_semaphore, #tpu.memory_space<semaphore_mem>>)
      } else {
      }
      %scan3A_60 = arith.constant 0 : i32
      %scan3A_61 = arith.constant 0 : i32
      %scan3A_62 = arith.constant 23 : i32
      %scan3A_63 = arith.addi %scan3A_61, %scan3A_62 : i32
      %scan3A_64 = arith.constant 1 : i32
      scf.for %scan3A_93 = %scan3A_61 to %scan3A_63 step %scan3A_64  : i32 {
        %mul3A_94 = arith.constant 2 : i32
        %mul3A_95 = arith.muli %scan3A_93, %mul3A_94 : i32
        %add3A_96 = arith.addi %mul3A_45, %mul3A_95 : i32
        %ge3A_97 = arith.constant 1 : i32
        %ge3A_98 = arith.cmpi sge, %add3A_96, %ge3A_97 : i32
        %sub3A_99 = arith.constant 1 : i32
        %sub3A_100 = arith.subi %add3A_96, %sub3A_99 : i32
        %lt3A_101 = arith.cmpi slt, %sub3A_100, %add3A_7 : i32
        %and3A_102 = arith.andi %ge3A_98, %lt3A_101 : i1
        %convert_element_type3A_103 = arith.extui %and3A_102 : i1 to i32
        %cond3A_104 = arith.constant 0 : i32
        %cond3A_105 = arith.cmpi ne, %convert_element_type3A_103, %cond3A_104 : i32
        scf.if %cond3A_105 {
          %dma_wait3A = arith.constant 0 : i32
          %dma_wait3A_144 = arith.constant 0 : i32
          %dma_wait3A_145 = tpu.memref_slice %arg13[%dma_wait3A, %dma_wait3A_144] : memref<10000x128xf32, #tpu.memory_space<vmem_shared>> -> memref<10000x128xf32, #tpu.memory_space<vmem_shared>>
          tpu.wait_indirect_dma semaphore(%arg17 : memref<!tpu.dma_semaphore, #tpu.memory_space<semaphore_mem>>) src(%arg12 : memref<128x128xf32, #tpu.memory_space<vmem>>) dst(%dma_wait3A_145 : memref<10000x128xf32, #tpu.memory_space<vmem_shared>>)
        } else {
        }
        %add3A_106 = arith.constant 1 : i32
        %add3A_107 = arith.addi %mul3A_95, %add3A_106 : i32
        %add3A_108 = arith.constant 1 : i32
        %add3A_109 = arith.addi %add3A_96, %add3A_108 : i32
        %lt3A_110 = arith.cmpi slt, %add3A_109, %add3A_7 : i32
        %convert_element_type3A_111 = arith.extui %lt3A_110 : i1 to i32
        %cond3A_112 = arith.constant 0 : i32
        %cond3A_113 = arith.cmpi ne, %convert_element_type3A_111, %cond3A_112 : i32
        scf.if %cond3A_113 {
          %mul3A_144 = arith.constant 128 : i32
          %mul3A_145 = arith.muli %add3A_107, %mul3A_144 : i32
          %dma_start3A = tpu.memref_slice %arg7[%mul3A_145] : memref<6144xi32, #tpu.memory_space<vmem>> -> memref<128xi32, #tpu.memory_space<vmem>>
          %dma_start3A_146 = arith.constant 0 : i32
          %dma_start3A_147 = arith.constant 0 : i32
          %dma_start3A_148 = tpu.memref_slice %arg2[%dma_start3A_146, %dma_start3A_147] : memref<10000x128xf32, #tpu.memory_space<hbm>> -> memref<10000x128xf32, #tpu.memory_space<hbm>>
          tpu.enqueue_indirect_dma source(%dma_start3A_148 : memref<10000x128xf32, #tpu.memory_space<hbm>>) target(%arg12 : memref<128x128xf32, #tpu.memory_space<vmem>>) offsets(%dma_start3A : memref<128xi32, #tpu.memory_space<vmem>>) semaphore(%arg15 : memref<!tpu.dma_semaphore, #tpu.memory_space<semaphore_mem>>)
        } else {
        }
        %lt3A_114 = arith.cmpi slt, %add3A_96, %add3A_7 : i32
        %convert_element_type3A_115 = arith.extui %lt3A_114 : i1 to i32
        %cond3A_116 = arith.constant 0 : i32
        %cond3A_117 = arith.cmpi ne, %convert_element_type3A_115, %cond3A_116 : i32
        scf.if %cond3A_117 {
          %mul3A_144 = arith.constant 128 : i32
          %mul3A_145 = arith.muli %mul3A_95, %mul3A_144 : i32
          %add3A_146 = arith.constant 0 : i32
          %add3A_147 = arith.addi %mul3A_145, %add3A_146 : i32
          %get3A = arith.index_cast %add3A_147 : i32 to index
          %get3A_148 = tpu.vector_load %arg8[%get3A] {strides = array<i32>} : memref<6144xi32, #tpu.memory_space<vmem>>, vector<16xi32>,
          %get3A_149 = vector.shape_cast %get3A_148 : vector<16xi32> to vector<16xi32>
          %swap3A = arith.constant 0 : index
          %swap3A_150 = tpu.vector_load %arg9[%swap3A] {strides = array<i32>} : memref<128xi32, #tpu.memory_space<vmem>>, vector<16xi32>,
          %swap3A_151 = vector.shape_cast %swap3A_150 : vector<16xi32> to vector<16xi32>
          %swap3A_152 = vector.shape_cast %get3A_149 : vector<16xi32> to vector<16xi32>
          tpu.vector_store %arg9[%swap3A], %swap3A_152 {strides = array<i32>} : memref<128xi32, #tpu.memory_space<vmem>>, vector<16xi32>,
          %mul3A_153 = arith.constant 128 : i32
          %mul3A_154 = arith.muli %mul3A_95, %mul3A_153 : i32
          %add3A_155 = arith.constant 16 : i32
          %add3A_156 = arith.addi %mul3A_154, %add3A_155 : i32
          %get3A_157 = arith.index_cast %add3A_156 : i32 to index
          %get3A_158 = tpu.vector_load %arg8[%get3A_157] {strides = array<i32>} : memref<6144xi32, #tpu.memory_space<vmem>>, vector<16xi32>,
          %get3A_159 = vector.shape_cast %get3A_158 : vector<16xi32> to vector<16xi32>
          %swap3A_160 = arith.constant 16 : index
          %swap3A_161 = tpu.vector_load %arg9[%swap3A_160] {strides = array<i32>} : memref<128xi32, #tpu.memory_space<vmem>>, vector<16xi32>,
          %swap3A_162 = vector.shape_cast %swap3A_161 : vector<16xi32> to vector<16xi32>
          %swap3A_163 = vector.shape_cast %get3A_159 : vector<16xi32> to vector<16xi32>
          tpu.vector_store %arg9[%swap3A_160], %swap3A_163 {strides = array<i32>} : memref<128xi32, #tpu.memory_space<vmem>>, vector<16xi32>,
          %mul3A_164 = arith.constant 128 : i32
          %mul3A_165 = arith.muli %mul3A_95, %mul3A_164 : i32
          %add3A_166 = arith.constant 32 : i32
          %add3A_167 = arith.addi %mul3A_165, %add3A_166 : i32
          %get3A_168 = arith.index_cast %add3A_167 : i32 to index
          %get3A_169 = tpu.vector_load %arg8[%get3A_168] {strides = array<i32>} : memref<6144xi32, #tpu.memory_space<vmem>>, vector<16xi32>,
          %get3A_170 = vector.shape_cast %get3A_169 : vector<16xi32> to vector<16xi32>
          %swap3A_171 = arith.constant 32 : index
          %swap3A_172 = tpu.vector_load %arg9[%swap3A_171] {strides = array<i32>} : memref<128xi32, #tpu.memory_space<vmem>>, vector<16xi32>,
          %swap3A_173 = vector.shape_cast %swap3A_172 : vector<16xi32> to vector<16xi32>
          %swap3A_174 = vector.shape_cast %get3A_170 : vector<16xi32> to vector<16xi32>
          tpu.vector_store %arg9[%swap3A_171], %swap3A_174 {strides = array<i32>} : memref<128xi32, #tpu.memory_space<vmem>>, vector<16xi32>,
          %mul3A_175 = arith.constant 128 : i32
          %mul3A_176 = arith.muli %mul3A_95, %mul3A_175 : i32
          %add3A_177 = arith.constant 48 : i32
          %add3A_178 = arith.addi %mul3A_176, %add3A_177 : i32
          %get3A_179 = arith.index_cast %add3A_178 : i32 to index
          %get3A_180 = tpu.vector_load %arg8[%get3A_179] {strides = array<i32>} : memref<6144xi32, #tpu.memory_space<vmem>>, vector<16xi32>,
          %get3A_181 = vector.shape_cast %get3A_180 : vector<16xi32> to vector<16xi32>
          %swap3A_182 = arith.constant 48 : index
          %swap3A_183 = tpu.vector_load %arg9[%swap3A_182] {strides = array<i32>} : memref<128xi32, #tpu.memory_space<vmem>>, vector<16xi32>,
          %swap3A_184 = vector.shape_cast %swap3A_183 : vector<16xi32> to vector<16xi32>
          %swap3A_185 = vector.shape_cast %get3A_181 : vector<16xi32> to vector<16xi32>
          tpu.vector_store %arg9[%swap3A_182], %swap3A_185 {strides = array<i32>} : memref<128xi32, #tpu.memory_space<vmem>>, vector<16xi32>,
          %mul3A_186 = arith.constant 128 : i32
          %mul3A_187 = arith.muli %mul3A_95, %mul3A_186 : i32
          %add3A_188 = arith.constant 64 : i32
          %add3A_189 = arith.addi %mul3A_187, %add3A_188 : i32
          %get3A_190 = arith.index_cast %add3A_189 : i32 to index
          %get3A_191 = tpu.vector_load %arg8[%get3A_190] {strides = array<i32>} : memref<6144xi32, #tpu.memory_space<vmem>>, vector<16xi32>,
          %get3A_192 = vector.shape_cast %get3A_191 : vector<16xi32> to vector<16xi32>
          %swap3A_193 = arith.constant 64 : index
          %swap3A_194 = tpu.vector_load %arg9[%swap3A_193] {strides = array<i32>} : memref<128xi32, #tpu.memory_space<vmem>>, vector<16xi32>,
          %swap3A_195 = vector.shape_cast %swap3A_194 : vector<16xi32> to vector<16xi32>
          %swap3A_196 = vector.shape_cast %get3A_192 : vector<16xi32> to vector<16xi32>
          tpu.vector_store %arg9[%swap3A_193], %swap3A_196 {strides = array<i32>} : memref<128xi32, #tpu.memory_space<vmem>>, vector<16xi32>,
          %mul3A_197 = arith.constant 128 : i32
          %mul3A_198 = arith.muli %mul3A_95, %mul3A_197 : i32
          %add3A_199 = arith.constant 80 : i32
          %add3A_200 = arith.addi %mul3A_198, %add3A_199 : i32
          %get3A_201 = arith.index_cast %add3A_200 : i32 to index
          %get3A_202 = tpu.vector_load %arg8[%get3A_201] {strides = array<i32>} : memref<6144xi32, #tpu.memory_space<vmem>>, vector<16xi32>,
          %get3A_203 = vector.shape_cast %get3A_202 : vector<16xi32> to vector<16xi32>
          %swap3A_204 = arith.constant 80 : index
          %swap3A_205 = tpu.vector_load %arg9[%swap3A_204] {strides = array<i32>} : memref<128xi32, #tpu.memory_space<vmem>>, vector<16xi32>,
          %swap3A_206 = vector.shape_cast %swap3A_205 : vector<16xi32> to vector<16xi32>
          %swap3A_207 = vector.shape_cast %get3A_203 : vector<16xi32> to vector<16xi32>
          tpu.vector_store %arg9[%swap3A_204], %swap3A_207 {strides = array<i32>} : memref<128xi32, #tpu.memory_space<vmem>>, vector<16xi32>,
          %mul3A_208 = arith.constant 128 : i32
          %mul3A_209 = arith.muli %mul3A_95, %mul3A_208 : i32
          %add3A_210 = arith.constant 96 : i32
          %add3A_211 = arith.addi %mul3A_209, %add3A_210 : i32
          %get3A_212 = arith.index_cast %add3A_211 : i32 to index
          %get3A_213 = tpu.vector_load %arg8[%get3A_212] {strides = array<i32>} : memref<6144xi32, #tpu.memory_space<vmem>>, vector<16xi32>,
          %get3A_214 = vector.shape_cast %get3A_213 : vector<16xi32> to vector<16xi32>
          %swap3A_215 = arith.constant 96 : index
          %swap3A_216 = tpu.vector_load %arg9[%swap3A_215] {strides = array<i32>} : memref<128xi32, #tpu.memory_space<vmem>>, vector<16xi32>,
          %swap3A_217 = vector.shape_cast %swap3A_216 : vector<16xi32> to vector<16xi32>
          %swap3A_218 = vector.shape_cast %get3A_214 : vector<16xi32> to vector<16xi32>
          tpu.vector_store %arg9[%swap3A_215], %swap3A_218 {strides = array<i32>} : memref<128xi32, #tpu.memory_space<vmem>>, vector<16xi32>,
          %mul3A_219 = arith.constant 128 : i32
          %mul3A_220 = arith.muli %mul3A_95, %mul3A_219 : i32
          %add3A_221 = arith.constant 112 : i32
          %add3A_222 = arith.addi %mul3A_220, %add3A_221 : i32
          %get3A_223 = arith.index_cast %add3A_222 : i32 to index
          %get3A_224 = tpu.vector_load %arg8[%get3A_223] {strides = array<i32>} : memref<6144xi32, #tpu.memory_space<vmem>>, vector<16xi32>,
          %get3A_225 = vector.shape_cast %get3A_224 : vector<16xi32> to vector<16xi32>
          %swap3A_226 = arith.constant 112 : index
          %swap3A_227 = tpu.vector_load %arg9[%swap3A_226] {strides = array<i32>} : memref<128xi32, #tpu.memory_space<vmem>>, vector<16xi32>,
          %swap3A_228 = vector.shape_cast %swap3A_227 : vector<16xi32> to vector<16xi32>
          %swap3A_229 = vector.shape_cast %get3A_225 : vector<16xi32> to vector<16xi32>
          tpu.vector_store %arg9[%swap3A_226], %swap3A_229 {strides = array<i32>} : memref<128xi32, #tpu.memory_space<vmem>>, vector<16xi32>,
          %mul3A_230 = arith.constant 128 : i32
          %mul3A_231 = arith.muli %mul3A_95, %mul3A_230 : i32
          %dma_wait3A = tpu.memref_slice %arg7[%mul3A_231] : memref<6144xi32, #tpu.memory_space<vmem>> -> memref<128xi32, #tpu.memory_space<vmem>>
          %dma_wait3A_232 = arith.constant 0 : i32
          %dma_wait3A_233 = arith.constant 0 : i32
          %dma_wait3A_234 = tpu.memref_slice %arg2[%dma_wait3A_232, %dma_wait3A_233] : memref<10000x128xf32, #tpu.memory_space<hbm>> -> memref<10000x128xf32, #tpu.memory_space<hbm>>
          tpu.wait_indirect_dma semaphore(%arg14 : memref<!tpu.dma_semaphore, #tpu.memory_space<semaphore_mem>>) src(%dma_wait3A_234 : memref<10000x128xf32, #tpu.memory_space<hbm>>) dst(%arg11 : memref<128x128xf32, #tpu.memory_space<vmem>>)
          %dma_start3A = arith.constant 0 : i32
          %dma_start3A_235 = arith.constant 0 : i32
          %dma_start3A_236 = tpu.memref_slice %arg13[%dma_start3A, %dma_start3A_235] : memref<10000x128xf32, #tpu.memory_space<vmem_shared>> -> memref<10000x128xf32, #tpu.memory_space<vmem_shared>>
          tpu.enqueue_indirect_dma source(%arg11 : memref<128x128xf32, #tpu.memory_space<vmem>>) target(%dma_start3A_236 : memref<10000x128xf32, #tpu.memory_space<vmem_shared>>) offsets(%arg9 : memref<128xi32, #tpu.memory_space<vmem>>) semaphore(%arg16 : memref<!tpu.dma_semaphore, #tpu.memory_space<semaphore_mem>>) {add = true}
        } else {
        }
        %mul3A_118 = arith.constant 2 : i32
        %mul3A_119 = arith.muli %scan3A_93, %mul3A_118 : i32
        %add3A_120 = arith.constant 1 : i32
        %add3A_121 = arith.addi %mul3A_119, %add3A_120 : i32
        %add3A_122 = arith.addi %mul3A_45, %add3A_121 : i32
        %ge3A_123 = arith.constant 1 : i32
        %ge3A_124 = arith.cmpi sge, %add3A_122, %ge3A_123 : i32
        %sub3A_125 = arith.constant 1 : i32
        %sub3A_126 = arith.subi %add3A_122, %sub3A_125 : i32
        %lt3A_127 = arith.cmpi slt, %sub3A_126, %add3A_7 : i32
        %and3A_128 = arith.andi %ge3A_124, %lt3A_127 : i1
        %convert_element_type3A_129 = arith.extui %and3A_128 : i1 to i32
        %cond3A_130 = arith.constant 0 : i32
        %cond3A_131 = arith.cmpi ne, %convert_element_type3A_129, %cond3A_130 : i32
        scf.if %cond3A_131 {
          %dma_wait3A = arith.constant 0 : i32
          %dma_wait3A_144 = arith.constant 0 : i32
          %dma_wait3A_145 = tpu.memref_slice %arg13[%dma_wait3A, %dma_wait3A_144] : memref<10000x128xf32, #tpu.memory_space<vmem_shared>> -> memref<10000x128xf32, #tpu.memory_space<vmem_shared>>
          tpu.wait_indirect_dma semaphore(%arg16 : memref<!tpu.dma_semaphore, #tpu.memory_space<semaphore_mem>>) src(%arg11 : memref<128x128xf32, #tpu.memory_space<vmem>>) dst(%dma_wait3A_145 : memref<10000x128xf32, #tpu.memory_space<vmem_shared>>)
        } else {
        }
        %add3A_132 = arith.constant 1 : i32
        %add3A_133 = arith.addi %add3A_121, %add3A_132 : i32
        %add3A_134 = arith.constant 1 : i32
        %add3A_135 = arith.addi %add3A_122, %add3A_134 : i32
        %lt3A_136 = arith.cmpi slt, %add3A_135, %add3A_7 : i32
        %convert_element_type3A_137 = arith.extui %lt3A_136 : i1 to i32
        %cond3A_138 = arith.constant 0 : i32
        %cond3A_139 = arith.cmpi ne, %convert_element_type3A_137, %cond3A_138 : i32
        scf.if %cond3A_139 {
          %mul3A_144 = arith.constant 128 : i32
          %mul3A_145 = arith.muli %add3A_133, %mul3A_144 : i32
          %dma_start3A = tpu.memref_slice %arg7[%mul3A_145] : memref<6144xi32, #tpu.memory_space<vmem>> -> memref<128xi32, #tpu.memory_space<vmem>>
          %dma_start3A_146 = arith.constant 0 : i32
          %dma_start3A_147 = arith.constant 0 : i32
          %dma_start3A_148 = tpu.memref_slice %arg2[%dma_start3A_146, %dma_start3A_147] : memref<10000x128xf32, #tpu.memory_space<hbm>> -> memref<10000x128xf32, #tpu.memory_space<hbm>>
          tpu.enqueue_indirect_dma source(%dma_start3A_148 : memref<10000x128xf32, #tpu.memory_space<hbm>>) target(%arg11 : memref<128x128xf32, #tpu.memory_space<vmem>>) offsets(%dma_start3A : memref<128xi32, #tpu.memory_space<vmem>>) semaphore(%arg14 : memref<!tpu.dma_semaphore, #tpu.memory_space<semaphore_mem>>)
        } else {
        }
        %lt3A_140 = arith.cmpi slt, %add3A_122, %add3A_7 : i32
        %convert_element_type3A_141 = arith.extui %lt3A_140 : i1 to i32
        %cond3A_142 = arith.constant 0 : i32
        %cond3A_143 = arith.cmpi ne, %convert_element_type3A_141, %cond3A_142 : i32
        scf.if %cond3A_143 {
          %mul3A_144 = arith.constant 128 : i32
          %mul3A_145 = arith.muli %add3A_121, %mul3A_144 : i32
          %add3A_146 = arith.constant 0 : i32
          %add3A_147 = arith.addi %mul3A_145, %add3A_146 : i32
          %get3A = arith.index_cast %add3A_147 : i32 to index
          %get3A_148 = tpu.vector_load %arg8[%get3A] {strides = array<i32>} : memref<6144xi32, #tpu.memory_space<vmem>>, vector<16xi32>,
          %get3A_149 = vector.shape_cast %get3A_148 : vector<16xi32> to vector<16xi32>
          %swap3A = arith.constant 0 : index
          %swap3A_150 = tpu.vector_load %arg10[%swap3A] {strides = array<i32>} : memref<128xi32, #tpu.memory_space<vmem>>, vector<16xi32>,
          %swap3A_151 = vector.shape_cast %swap3A_150 : vector<16xi32> to vector<16xi32>
          %swap3A_152 = vector.shape_cast %get3A_149 : vector<16xi32> to vector<16xi32>
          tpu.vector_store %arg10[%swap3A], %swap3A_152 {strides = array<i32>} : memref<128xi32, #tpu.memory_space<vmem>>, vector<16xi32>,
          %mul3A_153 = arith.constant 128 : i32
          %mul3A_154 = arith.muli %add3A_121, %mul3A_153 : i32
          %add3A_155 = arith.constant 16 : i32
          %add3A_156 = arith.addi %mul3A_154, %add3A_155 : i32
          %get3A_157 = arith.index_cast %add3A_156 : i32 to index
          %get3A_158 = tpu.vector_load %arg8[%get3A_157] {strides = array<i32>} : memref<6144xi32, #tpu.memory_space<vmem>>, vector<16xi32>,
          %get3A_159 = vector.shape_cast %get3A_158 : vector<16xi32> to vector<16xi32>
          %swap3A_160 = arith.constant 16 : index
          %swap3A_161 = tpu.vector_load %arg10[%swap3A_160] {strides = array<i32>} : memref<128xi32, #tpu.memory_space<vmem>>, vector<16xi32>,
          %swap3A_162 = vector.shape_cast %swap3A_161 : vector<16xi32> to vector<16xi32>
          %swap3A_163 = vector.shape_cast %get3A_159 : vector<16xi32> to vector<16xi32>
          tpu.vector_store %arg10[%swap3A_160], %swap3A_163 {strides = array<i32>} : memref<128xi32, #tpu.memory_space<vmem>>, vector<16xi32>,
          %mul3A_164 = arith.constant 128 : i32
          %mul3A_165 = arith.muli %add3A_121, %mul3A_164 : i32
          %add3A_166 = arith.constant 32 : i32
          %add3A_167 = arith.addi %mul3A_165, %add3A_166 : i32
          %get3A_168 = arith.index_cast %add3A_167 : i32 to index
          %get3A_169 = tpu.vector_load %arg8[%get3A_168] {strides = array<i32>} : memref<6144xi32, #tpu.memory_space<vmem>>, vector<16xi32>,
          %get3A_170 = vector.shape_cast %get3A_169 : vector<16xi32> to vector<16xi32>
          %swap3A_171 = arith.constant 32 : index
          %swap3A_172 = tpu.vector_load %arg10[%swap3A_171] {strides = array<i32>} : memref<128xi32, #tpu.memory_space<vmem>>, vector<16xi32>,
          %swap3A_173 = vector.shape_cast %swap3A_172 : vector<16xi32> to vector<16xi32>
          %swap3A_174 = vector.shape_cast %get3A_170 : vector<16xi32> to vector<16xi32>
          tpu.vector_store %arg10[%swap3A_171], %swap3A_174 {strides = array<i32>} : memref<128xi32, #tpu.memory_space<vmem>>, vector<16xi32>,
          %mul3A_175 = arith.constant 128 : i32
          %mul3A_176 = arith.muli %add3A_121, %mul3A_175 : i32
          %add3A_177 = arith.constant 48 : i32
          %add3A_178 = arith.addi %mul3A_176, %add3A_177 : i32
          %get3A_179 = arith.index_cast %add3A_178 : i32 to index
          %get3A_180 = tpu.vector_load %arg8[%get3A_179] {strides = array<i32>} : memref<6144xi32, #tpu.memory_space<vmem>>, vector<16xi32>,
          %get3A_181 = vector.shape_cast %get3A_180 : vector<16xi32> to vector<16xi32>
          %swap3A_182 = arith.constant 48 : index
          %swap3A_183 = tpu.vector_load %arg10[%swap3A_182] {strides = array<i32>} : memref<128xi32, #tpu.memory_space<vmem>>, vector<16xi32>,
          %swap3A_184 = vector.shape_cast %swap3A_183 : vector<16xi32> to vector<16xi32>
          %swap3A_185 = vector.shape_cast %get3A_181 : vector<16xi32> to vector<16xi32>
          tpu.vector_store %arg10[%swap3A_182], %swap3A_185 {strides = array<i32>} : memref<128xi32, #tpu.memory_space<vmem>>, vector<16xi32>,
          %mul3A_186 = arith.constant 128 : i32
          %mul3A_187 = arith.muli %add3A_121, %mul3A_186 : i32
          %add3A_188 = arith.constant 64 : i32
          %add3A_189 = arith.addi %mul3A_187, %add3A_188 : i32
          %get3A_190 = arith.index_cast %add3A_189 : i32 to index
          %get3A_191 = tpu.vector_load %arg8[%get3A_190] {strides = array<i32>} : memref<6144xi32, #tpu.memory_space<vmem>>, vector<16xi32>,
          %get3A_192 = vector.shape_cast %get3A_191 : vector<16xi32> to vector<16xi32>
          %swap3A_193 = arith.constant 64 : index
          %swap3A_194 = tpu.vector_load %arg10[%swap3A_193] {strides = array<i32>} : memref<128xi32, #tpu.memory_space<vmem>>, vector<16xi32>,
          %swap3A_195 = vector.shape_cast %swap3A_194 : vector<16xi32> to vector<16xi32>
          %swap3A_196 = vector.shape_cast %get3A_192 : vector<16xi32> to vector<16xi32>
          tpu.vector_store %arg10[%swap3A_193], %swap3A_196 {strides = array<i32>} : memref<128xi32, #tpu.memory_space<vmem>>, vector<16xi32>,
          %mul3A_197 = arith.constant 128 : i32
          %mul3A_198 = arith.muli %add3A_121, %mul3A_197 : i32
          %add3A_199 = arith.constant 80 : i32
          %add3A_200 = arith.addi %mul3A_198, %add3A_199 : i32
          %get3A_201 = arith.index_cast %add3A_200 : i32 to index
          %get3A_202 = tpu.vector_load %arg8[%get3A_201] {strides = array<i32>} : memref<6144xi32, #tpu.memory_space<vmem>>, vector<16xi32>,
          %get3A_203 = vector.shape_cast %get3A_202 : vector<16xi32> to vector<16xi32>
          %swap3A_204 = arith.constant 80 : index
          %swap3A_205 = tpu.vector_load %arg10[%swap3A_204] {strides = array<i32>} : memref<128xi32, #tpu.memory_space<vmem>>, vector<16xi32>,
          %swap3A_206 = vector.shape_cast %swap3A_205 : vector<16xi32> to vector<16xi32>
          %swap3A_207 = vector.shape_cast %get3A_203 : vector<16xi32> to vector<16xi32>
          tpu.vector_store %arg10[%swap3A_204], %swap3A_207 {strides = array<i32>} : memref<128xi32, #tpu.memory_space<vmem>>, vector<16xi32>,
          %mul3A_208 = arith.constant 128 : i32
          %mul3A_209 = arith.muli %add3A_121, %mul3A_208 : i32
          %add3A_210 = arith.constant 96 : i32
          %add3A_211 = arith.addi %mul3A_209, %add3A_210 : i32
          %get3A_212 = arith.index_cast %add3A_211 : i32 to index
          %get3A_213 = tpu.vector_load %arg8[%get3A_212] {strides = array<i32>} : memref<6144xi32, #tpu.memory_space<vmem>>, vector<16xi32>,
          %get3A_214 = vector.shape_cast %get3A_213 : vector<16xi32> to vector<16xi32>
          %swap3A_215 = arith.constant 96 : index
          %swap3A_216 = tpu.vector_load %arg10[%swap3A_215] {strides = array<i32>} : memref<128xi32, #tpu.memory_space<vmem>>, vector<16xi32>,
          %swap3A_217 = vector.shape_cast %swap3A_216 : vector<16xi32> to vector<16xi32>
          %swap3A_218 = vector.shape_cast %get3A_214 : vector<16xi32> to vector<16xi32>
          tpu.vector_store %arg10[%swap3A_215], %swap3A_218 {strides = array<i32>} : memref<128xi32, #tpu.memory_space<vmem>>, vector<16xi32>,
          %mul3A_219 = arith.constant 128 : i32
          %mul3A_220 = arith.muli %add3A_121, %mul3A_219 : i32
          %add3A_221 = arith.constant 112 : i32
          %add3A_222 = arith.addi %mul3A_220, %add3A_221 : i32
          %get3A_223 = arith.index_cast %add3A_222 : i32 to index
          %get3A_224 = tpu.vector_load %arg8[%get3A_223] {strides = array<i32>} : memref<6144xi32, #tpu.memory_space<vmem>>, vector<16xi32>,
          %get3A_225 = vector.shape_cast %get3A_224 : vector<16xi32> to vector<16xi32>
          %swap3A_226 = arith.constant 112 : index
          %swap3A_227 = tpu.vector_load %arg10[%swap3A_226] {strides = array<i32>} : memref<128xi32, #tpu.memory_space<vmem>>, vector<16xi32>,
          %swap3A_228 = vector.shape_cast %swap3A_227 : vector<16xi32> to vector<16xi32>
          %swap3A_229 = vector.shape_cast %get3A_225 : vector<16xi32> to vector<16xi32>
          tpu.vector_store %arg10[%swap3A_226], %swap3A_229 {strides = array<i32>} : memref<128xi32, #tpu.memory_space<vmem>>, vector<16xi32>,
          %mul3A_230 = arith.constant 128 : i32
          %mul3A_231 = arith.muli %add3A_121, %mul3A_230 : i32
          %dma_wait3A = tpu.memref_slice %arg7[%mul3A_231] : memref<6144xi32, #tpu.memory_space<vmem>> -> memref<128xi32, #tpu.memory_space<vmem>>
          %dma_wait3A_232 = arith.constant 0 : i32
          %dma_wait3A_233 = arith.constant 0 : i32
          %dma_wait3A_234 = tpu.memref_slice %arg2[%dma_wait3A_232, %dma_wait3A_233] : memref<10000x128xf32, #tpu.memory_space<hbm>> -> memref<10000x128xf32, #tpu.memory_space<hbm>>
          tpu.wait_indirect_dma semaphore(%arg15 : memref<!tpu.dma_semaphore, #tpu.memory_space<semaphore_mem>>) src(%dma_wait3A_234 : memref<10000x128xf32, #tpu.memory_space<hbm>>) dst(%arg12 : memref<128x128xf32, #tpu.memory_space<vmem>>)
          %dma_start3A = arith.constant 0 : i32
          %dma_start3A_235 = arith.constant 0 : i32
          %dma_start3A_236 = tpu.memref_slice %arg13[%dma_start3A, %dma_start3A_235] : memref<10000x128xf32, #tpu.memory_space<vmem_shared>> -> memref<10000x128xf32, #tpu.memory_space<vmem_shared>>
          tpu.enqueue_indirect_dma source(%arg12 : memref<128x128xf32, #tpu.memory_space<vmem>>) target(%dma_start3A_236 : memref<10000x128xf32, #tpu.memory_space<vmem_shared>>) offsets(%arg10 : memref<128xi32, #tpu.memory_space<vmem>>) semaphore(%arg17 : memref<!tpu.dma_semaphore, #tpu.memory_space<semaphore_mem>>) {add = true}
        } else {
        }
      }
      %scan3A_65 = arith.constant 23 : i32
      %add3A_66 = arith.constant 46 : i32
      %add3A_67 = arith.addi %mul3A_45, %add3A_66 : i32
      %ge3A_68 = arith.constant 1 : i32
      %ge3A_69 = arith.cmpi sge, %add3A_67, %ge3A_68 : i32
      %sub3A_70 = arith.constant 1 : i32
      %sub3A_71 = arith.subi %add3A_67, %sub3A_70 : i32
      %lt3A_72 = arith.cmpi slt, %sub3A_71, %add3A_7 : i32
      %and3A_73 = arith.andi %ge3A_69, %lt3A_72 : i1
      %convert_element_type3A_74 = arith.extui %and3A_73 : i1 to i32
      %cond3A_75 = arith.constant 0 : i32
      %cond3A_76 = arith.cmpi ne, %convert_element_type3A_74, %cond3A_75 : i32
      scf.if %cond3A_76 {
        %dma_wait3A = arith.constant 0 : i32
        %dma_wait3A_93 = arith.constant 0 : i32
        %dma_wait3A_94 = tpu.memref_slice %arg13[%dma_wait3A, %dma_wait3A_93] : memref<10000x128xf32, #tpu.memory_space<vmem_shared>> -> memref<10000x128xf32, #tpu.memory_space<vmem_shared>>
        tpu.wait_indirect_dma semaphore(%arg17 : memref<!tpu.dma_semaphore, #tpu.memory_space<semaphore_mem>>) src(%arg12 : memref<128x128xf32, #tpu.memory_space<vmem>>) dst(%dma_wait3A_94 : memref<10000x128xf32, #tpu.memory_space<vmem_shared>>)
      } else {
      }
      %add3A_77 = arith.constant 1 : i32
      %add3A_78 = arith.addi %add3A_67, %add3A_77 : i32
      %lt3A_79 = arith.cmpi slt, %add3A_78, %add3A_7 : i32
      %convert_element_type3A_80 = arith.extui %lt3A_79 : i1 to i32
      %cond3A_81 = arith.constant 0 : i32
      %cond3A_82 = arith.cmpi ne, %convert_element_type3A_80, %cond3A_81 : i32
      scf.if %cond3A_82 {
        %dma_start3A = arith.constant 6016 : i32
        %dma_start3A_93 = tpu.memref_slice %arg7[%dma_start3A] : memref<6144xi32, #tpu.memory_space<vmem>> -> memref<128xi32, #tpu.memory_space<vmem>>
        %dma_start3A_94 = arith.constant 0 : i32
        %dma_start3A_95 = arith.constant 0 : i32
        %dma_start3A_96 = tpu.memref_slice %arg2[%dma_start3A_94, %dma_start3A_95] : memref<10000x128xf32, #tpu.memory_space<hbm>> -> memref<10000x128xf32, #tpu.memory_space<hbm>>
        tpu.enqueue_indirect_dma source(%dma_start3A_96 : memref<10000x128xf32, #tpu.memory_space<hbm>>) target(%arg12 : memref<128x128xf32, #tpu.memory_space<vmem>>) offsets(%dma_start3A_93 : memref<128xi32, #tpu.memory_space<vmem>>) semaphore(%arg15 : memref<!tpu.dma_semaphore, #tpu.memory_space<semaphore_mem>>)
      } else {
      }
      %lt3A_83 = arith.cmpi slt, %add3A_67, %add3A_7 : i32
      %convert_element_type3A_84 = arith.extui %lt3A_83 : i1 to i32
      %cond3A_85 = arith.constant 0 : i32
      %cond3A_86 = arith.cmpi ne, %convert_element_type3A_84, %cond3A_85 : i32
      scf.if %cond3A_86 {
        %get3A = arith.constant 5888 : index
        %get3A_93 = tpu.vector_load %arg8[%get3A] {strides = array<i32>} : memref<6144xi32, #tpu.memory_space<vmem>>, vector<16xi32>,
        %get3A_94 = vector.shape_cast %get3A_93 : vector<16xi32> to vector<16xi32>
        %swap3A = arith.constant 0 : index
        %swap3A_95 = tpu.vector_load %arg9[%swap3A] {strides = array<i32>} : memref<128xi32, #tpu.memory_space<vmem>>, vector<16xi32>,
        %swap3A_96 = vector.shape_cast %swap3A_95 : vector<16xi32> to vector<16xi32>
        %swap3A_97 = vector.shape_cast %get3A_94 : vector<16xi32> to vector<16xi32>
        tpu.vector_store %arg9[%swap3A], %swap3A_97 {strides = array<i32>} : memref<128xi32, #tpu.memory_space<vmem>>, vector<16xi32>,
        %get3A_98 = arith.constant 5904 : index
        %get3A_99 = tpu.vector_load %arg8[%get3A_98] {strides = array<i32>} : memref<6144xi32, #tpu.memory_space<vmem>>, vector<16xi32>,
        %get3A_100 = vector.shape_cast %get3A_99 : vector<16xi32> to vector<16xi32>
        %swap3A_101 = arith.constant 16 : index
        %swap3A_102 = tpu.vector_load %arg9[%swap3A_101] {strides = array<i32>} : memref<128xi32, #tpu.memory_space<vmem>>, vector<16xi32>,
        %swap3A_103 = vector.shape_cast %swap3A_102 : vector<16xi32> to vector<16xi32>
        %swap3A_104 = vector.shape_cast %get3A_100 : vector<16xi32> to vector<16xi32>
        tpu.vector_store %arg9[%swap3A_101], %swap3A_104 {strides = array<i32>} : memref<128xi32, #tpu.memory_space<vmem>>, vector<16xi32>,
        %get3A_105 = arith.constant 5920 : index
        %get3A_106 = tpu.vector_load %arg8[%get3A_105] {strides = array<i32>} : memref<6144xi32, #tpu.memory_space<vmem>>, vector<16xi32>,
        %get3A_107 = vector.shape_cast %get3A_106 : vector<16xi32> to vector<16xi32>
        %swap3A_108 = arith.constant 32 : index
        %swap3A_109 = tpu.vector_load %arg9[%swap3A_108] {strides = array<i32>} : memref<128xi32, #tpu.memory_space<vmem>>, vector<16xi32>,
        %swap3A_110 = vector.shape_cast %swap3A_109 : vector<16xi32> to vector<16xi32>
        %swap3A_111 = vector.shape_cast %get3A_107 : vector<16xi32> to vector<16xi32>
        tpu.vector_store %arg9[%swap3A_108], %swap3A_111 {strides = array<i32>} : memref<128xi32, #tpu.memory_space<vmem>>, vector<16xi32>,
        %get3A_112 = arith.constant 5936 : index
        %get3A_113 = tpu.vector_load %arg8[%get3A_112] {strides = array<i32>} : memref<6144xi32, #tpu.memory_space<vmem>>, vector<16xi32>,
        %get3A_114 = vector.shape_cast %get3A_113 : vector<16xi32> to vector<16xi32>
        %swap3A_115 = arith.constant 48 : index
        %swap3A_116 = tpu.vector_load %arg9[%swap3A_115] {strides = array<i32>} : memref<128xi32, #tpu.memory_space<vmem>>, vector<16xi32>,
        %swap3A_117 = vector.shape_cast %swap3A_116 : vector<16xi32> to vector<16xi32>
        %swap3A_118 = vector.shape_cast %get3A_114 : vector<16xi32> to vector<16xi32>
        tpu.vector_store %arg9[%swap3A_115], %swap3A_118 {strides = array<i32>} : memref<128xi32, #tpu.memory_space<vmem>>, vector<16xi32>,
        %get3A_119 = arith.constant 5952 : index
        %get3A_120 = tpu.vector_load %arg8[%get3A_119] {strides = array<i32>} : memref<6144xi32, #tpu.memory_space<vmem>>, vector<16xi32>,
        %get3A_121 = vector.shape_cast %get3A_120 : vector<16xi32> to vector<16xi32>
        %swap3A_122 = arith.constant 64 : index
        %swap3A_123 = tpu.vector_load %arg9[%swap3A_122] {strides = array<i32>} : memref<128xi32, #tpu.memory_space<vmem>>, vector<16xi32>,
        %swap3A_124 = vector.shape_cast %swap3A_123 : vector<16xi32> to vector<16xi32>
        %swap3A_125 = vector.shape_cast %get3A_121 : vector<16xi32> to vector<16xi32>
        tpu.vector_store %arg9[%swap3A_122], %swap3A_125 {strides = array<i32>} : memref<128xi32, #tpu.memory_space<vmem>>, vector<16xi32>,
        %get3A_126 = arith.constant 5968 : index
        %get3A_127 = tpu.vector_load %arg8[%get3A_126] {strides = array<i32>} : memref<6144xi32, #tpu.memory_space<vmem>>, vector<16xi32>,
        %get3A_128 = vector.shape_cast %get3A_127 : vector<16xi32> to vector<16xi32>
        %swap3A_129 = arith.constant 80 : index
        %swap3A_130 = tpu.vector_load %arg9[%swap3A_129] {strides = array<i32>} : memref<128xi32, #tpu.memory_space<vmem>>, vector<16xi32>,
        %swap3A_131 = vector.shape_cast %swap3A_130 : vector<16xi32> to vector<16xi32>
        %swap3A_132 = vector.shape_cast %get3A_128 : vector<16xi32> to vector<16xi32>
        tpu.vector_store %arg9[%swap3A_129], %swap3A_132 {strides = array<i32>} : memref<128xi32, #tpu.memory_space<vmem>>, vector<16xi32>,
        %get3A_133 = arith.constant 5984 : index
        %get3A_134 = tpu.vector_load %arg8[%get3A_133] {strides = array<i32>} : memref<6144xi32, #tpu.memory_space<vmem>>, vector<16xi32>,
        %get3A_135 = vector.shape_cast %get3A_134 : vector<16xi32> to vector<16xi32>
        %swap3A_136 = arith.constant 96 : index
        %swap3A_137 = tpu.vector_load %arg9[%swap3A_136] {strides = array<i32>} : memref<128xi32, #tpu.memory_space<vmem>>, vector<16xi32>,
        %swap3A_138 = vector.shape_cast %swap3A_137 : vector<16xi32> to vector<16xi32>
        %swap3A_139 = vector.shape_cast %get3A_135 : vector<16xi32> to vector<16xi32>
        tpu.vector_store %arg9[%swap3A_136], %swap3A_139 {strides = array<i32>} : memref<128xi32, #tpu.memory_space<vmem>>, vector<16xi32>,
        %get3A_140 = arith.constant 6000 : index
        %get3A_141 = tpu.vector_load %arg8[%get3A_140] {strides = array<i32>} : memref<6144xi32, #tpu.memory_space<vmem>>, vector<16xi32>,
        %get3A_142 = vector.shape_cast %get3A_141 : vector<16xi32> to vector<16xi32>
        %swap3A_143 = arith.constant 112 : index
        %swap3A_144 = tpu.vector_load %arg9[%swap3A_143] {strides = array<i32>} : memref<128xi32, #tpu.memory_space<vmem>>, vector<16xi32>,
        %swap3A_145 = vector.shape_cast %swap3A_144 : vector<16xi32> to vector<16xi32>
        %swap3A_146 = vector.shape_cast %get3A_142 : vector<16xi32> to vector<16xi32>
        tpu.vector_store %arg9[%swap3A_143], %swap3A_146 {strides = array<i32>} : memref<128xi32, #tpu.memory_space<vmem>>, vector<16xi32>,
        %dma_wait3A = arith.constant 5888 : i32
        %dma_wait3A_147 = tpu.memref_slice %arg7[%dma_wait3A] : memref<6144xi32, #tpu.memory_space<vmem>> -> memref<128xi32, #tpu.memory_space<vmem>>
        %dma_wait3A_148 = arith.constant 0 : i32
        %dma_wait3A_149 = arith.constant 0 : i32
        %dma_wait3A_150 = tpu.memref_slice %arg2[%dma_wait3A_148, %dma_wait3A_149] : memref<10000x128xf32, #tpu.memory_space<hbm>> -> memref<10000x128xf32, #tpu.memory_space<hbm>>
        tpu.wait_indirect_dma semaphore(%arg14 : memref<!tpu.dma_semaphore, #tpu.memory_space<semaphore_mem>>) src(%dma_wait3A_150 : memref<10000x128xf32, #tpu.memory_space<hbm>>) dst(%arg11 : memref<128x128xf32, #tpu.memory_space<vmem>>)
        %dma_start3A = arith.constant 0 : i32
        %dma_start3A_151 = arith.constant 0 : i32
        %dma_start3A_152 = tpu.memref_slice %arg13[%dma_start3A, %dma_start3A_151] : memref<10000x128xf32, #tpu.memory_space<vmem_shared>> -> memref<10000x128xf32, #tpu.memory_space<vmem_shared>>
        tpu.enqueue_indirect_dma source(%arg11 : memref<128x128xf32, #tpu.memory_space<vmem>>) target(%dma_start3A_152 : memref<10000x128xf32, #tpu.memory_space<vmem_shared>>) offsets(%arg9 : memref<128xi32, #tpu.memory_space<vmem>>) semaphore(%arg16 : memref<!tpu.dma_semaphore, #tpu.memory_space<semaphore_mem>>) {add = true}
      } else {
      }
      %add3A_87 = arith.constant 47 : i32
      %add3A_88 = arith.addi %mul3A_45, %add3A_87 : i32
      %lt3A_89 = arith.cmpi slt, %add3A_88, %add3A_7 : i32
      %convert_element_type3A_90 = arith.extui %lt3A_89 : i1 to i32
      %cond3A_91 = arith.constant 0 : i32
      %cond3A_92 = arith.cmpi ne, %convert_element_type3A_90, %cond3A_91 : i32
      scf.if %cond3A_92 {
        %get3A = arith.constant 6016 : index
        %get3A_93 = tpu.vector_load %arg8[%get3A] {strides = array<i32>} : memref<6144xi32, #tpu.memory_space<vmem>>, vector<16xi32>,
        %get3A_94 = vector.shape_cast %get3A_93 : vector<16xi32> to vector<16xi32>
        %swap3A = arith.constant 0 : index
        %swap3A_95 = tpu.vector_load %arg10[%swap3A] {strides = array<i32>} : memref<128xi32, #tpu.memory_space<vmem>>, vector<16xi32>,
        %swap3A_96 = vector.shape_cast %swap3A_95 : vector<16xi32> to vector<16xi32>
        %swap3A_97 = vector.shape_cast %get3A_94 : vector<16xi32> to vector<16xi32>
        tpu.vector_store %arg10[%swap3A], %swap3A_97 {strides = array<i32>} : memref<128xi32, #tpu.memory_space<vmem>>, vector<16xi32>,
        %get3A_98 = arith.constant 6032 : index
        %get3A_99 = tpu.vector_load %arg8[%get3A_98] {strides = array<i32>} : memref<6144xi32, #tpu.memory_space<vmem>>, vector<16xi32>,
        %get3A_100 = vector.shape_cast %get3A_99 : vector<16xi32> to vector<16xi32>
        %swap3A_101 = arith.constant 16 : index
        %swap3A_102 = tpu.vector_load %arg10[%swap3A_101] {strides = array<i32>} : memref<128xi32, #tpu.memory_space<vmem>>, vector<16xi32>,
        %swap3A_103 = vector.shape_cast %swap3A_102 : vector<16xi32> to vector<16xi32>
        %swap3A_104 = vector.shape_cast %get3A_100 : vector<16xi32> to vector<16xi32>
        tpu.vector_store %arg10[%swap3A_101], %swap3A_104 {strides = array<i32>} : memref<128xi32, #tpu.memory_space<vmem>>, vector<16xi32>,
        %get3A_105 = arith.constant 6048 : index
        %get3A_106 = tpu.vector_load %arg8[%get3A_105] {strides = array<i32>} : memref<6144xi32, #tpu.memory_space<vmem>>, vector<16xi32>,
        %get3A_107 = vector.shape_cast %get3A_106 : vector<16xi32> to vector<16xi32>
        %swap3A_108 = arith.constant 32 : index
        %swap3A_109 = tpu.vector_load %arg10[%swap3A_108] {strides = array<i32>} : memref<128xi32, #tpu.memory_space<vmem>>, vector<16xi32>,
        %swap3A_110 = vector.shape_cast %swap3A_109 : vector<16xi32> to vector<16xi32>
        %swap3A_111 = vector.shape_cast %get3A_107 : vector<16xi32> to vector<16xi32>
        tpu.vector_store %arg10[%swap3A_108], %swap3A_111 {strides = array<i32>} : memref<128xi32, #tpu.memory_space<vmem>>, vector<16xi32>,
        %get3A_112 = arith.constant 6064 : index
        %get3A_113 = tpu.vector_load %arg8[%get3A_112] {strides = array<i32>} : memref<6144xi32, #tpu.memory_space<vmem>>, vector<16xi32>,
        %get3A_114 = vector.shape_cast %get3A_113 : vector<16xi32> to vector<16xi32>
        %swap3A_115 = arith.constant 48 : index
        %swap3A_116 = tpu.vector_load %arg10[%swap3A_115] {strides = array<i32>} : memref<128xi32, #tpu.memory_space<vmem>>, vector<16xi32>,
        %swap3A_117 = vector.shape_cast %swap3A_116 : vector<16xi32> to vector<16xi32>
        %swap3A_118 = vector.shape_cast %get3A_114 : vector<16xi32> to vector<16xi32>
        tpu.vector_store %arg10[%swap3A_115], %swap3A_118 {strides = array<i32>} : memref<128xi32, #tpu.memory_space<vmem>>, vector<16xi32>,
        %get3A_119 = arith.constant 6080 : index
        %get3A_120 = tpu.vector_load %arg8[%get3A_119] {strides = array<i32>} : memref<6144xi32, #tpu.memory_space<vmem>>, vector<16xi32>,
        %get3A_121 = vector.shape_cast %get3A_120 : vector<16xi32> to vector<16xi32>
        %swap3A_122 = arith.constant 64 : index
        %swap3A_123 = tpu.vector_load %arg10[%swap3A_122] {strides = array<i32>} : memref<128xi32, #tpu.memory_space<vmem>>, vector<16xi32>,
        %swap3A_124 = vector.shape_cast %swap3A_123 : vector<16xi32> to vector<16xi32>
        %swap3A_125 = vector.shape_cast %get3A_121 : vector<16xi32> to vector<16xi32>
        tpu.vector_store %arg10[%swap3A_122], %swap3A_125 {strides = array<i32>} : memref<128xi32, #tpu.memory_space<vmem>>, vector<16xi32>,
        %get3A_126 = arith.constant 6096 : index
        %get3A_127 = tpu.vector_load %arg8[%get3A_126] {strides = array<i32>} : memref<6144xi32, #tpu.memory_space<vmem>>, vector<16xi32>,
        %get3A_128 = vector.shape_cast %get3A_127 : vector<16xi32> to vector<16xi32>
        %swap3A_129 = arith.constant 80 : index
        %swap3A_130 = tpu.vector_load %arg10[%swap3A_129] {strides = array<i32>} : memref<128xi32, #tpu.memory_space<vmem>>, vector<16xi32>,
        %swap3A_131 = vector.shape_cast %swap3A_130 : vector<16xi32> to vector<16xi32>
        %swap3A_132 = vector.shape_cast %get3A_128 : vector<16xi32> to vector<16xi32>
        tpu.vector_store %arg10[%swap3A_129], %swap3A_132 {strides = array<i32>} : memref<128xi32, #tpu.memory_space<vmem>>, vector<16xi32>,
        %get3A_133 = arith.constant 6112 : index
        %get3A_134 = tpu.vector_load %arg8[%get3A_133] {strides = array<i32>} : memref<6144xi32, #tpu.memory_space<vmem>>, vector<16xi32>,
        %get3A_135 = vector.shape_cast %get3A_134 : vector<16xi32> to vector<16xi32>
        %swap3A_136 = arith.constant 96 : index
        %swap3A_137 = tpu.vector_load %arg10[%swap3A_136] {strides = array<i32>} : memref<128xi32, #tpu.memory_space<vmem>>, vector<16xi32>,
        %swap3A_138 = vector.shape_cast %swap3A_137 : vector<16xi32> to vector<16xi32>
        %swap3A_139 = vector.shape_cast %get3A_135 : vector<16xi32> to vector<16xi32>
        tpu.vector_store %arg10[%swap3A_136], %swap3A_139 {strides = array<i32>} : memref<128xi32, #tpu.memory_space<vmem>>, vector<16xi32>,
        %get3A_140 = arith.constant 6128 : index
        %get3A_141 = tpu.vector_load %arg8[%get3A_140] {strides = array<i32>} : memref<6144xi32, #tpu.memory_space<vmem>>, vector<16xi32>,
        %get3A_142 = vector.shape_cast %get3A_141 : vector<16xi32> to vector<16xi32>
        %swap3A_143 = arith.constant 112 : index
        %swap3A_144 = tpu.vector_load %arg10[%swap3A_143] {strides = array<i32>} : memref<128xi32, #tpu.memory_space<vmem>>, vector<16xi32>,
        %swap3A_145 = vector.shape_cast %swap3A_144 : vector<16xi32> to vector<16xi32>
        %swap3A_146 = vector.shape_cast %get3A_142 : vector<16xi32> to vector<16xi32>
        tpu.vector_store %arg10[%swap3A_143], %swap3A_146 {strides = array<i32>} : memref<128xi32, #tpu.memory_space<vmem>>, vector<16xi32>,
        %dma_wait3A = arith.constant 6016 : i32
        %dma_wait3A_147 = tpu.memref_slice %arg7[%dma_wait3A] : memref<6144xi32, #tpu.memory_space<vmem>> -> memref<128xi32, #tpu.memory_space<vmem>>
        %dma_wait3A_148 = arith.constant 0 : i32
        %dma_wait3A_149 = arith.constant 0 : i32
        %dma_wait3A_150 = tpu.memref_slice %arg2[%dma_wait3A_148, %dma_wait3A_149] : memref<10000x128xf32, #tpu.memory_space<hbm>> -> memref<10000x128xf32, #tpu.memory_space<hbm>>
        tpu.wait_indirect_dma semaphore(%arg15 : memref<!tpu.dma_semaphore, #tpu.memory_space<semaphore_mem>>) src(%dma_wait3A_150 : memref<10000x128xf32, #tpu.memory_space<hbm>>) dst(%arg12 : memref<128x128xf32, #tpu.memory_space<vmem>>)
        %dma_start3A = arith.constant 0 : i32
        %dma_start3A_151 = arith.constant 0 : i32
        %dma_start3A_152 = tpu.memref_slice %arg13[%dma_start3A, %dma_start3A_151] : memref<10000x128xf32, #tpu.memory_space<vmem_shared>> -> memref<10000x128xf32, #tpu.memory_space<vmem_shared>>
        tpu.enqueue_indirect_dma source(%arg12 : memref<128x128xf32, #tpu.memory_space<vmem>>) target(%dma_start3A_152 : memref<10000x128xf32, #tpu.memory_space<vmem_shared>>) offsets(%arg10 : memref<128xi32, #tpu.memory_space<vmem>>) semaphore(%arg17 : memref<!tpu.dma_semaphore, #tpu.memory_space<semaphore_mem>>) {add = true}
      } else {
      }
    }
    %scan3A_19 = arith.constant 2 : i32
    %gt3A = arith.constant 94 : i32
    %gt3A_20 = arith.cmpi sgt, %add3A_7, %gt3A : i32
    %and3A = arith.constant true
    %and3A_21 = arith.andi %and3A, %gt3A_20 : i1
    %convert_element_type3A_22 = arith.extui %and3A_21 : i1 to i32
    %cond3A_23 = arith.constant 0 : i32
    %cond3A_24 = arith.cmpi ne, %convert_element_type3A_22, %cond3A_23 : i32
    scf.if %cond3A_24 {
      %dma_wait3A = arith.constant 0 : i32
      %dma_wait3A_43 = arith.constant 0 : i32
      %dma_wait3A_44 = tpu.memref_slice %arg13[%dma_wait3A, %dma_wait3A_43] : memref<10000x128xf32, #tpu.memory_space<vmem_shared>> -> memref<10000x128xf32, #tpu.memory_space<vmem_shared>>
      tpu.wait_indirect_dma semaphore(%arg16 : memref<!tpu.dma_semaphore, #tpu.memory_space<semaphore_mem>>) src(%arg11 : memref<128x128xf32, #tpu.memory_space<vmem>>) dst(%dma_wait3A_44 : memref<10000x128xf32, #tpu.memory_space<vmem_shared>>)
    } else {
    }
    %gt3A_25 = arith.constant 95 : i32
    %gt3A_26 = arith.cmpi sgt, %add3A_7, %gt3A_25 : i32
    %convert_element_type3A_27 = arith.extui %gt3A_26 : i1 to i32
    %cond3A_28 = arith.constant 0 : i32
    %cond3A_29 = arith.cmpi ne, %convert_element_type3A_27, %cond3A_28 : i32
    scf.if %cond3A_29 {
      %dma_wait3A = arith.constant 0 : i32
      %dma_wait3A_43 = arith.constant 0 : i32
      %dma_wait3A_44 = tpu.memref_slice %arg13[%dma_wait3A, %dma_wait3A_43] : memref<10000x128xf32, #tpu.memory_space<vmem_shared>> -> memref<10000x128xf32, #tpu.memory_space<vmem_shared>>
      tpu.wait_indirect_dma semaphore(%arg17 : memref<!tpu.dma_semaphore, #tpu.memory_space<semaphore_mem>>) src(%arg12 : memref<128x128xf32, #tpu.memory_space<vmem>>) dst(%dma_wait3A_44 : memref<10000x128xf32, #tpu.memory_space<vmem_shared>>)
    } else {
    }
    %barrier3A_30 = arith.constant 0 : index
    tpu.barrier barrier_id(%barrier3A_30)
    %mul3A_31 = arith.constant 624 : i32
    %mul3A_32 = arith.muli %arg1, %mul3A_31 : i32
    %mul3A_33 = arith.constant 10000 : i32
    %mul3A_34 = arith.muli %arg0, %mul3A_33 : i32
    %mul3A_35 = arith.constant 624 : i32
    %mul3A_36 = arith.muli %arg1, %mul3A_35 : i32
    %add3A_37 = arith.addi %mul3A_34, %mul3A_36 : i32
    "tpu.region"() ({
      %run_scoped3A = tpu.sem_alloc : memref<!tpu.dma_semaphore, #tpu.memory_space<semaphore_mem>>
      %dma_start3A = arith.constant 0 : i32
      %dma_start3A_43 = tpu.memref_slice %arg6[%add3A_37, %dma_start3A] : memref<20000x128xf32, #tpu.memory_space<hbm>> -> memref<624x128xf32, #tpu.memory_space<hbm>>
      %dma_start3A_44 = arith.constant 0 : i32
      %dma_start3A_45 = tpu.memref_slice %arg13[%mul3A_32, %dma_start3A_44] : memref<10000x128xf32, #tpu.memory_space<vmem_shared>> -> memref<624x128xf32, #tpu.memory_space<vmem_shared>>
      tpu.enqueue_dma source(%dma_start3A_45 : memref<624x128xf32, #tpu.memory_space<vmem_shared>>) target(%dma_start3A_43 : memref<624x128xf32, #tpu.memory_space<hbm>>) target_semaphore(%run_scoped3A : memref<!tpu.dma_semaphore, #tpu.memory_space<semaphore_mem>>)
      %dma_wait3A = arith.constant 0 : i32
      %dma_wait3A_46 = tpu.memref_slice %arg6[%add3A_37, %dma_wait3A] : memref<20000x128xf32, #tpu.memory_space<hbm>> -> memref<624x128xf32, #tpu.memory_space<hbm>>
      %dma_wait3A_47 = arith.constant 0 : i32
      %dma_wait3A_48 = tpu.memref_slice %arg13[%mul3A_32, %dma_wait3A_47] : memref<10000x128xf32, #tpu.memory_space<vmem_shared>> -> memref<624x128xf32, #tpu.memory_space<vmem_shared>>
      tpu.wait_dma2 semaphore(%run_scoped3A : memref<!tpu.dma_semaphore, #tpu.memory_space<semaphore_mem>>) src(%dma_wait3A_48 : memref<624x128xf32, #tpu.memory_space<vmem_shared>>) dst(%dma_wait3A_46 : memref<624x128xf32, #tpu.memory_space<hbm>>)
      tpu.yield
    }) : () -> ()
    %eq3A_38 = arith.constant 0 : i32
    %eq3A_39 = arith.cmpi eq, %arg1, %eq3A_38 : i32
    %convert_element_type3A_40 = arith.extui %eq3A_39 : i1 to i32
    %cond3A_41 = arith.constant 0 : i32
    %cond3A_42 = arith.cmpi ne, %convert_element_type3A_40, %cond3A_41 : i32
    scf.if %cond3A_42 {
      %mul3A_43 = arith.constant 10000 : i32
      %mul3A_44 = arith.muli %arg0, %mul3A_43 : i32
      %add3A_45 = arith.constant 9984 : i32
      %add3A_46 = arith.addi %mul3A_44, %add3A_45 : i32
      "tpu.region"() ({
        %run_scoped3A = tpu.sem_alloc : memref<!tpu.dma_semaphore, #tpu.memory_space<semaphore_mem>>
        %dma_start3A = arith.constant 0 : i32
        %dma_start3A_47 = tpu.memref_slice %arg6[%add3A_46, %dma_start3A] : memref<20000x128xf32, #tpu.memory_space<hbm>> -> memref<16x128xf32, #tpu.memory_space<hbm>>
        %dma_start3A_48 = arith.constant 9984 : i32
        %dma_start3A_49 = arith.constant 0 : i32
        %dma_start3A_50 = tpu.memref_slice %arg13[%dma_start3A_48, %dma_start3A_49] : memref<10000x128xf32, #tpu.memory_space<vmem_shared>> -> memref<16x128xf32, #tpu.memory_space<vmem_shared>>
        tpu.enqueue_dma source(%dma_start3A_50 : memref<16x128xf32, #tpu.memory_space<vmem_shared>>) target(%dma_start3A_47 : memref<16x128xf32, #tpu.memory_space<hbm>>) target_semaphore(%run_scoped3A : memref<!tpu.dma_semaphore, #tpu.memory_space<semaphore_mem>>)
        %dma_wait3A = arith.constant 0 : i32
        %dma_wait3A_51 = tpu.memref_slice %arg6[%add3A_46, %dma_wait3A] : memref<20000x128xf32, #tpu.memory_space<hbm>> -> memref<16x128xf32, #tpu.memory_space<hbm>>
        %dma_wait3A_52 = arith.constant 9984 : i32
        %dma_wait3A_53 = arith.constant 0 : i32
        %dma_wait3A_54 = tpu.memref_slice %arg13[%dma_wait3A_52, %dma_wait3A_53] : memref<10000x128xf32, #tpu.memory_space<vmem_shared>> -> memref<16x128xf32, #tpu.memory_space<vmem_shared>>
        tpu.wait_dma2 semaphore(%run_scoped3A : memref<!tpu.dma_semaphore, #tpu.memory_space<semaphore_mem>>) src(%dma_wait3A_54 : memref<16x128xf32, #tpu.memory_space<vmem_shared>>) dst(%dma_wait3A_51 : memref<16x128xf32, #tpu.memory_space<hbm>>)
        tpu.yield
      }) : () -> ()
    } else {
    }
    return
  }
}

#map = affine_map<(d0, d1) -> (0, 0)>
#map1 = affine_map<(d0, d1) -> (0)>
module attributes {stable_mosaic.version = 14 : i64} {
  func.func @k(%arg0: i32, %arg1: i32, %arg2: memref<20000x128xf32, #tpu.memory_space<hbm>>, %arg3: memref<324608xi32, #tpu.memory_space<hbm>>, %arg4: memref<324608xi32, #tpu.memory_space<hbm>>, %arg5: memref<624x128xf32, #tpu.memory_space<hbm>>, %arg6: memref<20000x128xf32, #tpu.memory_space<hbm>>, %arg7: memref<6144xi32, #tpu.memory_space<vmem>>, %arg8: memref<6144xi32, #tpu.memory_space<vmem>>, %arg9: memref<128xi32, #tpu.memory_space<vmem>>, %arg10: memref<128xi32, #tpu.memory_space<vmem>>, %arg11: memref<128x128xf32, #tpu.memory_space<vmem>>, %arg12: memref<128x128xf32, #tpu.memory_space<vmem>>, %arg13: memref<10000x128xf32, #tpu.memory_space<vmem_shared>>, %arg14: memref<!tpu.dma_semaphore, #tpu.memory_space<semaphore_mem>>, %arg15: memref<!tpu.dma_semaphore, #tpu.memory_space<semaphore_mem>>, %arg16: memref<!tpu.dma_semaphore, #tpu.memory_space<semaphore_mem>>, %arg17: memref<!tpu.dma_semaphore, #tpu.memory_space<semaphore_mem>>) attributes {dimension_semantics = [#tpu.dimension_semantics<core_parallel>, #tpu.dimension_semantics<subcore_parallel>], iteration_bounds = array<i64: 2, 16>, scalar_prefetch = 0 : i64, scratch_operands = 11 : i64, tpu.core_type = #tpu.core_type<sc_vector_subcore>, window_params = [{transform_indices = #map}, {transform_indices = #map1}, {transform_indices = #map1}, {transform_indices = #map}, {transform_indices = #map}]} {
    %mul3A = arith.constant 156 : i32
    %mul3A_0 = arith.muli %arg1, %mul3A : i32
    %min3A = arith.constant 4 : i32
    %min3A_1 = arith.minsi %arg1, %min3A : i32
    %add3A = arith.addi %mul3A_0, %min3A_1 : i32
    %lt3A = arith.constant 4 : i32
    %lt3A_2 = arith.cmpi slt, %arg1, %lt3A : i32
    %convert_element_type3A = arith.extui %lt3A_2 : i1 to i32
    %add3A_3 = arith.constant 156 : i32
    %add3A_4 = arith.addi %add3A_3, %convert_element_type3A : i32
    %mul3A_5 = arith.constant 10000 : i32
    %mul3A_6 = arith.muli %arg0, %mul3A_5 : i32
    %broadcast_in_dim3A = vector.broadcast %mul3A_6 : i32 to vector<16xi32>
    %mul3A_7 = arith.constant 624 : i32
    %mul3A_8 = arith.muli %arg1, %mul3A_7 : i32
    "tpu.region"() ({
      %run_scoped3A = tpu.sem_alloc : memref<!tpu.dma_semaphore, #tpu.memory_space<semaphore_mem>>
      %dma_start3A = arith.constant 0 : i32
      %dma_start3A_40 = tpu.memref_slice %arg13[%mul3A_8, %dma_start3A] : memref<10000x128xf32, #tpu.memory_space<vmem_shared>> -> memref<624x128xf32, #tpu.memory_space<vmem_shared>>
      tpu.enqueue_dma source(%arg5 : memref<624x128xf32, #tpu.memory_space<hbm>>) target(%dma_start3A_40 : memref<624x128xf32, #tpu.memory_space<vmem_shared>>) target_semaphore(%run_scoped3A : memref<!tpu.dma_semaphore, #tpu.memory_space<semaphore_mem>>)
      %dma_wait3A = arith.constant 0 : i32
      %dma_wait3A_41 = tpu.memref_slice %arg13[%mul3A_8, %dma_wait3A] : memref<10000x128xf32, #tpu.memory_space<vmem_shared>> -> memref<624x128xf32, #tpu.memory_space<vmem_shared>>
      tpu.wait_dma2 semaphore(%run_scoped3A : memref<!tpu.dma_semaphore, #tpu.memory_space<semaphore_mem>>) src(%arg5 : memref<624x128xf32, #tpu.memory_space<hbm>>) dst(%dma_wait3A_41 : memref<624x128xf32, #tpu.memory_space<vmem_shared>>)
      tpu.yield
    }) : () -> ()
    %eq3A = arith.constant 0 : i32
    %eq3A_9 = arith.cmpi eq, %arg1, %eq3A : i32
    %convert_element_type3A_10 = arith.extui %eq3A_9 : i1 to i32
    %cond3A = arith.constant 0 : i32
    %cond3A_11 = arith.cmpi ne, %convert_element_type3A_10, %cond3A : i32
    scf.if %cond3A_11 {
      "tpu.region"() ({
        %run_scoped3A = tpu.sem_alloc : memref<!tpu.dma_semaphore, #tpu.memory_space<semaphore_mem>>
        %dma_start3A = arith.constant 9984 : i32
        %dma_start3A_40 = arith.constant 0 : i32
        %dma_start3A_41 = tpu.memref_slice %arg13[%dma_start3A, %dma_start3A_40] : memref<10000x128xf32, #tpu.memory_space<vmem_shared>> -> memref<16x128xf32, #tpu.memory_space<vmem_shared>>
        %dma_start3A_42 = arith.constant 0 : i32
        %dma_start3A_43 = arith.constant 0 : i32
        %dma_start3A_44 = tpu.memref_slice %arg5[%dma_start3A_42, %dma_start3A_43] : memref<624x128xf32, #tpu.memory_space<hbm>> -> memref<16x128xf32, #tpu.memory_space<hbm>>
        tpu.enqueue_dma source(%dma_start3A_44 : memref<16x128xf32, #tpu.memory_space<hbm>>) target(%dma_start3A_41 : memref<16x128xf32, #tpu.memory_space<vmem_shared>>) target_semaphore(%run_scoped3A : memref<!tpu.dma_semaphore, #tpu.memory_space<semaphore_mem>>)
        %dma_wait3A = arith.constant 9984 : i32
        %dma_wait3A_45 = arith.constant 0 : i32
        %dma_wait3A_46 = tpu.memref_slice %arg13[%dma_wait3A, %dma_wait3A_45] : memref<10000x128xf32, #tpu.memory_space<vmem_shared>> -> memref<16x128xf32, #tpu.memory_space<vmem_shared>>
        %dma_wait3A_47 = arith.constant 0 : i32
        %dma_wait3A_48 = arith.constant 0 : i32
        %dma_wait3A_49 = tpu.memref_slice %arg5[%dma_wait3A_47, %dma_wait3A_48] : memref<624x128xf32, #tpu.memory_space<hbm>> -> memref<16x128xf32, #tpu.memory_space<hbm>>
        tpu.wait_dma2 semaphore(%run_scoped3A : memref<!tpu.dma_semaphore, #tpu.memory_space<semaphore_mem>>) src(%dma_wait3A_49 : memref<16x128xf32, #tpu.memory_space<hbm>>) dst(%dma_wait3A_46 : memref<16x128xf32, #tpu.memory_space<vmem_shared>>)
        tpu.yield
      }) : () -> ()
    } else {
    }
    %barrier3A = arith.constant 0 : index
    tpu.barrier barrier_id(%barrier3A)
    %scan3A = arith.constant 0 : i32
    %scan3A_12 = arith.constant 0 : i32
    %scan3A_13 = arith.constant 4 : i32
    %scan3A_14 = arith.addi %scan3A_12, %scan3A_13 : i32
    %scan3A_15 = arith.constant 1 : i32
    scf.for %scan3A_40 = %scan3A_12 to %scan3A_14 step %scan3A_15  : i32 {
      %mul3A_41 = arith.constant 48 : i32
      %mul3A_42 = arith.muli %scan3A_40, %mul3A_41 : i32
      %add3A_43 = arith.addi %add3A, %mul3A_42 : i32
      %mul3A_44 = arith.constant 128 : i32
      %mul3A_45 = arith.muli %add3A_43, %mul3A_44 : i32
      "tpu.region"() ({
        %run_scoped3A = tpu.sem_alloc : memref<!tpu.dma_semaphore, #tpu.memory_space<semaphore_mem>>
        %dma_start3A = tpu.memref_slice %arg3[%mul3A_45] : memref<324608xi32, #tpu.memory_space<hbm>> -> memref<6144xi32, #tpu.memory_space<hbm>>
        %dma_start3A_96 = tpu.memref_slice %arg3[%mul3A_45] : memref<324608xi32, #tpu.memory_space<hbm>> -> memref<6144xi32, #tpu.memory_space<hbm>>
        tpu.enqueue_dma source(%dma_start3A_96 : memref<6144xi32, #tpu.memory_space<hbm>>) target(%arg7 : memref<6144xi32, #tpu.memory_space<vmem>>) target_semaphore(%run_scoped3A : memref<!tpu.dma_semaphore, #tpu.memory_space<semaphore_mem>>)
        %dma_wait3A = tpu.memref_slice %arg3[%mul3A_45] : memref<324608xi32, #tpu.memory_space<hbm>> -> memref<6144xi32, #tpu.memory_space<hbm>>
        %dma_wait3A_97 = tpu.memref_slice %arg3[%mul3A_45] : memref<324608xi32, #tpu.memory_space<hbm>> -> memref<6144xi32, #tpu.memory_space<hbm>>
        tpu.wait_dma2 semaphore(%run_scoped3A : memref<!tpu.dma_semaphore, #tpu.memory_space<semaphore_mem>>) src(%dma_wait3A_97 : memref<6144xi32, #tpu.memory_space<hbm>>) dst(%arg7 : memref<6144xi32, #tpu.memory_space<vmem>>)
        tpu.yield
      }) : () -> ()
      "tpu.region"() ({
        %run_scoped3A = tpu.sem_alloc : memref<!tpu.dma_semaphore, #tpu.memory_space<semaphore_mem>>
        %dma_start3A = tpu.memref_slice %arg4[%mul3A_45] : memref<324608xi32, #tpu.memory_space<hbm>> -> memref<6144xi32, #tpu.memory_space<hbm>>
        %dma_start3A_96 = tpu.memref_slice %arg4[%mul3A_45] : memref<324608xi32, #tpu.memory_space<hbm>> -> memref<6144xi32, #tpu.memory_space<hbm>>
        tpu.enqueue_dma source(%dma_start3A_96 : memref<6144xi32, #tpu.memory_space<hbm>>) target(%arg8 : memref<6144xi32, #tpu.memory_space<vmem>>) target_semaphore(%run_scoped3A : memref<!tpu.dma_semaphore, #tpu.memory_space<semaphore_mem>>)
        %dma_wait3A = tpu.memref_slice %arg4[%mul3A_45] : memref<324608xi32, #tpu.memory_space<hbm>> -> memref<6144xi32, #tpu.memory_space<hbm>>
        %dma_wait3A_97 = tpu.memref_slice %arg4[%mul3A_45] : memref<324608xi32, #tpu.memory_space<hbm>> -> memref<6144xi32, #tpu.memory_space<hbm>>
        tpu.wait_dma2 semaphore(%run_scoped3A : memref<!tpu.dma_semaphore, #tpu.memory_space<semaphore_mem>>) src(%dma_wait3A_97 : memref<6144xi32, #tpu.memory_space<hbm>>) dst(%arg8 : memref<6144xi32, #tpu.memory_space<vmem>>)
        tpu.yield
      }) : () -> ()
      %scan3A_46 = arith.constant 0 : i32
      %scan3A_47 = arith.constant 0 : i32
      %scan3A_48 = arith.constant 384 : i32
      %scan3A_49 = arith.addi %scan3A_47, %scan3A_48 : i32
      %scan3A_50 = arith.constant 1 : i32
      scf.for %scan3A_96 = %scan3A_47 to %scan3A_49 step %scan3A_50  : i32 {
        %mul3A_97 = arith.constant 16 : i32
        %mul3A_98 = arith.muli %scan3A_96, %mul3A_97 : i32
        %get3A = arith.index_cast %mul3A_98 : i32 to index
        %get3A_99 = tpu.vector_load %arg7[%get3A] {strides = array<i32>} : memref<6144xi32, #tpu.memory_space<vmem>>, vector<16xi32>,
        %get3A_100 = vector.shape_cast %get3A_99 : vector<16xi32> to vector<16xi32>
        %add3A_101 = arith.addi %get3A_100, %broadcast_in_dim3A : vector<16xi32>
        %swap3A = arith.index_cast %mul3A_98 : i32 to index
        %swap3A_102 = tpu.vector_load %arg7[%swap3A] {strides = array<i32>} : memref<6144xi32, #tpu.memory_space<vmem>>, vector<16xi32>,
        %swap3A_103 = vector.shape_cast %swap3A_102 : vector<16xi32> to vector<16xi32>
        %swap3A_104 = vector.shape_cast %add3A_101 : vector<16xi32> to vector<16xi32>
        tpu.vector_store %arg7[%swap3A], %swap3A_104 {strides = array<i32>} : memref<6144xi32, #tpu.memory_space<vmem>>, vector<16xi32>,
      }
      %scan3A_51 = arith.constant 384 : i32
      %ge3A = arith.constant 2 : i32
      %ge3A_52 = arith.cmpi sge, %mul3A_42, %ge3A : i32
      %sub3A = arith.constant 2 : i32
      %sub3A_53 = arith.subi %mul3A_42, %sub3A : i32
      %lt3A_54 = arith.cmpi slt, %sub3A_53, %add3A_4 : i32
      %and3A_55 = arith.andi %ge3A_52, %lt3A_54 : i1
      %convert_element_type3A_56 = arith.extui %and3A_55 : i1 to i32
      %cond3A_57 = arith.constant 0 : i32
      %cond3A_58 = arith.cmpi ne, %convert_element_type3A_56, %cond3A_57 : i32
      scf.if %cond3A_58 {
        %dma_wait3A = arith.constant 0 : i32
        %dma_wait3A_96 = arith.constant 0 : i32
        %dma_wait3A_97 = tpu.memref_slice %arg13[%dma_wait3A, %dma_wait3A_96] : memref<10000x128xf32, #tpu.memory_space<vmem_shared>> -> memref<10000x128xf32, #tpu.memory_space<vmem_shared>>
        tpu.wait_indirect_dma semaphore(%arg16 : memref<!tpu.dma_semaphore, #tpu.memory_space<semaphore_mem>>) src(%arg11 : memref<128x128xf32, #tpu.memory_space<vmem>>) dst(%dma_wait3A_97 : memref<10000x128xf32, #tpu.memory_space<vmem_shared>>)
      } else {
      }
      %lt3A_59 = arith.cmpi slt, %mul3A_42, %add3A_4 : i32
      %convert_element_type3A_60 = arith.extui %lt3A_59 : i1 to i32
      %cond3A_61 = arith.constant 0 : i32
      %cond3A_62 = arith.cmpi ne, %convert_element_type3A_60, %cond3A_61 : i32
      scf.if %cond3A_62 {
        %dma_start3A = arith.constant 0 : i32
        %dma_start3A_96 = tpu.memref_slice %arg7[%dma_start3A] : memref<6144xi32, #tpu.memory_space<vmem>> -> memref<128xi32, #tpu.memory_space<vmem>>
        %dma_start3A_97 = arith.constant 0 : i32
        %dma_start3A_98 = arith.constant 0 : i32
        %dma_start3A_99 = tpu.memref_slice %arg2[%dma_start3A_97, %dma_start3A_98] : memref<20000x128xf32, #tpu.memory_space<hbm>> -> memref<20000x128xf32, #tpu.memory_space<hbm>>
        tpu.enqueue_indirect_dma source(%dma_start3A_99 : memref<20000x128xf32, #tpu.memory_space<hbm>>) target(%arg11 : memref<128x128xf32, #tpu.memory_space<vmem>>) offsets(%dma_start3A_96 : memref<128xi32, #tpu.memory_space<vmem>>) semaphore(%arg14 : memref<!tpu.dma_semaphore, #tpu.memory_space<semaphore_mem>>)
      } else {
      }
      %scan3A_63 = arith.constant 0 : i32
      %scan3A_64 = arith.constant 0 : i32
      %scan3A_65 = arith.constant 23 : i32
      %scan3A_66 = arith.addi %scan3A_64, %scan3A_65 : i32
      %scan3A_67 = arith.constant 1 : i32
      scf.for %scan3A_96 = %scan3A_64 to %scan3A_66 step %scan3A_67  : i32 {
        %mul3A_97 = arith.constant 2 : i32
        %mul3A_98 = arith.muli %scan3A_96, %mul3A_97 : i32
        %add3A_99 = arith.addi %mul3A_42, %mul3A_98 : i32
        %ge3A_100 = arith.constant 1 : i32
        %ge3A_101 = arith.cmpi sge, %add3A_99, %ge3A_100 : i32
        %sub3A_102 = arith.constant 1 : i32
        %sub3A_103 = arith.subi %add3A_99, %sub3A_102 : i32
        %lt3A_104 = arith.cmpi slt, %sub3A_103, %add3A_4 : i32
        %and3A_105 = arith.andi %ge3A_101, %lt3A_104 : i1
        %convert_element_type3A_106 = arith.extui %and3A_105 : i1 to i32
        %cond3A_107 = arith.constant 0 : i32
        %cond3A_108 = arith.cmpi ne, %convert_element_type3A_106, %cond3A_107 : i32
        scf.if %cond3A_108 {
          %dma_wait3A = arith.constant 0 : i32
          %dma_wait3A_147 = arith.constant 0 : i32
          %dma_wait3A_148 = tpu.memref_slice %arg13[%dma_wait3A, %dma_wait3A_147] : memref<10000x128xf32, #tpu.memory_space<vmem_shared>> -> memref<10000x128xf32, #tpu.memory_space<vmem_shared>>
          tpu.wait_indirect_dma semaphore(%arg17 : memref<!tpu.dma_semaphore, #tpu.memory_space<semaphore_mem>>) src(%arg12 : memref<128x128xf32, #tpu.memory_space<vmem>>) dst(%dma_wait3A_148 : memref<10000x128xf32, #tpu.memory_space<vmem_shared>>)
        } else {
        }
        %add3A_109 = arith.constant 1 : i32
        %add3A_110 = arith.addi %mul3A_98, %add3A_109 : i32
        %add3A_111 = arith.constant 1 : i32
        %add3A_112 = arith.addi %add3A_99, %add3A_111 : i32
        %lt3A_113 = arith.cmpi slt, %add3A_112, %add3A_4 : i32
        %convert_element_type3A_114 = arith.extui %lt3A_113 : i1 to i32
        %cond3A_115 = arith.constant 0 : i32
        %cond3A_116 = arith.cmpi ne, %convert_element_type3A_114, %cond3A_115 : i32
        scf.if %cond3A_116 {
          %mul3A_147 = arith.constant 128 : i32
          %mul3A_148 = arith.muli %add3A_110, %mul3A_147 : i32
          %dma_start3A = tpu.memref_slice %arg7[%mul3A_148] : memref<6144xi32, #tpu.memory_space<vmem>> -> memref<128xi32, #tpu.memory_space<vmem>>
          %dma_start3A_149 = arith.constant 0 : i32
          %dma_start3A_150 = arith.constant 0 : i32
          %dma_start3A_151 = tpu.memref_slice %arg2[%dma_start3A_149, %dma_start3A_150] : memref<20000x128xf32, #tpu.memory_space<hbm>> -> memref<20000x128xf32, #tpu.memory_space<hbm>>
          tpu.enqueue_indirect_dma source(%dma_start3A_151 : memref<20000x128xf32, #tpu.memory_space<hbm>>) target(%arg12 : memref<128x128xf32, #tpu.memory_space<vmem>>) offsets(%dma_start3A : memref<128xi32, #tpu.memory_space<vmem>>) semaphore(%arg15 : memref<!tpu.dma_semaphore, #tpu.memory_space<semaphore_mem>>)
        } else {
        }
        %lt3A_117 = arith.cmpi slt, %add3A_99, %add3A_4 : i32
        %convert_element_type3A_118 = arith.extui %lt3A_117 : i1 to i32
        %cond3A_119 = arith.constant 0 : i32
        %cond3A_120 = arith.cmpi ne, %convert_element_type3A_118, %cond3A_119 : i32
        scf.if %cond3A_120 {
          %mul3A_147 = arith.constant 128 : i32
          %mul3A_148 = arith.muli %mul3A_98, %mul3A_147 : i32
          %add3A_149 = arith.constant 0 : i32
          %add3A_150 = arith.addi %mul3A_148, %add3A_149 : i32
          %get3A = arith.index_cast %add3A_150 : i32 to index
          %get3A_151 = tpu.vector_load %arg8[%get3A] {strides = array<i32>} : memref<6144xi32, #tpu.memory_space<vmem>>, vector<16xi32>,
          %get3A_152 = vector.shape_cast %get3A_151 : vector<16xi32> to vector<16xi32>
          %swap3A = arith.constant 0 : index
          %swap3A_153 = tpu.vector_load %arg9[%swap3A] {strides = array<i32>} : memref<128xi32, #tpu.memory_space<vmem>>, vector<16xi32>,
          %swap3A_154 = vector.shape_cast %swap3A_153 : vector<16xi32> to vector<16xi32>
          %swap3A_155 = vector.shape_cast %get3A_152 : vector<16xi32> to vector<16xi32>
          tpu.vector_store %arg9[%swap3A], %swap3A_155 {strides = array<i32>} : memref<128xi32, #tpu.memory_space<vmem>>, vector<16xi32>,
          %mul3A_156 = arith.constant 128 : i32
          %mul3A_157 = arith.muli %mul3A_98, %mul3A_156 : i32
          %add3A_158 = arith.constant 16 : i32
          %add3A_159 = arith.addi %mul3A_157, %add3A_158 : i32
          %get3A_160 = arith.index_cast %add3A_159 : i32 to index
          %get3A_161 = tpu.vector_load %arg8[%get3A_160] {strides = array<i32>} : memref<6144xi32, #tpu.memory_space<vmem>>, vector<16xi32>,
          %get3A_162 = vector.shape_cast %get3A_161 : vector<16xi32> to vector<16xi32>
          %swap3A_163 = arith.constant 16 : index
          %swap3A_164 = tpu.vector_load %arg9[%swap3A_163] {strides = array<i32>} : memref<128xi32, #tpu.memory_space<vmem>>, vector<16xi32>,
          %swap3A_165 = vector.shape_cast %swap3A_164 : vector<16xi32> to vector<16xi32>
          %swap3A_166 = vector.shape_cast %get3A_162 : vector<16xi32> to vector<16xi32>
          tpu.vector_store %arg9[%swap3A_163], %swap3A_166 {strides = array<i32>} : memref<128xi32, #tpu.memory_space<vmem>>, vector<16xi32>,
          %mul3A_167 = arith.constant 128 : i32
          %mul3A_168 = arith.muli %mul3A_98, %mul3A_167 : i32
          %add3A_169 = arith.constant 32 : i32
          %add3A_170 = arith.addi %mul3A_168, %add3A_169 : i32
          %get3A_171 = arith.index_cast %add3A_170 : i32 to index
          %get3A_172 = tpu.vector_load %arg8[%get3A_171] {strides = array<i32>} : memref<6144xi32, #tpu.memory_space<vmem>>, vector<16xi32>,
          %get3A_173 = vector.shape_cast %get3A_172 : vector<16xi32> to vector<16xi32>
          %swap3A_174 = arith.constant 32 : index
          %swap3A_175 = tpu.vector_load %arg9[%swap3A_174] {strides = array<i32>} : memref<128xi32, #tpu.memory_space<vmem>>, vector<16xi32>,
          %swap3A_176 = vector.shape_cast %swap3A_175 : vector<16xi32> to vector<16xi32>
          %swap3A_177 = vector.shape_cast %get3A_173 : vector<16xi32> to vector<16xi32>
          tpu.vector_store %arg9[%swap3A_174], %swap3A_177 {strides = array<i32>} : memref<128xi32, #tpu.memory_space<vmem>>, vector<16xi32>,
          %mul3A_178 = arith.constant 128 : i32
          %mul3A_179 = arith.muli %mul3A_98, %mul3A_178 : i32
          %add3A_180 = arith.constant 48 : i32
          %add3A_181 = arith.addi %mul3A_179, %add3A_180 : i32
          %get3A_182 = arith.index_cast %add3A_181 : i32 to index
          %get3A_183 = tpu.vector_load %arg8[%get3A_182] {strides = array<i32>} : memref<6144xi32, #tpu.memory_space<vmem>>, vector<16xi32>,
          %get3A_184 = vector.shape_cast %get3A_183 : vector<16xi32> to vector<16xi32>
          %swap3A_185 = arith.constant 48 : index
          %swap3A_186 = tpu.vector_load %arg9[%swap3A_185] {strides = array<i32>} : memref<128xi32, #tpu.memory_space<vmem>>, vector<16xi32>,
          %swap3A_187 = vector.shape_cast %swap3A_186 : vector<16xi32> to vector<16xi32>
          %swap3A_188 = vector.shape_cast %get3A_184 : vector<16xi32> to vector<16xi32>
          tpu.vector_store %arg9[%swap3A_185], %swap3A_188 {strides = array<i32>} : memref<128xi32, #tpu.memory_space<vmem>>, vector<16xi32>,
          %mul3A_189 = arith.constant 128 : i32
          %mul3A_190 = arith.muli %mul3A_98, %mul3A_189 : i32
          %add3A_191 = arith.constant 64 : i32
          %add3A_192 = arith.addi %mul3A_190, %add3A_191 : i32
          %get3A_193 = arith.index_cast %add3A_192 : i32 to index
          %get3A_194 = tpu.vector_load %arg8[%get3A_193] {strides = array<i32>} : memref<6144xi32, #tpu.memory_space<vmem>>, vector<16xi32>,
          %get3A_195 = vector.shape_cast %get3A_194 : vector<16xi32> to vector<16xi32>
          %swap3A_196 = arith.constant 64 : index
          %swap3A_197 = tpu.vector_load %arg9[%swap3A_196] {strides = array<i32>} : memref<128xi32, #tpu.memory_space<vmem>>, vector<16xi32>,
          %swap3A_198 = vector.shape_cast %swap3A_197 : vector<16xi32> to vector<16xi32>
          %swap3A_199 = vector.shape_cast %get3A_195 : vector<16xi32> to vector<16xi32>
          tpu.vector_store %arg9[%swap3A_196], %swap3A_199 {strides = array<i32>} : memref<128xi32, #tpu.memory_space<vmem>>, vector<16xi32>,
          %mul3A_200 = arith.constant 128 : i32
          %mul3A_201 = arith.muli %mul3A_98, %mul3A_200 : i32
          %add3A_202 = arith.constant 80 : i32
          %add3A_203 = arith.addi %mul3A_201, %add3A_202 : i32
          %get3A_204 = arith.index_cast %add3A_203 : i32 to index
          %get3A_205 = tpu.vector_load %arg8[%get3A_204] {strides = array<i32>} : memref<6144xi32, #tpu.memory_space<vmem>>, vector<16xi32>,
          %get3A_206 = vector.shape_cast %get3A_205 : vector<16xi32> to vector<16xi32>
          %swap3A_207 = arith.constant 80 : index
          %swap3A_208 = tpu.vector_load %arg9[%swap3A_207] {strides = array<i32>} : memref<128xi32, #tpu.memory_space<vmem>>, vector<16xi32>,
          %swap3A_209 = vector.shape_cast %swap3A_208 : vector<16xi32> to vector<16xi32>
          %swap3A_210 = vector.shape_cast %get3A_206 : vector<16xi32> to vector<16xi32>
          tpu.vector_store %arg9[%swap3A_207], %swap3A_210 {strides = array<i32>} : memref<128xi32, #tpu.memory_space<vmem>>, vector<16xi32>,
          %mul3A_211 = arith.constant 128 : i32
          %mul3A_212 = arith.muli %mul3A_98, %mul3A_211 : i32
          %add3A_213 = arith.constant 96 : i32
          %add3A_214 = arith.addi %mul3A_212, %add3A_213 : i32
          %get3A_215 = arith.index_cast %add3A_214 : i32 to index
          %get3A_216 = tpu.vector_load %arg8[%get3A_215] {strides = array<i32>} : memref<6144xi32, #tpu.memory_space<vmem>>, vector<16xi32>,
          %get3A_217 = vector.shape_cast %get3A_216 : vector<16xi32> to vector<16xi32>
          %swap3A_218 = arith.constant 96 : index
          %swap3A_219 = tpu.vector_load %arg9[%swap3A_218] {strides = array<i32>} : memref<128xi32, #tpu.memory_space<vmem>>, vector<16xi32>,
          %swap3A_220 = vector.shape_cast %swap3A_219 : vector<16xi32> to vector<16xi32>
          %swap3A_221 = vector.shape_cast %get3A_217 : vector<16xi32> to vector<16xi32>
          tpu.vector_store %arg9[%swap3A_218], %swap3A_221 {strides = array<i32>} : memref<128xi32, #tpu.memory_space<vmem>>, vector<16xi32>,
          %mul3A_222 = arith.constant 128 : i32
          %mul3A_223 = arith.muli %mul3A_98, %mul3A_222 : i32
          %add3A_224 = arith.constant 112 : i32
          %add3A_225 = arith.addi %mul3A_223, %add3A_224 : i32
          %get3A_226 = arith.index_cast %add3A_225 : i32 to index
          %get3A_227 = tpu.vector_load %arg8[%get3A_226] {strides = array<i32>} : memref<6144xi32, #tpu.memory_space<vmem>>, vector<16xi32>,
          %get3A_228 = vector.shape_cast %get3A_227 : vector<16xi32> to vector<16xi32>
          %swap3A_229 = arith.constant 112 : index
          %swap3A_230 = tpu.vector_load %arg9[%swap3A_229] {strides = array<i32>} : memref<128xi32, #tpu.memory_space<vmem>>, vector<16xi32>,
          %swap3A_231 = vector.shape_cast %swap3A_230 : vector<16xi32> to vector<16xi32>
          %swap3A_232 = vector.shape_cast %get3A_228 : vector<16xi32> to vector<16xi32>
          tpu.vector_store %arg9[%swap3A_229], %swap3A_232 {strides = array<i32>} : memref<128xi32, #tpu.memory_space<vmem>>, vector<16xi32>,
          %mul3A_233 = arith.constant 128 : i32
          %mul3A_234 = arith.muli %mul3A_98, %mul3A_233 : i32
          %dma_wait3A = tpu.memref_slice %arg7[%mul3A_234] : memref<6144xi32, #tpu.memory_space<vmem>> -> memref<128xi32, #tpu.memory_space<vmem>>
          %dma_wait3A_235 = arith.constant 0 : i32
          %dma_wait3A_236 = arith.constant 0 : i32
          %dma_wait3A_237 = tpu.memref_slice %arg2[%dma_wait3A_235, %dma_wait3A_236] : memref<20000x128xf32, #tpu.memory_space<hbm>> -> memref<20000x128xf32, #tpu.memory_space<hbm>>
          tpu.wait_indirect_dma semaphore(%arg14 : memref<!tpu.dma_semaphore, #tpu.memory_space<semaphore_mem>>) src(%dma_wait3A_237 : memref<20000x128xf32, #tpu.memory_space<hbm>>) dst(%arg11 : memref<128x128xf32, #tpu.memory_space<vmem>>)
          %dma_start3A = arith.constant 0 : i32
          %dma_start3A_238 = arith.constant 0 : i32
          %dma_start3A_239 = tpu.memref_slice %arg13[%dma_start3A, %dma_start3A_238] : memref<10000x128xf32, #tpu.memory_space<vmem_shared>> -> memref<10000x128xf32, #tpu.memory_space<vmem_shared>>
          tpu.enqueue_indirect_dma source(%arg11 : memref<128x128xf32, #tpu.memory_space<vmem>>) target(%dma_start3A_239 : memref<10000x128xf32, #tpu.memory_space<vmem_shared>>) offsets(%arg9 : memref<128xi32, #tpu.memory_space<vmem>>) semaphore(%arg16 : memref<!tpu.dma_semaphore, #tpu.memory_space<semaphore_mem>>) {add = true}
        } else {
        }
        %mul3A_121 = arith.constant 2 : i32
        %mul3A_122 = arith.muli %scan3A_96, %mul3A_121 : i32
        %add3A_123 = arith.constant 1 : i32
        %add3A_124 = arith.addi %mul3A_122, %add3A_123 : i32
        %add3A_125 = arith.addi %mul3A_42, %add3A_124 : i32
        %ge3A_126 = arith.constant 1 : i32
        %ge3A_127 = arith.cmpi sge, %add3A_125, %ge3A_126 : i32
        %sub3A_128 = arith.constant 1 : i32
        %sub3A_129 = arith.subi %add3A_125, %sub3A_128 : i32
        %lt3A_130 = arith.cmpi slt, %sub3A_129, %add3A_4 : i32
        %and3A_131 = arith.andi %ge3A_127, %lt3A_130 : i1
        %convert_element_type3A_132 = arith.extui %and3A_131 : i1 to i32
        %cond3A_133 = arith.constant 0 : i32
        %cond3A_134 = arith.cmpi ne, %convert_element_type3A_132, %cond3A_133 : i32
        scf.if %cond3A_134 {
          %dma_wait3A = arith.constant 0 : i32
          %dma_wait3A_147 = arith.constant 0 : i32
          %dma_wait3A_148 = tpu.memref_slice %arg13[%dma_wait3A, %dma_wait3A_147] : memref<10000x128xf32, #tpu.memory_space<vmem_shared>> -> memref<10000x128xf32, #tpu.memory_space<vmem_shared>>
          tpu.wait_indirect_dma semaphore(%arg16 : memref<!tpu.dma_semaphore, #tpu.memory_space<semaphore_mem>>) src(%arg11 : memref<128x128xf32, #tpu.memory_space<vmem>>) dst(%dma_wait3A_148 : memref<10000x128xf32, #tpu.memory_space<vmem_shared>>)
        } else {
        }
        %add3A_135 = arith.constant 1 : i32
        %add3A_136 = arith.addi %add3A_124, %add3A_135 : i32
        %add3A_137 = arith.constant 1 : i32
        %add3A_138 = arith.addi %add3A_125, %add3A_137 : i32
        %lt3A_139 = arith.cmpi slt, %add3A_138, %add3A_4 : i32
        %convert_element_type3A_140 = arith.extui %lt3A_139 : i1 to i32
        %cond3A_141 = arith.constant 0 : i32
        %cond3A_142 = arith.cmpi ne, %convert_element_type3A_140, %cond3A_141 : i32
        scf.if %cond3A_142 {
          %mul3A_147 = arith.constant 128 : i32
          %mul3A_148 = arith.muli %add3A_136, %mul3A_147 : i32
          %dma_start3A = tpu.memref_slice %arg7[%mul3A_148] : memref<6144xi32, #tpu.memory_space<vmem>> -> memref<128xi32, #tpu.memory_space<vmem>>
          %dma_start3A_149 = arith.constant 0 : i32
          %dma_start3A_150 = arith.constant 0 : i32
          %dma_start3A_151 = tpu.memref_slice %arg2[%dma_start3A_149, %dma_start3A_150] : memref<20000x128xf32, #tpu.memory_space<hbm>> -> memref<20000x128xf32, #tpu.memory_space<hbm>>
          tpu.enqueue_indirect_dma source(%dma_start3A_151 : memref<20000x128xf32, #tpu.memory_space<hbm>>) target(%arg11 : memref<128x128xf32, #tpu.memory_space<vmem>>) offsets(%dma_start3A : memref<128xi32, #tpu.memory_space<vmem>>) semaphore(%arg14 : memref<!tpu.dma_semaphore, #tpu.memory_space<semaphore_mem>>)
        } else {
        }
        %lt3A_143 = arith.cmpi slt, %add3A_125, %add3A_4 : i32
        %convert_element_type3A_144 = arith.extui %lt3A_143 : i1 to i32
        %cond3A_145 = arith.constant 0 : i32
        %cond3A_146 = arith.cmpi ne, %convert_element_type3A_144, %cond3A_145 : i32
        scf.if %cond3A_146 {
          %mul3A_147 = arith.constant 128 : i32
          %mul3A_148 = arith.muli %add3A_124, %mul3A_147 : i32
          %add3A_149 = arith.constant 0 : i32
          %add3A_150 = arith.addi %mul3A_148, %add3A_149 : i32
          %get3A = arith.index_cast %add3A_150 : i32 to index
          %get3A_151 = tpu.vector_load %arg8[%get3A] {strides = array<i32>} : memref<6144xi32, #tpu.memory_space<vmem>>, vector<16xi32>,
          %get3A_152 = vector.shape_cast %get3A_151 : vector<16xi32> to vector<16xi32>
          %swap3A = arith.constant 0 : index
          %swap3A_153 = tpu.vector_load %arg10[%swap3A] {strides = array<i32>} : memref<128xi32, #tpu.memory_space<vmem>>, vector<16xi32>,
          %swap3A_154 = vector.shape_cast %swap3A_153 : vector<16xi32> to vector<16xi32>
          %swap3A_155 = vector.shape_cast %get3A_152 : vector<16xi32> to vector<16xi32>
          tpu.vector_store %arg10[%swap3A], %swap3A_155 {strides = array<i32>} : memref<128xi32, #tpu.memory_space<vmem>>, vector<16xi32>,
          %mul3A_156 = arith.constant 128 : i32
          %mul3A_157 = arith.muli %add3A_124, %mul3A_156 : i32
          %add3A_158 = arith.constant 16 : i32
          %add3A_159 = arith.addi %mul3A_157, %add3A_158 : i32
          %get3A_160 = arith.index_cast %add3A_159 : i32 to index
          %get3A_161 = tpu.vector_load %arg8[%get3A_160] {strides = array<i32>} : memref<6144xi32, #tpu.memory_space<vmem>>, vector<16xi32>,
          %get3A_162 = vector.shape_cast %get3A_161 : vector<16xi32> to vector<16xi32>
          %swap3A_163 = arith.constant 16 : index
          %swap3A_164 = tpu.vector_load %arg10[%swap3A_163] {strides = array<i32>} : memref<128xi32, #tpu.memory_space<vmem>>, vector<16xi32>,
          %swap3A_165 = vector.shape_cast %swap3A_164 : vector<16xi32> to vector<16xi32>
          %swap3A_166 = vector.shape_cast %get3A_162 : vector<16xi32> to vector<16xi32>
          tpu.vector_store %arg10[%swap3A_163], %swap3A_166 {strides = array<i32>} : memref<128xi32, #tpu.memory_space<vmem>>, vector<16xi32>,
          %mul3A_167 = arith.constant 128 : i32
          %mul3A_168 = arith.muli %add3A_124, %mul3A_167 : i32
          %add3A_169 = arith.constant 32 : i32
          %add3A_170 = arith.addi %mul3A_168, %add3A_169 : i32
          %get3A_171 = arith.index_cast %add3A_170 : i32 to index
          %get3A_172 = tpu.vector_load %arg8[%get3A_171] {strides = array<i32>} : memref<6144xi32, #tpu.memory_space<vmem>>, vector<16xi32>,
          %get3A_173 = vector.shape_cast %get3A_172 : vector<16xi32> to vector<16xi32>
          %swap3A_174 = arith.constant 32 : index
          %swap3A_175 = tpu.vector_load %arg10[%swap3A_174] {strides = array<i32>} : memref<128xi32, #tpu.memory_space<vmem>>, vector<16xi32>,
          %swap3A_176 = vector.shape_cast %swap3A_175 : vector<16xi32> to vector<16xi32>
          %swap3A_177 = vector.shape_cast %get3A_173 : vector<16xi32> to vector<16xi32>
          tpu.vector_store %arg10[%swap3A_174], %swap3A_177 {strides = array<i32>} : memref<128xi32, #tpu.memory_space<vmem>>, vector<16xi32>,
          %mul3A_178 = arith.constant 128 : i32
          %mul3A_179 = arith.muli %add3A_124, %mul3A_178 : i32
          %add3A_180 = arith.constant 48 : i32
          %add3A_181 = arith.addi %mul3A_179, %add3A_180 : i32
          %get3A_182 = arith.index_cast %add3A_181 : i32 to index
          %get3A_183 = tpu.vector_load %arg8[%get3A_182] {strides = array<i32>} : memref<6144xi32, #tpu.memory_space<vmem>>, vector<16xi32>,
          %get3A_184 = vector.shape_cast %get3A_183 : vector<16xi32> to vector<16xi32>
          %swap3A_185 = arith.constant 48 : index
          %swap3A_186 = tpu.vector_load %arg10[%swap3A_185] {strides = array<i32>} : memref<128xi32, #tpu.memory_space<vmem>>, vector<16xi32>,
          %swap3A_187 = vector.shape_cast %swap3A_186 : vector<16xi32> to vector<16xi32>
          %swap3A_188 = vector.shape_cast %get3A_184 : vector<16xi32> to vector<16xi32>
          tpu.vector_store %arg10[%swap3A_185], %swap3A_188 {strides = array<i32>} : memref<128xi32, #tpu.memory_space<vmem>>, vector<16xi32>,
          %mul3A_189 = arith.constant 128 : i32
          %mul3A_190 = arith.muli %add3A_124, %mul3A_189 : i32
          %add3A_191 = arith.constant 64 : i32
          %add3A_192 = arith.addi %mul3A_190, %add3A_191 : i32
          %get3A_193 = arith.index_cast %add3A_192 : i32 to index
          %get3A_194 = tpu.vector_load %arg8[%get3A_193] {strides = array<i32>} : memref<6144xi32, #tpu.memory_space<vmem>>, vector<16xi32>,
          %get3A_195 = vector.shape_cast %get3A_194 : vector<16xi32> to vector<16xi32>
          %swap3A_196 = arith.constant 64 : index
          %swap3A_197 = tpu.vector_load %arg10[%swap3A_196] {strides = array<i32>} : memref<128xi32, #tpu.memory_space<vmem>>, vector<16xi32>,
          %swap3A_198 = vector.shape_cast %swap3A_197 : vector<16xi32> to vector<16xi32>
          %swap3A_199 = vector.shape_cast %get3A_195 : vector<16xi32> to vector<16xi32>
          tpu.vector_store %arg10[%swap3A_196], %swap3A_199 {strides = array<i32>} : memref<128xi32, #tpu.memory_space<vmem>>, vector<16xi32>,
          %mul3A_200 = arith.constant 128 : i32
          %mul3A_201 = arith.muli %add3A_124, %mul3A_200 : i32
          %add3A_202 = arith.constant 80 : i32
          %add3A_203 = arith.addi %mul3A_201, %add3A_202 : i32
          %get3A_204 = arith.index_cast %add3A_203 : i32 to index
          %get3A_205 = tpu.vector_load %arg8[%get3A_204] {strides = array<i32>} : memref<6144xi32, #tpu.memory_space<vmem>>, vector<16xi32>,
          %get3A_206 = vector.shape_cast %get3A_205 : vector<16xi32> to vector<16xi32>
          %swap3A_207 = arith.constant 80 : index
          %swap3A_208 = tpu.vector_load %arg10[%swap3A_207] {strides = array<i32>} : memref<128xi32, #tpu.memory_space<vmem>>, vector<16xi32>,
          %swap3A_209 = vector.shape_cast %swap3A_208 : vector<16xi32> to vector<16xi32>
          %swap3A_210 = vector.shape_cast %get3A_206 : vector<16xi32> to vector<16xi32>
          tpu.vector_store %arg10[%swap3A_207], %swap3A_210 {strides = array<i32>} : memref<128xi32, #tpu.memory_space<vmem>>, vector<16xi32>,
          %mul3A_211 = arith.constant 128 : i32
          %mul3A_212 = arith.muli %add3A_124, %mul3A_211 : i32
          %add3A_213 = arith.constant 96 : i32
          %add3A_214 = arith.addi %mul3A_212, %add3A_213 : i32
          %get3A_215 = arith.index_cast %add3A_214 : i32 to index
          %get3A_216 = tpu.vector_load %arg8[%get3A_215] {strides = array<i32>} : memref<6144xi32, #tpu.memory_space<vmem>>, vector<16xi32>,
          %get3A_217 = vector.shape_cast %get3A_216 : vector<16xi32> to vector<16xi32>
          %swap3A_218 = arith.constant 96 : index
          %swap3A_219 = tpu.vector_load %arg10[%swap3A_218] {strides = array<i32>} : memref<128xi32, #tpu.memory_space<vmem>>, vector<16xi32>,
          %swap3A_220 = vector.shape_cast %swap3A_219 : vector<16xi32> to vector<16xi32>
          %swap3A_221 = vector.shape_cast %get3A_217 : vector<16xi32> to vector<16xi32>
          tpu.vector_store %arg10[%swap3A_218], %swap3A_221 {strides = array<i32>} : memref<128xi32, #tpu.memory_space<vmem>>, vector<16xi32>,
          %mul3A_222 = arith.constant 128 : i32
          %mul3A_223 = arith.muli %add3A_124, %mul3A_222 : i32
          %add3A_224 = arith.constant 112 : i32
          %add3A_225 = arith.addi %mul3A_223, %add3A_224 : i32
          %get3A_226 = arith.index_cast %add3A_225 : i32 to index
          %get3A_227 = tpu.vector_load %arg8[%get3A_226] {strides = array<i32>} : memref<6144xi32, #tpu.memory_space<vmem>>, vector<16xi32>,
          %get3A_228 = vector.shape_cast %get3A_227 : vector<16xi32> to vector<16xi32>
          %swap3A_229 = arith.constant 112 : index
          %swap3A_230 = tpu.vector_load %arg10[%swap3A_229] {strides = array<i32>} : memref<128xi32, #tpu.memory_space<vmem>>, vector<16xi32>,
          %swap3A_231 = vector.shape_cast %swap3A_230 : vector<16xi32> to vector<16xi32>
          %swap3A_232 = vector.shape_cast %get3A_228 : vector<16xi32> to vector<16xi32>
          tpu.vector_store %arg10[%swap3A_229], %swap3A_232 {strides = array<i32>} : memref<128xi32, #tpu.memory_space<vmem>>, vector<16xi32>,
          %mul3A_233 = arith.constant 128 : i32
          %mul3A_234 = arith.muli %add3A_124, %mul3A_233 : i32
          %dma_wait3A = tpu.memref_slice %arg7[%mul3A_234] : memref<6144xi32, #tpu.memory_space<vmem>> -> memref<128xi32, #tpu.memory_space<vmem>>
          %dma_wait3A_235 = arith.constant 0 : i32
          %dma_wait3A_236 = arith.constant 0 : i32
          %dma_wait3A_237 = tpu.memref_slice %arg2[%dma_wait3A_235, %dma_wait3A_236] : memref<20000x128xf32, #tpu.memory_space<hbm>> -> memref<20000x128xf32, #tpu.memory_space<hbm>>
          tpu.wait_indirect_dma semaphore(%arg15 : memref<!tpu.dma_semaphore, #tpu.memory_space<semaphore_mem>>) src(%dma_wait3A_237 : memref<20000x128xf32, #tpu.memory_space<hbm>>) dst(%arg12 : memref<128x128xf32, #tpu.memory_space<vmem>>)
          %dma_start3A = arith.constant 0 : i32
          %dma_start3A_238 = arith.constant 0 : i32
          %dma_start3A_239 = tpu.memref_slice %arg13[%dma_start3A, %dma_start3A_238] : memref<10000x128xf32, #tpu.memory_space<vmem_shared>> -> memref<10000x128xf32, #tpu.memory_space<vmem_shared>>
          tpu.enqueue_indirect_dma source(%arg12 : memref<128x128xf32, #tpu.memory_space<vmem>>) target(%dma_start3A_239 : memref<10000x128xf32, #tpu.memory_space<vmem_shared>>) offsets(%arg10 : memref<128xi32, #tpu.memory_space<vmem>>) semaphore(%arg17 : memref<!tpu.dma_semaphore, #tpu.memory_space<semaphore_mem>>) {add = true}
        } else {
        }
      }
      %scan3A_68 = arith.constant 23 : i32
      %add3A_69 = arith.constant 46 : i32
      %add3A_70 = arith.addi %mul3A_42, %add3A_69 : i32
      %ge3A_71 = arith.constant 1 : i32
      %ge3A_72 = arith.cmpi sge, %add3A_70, %ge3A_71 : i32
      %sub3A_73 = arith.constant 1 : i32
      %sub3A_74 = arith.subi %add3A_70, %sub3A_73 : i32
      %lt3A_75 = arith.cmpi slt, %sub3A_74, %add3A_4 : i32
      %and3A_76 = arith.andi %ge3A_72, %lt3A_75 : i1
      %convert_element_type3A_77 = arith.extui %and3A_76 : i1 to i32
      %cond3A_78 = arith.constant 0 : i32
      %cond3A_79 = arith.cmpi ne, %convert_element_type3A_77, %cond3A_78 : i32
      scf.if %cond3A_79 {
        %dma_wait3A = arith.constant 0 : i32
        %dma_wait3A_96 = arith.constant 0 : i32
        %dma_wait3A_97 = tpu.memref_slice %arg13[%dma_wait3A, %dma_wait3A_96] : memref<10000x128xf32, #tpu.memory_space<vmem_shared>> -> memref<10000x128xf32, #tpu.memory_space<vmem_shared>>
        tpu.wait_indirect_dma semaphore(%arg17 : memref<!tpu.dma_semaphore, #tpu.memory_space<semaphore_mem>>) src(%arg12 : memref<128x128xf32, #tpu.memory_space<vmem>>) dst(%dma_wait3A_97 : memref<10000x128xf32, #tpu.memory_space<vmem_shared>>)
      } else {
      }
      %add3A_80 = arith.constant 1 : i32
      %add3A_81 = arith.addi %add3A_70, %add3A_80 : i32
      %lt3A_82 = arith.cmpi slt, %add3A_81, %add3A_4 : i32
      %convert_element_type3A_83 = arith.extui %lt3A_82 : i1 to i32
      %cond3A_84 = arith.constant 0 : i32
      %cond3A_85 = arith.cmpi ne, %convert_element_type3A_83, %cond3A_84 : i32
      scf.if %cond3A_85 {
        %dma_start3A = arith.constant 6016 : i32
        %dma_start3A_96 = tpu.memref_slice %arg7[%dma_start3A] : memref<6144xi32, #tpu.memory_space<vmem>> -> memref<128xi32, #tpu.memory_space<vmem>>
        %dma_start3A_97 = arith.constant 0 : i32
        %dma_start3A_98 = arith.constant 0 : i32
        %dma_start3A_99 = tpu.memref_slice %arg2[%dma_start3A_97, %dma_start3A_98] : memref<20000x128xf32, #tpu.memory_space<hbm>> -> memref<20000x128xf32, #tpu.memory_space<hbm>>
        tpu.enqueue_indirect_dma source(%dma_start3A_99 : memref<20000x128xf32, #tpu.memory_space<hbm>>) target(%arg12 : memref<128x128xf32, #tpu.memory_space<vmem>>) offsets(%dma_start3A_96 : memref<128xi32, #tpu.memory_space<vmem>>) semaphore(%arg15 : memref<!tpu.dma_semaphore, #tpu.memory_space<semaphore_mem>>)
      } else {
      }
      %lt3A_86 = arith.cmpi slt, %add3A_70, %add3A_4 : i32
      %convert_element_type3A_87 = arith.extui %lt3A_86 : i1 to i32
      %cond3A_88 = arith.constant 0 : i32
      %cond3A_89 = arith.cmpi ne, %convert_element_type3A_87, %cond3A_88 : i32
      scf.if %cond3A_89 {
        %get3A = arith.constant 5888 : index
        %get3A_96 = tpu.vector_load %arg8[%get3A] {strides = array<i32>} : memref<6144xi32, #tpu.memory_space<vmem>>, vector<16xi32>,
        %get3A_97 = vector.shape_cast %get3A_96 : vector<16xi32> to vector<16xi32>
        %swap3A = arith.constant 0 : index
        %swap3A_98 = tpu.vector_load %arg9[%swap3A] {strides = array<i32>} : memref<128xi32, #tpu.memory_space<vmem>>, vector<16xi32>,
        %swap3A_99 = vector.shape_cast %swap3A_98 : vector<16xi32> to vector<16xi32>
        %swap3A_100 = vector.shape_cast %get3A_97 : vector<16xi32> to vector<16xi32>
        tpu.vector_store %arg9[%swap3A], %swap3A_100 {strides = array<i32>} : memref<128xi32, #tpu.memory_space<vmem>>, vector<16xi32>,
        %get3A_101 = arith.constant 5904 : index
        %get3A_102 = tpu.vector_load %arg8[%get3A_101] {strides = array<i32>} : memref<6144xi32, #tpu.memory_space<vmem>>, vector<16xi32>,
        %get3A_103 = vector.shape_cast %get3A_102 : vector<16xi32> to vector<16xi32>
        %swap3A_104 = arith.constant 16 : index
        %swap3A_105 = tpu.vector_load %arg9[%swap3A_104] {strides = array<i32>} : memref<128xi32, #tpu.memory_space<vmem>>, vector<16xi32>,
        %swap3A_106 = vector.shape_cast %swap3A_105 : vector<16xi32> to vector<16xi32>
        %swap3A_107 = vector.shape_cast %get3A_103 : vector<16xi32> to vector<16xi32>
        tpu.vector_store %arg9[%swap3A_104], %swap3A_107 {strides = array<i32>} : memref<128xi32, #tpu.memory_space<vmem>>, vector<16xi32>,
        %get3A_108 = arith.constant 5920 : index
        %get3A_109 = tpu.vector_load %arg8[%get3A_108] {strides = array<i32>} : memref<6144xi32, #tpu.memory_space<vmem>>, vector<16xi32>,
        %get3A_110 = vector.shape_cast %get3A_109 : vector<16xi32> to vector<16xi32>
        %swap3A_111 = arith.constant 32 : index
        %swap3A_112 = tpu.vector_load %arg9[%swap3A_111] {strides = array<i32>} : memref<128xi32, #tpu.memory_space<vmem>>, vector<16xi32>,
        %swap3A_113 = vector.shape_cast %swap3A_112 : vector<16xi32> to vector<16xi32>
        %swap3A_114 = vector.shape_cast %get3A_110 : vector<16xi32> to vector<16xi32>
        tpu.vector_store %arg9[%swap3A_111], %swap3A_114 {strides = array<i32>} : memref<128xi32, #tpu.memory_space<vmem>>, vector<16xi32>,
        %get3A_115 = arith.constant 5936 : index
        %get3A_116 = tpu.vector_load %arg8[%get3A_115] {strides = array<i32>} : memref<6144xi32, #tpu.memory_space<vmem>>, vector<16xi32>,
        %get3A_117 = vector.shape_cast %get3A_116 : vector<16xi32> to vector<16xi32>
        %swap3A_118 = arith.constant 48 : index
        %swap3A_119 = tpu.vector_load %arg9[%swap3A_118] {strides = array<i32>} : memref<128xi32, #tpu.memory_space<vmem>>, vector<16xi32>,
        %swap3A_120 = vector.shape_cast %swap3A_119 : vector<16xi32> to vector<16xi32>
        %swap3A_121 = vector.shape_cast %get3A_117 : vector<16xi32> to vector<16xi32>
        tpu.vector_store %arg9[%swap3A_118], %swap3A_121 {strides = array<i32>} : memref<128xi32, #tpu.memory_space<vmem>>, vector<16xi32>,
        %get3A_122 = arith.constant 5952 : index
        %get3A_123 = tpu.vector_load %arg8[%get3A_122] {strides = array<i32>} : memref<6144xi32, #tpu.memory_space<vmem>>, vector<16xi32>,
        %get3A_124 = vector.shape_cast %get3A_123 : vector<16xi32> to vector<16xi32>
        %swap3A_125 = arith.constant 64 : index
        %swap3A_126 = tpu.vector_load %arg9[%swap3A_125] {strides = array<i32>} : memref<128xi32, #tpu.memory_space<vmem>>, vector<16xi32>,
        %swap3A_127 = vector.shape_cast %swap3A_126 : vector<16xi32> to vector<16xi32>
        %swap3A_128 = vector.shape_cast %get3A_124 : vector<16xi32> to vector<16xi32>
        tpu.vector_store %arg9[%swap3A_125], %swap3A_128 {strides = array<i32>} : memref<128xi32, #tpu.memory_space<vmem>>, vector<16xi32>,
        %get3A_129 = arith.constant 5968 : index
        %get3A_130 = tpu.vector_load %arg8[%get3A_129] {strides = array<i32>} : memref<6144xi32, #tpu.memory_space<vmem>>, vector<16xi32>,
        %get3A_131 = vector.shape_cast %get3A_130 : vector<16xi32> to vector<16xi32>
        %swap3A_132 = arith.constant 80 : index
        %swap3A_133 = tpu.vector_load %arg9[%swap3A_132] {strides = array<i32>} : memref<128xi32, #tpu.memory_space<vmem>>, vector<16xi32>,
        %swap3A_134 = vector.shape_cast %swap3A_133 : vector<16xi32> to vector<16xi32>
        %swap3A_135 = vector.shape_cast %get3A_131 : vector<16xi32> to vector<16xi32>
        tpu.vector_store %arg9[%swap3A_132], %swap3A_135 {strides = array<i32>} : memref<128xi32, #tpu.memory_space<vmem>>, vector<16xi32>,
        %get3A_136 = arith.constant 5984 : index
        %get3A_137 = tpu.vector_load %arg8[%get3A_136] {strides = array<i32>} : memref<6144xi32, #tpu.memory_space<vmem>>, vector<16xi32>,
        %get3A_138 = vector.shape_cast %get3A_137 : vector<16xi32> to vector<16xi32>
        %swap3A_139 = arith.constant 96 : index
        %swap3A_140 = tpu.vector_load %arg9[%swap3A_139] {strides = array<i32>} : memref<128xi32, #tpu.memory_space<vmem>>, vector<16xi32>,
        %swap3A_141 = vector.shape_cast %swap3A_140 : vector<16xi32> to vector<16xi32>
        %swap3A_142 = vector.shape_cast %get3A_138 : vector<16xi32> to vector<16xi32>
        tpu.vector_store %arg9[%swap3A_139], %swap3A_142 {strides = array<i32>} : memref<128xi32, #tpu.memory_space<vmem>>, vector<16xi32>,
        %get3A_143 = arith.constant 6000 : index
        %get3A_144 = tpu.vector_load %arg8[%get3A_143] {strides = array<i32>} : memref<6144xi32, #tpu.memory_space<vmem>>, vector<16xi32>,
        %get3A_145 = vector.shape_cast %get3A_144 : vector<16xi32> to vector<16xi32>
        %swap3A_146 = arith.constant 112 : index
        %swap3A_147 = tpu.vector_load %arg9[%swap3A_146] {strides = array<i32>} : memref<128xi32, #tpu.memory_space<vmem>>, vector<16xi32>,
        %swap3A_148 = vector.shape_cast %swap3A_147 : vector<16xi32> to vector<16xi32>
        %swap3A_149 = vector.shape_cast %get3A_145 : vector<16xi32> to vector<16xi32>
        tpu.vector_store %arg9[%swap3A_146], %swap3A_149 {strides = array<i32>} : memref<128xi32, #tpu.memory_space<vmem>>, vector<16xi32>,
        %dma_wait3A = arith.constant 5888 : i32
        %dma_wait3A_150 = tpu.memref_slice %arg7[%dma_wait3A] : memref<6144xi32, #tpu.memory_space<vmem>> -> memref<128xi32, #tpu.memory_space<vmem>>
        %dma_wait3A_151 = arith.constant 0 : i32
        %dma_wait3A_152 = arith.constant 0 : i32
        %dma_wait3A_153 = tpu.memref_slice %arg2[%dma_wait3A_151, %dma_wait3A_152] : memref<20000x128xf32, #tpu.memory_space<hbm>> -> memref<20000x128xf32, #tpu.memory_space<hbm>>
        tpu.wait_indirect_dma semaphore(%arg14 : memref<!tpu.dma_semaphore, #tpu.memory_space<semaphore_mem>>) src(%dma_wait3A_153 : memref<20000x128xf32, #tpu.memory_space<hbm>>) dst(%arg11 : memref<128x128xf32, #tpu.memory_space<vmem>>)
        %dma_start3A = arith.constant 0 : i32
        %dma_start3A_154 = arith.constant 0 : i32
        %dma_start3A_155 = tpu.memref_slice %arg13[%dma_start3A, %dma_start3A_154] : memref<10000x128xf32, #tpu.memory_space<vmem_shared>> -> memref<10000x128xf32, #tpu.memory_space<vmem_shared>>
        tpu.enqueue_indirect_dma source(%arg11 : memref<128x128xf32, #tpu.memory_space<vmem>>) target(%dma_start3A_155 : memref<10000x128xf32, #tpu.memory_space<vmem_shared>>) offsets(%arg9 : memref<128xi32, #tpu.memory_space<vmem>>) semaphore(%arg16 : memref<!tpu.dma_semaphore, #tpu.memory_space<semaphore_mem>>) {add = true}
      } else {
      }
      %add3A_90 = arith.constant 47 : i32
      %add3A_91 = arith.addi %mul3A_42, %add3A_90 : i32
      %lt3A_92 = arith.cmpi slt, %add3A_91, %add3A_4 : i32
      %convert_element_type3A_93 = arith.extui %lt3A_92 : i1 to i32
      %cond3A_94 = arith.constant 0 : i32
      %cond3A_95 = arith.cmpi ne, %convert_element_type3A_93, %cond3A_94 : i32
      scf.if %cond3A_95 {
        %get3A = arith.constant 6016 : index
        %get3A_96 = tpu.vector_load %arg8[%get3A] {strides = array<i32>} : memref<6144xi32, #tpu.memory_space<vmem>>, vector<16xi32>,
        %get3A_97 = vector.shape_cast %get3A_96 : vector<16xi32> to vector<16xi32>
        %swap3A = arith.constant 0 : index
        %swap3A_98 = tpu.vector_load %arg10[%swap3A] {strides = array<i32>} : memref<128xi32, #tpu.memory_space<vmem>>, vector<16xi32>,
        %swap3A_99 = vector.shape_cast %swap3A_98 : vector<16xi32> to vector<16xi32>
        %swap3A_100 = vector.shape_cast %get3A_97 : vector<16xi32> to vector<16xi32>
        tpu.vector_store %arg10[%swap3A], %swap3A_100 {strides = array<i32>} : memref<128xi32, #tpu.memory_space<vmem>>, vector<16xi32>,
        %get3A_101 = arith.constant 6032 : index
        %get3A_102 = tpu.vector_load %arg8[%get3A_101] {strides = array<i32>} : memref<6144xi32, #tpu.memory_space<vmem>>, vector<16xi32>,
        %get3A_103 = vector.shape_cast %get3A_102 : vector<16xi32> to vector<16xi32>
        %swap3A_104 = arith.constant 16 : index
        %swap3A_105 = tpu.vector_load %arg10[%swap3A_104] {strides = array<i32>} : memref<128xi32, #tpu.memory_space<vmem>>, vector<16xi32>,
        %swap3A_106 = vector.shape_cast %swap3A_105 : vector<16xi32> to vector<16xi32>
        %swap3A_107 = vector.shape_cast %get3A_103 : vector<16xi32> to vector<16xi32>
        tpu.vector_store %arg10[%swap3A_104], %swap3A_107 {strides = array<i32>} : memref<128xi32, #tpu.memory_space<vmem>>, vector<16xi32>,
        %get3A_108 = arith.constant 6048 : index
        %get3A_109 = tpu.vector_load %arg8[%get3A_108] {strides = array<i32>} : memref<6144xi32, #tpu.memory_space<vmem>>, vector<16xi32>,
        %get3A_110 = vector.shape_cast %get3A_109 : vector<16xi32> to vector<16xi32>
        %swap3A_111 = arith.constant 32 : index
        %swap3A_112 = tpu.vector_load %arg10[%swap3A_111] {strides = array<i32>} : memref<128xi32, #tpu.memory_space<vmem>>, vector<16xi32>,
        %swap3A_113 = vector.shape_cast %swap3A_112 : vector<16xi32> to vector<16xi32>
        %swap3A_114 = vector.shape_cast %get3A_110 : vector<16xi32> to vector<16xi32>
        tpu.vector_store %arg10[%swap3A_111], %swap3A_114 {strides = array<i32>} : memref<128xi32, #tpu.memory_space<vmem>>, vector<16xi32>,
        %get3A_115 = arith.constant 6064 : index
        %get3A_116 = tpu.vector_load %arg8[%get3A_115] {strides = array<i32>} : memref<6144xi32, #tpu.memory_space<vmem>>, vector<16xi32>,
        %get3A_117 = vector.shape_cast %get3A_116 : vector<16xi32> to vector<16xi32>
        %swap3A_118 = arith.constant 48 : index
        %swap3A_119 = tpu.vector_load %arg10[%swap3A_118] {strides = array<i32>} : memref<128xi32, #tpu.memory_space<vmem>>, vector<16xi32>,
        %swap3A_120 = vector.shape_cast %swap3A_119 : vector<16xi32> to vector<16xi32>
        %swap3A_121 = vector.shape_cast %get3A_117 : vector<16xi32> to vector<16xi32>
        tpu.vector_store %arg10[%swap3A_118], %swap3A_121 {strides = array<i32>} : memref<128xi32, #tpu.memory_space<vmem>>, vector<16xi32>,
        %get3A_122 = arith.constant 6080 : index
        %get3A_123 = tpu.vector_load %arg8[%get3A_122] {strides = array<i32>} : memref<6144xi32, #tpu.memory_space<vmem>>, vector<16xi32>,
        %get3A_124 = vector.shape_cast %get3A_123 : vector<16xi32> to vector<16xi32>
        %swap3A_125 = arith.constant 64 : index
        %swap3A_126 = tpu.vector_load %arg10[%swap3A_125] {strides = array<i32>} : memref<128xi32, #tpu.memory_space<vmem>>, vector<16xi32>,
        %swap3A_127 = vector.shape_cast %swap3A_126 : vector<16xi32> to vector<16xi32>
        %swap3A_128 = vector.shape_cast %get3A_124 : vector<16xi32> to vector<16xi32>
        tpu.vector_store %arg10[%swap3A_125], %swap3A_128 {strides = array<i32>} : memref<128xi32, #tpu.memory_space<vmem>>, vector<16xi32>,
        %get3A_129 = arith.constant 6096 : index
        %get3A_130 = tpu.vector_load %arg8[%get3A_129] {strides = array<i32>} : memref<6144xi32, #tpu.memory_space<vmem>>, vector<16xi32>,
        %get3A_131 = vector.shape_cast %get3A_130 : vector<16xi32> to vector<16xi32>
        %swap3A_132 = arith.constant 80 : index
        %swap3A_133 = tpu.vector_load %arg10[%swap3A_132] {strides = array<i32>} : memref<128xi32, #tpu.memory_space<vmem>>, vector<16xi32>,
        %swap3A_134 = vector.shape_cast %swap3A_133 : vector<16xi32> to vector<16xi32>
        %swap3A_135 = vector.shape_cast %get3A_131 : vector<16xi32> to vector<16xi32>
        tpu.vector_store %arg10[%swap3A_132], %swap3A_135 {strides = array<i32>} : memref<128xi32, #tpu.memory_space<vmem>>, vector<16xi32>,
        %get3A_136 = arith.constant 6112 : index
        %get3A_137 = tpu.vector_load %arg8[%get3A_136] {strides = array<i32>} : memref<6144xi32, #tpu.memory_space<vmem>>, vector<16xi32>,
        %get3A_138 = vector.shape_cast %get3A_137 : vector<16xi32> to vector<16xi32>
        %swap3A_139 = arith.constant 96 : index
        %swap3A_140 = tpu.vector_load %arg10[%swap3A_139] {strides = array<i32>} : memref<128xi32, #tpu.memory_space<vmem>>, vector<16xi32>,
        %swap3A_141 = vector.shape_cast %swap3A_140 : vector<16xi32> to vector<16xi32>
        %swap3A_142 = vector.shape_cast %get3A_138 : vector<16xi32> to vector<16xi32>
        tpu.vector_store %arg10[%swap3A_139], %swap3A_142 {strides = array<i32>} : memref<128xi32, #tpu.memory_space<vmem>>, vector<16xi32>,
        %get3A_143 = arith.constant 6128 : index
        %get3A_144 = tpu.vector_load %arg8[%get3A_143] {strides = array<i32>} : memref<6144xi32, #tpu.memory_space<vmem>>, vector<16xi32>,
        %get3A_145 = vector.shape_cast %get3A_144 : vector<16xi32> to vector<16xi32>
        %swap3A_146 = arith.constant 112 : index
        %swap3A_147 = tpu.vector_load %arg10[%swap3A_146] {strides = array<i32>} : memref<128xi32, #tpu.memory_space<vmem>>, vector<16xi32>,
        %swap3A_148 = vector.shape_cast %swap3A_147 : vector<16xi32> to vector<16xi32>
        %swap3A_149 = vector.shape_cast %get3A_145 : vector<16xi32> to vector<16xi32>
        tpu.vector_store %arg10[%swap3A_146], %swap3A_149 {strides = array<i32>} : memref<128xi32, #tpu.memory_space<vmem>>, vector<16xi32>,
        %dma_wait3A = arith.constant 6016 : i32
        %dma_wait3A_150 = tpu.memref_slice %arg7[%dma_wait3A] : memref<6144xi32, #tpu.memory_space<vmem>> -> memref<128xi32, #tpu.memory_space<vmem>>
        %dma_wait3A_151 = arith.constant 0 : i32
        %dma_wait3A_152 = arith.constant 0 : i32
        %dma_wait3A_153 = tpu.memref_slice %arg2[%dma_wait3A_151, %dma_wait3A_152] : memref<20000x128xf32, #tpu.memory_space<hbm>> -> memref<20000x128xf32, #tpu.memory_space<hbm>>
        tpu.wait_indirect_dma semaphore(%arg15 : memref<!tpu.dma_semaphore, #tpu.memory_space<semaphore_mem>>) src(%dma_wait3A_153 : memref<20000x128xf32, #tpu.memory_space<hbm>>) dst(%arg12 : memref<128x128xf32, #tpu.memory_space<vmem>>)
        %dma_start3A = arith.constant 0 : i32
        %dma_start3A_154 = arith.constant 0 : i32
        %dma_start3A_155 = tpu.memref_slice %arg13[%dma_start3A, %dma_start3A_154] : memref<10000x128xf32, #tpu.memory_space<vmem_shared>> -> memref<10000x128xf32, #tpu.memory_space<vmem_shared>>
        tpu.enqueue_indirect_dma source(%arg12 : memref<128x128xf32, #tpu.memory_space<vmem>>) target(%dma_start3A_155 : memref<10000x128xf32, #tpu.memory_space<vmem_shared>>) offsets(%arg10 : memref<128xi32, #tpu.memory_space<vmem>>) semaphore(%arg17 : memref<!tpu.dma_semaphore, #tpu.memory_space<semaphore_mem>>) {add = true}
      } else {
      }
    }
    %scan3A_16 = arith.constant 4 : i32
    %gt3A = arith.constant 190 : i32
    %gt3A_17 = arith.cmpi sgt, %add3A_4, %gt3A : i32
    %and3A = arith.constant true
    %and3A_18 = arith.andi %and3A, %gt3A_17 : i1
    %convert_element_type3A_19 = arith.extui %and3A_18 : i1 to i32
    %cond3A_20 = arith.constant 0 : i32
    %cond3A_21 = arith.cmpi ne, %convert_element_type3A_19, %cond3A_20 : i32
    scf.if %cond3A_21 {
      %dma_wait3A = arith.constant 0 : i32
      %dma_wait3A_40 = arith.constant 0 : i32
      %dma_wait3A_41 = tpu.memref_slice %arg13[%dma_wait3A, %dma_wait3A_40] : memref<10000x128xf32, #tpu.memory_space<vmem_shared>> -> memref<10000x128xf32, #tpu.memory_space<vmem_shared>>
      tpu.wait_indirect_dma semaphore(%arg16 : memref<!tpu.dma_semaphore, #tpu.memory_space<semaphore_mem>>) src(%arg11 : memref<128x128xf32, #tpu.memory_space<vmem>>) dst(%dma_wait3A_41 : memref<10000x128xf32, #tpu.memory_space<vmem_shared>>)
    } else {
    }
    %gt3A_22 = arith.constant 191 : i32
    %gt3A_23 = arith.cmpi sgt, %add3A_4, %gt3A_22 : i32
    %convert_element_type3A_24 = arith.extui %gt3A_23 : i1 to i32
    %cond3A_25 = arith.constant 0 : i32
    %cond3A_26 = arith.cmpi ne, %convert_element_type3A_24, %cond3A_25 : i32
    scf.if %cond3A_26 {
      %dma_wait3A = arith.constant 0 : i32
      %dma_wait3A_40 = arith.constant 0 : i32
      %dma_wait3A_41 = tpu.memref_slice %arg13[%dma_wait3A, %dma_wait3A_40] : memref<10000x128xf32, #tpu.memory_space<vmem_shared>> -> memref<10000x128xf32, #tpu.memory_space<vmem_shared>>
      tpu.wait_indirect_dma semaphore(%arg17 : memref<!tpu.dma_semaphore, #tpu.memory_space<semaphore_mem>>) src(%arg12 : memref<128x128xf32, #tpu.memory_space<vmem>>) dst(%dma_wait3A_41 : memref<10000x128xf32, #tpu.memory_space<vmem_shared>>)
    } else {
    }
    %barrier3A_27 = arith.constant 0 : index
    tpu.barrier barrier_id(%barrier3A_27)
    %mul3A_28 = arith.constant 624 : i32
    %mul3A_29 = arith.muli %arg1, %mul3A_28 : i32
    %mul3A_30 = arith.constant 10000 : i32
    %mul3A_31 = arith.muli %arg0, %mul3A_30 : i32
    %mul3A_32 = arith.constant 624 : i32
    %mul3A_33 = arith.muli %arg1, %mul3A_32 : i32
    %add3A_34 = arith.addi %mul3A_31, %mul3A_33 : i32
    "tpu.region"() ({
      %run_scoped3A = tpu.sem_alloc : memref<!tpu.dma_semaphore, #tpu.memory_space<semaphore_mem>>
      %dma_start3A = arith.constant 0 : i32
      %dma_start3A_40 = tpu.memref_slice %arg6[%add3A_34, %dma_start3A] : memref<20000x128xf32, #tpu.memory_space<hbm>> -> memref<624x128xf32, #tpu.memory_space<hbm>>
      %dma_start3A_41 = arith.constant 0 : i32
      %dma_start3A_42 = tpu.memref_slice %arg13[%mul3A_29, %dma_start3A_41] : memref<10000x128xf32, #tpu.memory_space<vmem_shared>> -> memref<624x128xf32, #tpu.memory_space<vmem_shared>>
      tpu.enqueue_dma source(%dma_start3A_42 : memref<624x128xf32, #tpu.memory_space<vmem_shared>>) target(%dma_start3A_40 : memref<624x128xf32, #tpu.memory_space<hbm>>) target_semaphore(%run_scoped3A : memref<!tpu.dma_semaphore, #tpu.memory_space<semaphore_mem>>)
      %dma_wait3A = arith.constant 0 : i32
      %dma_wait3A_43 = tpu.memref_slice %arg6[%add3A_34, %dma_wait3A] : memref<20000x128xf32, #tpu.memory_space<hbm>> -> memref<624x128xf32, #tpu.memory_space<hbm>>
      %dma_wait3A_44 = arith.constant 0 : i32
      %dma_wait3A_45 = tpu.memref_slice %arg13[%mul3A_29, %dma_wait3A_44] : memref<10000x128xf32, #tpu.memory_space<vmem_shared>> -> memref<624x128xf32, #tpu.memory_space<vmem_shared>>
      tpu.wait_dma2 semaphore(%run_scoped3A : memref<!tpu.dma_semaphore, #tpu.memory_space<semaphore_mem>>) src(%dma_wait3A_45 : memref<624x128xf32, #tpu.memory_space<vmem_shared>>) dst(%dma_wait3A_43 : memref<624x128xf32, #tpu.memory_space<hbm>>)
      tpu.yield
    }) : () -> ()
    %eq3A_35 = arith.constant 0 : i32
    %eq3A_36 = arith.cmpi eq, %arg1, %eq3A_35 : i32
    %convert_element_type3A_37 = arith.extui %eq3A_36 : i1 to i32
    %cond3A_38 = arith.constant 0 : i32
    %cond3A_39 = arith.cmpi ne, %convert_element_type3A_37, %cond3A_38 : i32
    scf.if %cond3A_39 {
      %mul3A_40 = arith.constant 10000 : i32
      %mul3A_41 = arith.muli %arg0, %mul3A_40 : i32
      %add3A_42 = arith.constant 9984 : i32
      %add3A_43 = arith.addi %mul3A_41, %add3A_42 : i32
      "tpu.region"() ({
        %run_scoped3A = tpu.sem_alloc : memref<!tpu.dma_semaphore, #tpu.memory_space<semaphore_mem>>
        %dma_start3A = arith.constant 0 : i32
        %dma_start3A_44 = tpu.memref_slice %arg6[%add3A_43, %dma_start3A] : memref<20000x128xf32, #tpu.memory_space<hbm>> -> memref<16x128xf32, #tpu.memory_space<hbm>>
        %dma_start3A_45 = arith.constant 9984 : i32
        %dma_start3A_46 = arith.constant 0 : i32
        %dma_start3A_47 = tpu.memref_slice %arg13[%dma_start3A_45, %dma_start3A_46] : memref<10000x128xf32, #tpu.memory_space<vmem_shared>> -> memref<16x128xf32, #tpu.memory_space<vmem_shared>>
        tpu.enqueue_dma source(%dma_start3A_47 : memref<16x128xf32, #tpu.memory_space<vmem_shared>>) target(%dma_start3A_44 : memref<16x128xf32, #tpu.memory_space<hbm>>) target_semaphore(%run_scoped3A : memref<!tpu.dma_semaphore, #tpu.memory_space<semaphore_mem>>)
        %dma_wait3A = arith.constant 0 : i32
        %dma_wait3A_48 = tpu.memref_slice %arg6[%add3A_43, %dma_wait3A] : memref<20000x128xf32, #tpu.memory_space<hbm>> -> memref<16x128xf32, #tpu.memory_space<hbm>>
        %dma_wait3A_49 = arith.constant 9984 : i32
        %dma_wait3A_50 = arith.constant 0 : i32
        %dma_wait3A_51 = tpu.memref_slice %arg13[%dma_wait3A_49, %dma_wait3A_50] : memref<10000x128xf32, #tpu.memory_space<vmem_shared>> -> memref<16x128xf32, #tpu.memory_space<vmem_shared>>
        tpu.wait_dma2 semaphore(%run_scoped3A : memref<!tpu.dma_semaphore, #tpu.memory_space<semaphore_mem>>) src(%dma_wait3A_51 : memref<16x128xf32, #tpu.memory_space<vmem_shared>>) dst(%dma_wait3A_48 : memref<16x128xf32, #tpu.memory_space<hbm>>)
        tpu.yield
      }) : () -> ()
    } else {
    }
    return
  }
}

module attributes {stable_mosaic.version = 14 : i64} {
  func.func @body(%arg0: i32, %arg1: memref<2x2000x128xf32, #tpu.memory_space<vmem>>, %arg2: memref<2000x128xf32, #tpu.memory_space<vmem>>, %arg3: memref<128x128xf32, #tpu.memory_space<vmem>>, %arg4: memref<128x128xf32, #tpu.memory_space<vmem>>, %arg5: memref<1x128xf32, #tpu.memory_space<vmem>>, %arg6: memref<2000x128xf32, #tpu.memory_space<vmem>>) attributes {dimension_semantics = [#tpu.dimension_semantics<arbitrary>], iteration_bounds = array<i64: 5>, scalar_prefetch = 0 : i64, scratch_operands = 0 : i64, tpu.core_type = #tpu.core_type<tc>, window_params = [{transform_indices = @transform_0, window_bounds = array<i64: 2, 2000, 128>}, {transform_indices = @transform_1, window_bounds = array<i64: 2000, 128>}, {pipeline_mode = #tpu.pipeline_mode<synchronous>, transform_indices = @transform_2, window_bounds = array<i64: 128, 128>}, {pipeline_mode = #tpu.pipeline_mode<synchronous>, transform_indices = @transform_3, window_bounds = array<i64: 128, 128>}, {pipeline_mode = #tpu.pipeline_mode<synchronous>, transform_indices = @transform_4, window_bounds = array<i64: 1, 128>}, {transform_indices = @transform_5, window_bounds = array<i64: 2000, 128>}]} {
    %get3A = arith.constant 0 : index
    %get3A_0 = arith.constant 0 : index
    %get3A_1 = vector.load %arg3[%get3A, %get3A_0] : memref<128x128xf32, #tpu.memory_space<vmem>>, vector<128x128xf32>
    %get3A_2 = arith.constant 0 : index
    %get3A_3 = arith.constant 0 : index
    %get3A_4 = arith.constant 0 : index
    %get3A_5 = vector.load %arg1[%get3A_2, %get3A_3, %get3A_4] : memref<2x2000x128xf32, #tpu.memory_space<vmem>>, vector<1x2000x128xf32>
    %get3A_6 = vector.shape_cast %get3A_5 : vector<1x2000x128xf32> to vector<2000x128xf32>
    %dot_general3A = arith.constant dense<0.000000e+00> : vector<2000x128xf32>
    %dot_general3A_7 = tpu.matmul %get3A_6, %get3A_1, %dot_general3A {dimension_numbers = #tpu.dot_dimension_numbers<[1], [1], [0], [0], [0, 0, 1, 0], [], []>, precision = #tpu.contract_precision<fp32>, transpose_lhs_hint = false} : vector<2000x128xf32>, vector<128x128xf32>, vector<2000x128xf32> -> vector<2000x128xf32>
    %get3A_8 = arith.constant 1 : index
    %get3A_9 = arith.constant 0 : index
    %get3A_10 = arith.constant 0 : index
    %get3A_11 = vector.load %arg1[%get3A_8, %get3A_9, %get3A_10] : memref<2x2000x128xf32, #tpu.memory_space<vmem>>, vector<1x2000x128xf32>
    %get3A_12 = vector.shape_cast %get3A_11 : vector<1x2000x128xf32> to vector<2000x128xf32>
    %dot_general3A_13 = arith.constant dense<0.000000e+00> : vector<2000x128xf32>
    %dot_general3A_14 = tpu.matmul %get3A_12, %get3A_1, %dot_general3A_13 {dimension_numbers = #tpu.dot_dimension_numbers<[1], [1], [0], [0], [0, 0, 1, 0], [], []>, precision = #tpu.contract_precision<fp32>, transpose_lhs_hint = false} : vector<2000x128xf32>, vector<128x128xf32>, vector<2000x128xf32> -> vector<2000x128xf32>
    %add3A = arith.addf %dot_general3A_7, %dot_general3A_14 : vector<2000x128xf32>
    %get3A_15 = arith.constant 0 : index
    %get3A_16 = arith.constant 0 : index
    %get3A_17 = vector.load %arg2[%get3A_15, %get3A_16] : memref<2000x128xf32, #tpu.memory_space<vmem>>, vector<2000x128xf32>
    %get3A_18 = arith.constant 0 : index
    %get3A_19 = arith.constant 0 : index
    %get3A_20 = vector.load %arg4[%get3A_18, %get3A_19] : memref<128x128xf32, #tpu.memory_space<vmem>>, vector<128x128xf32>
    %dot_general3A_21 = arith.constant dense<0.000000e+00> : vector<2000x128xf32>
    %dot_general3A_22 = tpu.matmul %get3A_17, %get3A_20, %dot_general3A_21 {dimension_numbers = #tpu.dot_dimension_numbers<[1], [1], [0], [0], [0, 0, 1, 0], [], []>, precision = #tpu.contract_precision<fp32>, transpose_lhs_hint = false} : vector<2000x128xf32>, vector<128x128xf32>, vector<2000x128xf32> -> vector<2000x128xf32>
    %add3A_23 = arith.addf %add3A, %dot_general3A_22 : vector<2000x128xf32>
    %get3A_24 = arith.constant 0 : index
    %get3A_25 = arith.constant 0 : index
    %get3A_26 = vector.load %arg5[%get3A_24, %get3A_25] : memref<1x128xf32, #tpu.memory_space<vmem>>, vector<1x128xf32>
    %add3A_27 = vector.broadcast %get3A_26 : vector<1x128xf32> to vector<2000x128xf32>
    %add3A_28 = arith.addf %add3A_23, %add3A_27 : vector<2000x128xf32>
    %max3A = arith.constant 0.000000e+00 : f32
    %max3A_29 = vector.broadcast %max3A : f32 to vector<2000x128xf32>
    %max3A_30 = arith.maximumf %add3A_28, %max3A_29 : vector<2000x128xf32>
    %swap3A = arith.constant 0 : index
    %swap3A_31 = arith.constant 0 : index
    %swap3A_32 = vector.load %arg6[%swap3A, %swap3A_31] : memref<2000x128xf32, #tpu.memory_space<vmem>>, vector<2000x128xf32>
    tpu.vector_store %arg6[%swap3A, %swap3A_31], %max3A_30 {strides = array<i32>} : memref<2000x128xf32, #tpu.memory_space<vmem>>, vector<2000x128xf32>,
    return
  }
  func.func @transform_0(%arg0: i32) -> (i32, i32, i32) {
    %c0_i32 = arith.constant 0 : i32
    %c0_i32_0 = arith.constant 0 : i32
    %c0_i32_1 = arith.constant 0 : i32
    return %c0_i32, %arg0, %c0_i32_0 : i32, i32, i32
  }
  func.func @transform_1(%arg0: i32) -> (i32, i32) {
    %c0_i32 = arith.constant 0 : i32
    %c0_i32_0 = arith.constant 0 : i32
    return %arg0, %c0_i32 : i32, i32
  }
  func.func @transform_2(%arg0: i32) -> (i32, i32) {
    %c0_i32 = arith.constant 0 : i32
    %c0_i32_0 = arith.constant 0 : i32
    %c0_i32_1 = arith.constant 0 : i32
    return %c0_i32, %c0_i32_0 : i32, i32
  }
  func.func @transform_3(%arg0: i32) -> (i32, i32) {
    %c0_i32 = arith.constant 0 : i32
    %c0_i32_0 = arith.constant 0 : i32
    %c0_i32_1 = arith.constant 0 : i32
    return %c0_i32, %c0_i32_0 : i32, i32
  }
  func.func @transform_4(%arg0: i32) -> (i32, i32) {
    %c0_i32 = arith.constant 0 : i32
    %c0_i32_0 = arith.constant 0 : i32
    %c0_i32_1 = arith.constant 0 : i32
    return %c0_i32, %c0_i32_0 : i32, i32
  }
  func.func @transform_5(%arg0: i32) -> (i32, i32) {
    %c0_i32 = arith.constant 0 : i32
    %c0_i32_0 = arith.constant 0 : i32
    return %arg0, %c0_i32 : i32, i32
  }
}

module attributes {stable_mosaic.version = 14 : i64} {
  func.func @body(%arg0: i32, %arg1: memref<2x2000x128xf32, #tpu.memory_space<vmem>>, %arg2: memref<2000x128xf32, #tpu.memory_space<vmem>>, %arg3: memref<256x128xf32, #tpu.memory_space<vmem>>, %arg4: memref<256x128xf32, #tpu.memory_space<vmem>>, %arg5: memref<1x256xf32, #tpu.memory_space<vmem>>, %arg6: memref<2x2000x128xf32, #tpu.memory_space<vmem>>) attributes {dimension_semantics = [#tpu.dimension_semantics<arbitrary>], iteration_bounds = array<i64: 5>, scalar_prefetch = 0 : i64, scratch_operands = 0 : i64, tpu.core_type = #tpu.core_type<tc>, window_params = [{transform_indices = @transform_0, window_bounds = array<i64: 2, 2000, 128>}, {transform_indices = @transform_1, window_bounds = array<i64: 2000, 128>}, {pipeline_mode = #tpu.pipeline_mode<synchronous>, transform_indices = @transform_2, window_bounds = array<i64: 256, 128>}, {pipeline_mode = #tpu.pipeline_mode<synchronous>, transform_indices = @transform_3, window_bounds = array<i64: 256, 128>}, {pipeline_mode = #tpu.pipeline_mode<synchronous>, transform_indices = @transform_4, window_bounds = array<i64: 1, 256>}, {transform_indices = @transform_5, window_bounds = array<i64: 2, 2000, 128>}]} {
    %get3A = arith.constant 0 : index
    %get3A_0 = arith.constant 0 : index
    %get3A_1 = vector.load %arg3[%get3A, %get3A_0] : memref<256x128xf32, #tpu.memory_space<vmem>>, vector<256x128xf32>
    %get3A_2 = arith.constant 0 : index
    %get3A_3 = arith.constant 0 : index
    %get3A_4 = arith.constant 0 : index
    %get3A_5 = vector.load %arg1[%get3A_2, %get3A_3, %get3A_4] : memref<2x2000x128xf32, #tpu.memory_space<vmem>>, vector<1x2000x128xf32>
    %get3A_6 = vector.shape_cast %get3A_5 : vector<1x2000x128xf32> to vector<2000x128xf32>
    %dot_general3A = arith.constant dense<0.000000e+00> : vector<2000x256xf32>
    %dot_general3A_7 = tpu.matmul %get3A_6, %get3A_1, %dot_general3A {dimension_numbers = #tpu.dot_dimension_numbers<[1], [1], [0], [0], [0, 0, 1, 0], [], []>, precision = #tpu.contract_precision<fp32>, transpose_lhs_hint = false} : vector<2000x128xf32>, vector<256x128xf32>, vector<2000x256xf32> -> vector<2000x256xf32>
    %get3A_8 = arith.constant 1 : index
    %get3A_9 = arith.constant 0 : index
    %get3A_10 = arith.constant 0 : index
    %get3A_11 = vector.load %arg1[%get3A_8, %get3A_9, %get3A_10] : memref<2x2000x128xf32, #tpu.memory_space<vmem>>, vector<1x2000x128xf32>
    %get3A_12 = vector.shape_cast %get3A_11 : vector<1x2000x128xf32> to vector<2000x128xf32>
    %dot_general3A_13 = arith.constant dense<0.000000e+00> : vector<2000x256xf32>
    %dot_general3A_14 = tpu.matmul %get3A_12, %get3A_1, %dot_general3A_13 {dimension_numbers = #tpu.dot_dimension_numbers<[1], [1], [0], [0], [0, 0, 1, 0], [], []>, precision = #tpu.contract_precision<fp32>, transpose_lhs_hint = false} : vector<2000x128xf32>, vector<256x128xf32>, vector<2000x256xf32> -> vector<2000x256xf32>
    %add3A = arith.addf %dot_general3A_7, %dot_general3A_14 : vector<2000x256xf32>
    %get3A_15 = arith.constant 0 : index
    %get3A_16 = arith.constant 0 : index
    %get3A_17 = vector.load %arg2[%get3A_15, %get3A_16] : memref<2000x128xf32, #tpu.memory_space<vmem>>, vector<2000x128xf32>
    %get3A_18 = arith.constant 0 : index
    %get3A_19 = arith.constant 0 : index
    %get3A_20 = vector.load %arg4[%get3A_18, %get3A_19] : memref<256x128xf32, #tpu.memory_space<vmem>>, vector<256x128xf32>
    %dot_general3A_21 = arith.constant dense<0.000000e+00> : vector<2000x256xf32>
    %dot_general3A_22 = tpu.matmul %get3A_17, %get3A_20, %dot_general3A_21 {dimension_numbers = #tpu.dot_dimension_numbers<[1], [1], [0], [0], [0, 0, 1, 0], [], []>, precision = #tpu.contract_precision<fp32>, transpose_lhs_hint = false} : vector<2000x128xf32>, vector<256x128xf32>, vector<2000x256xf32> -> vector<2000x256xf32>
    %add3A_23 = arith.addf %add3A, %dot_general3A_22 : vector<2000x256xf32>
    %get3A_24 = arith.constant 0 : index
    %get3A_25 = arith.constant 0 : index
    %get3A_26 = vector.load %arg5[%get3A_24, %get3A_25] : memref<1x256xf32, #tpu.memory_space<vmem>>, vector<1x256xf32>
    %add3A_27 = vector.broadcast %get3A_26 : vector<1x256xf32> to vector<2000x256xf32>
    %add3A_28 = arith.addf %add3A_23, %add3A_27 : vector<2000x256xf32>
    %max3A = arith.constant 0.000000e+00 : f32
    %max3A_29 = vector.broadcast %max3A : f32 to vector<2000x256xf32>
    %max3A_30 = arith.maximumf %add3A_28, %max3A_29 : vector<2000x256xf32>
    %slice3A = vector.extract_strided_slice %max3A_30 {offsets = [0, 0], sizes = [2000, 128], strides = [1, 1]} : vector<2000x256xf32> to vector<2000x128xf32>
    %swap3A = arith.constant 0 : index
    %swap3A_31 = arith.constant 0 : index
    %swap3A_32 = arith.constant 0 : index
    %swap3A_33 = vector.load %arg6[%swap3A, %swap3A_31, %swap3A_32] : memref<2x2000x128xf32, #tpu.memory_space<vmem>>, vector<1x2000x128xf32>
    %swap3A_34 = vector.shape_cast %swap3A_33 : vector<1x2000x128xf32> to vector<2000x128xf32>
    %swap3A_35 = vector.shape_cast %slice3A : vector<2000x128xf32> to vector<1x2000x128xf32>
    tpu.vector_store %arg6[%swap3A, %swap3A_31, %swap3A_32], %swap3A_35 {strides = array<i32>} : memref<2x2000x128xf32, #tpu.memory_space<vmem>>, vector<1x2000x128xf32>,
    %slice3A_36 = vector.extract_strided_slice %max3A_30 {offsets = [0, 128], sizes = [2000, 128], strides = [1, 1]} : vector<2000x256xf32> to vector<2000x128xf32>
    %swap3A_37 = arith.constant 1 : index
    %swap3A_38 = arith.constant 0 : index
    %swap3A_39 = arith.constant 0 : index
    %swap3A_40 = vector.load %arg6[%swap3A_37, %swap3A_38, %swap3A_39] : memref<2x2000x128xf32, #tpu.memory_space<vmem>>, vector<1x2000x128xf32>
    %swap3A_41 = vector.shape_cast %swap3A_40 : vector<1x2000x128xf32> to vector<2000x128xf32>
    %swap3A_42 = vector.shape_cast %slice3A_36 : vector<2000x128xf32> to vector<1x2000x128xf32>
    tpu.vector_store %arg6[%swap3A_37, %swap3A_38, %swap3A_39], %swap3A_42 {strides = array<i32>} : memref<2x2000x128xf32, #tpu.memory_space<vmem>>, vector<1x2000x128xf32>,
    return
  }
  func.func @transform_0(%arg0: i32) -> (i32, i32, i32) {
    %c0_i32 = arith.constant 0 : i32
    %c0_i32_0 = arith.constant 0 : i32
    %c0_i32_1 = arith.constant 0 : i32
    return %c0_i32, %arg0, %c0_i32_0 : i32, i32, i32
  }
  func.func @transform_1(%arg0: i32) -> (i32, i32) {
    %c0_i32 = arith.constant 0 : i32
    %c0_i32_0 = arith.constant 0 : i32
    return %arg0, %c0_i32 : i32, i32
  }
  func.func @transform_2(%arg0: i32) -> (i32, i32) {
    %c0_i32 = arith.constant 0 : i32
    %c0_i32_0 = arith.constant 0 : i32
    %c0_i32_1 = arith.constant 0 : i32
    return %c0_i32, %c0_i32_0 : i32, i32
  }
  func.func @transform_3(%arg0: i32) -> (i32, i32) {
    %c0_i32 = arith.constant 0 : i32
    %c0_i32_0 = arith.constant 0 : i32
    %c0_i32_1 = arith.constant 0 : i32
    return %c0_i32, %c0_i32_0 : i32, i32
  }
  func.func @transform_4(%arg0: i32) -> (i32, i32) {
    %c0_i32 = arith.constant 0 : i32
    %c0_i32_0 = arith.constant 0 : i32
    %c0_i32_1 = arith.constant 0 : i32
    return %c0_i32, %c0_i32_0 : i32, i32
  }
  func.func @transform_5(%arg0: i32) -> (i32, i32, i32) {
    %c0_i32 = arith.constant 0 : i32
    %c0_i32_0 = arith.constant 0 : i32
    %c0_i32_1 = arith.constant 0 : i32
    return %c0_i32, %arg0, %c0_i32_0 : i32, i32, i32
  }
}

module attributes {stable_mosaic.version = 14 : i64} {
  func.func @body(%arg0: i32, %arg1: memref<2x2000x128xf32, #tpu.memory_space<vmem>>, %arg2: memref<2x2000x128xf32, #tpu.memory_space<vmem>>, %arg3: memref<256x256xf32, #tpu.memory_space<vmem>>, %arg4: memref<256x256xf32, #tpu.memory_space<vmem>>, %arg5: memref<1x256xf32, #tpu.memory_space<vmem>>, %arg6: memref<128x256xf32, #tpu.memory_space<vmem>>, %arg7: memref<1x128xf32, #tpu.memory_space<vmem>>, %arg8: memref<1x128xf32, #tpu.memory_space<vmem>>, %arg9: memref<1x128xf32, #tpu.memory_space<vmem>>, %arg10: memref<1x1x2000xi32, #tpu.memory_space<vmem>>, %arg11: memref<2000x128xf32, #tpu.memory_space<vmem>>, %arg12: memref<256x128xf32, #tpu.memory_space<vmem>>) attributes {dimension_semantics = [#tpu.dimension_semantics<arbitrary>], iteration_bounds = array<i64: 5>, scalar_prefetch = 0 : i64, scratch_operands = 0 : i64, tpu.core_type = #tpu.core_type<tc>, window_params = [{transform_indices = @transform_0, window_bounds = array<i64: 2, 2000, 128>}, {transform_indices = @transform_1, window_bounds = array<i64: 2, 2000, 128>}, {pipeline_mode = #tpu.pipeline_mode<synchronous>, transform_indices = @transform_2, window_bounds = array<i64: 256, 256>}, {pipeline_mode = #tpu.pipeline_mode<synchronous>, transform_indices = @transform_3, window_bounds = array<i64: 256, 256>}, {pipeline_mode = #tpu.pipeline_mode<synchronous>, transform_indices = @transform_4, window_bounds = array<i64: 1, 256>}, {pipeline_mode = #tpu.pipeline_mode<synchronous>, transform_indices = @transform_5, window_bounds = array<i64: 128, 256>}, {pipeline_mode = #tpu.pipeline_mode<synchronous>, transform_indices = @transform_6, window_bounds = array<i64: 1, 128>}, {pipeline_mode = #tpu.pipeline_mode<synchronous>, transform_indices = @transform_7, window_bounds = array<i64: 1, 128>}, {pipeline_mode = #tpu.pipeline_mode<synchronous>, transform_indices = @transform_8, window_bounds = array<i64: 1, 128>}, {transform_indices = @transform_9, window_bounds = array<i64: 1, 1, 2000>}, {transform_indices = @transform_10, window_bounds = array<i64: 2000, 128>}, {pipeline_mode = #tpu.pipeline_mode<synchronous>, transform_indices = @transform_11, window_bounds = array<i64: 256, 128>}]} {
    %get3A = arith.constant 0 : index
    %get3A_0 = arith.constant 0 : index
    %get3A_1 = arith.constant 0 : index
    %get3A_2 = vector.load %arg1[%get3A, %get3A_0, %get3A_1] : memref<2x2000x128xf32, #tpu.memory_space<vmem>>, vector<1x2000x128xf32>
    %get3A_3 = vector.shape_cast %get3A_2 : vector<1x2000x128xf32> to vector<2000x128xf32>
    %get3A_4 = arith.constant 0 : index
    %get3A_5 = arith.constant 0 : index
    %get3A_6 = vector.load %arg3[%get3A_4, %get3A_5] : memref<256x256xf32, #tpu.memory_space<vmem>>, vector<256x256xf32>
    %slice3A = vector.extract_strided_slice %get3A_6 {offsets = [0, 0], sizes = [256, 128], strides = [1, 1]} : vector<256x256xf32> to vector<256x128xf32>
    %dot_general3A = arith.constant dense<0.000000e+00> : vector<2000x256xf32>
    %dot_general3A_7 = tpu.matmul %get3A_3, %slice3A, %dot_general3A {dimension_numbers = #tpu.dot_dimension_numbers<[1], [1], [0], [0], [0, 0, 1, 0], [], []>, precision = #tpu.contract_precision<fp32>, transpose_lhs_hint = false} : vector<2000x128xf32>, vector<256x128xf32>, vector<2000x256xf32> -> vector<2000x256xf32>
    %get3A_8 = arith.constant 1 : index
    %get3A_9 = arith.constant 0 : index
    %get3A_10 = arith.constant 0 : index
    %get3A_11 = vector.load %arg1[%get3A_8, %get3A_9, %get3A_10] : memref<2x2000x128xf32, #tpu.memory_space<vmem>>, vector<1x2000x128xf32>
    %get3A_12 = vector.shape_cast %get3A_11 : vector<1x2000x128xf32> to vector<2000x128xf32>
    %get3A_13 = arith.constant 0 : index
    %get3A_14 = arith.constant 0 : index
    %get3A_15 = vector.load %arg3[%get3A_13, %get3A_14] : memref<256x256xf32, #tpu.memory_space<vmem>>, vector<256x256xf32>
    %slice3A_16 = vector.extract_strided_slice %get3A_15 {offsets = [0, 128], sizes = [256, 128], strides = [1, 1]} : vector<256x256xf32> to vector<256x128xf32>
    %dot_general3A_17 = arith.constant dense<0.000000e+00> : vector<2000x256xf32>
    %dot_general3A_18 = tpu.matmul %get3A_12, %slice3A_16, %dot_general3A_17 {dimension_numbers = #tpu.dot_dimension_numbers<[1], [1], [0], [0], [0, 0, 1, 0], [], []>, precision = #tpu.contract_precision<fp32>, transpose_lhs_hint = false} : vector<2000x128xf32>, vector<256x128xf32>, vector<2000x256xf32> -> vector<2000x256xf32>
    %add3A = arith.addf %dot_general3A_7, %dot_general3A_18 : vector<2000x256xf32>
    %get3A_19 = arith.constant 0 : index
    %get3A_20 = arith.constant 0 : index
    %get3A_21 = arith.constant 0 : index
    %get3A_22 = vector.load %arg2[%get3A_19, %get3A_20, %get3A_21] : memref<2x2000x128xf32, #tpu.memory_space<vmem>>, vector<1x2000x128xf32>
    %get3A_23 = vector.shape_cast %get3A_22 : vector<1x2000x128xf32> to vector<2000x128xf32>
    %get3A_24 = arith.constant 0 : index
    %get3A_25 = arith.constant 0 : index
    %get3A_26 = vector.load %arg4[%get3A_24, %get3A_25] : memref<256x256xf32, #tpu.memory_space<vmem>>, vector<256x256xf32>
    %slice3A_27 = vector.extract_strided_slice %get3A_26 {offsets = [0, 0], sizes = [256, 128], strides = [1, 1]} : vector<256x256xf32> to vector<256x128xf32>
    %dot_general3A_28 = arith.constant dense<0.000000e+00> : vector<2000x256xf32>
    %dot_general3A_29 = tpu.matmul %get3A_23, %slice3A_27, %dot_general3A_28 {dimension_numbers = #tpu.dot_dimension_numbers<[1], [1], [0], [0], [0, 0, 1, 0], [], []>, precision = #tpu.contract_precision<fp32>, transpose_lhs_hint = false} : vector<2000x128xf32>, vector<256x128xf32>, vector<2000x256xf32> -> vector<2000x256xf32>
    %add3A_30 = arith.addf %add3A, %dot_general3A_29 : vector<2000x256xf32>
    %get3A_31 = arith.constant 1 : index
    %get3A_32 = arith.constant 0 : index
    %get3A_33 = arith.constant 0 : index
    %get3A_34 = vector.load %arg2[%get3A_31, %get3A_32, %get3A_33] : memref<2x2000x128xf32, #tpu.memory_space<vmem>>, vector<1x2000x128xf32>
    %get3A_35 = vector.shape_cast %get3A_34 : vector<1x2000x128xf32> to vector<2000x128xf32>
    %get3A_36 = arith.constant 0 : index
    %get3A_37 = arith.constant 0 : index
    %get3A_38 = vector.load %arg4[%get3A_36, %get3A_37] : memref<256x256xf32, #tpu.memory_space<vmem>>, vector<256x256xf32>
    %slice3A_39 = vector.extract_strided_slice %get3A_38 {offsets = [0, 128], sizes = [256, 128], strides = [1, 1]} : vector<256x256xf32> to vector<256x128xf32>
    %dot_general3A_40 = arith.constant dense<0.000000e+00> : vector<2000x256xf32>
    %dot_general3A_41 = tpu.matmul %get3A_35, %slice3A_39, %dot_general3A_40 {dimension_numbers = #tpu.dot_dimension_numbers<[1], [1], [0], [0], [0, 0, 1, 0], [], []>, precision = #tpu.contract_precision<fp32>, transpose_lhs_hint = false} : vector<2000x128xf32>, vector<256x128xf32>, vector<2000x256xf32> -> vector<2000x256xf32>
    %add3A_42 = arith.addf %add3A_30, %dot_general3A_41 : vector<2000x256xf32>
    %get3A_43 = arith.constant 0 : index
    %get3A_44 = arith.constant 0 : index
    %get3A_45 = vector.load %arg5[%get3A_43, %get3A_44] : memref<1x256xf32, #tpu.memory_space<vmem>>, vector<1x256xf32>
    %add3A_46 = vector.broadcast %get3A_45 : vector<1x256xf32> to vector<2000x256xf32>
    %add3A_47 = arith.addf %add3A_42, %add3A_46 : vector<2000x256xf32>
    %max3A = arith.constant 0.000000e+00 : f32
    %max3A_48 = vector.broadcast %max3A : f32 to vector<2000x256xf32>
    %max3A_49 = arith.maximumf %add3A_47, %max3A_48 : vector<2000x256xf32>
    %get3A_50 = arith.constant 0 : index
    %get3A_51 = arith.constant 0 : index
    %get3A_52 = vector.load %arg6[%get3A_50, %get3A_51] : memref<128x256xf32, #tpu.memory_space<vmem>>, vector<128x256xf32>
    %dot_general3A_53 = arith.constant dense<0.000000e+00> : vector<2000x128xf32>
    %dot_general3A_54 = tpu.matmul %max3A_49, %get3A_52, %dot_general3A_53 {dimension_numbers = #tpu.dot_dimension_numbers<[1], [1], [0], [0], [0, 0, 1, 0], [], []>, precision = #tpu.contract_precision<fp32>, transpose_lhs_hint = false} : vector<2000x256xf32>, vector<128x256xf32>, vector<2000x128xf32> -> vector<2000x128xf32>
    %get3A_55 = arith.constant 0 : index
    %get3A_56 = arith.constant 0 : index
    %get3A_57 = vector.load %arg7[%get3A_55, %get3A_56] : memref<1x128xf32, #tpu.memory_space<vmem>>, vector<1x128xf32>
    %add3A_58 = vector.broadcast %get3A_57 : vector<1x128xf32> to vector<2000x128xf32>
    %add3A_59 = arith.addf %dot_general3A_54, %add3A_58 : vector<2000x128xf32>
    %reduce_sum3A = arith.constant dense<0.000000e+00> : vector<2000xf32>
    %reduce_sum3A_60 = vector.multi_reduction <add>, %add3A_59, %reduce_sum3A [1] : vector<2000x128xf32> to vector<2000xf32>
    %broadcast_in_dim3A = vector.shape_cast %reduce_sum3A_60 : vector<2000xf32> to vector<2000x1xf32>
    %div3A = arith.constant 1.280000e+02 : f32
    %div3A_61 = vector.broadcast %div3A : f32 to vector<2000x1xf32>
    %div3A_62 = arith.divf %broadcast_in_dim3A, %div3A_61 : vector<2000x1xf32>
    %sub3A = vector.broadcast %div3A_62 : vector<2000x1xf32> to vector<2000x128xf32>
    %sub3A_63 = arith.subf %add3A_59, %sub3A : vector<2000x128xf32>
    %integer_pow3A = arith.mulf %sub3A_63, %sub3A_63 : vector<2000x128xf32>
    %reduce_sum3A_64 = arith.constant dense<0.000000e+00> : vector<2000xf32>
    %reduce_sum3A_65 = vector.multi_reduction <add>, %integer_pow3A, %reduce_sum3A_64 [1] : vector<2000x128xf32> to vector<2000xf32>
    %broadcast_in_dim3A_66 = vector.shape_cast %reduce_sum3A_65 : vector<2000xf32> to vector<2000x1xf32>
    %div3A_67 = arith.constant 1.280000e+02 : f32
    %div3A_68 = vector.broadcast %div3A_67 : f32 to vector<2000x1xf32>
    %div3A_69 = arith.divf %broadcast_in_dim3A_66, %div3A_68 : vector<2000x1xf32>
    %sub3A_70 = vector.broadcast %div3A_62 : vector<2000x1xf32> to vector<2000x128xf32>
    %sub3A_71 = arith.subf %add3A_59, %sub3A_70 : vector<2000x128xf32>
    %add3A_72 = arith.constant 9.99999974E-6 : f32
    %add3A_73 = vector.broadcast %add3A_72 : f32 to vector<2000x1xf32>
    %add3A_74 = arith.addf %div3A_69, %add3A_73 : vector<2000x1xf32>
    %rsqrt3A = math.rsqrt %add3A_74 : vector<2000x1xf32>
    %mul3A = vector.broadcast %rsqrt3A : vector<2000x1xf32> to vector<2000x128xf32>
    %mul3A_75 = arith.mulf %sub3A_71, %mul3A : vector<2000x128xf32>
    %get3A_76 = arith.constant 0 : index
    %get3A_77 = arith.constant 0 : index
    %get3A_78 = vector.load %arg8[%get3A_76, %get3A_77] : memref<1x128xf32, #tpu.memory_space<vmem>>, vector<1x128xf32>
    %mul3A_79 = vector.broadcast %get3A_78 : vector<1x128xf32> to vector<2000x128xf32>
    %mul3A_80 = arith.mulf %mul3A_75, %mul3A_79 : vector<2000x128xf32>
    %get3A_81 = arith.constant 0 : index
    %get3A_82 = arith.constant 0 : index
    %get3A_83 = vector.load %arg9[%get3A_81, %get3A_82] : memref<1x128xf32, #tpu.memory_space<vmem>>, vector<1x128xf32>
    %add3A_84 = vector.broadcast %get3A_83 : vector<1x128xf32> to vector<2000x128xf32>
    %add3A_85 = arith.addf %mul3A_80, %add3A_84 : vector<2000x128xf32>
    %max3A_86 = arith.constant 0.000000e+00 : f32
    %max3A_87 = vector.broadcast %max3A_86 : f32 to vector<2000x128xf32>
    %max3A_88 = arith.maximumf %add3A_85, %max3A_87 : vector<2000x128xf32>
    %swap3A = arith.constant 0 : index
    %swap3A_89 = arith.constant 0 : index
    %swap3A_90 = vector.load %arg11[%swap3A, %swap3A_89] : memref<2000x128xf32, #tpu.memory_space<vmem>>, vector<2000x128xf32>
    tpu.vector_store %arg11[%swap3A, %swap3A_89], %max3A_88 {strides = array<i32>} : memref<2000x128xf32, #tpu.memory_space<vmem>>, vector<2000x128xf32>,
    %get3A_91 = arith.constant 0 : index
    %get3A_92 = arith.constant 0 : index
    %get3A_93 = arith.constant 0 : index
    %get3A_94 = vector.load %arg10[%get3A_91, %get3A_92, %get3A_93] : memref<1x1x2000xi32, #tpu.memory_space<vmem>>, vector<1x1x2000xi32>
    %get3A_95 = vector.shape_cast %get3A_94 : vector<1x1x2000xi32> to vector<2000xi32>
    %iota3A = tpu.iota {dimensions = array<i32: 0>} : vector<256x2000xi32>
    %broadcast_in_dim3A_96 = vector.shape_cast %get3A_95 : vector<2000xi32> to vector<1x2000xi32>
    %eq3A = vector.broadcast %broadcast_in_dim3A_96 : vector<1x2000xi32> to vector<256x2000xi32>
    %eq3A_97 = arith.cmpi eq, %iota3A, %eq3A : vector<256x2000xi32>
    %convert_element_type3A = arith.extui %eq3A_97 : vector<256x2000xi1> to vector<256x2000xi32>
    %convert_element_type3A_98 = arith.sitofp %convert_element_type3A : vector<256x2000xi32> to vector<256x2000xf32>
    %dot_general3A_99 = arith.constant dense<0.000000e+00> : vector<256x128xf32>
    %dot_general3A_100 = tpu.matmul %convert_element_type3A_98, %max3A_88, %dot_general3A_99 {dimension_numbers = #tpu.dot_dimension_numbers<[1], [0], [0], [1], [0, 0, 1, 1], [], []>, precision = #tpu.contract_precision<fp32>, transpose_lhs_hint = false} : vector<256x2000xf32>, vector<2000x128xf32>, vector<256x128xf32> -> vector<256x128xf32>
    %eq3A_101 = arith.constant 0 : i32
    %eq3A_102 = arith.cmpi eq, %arg0, %eq3A_101 : i32
    %convert_element_type3A_103 = arith.extui %eq3A_102 : i1 to i32
    %cond3A = arith.constant 0 : i32
    %cond3A_104 = arith.cmpi ne, %convert_element_type3A_103, %cond3A : i32
    scf.if %cond3A_104 {
      %broadcast_in_dim3A_112 = arith.constant 0.000000e+00 : f32
      %broadcast_in_dim3A_113 = vector.broadcast %broadcast_in_dim3A_112 : f32 to vector<256x128xf32>
      %swap3A_114 = arith.constant 0 : index
      %swap3A_115 = arith.constant 0 : index
      %swap3A_116 = vector.load %arg12[%swap3A_114, %swap3A_115] : memref<256x128xf32, #tpu.memory_space<vmem>>, vector<256x128xf32>
      tpu.vector_store %arg12[%swap3A_114, %swap3A_115], %broadcast_in_dim3A_113 {strides = array<i32>} : memref<256x128xf32, #tpu.memory_space<vmem>>, vector<256x128xf32>,
    } else {
    }
    %get3A_105 = arith.constant 0 : index
    %get3A_106 = arith.constant 0 : index
    %get3A_107 = vector.load %arg12[%get3A_105, %get3A_106] : memref<256x128xf32, #tpu.memory_space<vmem>>, vector<256x128xf32>
    %add3A_108 = arith.addf %get3A_107, %dot_general3A_100 : vector<256x128xf32>
    %swap3A_109 = arith.constant 0 : index
    %swap3A_110 = arith.constant 0 : index
    %swap3A_111 = vector.load %arg12[%swap3A_109, %swap3A_110] : memref<256x128xf32, #tpu.memory_space<vmem>>, vector<256x128xf32>
    tpu.vector_store %arg12[%swap3A_109, %swap3A_110], %add3A_108 {strides = array<i32>} : memref<256x128xf32, #tpu.memory_space<vmem>>, vector<256x128xf32>,
    return
  }
  func.func @transform_0(%arg0: i32) -> (i32, i32, i32) {
    %c0_i32 = arith.constant 0 : i32
    %c0_i32_0 = arith.constant 0 : i32
    %c0_i32_1 = arith.constant 0 : i32
    return %c0_i32, %arg0, %c0_i32_0 : i32, i32, i32
  }
  func.func @transform_1(%arg0: i32) -> (i32, i32, i32) {
    %c0_i32 = arith.constant 0 : i32
    %c0_i32_0 = arith.constant 0 : i32
    %c0_i32_1 = arith.constant 0 : i32
    return %c0_i32, %arg0, %c0_i32_0 : i32, i32, i32
  }
  func.func @transform_2(%arg0: i32) -> (i32, i32) {
    %c0_i32 = arith.constant 0 : i32
    %c0_i32_0 = arith.constant 0 : i32
    %c0_i32_1 = arith.constant 0 : i32
    return %c0_i32, %c0_i32_0 : i32, i32
  }
  func.func @transform_3(%arg0: i32) -> (i32, i32) {
    %c0_i32 = arith.constant 0 : i32
    %c0_i32_0 = arith.constant 0 : i32
    %c0_i32_1 = arith.constant 0 : i32
    return %c0_i32, %c0_i32_0 : i32, i32
  }
  func.func @transform_4(%arg0: i32) -> (i32, i32) {
    %c0_i32 = arith.constant 0 : i32
    %c0_i32_0 = arith.constant 0 : i32
    %c0_i32_1 = arith.constant 0 : i32
    return %c0_i32, %c0_i32_0 : i32, i32
  }
  func.func @transform_5(%arg0: i32) -> (i32, i32) {
    %c0_i32 = arith.constant 0 : i32
    %c0_i32_0 = arith.constant 0 : i32
    %c0_i32_1 = arith.constant 0 : i32
    return %c0_i32, %c0_i32_0 : i32, i32
  }
  func.func @transform_6(%arg0: i32) -> (i32, i32) {
    %c0_i32 = arith.constant 0 : i32
    %c0_i32_0 = arith.constant 0 : i32
    %c0_i32_1 = arith.constant 0 : i32
    return %c0_i32, %c0_i32_0 : i32, i32
  }
  func.func @transform_7(%arg0: i32) -> (i32, i32) {
    %c0_i32 = arith.constant 0 : i32
    %c0_i32_0 = arith.constant 0 : i32
    %c0_i32_1 = arith.constant 0 : i32
    return %c0_i32, %c0_i32_0 : i32, i32
  }
  func.func @transform_8(%arg0: i32) -> (i32, i32) {
    %c0_i32 = arith.constant 0 : i32
    %c0_i32_0 = arith.constant 0 : i32
    %c0_i32_1 = arith.constant 0 : i32
    return %c0_i32, %c0_i32_0 : i32, i32
  }
  func.func @transform_9(%arg0: i32) -> (i32, i32, i32) {
    %c0_i32 = arith.constant 0 : i32
    %c0_i32_0 = arith.constant 0 : i32
    %c0_i32_1 = arith.constant 0 : i32
    return %arg0, %c0_i32, %c0_i32_0 : i32, i32, i32
  }
  func.func @transform_10(%arg0: i32) -> (i32, i32) {
    %c0_i32 = arith.constant 0 : i32
    %c0_i32_0 = arith.constant 0 : i32
    return %arg0, %c0_i32 : i32, i32
  }
  func.func @transform_11(%arg0: i32) -> (i32, i32) {
    %c0_i32 = arith.constant 0 : i32
    %c0_i32_0 = arith.constant 0 : i32
    %c0_i32_1 = arith.constant 0 : i32
    return %c0_i32, %c0_i32_0 : i32, i32
  }
}

</mosaic_0001>

<sc_bundles>
// kernel: kernel.11.cloned.1.call-start
scs
__scs_entry_jumppad:
0x0: {  	(pc) =	sbr.rel $0x88, $3  }
0x1: {  	(tag) =	ssettag $0x0;
	lr =	simm.s32 $0x1  }
0x2: {  	[smem:$0x3F91] =	sst lr;
	_ =	strace $0xD0000000  }
0x3: {  	_ = 	snop  }
0x4: {  	_ = 	snop  }
0x5: {  	_ = 	snop  }
0x6: {  	_ = 	snop  }
0x7: {  	_ = 	snop  }
__scs_overlays_trampoline_lowered:
0x8: {  	[smem:$0x3FA0] =	sst s0  }
0x9: {  	[smem:$0x3FA1] =	sst s1  }
0xa: {  	[smem:$0x3FA2] =	sst s2  }
0xb: {  	[smem:$0x3FA3] =	sst s3  }
0xc: {  	[smem:$0x3FA4] =	sst s4  }
0xd: {  	[smem:$0x3FA5] =	sst s5  }
0xe: {  	[smem:$0x3FA6] =	sst s6  }
0xf: {  	[smem:$0x3FA7] =	sst s7  }
0x10: {  	[smem:$0x3FA8] =	sst s8  }
0x11: {  	[smem:$0x3FA9] =	sst s9;
	s0 =	simm.s32 @!p0 $0x0  }
0x12: {  	s1 =	sld [smem:$0x3F8F];
	s0 =	simm.s32 @p0 $0x1  }
0x13: {  	[smem:$0x3FAA] =	sst s0;
	s0 =	simm.s32 @!p1 $0x0  }
0x14: {  	s2 =	sld [smem:$0x3F8E];
	s0 =	simm.s32 @p1 $0x1  }
0x15: {  	[smem:$0x3FAB] =	sst s0;
	s0 =	simm.s32 @!p2 $0x0  }
0x16: {  	s3 =	sld [smem:$0x3FDB];
	s0 =	simm.s32 @p2 $0x1  }
0x17: {  	s4 =	simm.s32 $0x1BF5;
	[smem:$0x3FAD] =	sst s0  }
0x18: {  	s0 =	sld [smem:$0x3F90];
	_ =	swait.ge [sflag:s4], $0x0  }
0x19: {  	s7 =	sld [smem:$0x3F91]  }
0x1a: {  	s8 =	sadd.s32 $0xFFFFE003, lr  }
0x1b: {  	s9 =	sadd.s32 $0xFFFFFEF7, lr;
	s5 =	simm.s32 $0xFFFFFFFF;
	p2 =	slt.u32 s8, $0xFFFFF086  }
0x1c: {  	p1 =	slt.u32 s9, $0xF7A;
	s5 =	simm.s32 @!p2 $0x0  }
0x1d: {  	s5 =	simm.s32 @p1 $0x1;
	p0 =	seq.s32 s7, s2  }
0x1e: {  	s7 =	smul.u32 @!p0 $0xF7A, s2;
	p2 =	seq.s32 @!p0 s5, $0x0  }
0x1f: {  	s9 =	smul.u32 $0xF7A, s1;
	s8 =	simm.s32 @!p0 $0x1BF5;
	p2 =	por !p2, p0  }
0x20: {  	[sflag:s8] =	ssyncset.s32 @!p0 $0xFFFFF086;
	s6 =	sadd.s32 @!p0 s3, s7;
	s7 =	simm.s32 @!p0 $0x108  }
0x21: {  	s3 =	sadd.s32 s3, s9;
	s6 =	sadd.s32 @!p0 $0x88, s6;
	s7 =	simm.s32 @p2 $0x1082  }
0x22: {  	[simem:s7], [sflag:s8] =	dma.local @!p0 [hbm:s6], $0xF7A  }
0x23: {  	s9 =	sor.u32 $0xD0000000, s2;
	s6 =	simm.s32 $0x108;
	_ =	swait.ge @!p0 [sflag:s8], $0x0  }
0x24: {  	s3 =	sadd.s32 $0x88, s3;
	s6 =	simm.s32 @!p1 $0x1082;
	[sflag:s4] =	ssyncset.s32 $0xFFFFF086  }
0x25: {  	[simem:s6], [sflag:s4] =	dma.local [hbm:s3], $0xF7A  }
0x26: {  	[smem:$0x3F91] =	sst s1;
	(tag) =	ssettag s2;
	_ =	strace s9  }
0x27: {  	s1 =	sld [smem:$0x3FA1]  }
0x28: {  	s2 =	sld [smem:$0x3FA2]  }
0x29: {  	s4 =	sld [smem:$0x3FA4]  }
0x2a: {  	p0 =	seq.s32 s5, $0x0;
	s5 =	sld [smem:$0x3FA5]  }
0x2b: {  	s6 =	sld [smem:$0x3FA6]  }
0x2c: {  	s7 =	sld [smem:$0x3FA7]  }
0x2d: {  	s3 =	simm.s32 $0x108;
	s8 =	sld [smem:$0x3FA8]  }
0x2e: {  	s3 =	simm.s32 @!p0 $0x1082;
	s9 =	sld [smem:$0x3FA9]  }
0x2f: {  	lr =	sadd.s32 s0, s3;
	s0 =	sld [smem:$0x3FA0]  }
0x30: {  	s3 =	sld [smem:$0x3FA3]  }
0x31: {  	[smem:$0x3FAC] =	sst s10  }
0x32: {  	s10 =	sld [smem:$0x3FAA];
	_ =	sdelay $0x3  }
0x33: {  	p0 =	seq.s32 s10, $0x1;
	s10 =	sld [smem:$0x3FAC];
	_ =	sdelay $0x3  }
0x34: {  	[smem:$0x3FAC] =	sst s10  }
0x35: {  	s10 =	sld [smem:$0x3FAB];
	_ =	sdelay $0x3  }
0x36: {  	p1 =	seq.s32 s10, $0x1;
	s10 =	sld [smem:$0x3FAC];
	_ =	sdelay $0x3  }
0x37: {  	[smem:$0x3FAC] =	sst s10  }
0x38: {  	s10 =	sld [smem:$0x3FAD]  }
0x39: {  	_ = 	snop;
	(pc) =	sbr.ind lr, $3  }
0x3a: {  	_ = 	snop  }
0x3b: {  	_ = 	snop  }
0x3c: {  	p2 =	seq.s32 s10, $0x1;
	s10 =	sld [smem:$0x3FAC]  }
0x3d: {  	_ =	shalt  }
0x3e: {  	_ =	shalt  }
0x3f: {  	_ =	shalt  }
0x40: {  	_ =	shalt  }
0x41: {  	_ =	shalt  }
0x42: {  	_ =	shalt  }
0x43: {  	_ =	shalt  }
0x44: {  	_ =	shalt  }
0x45: {  	_ =	shalt  }
0x46: {  	_ =	shalt  }
0x47: {  	_ =	shalt  }
0x48: {  	_ =	shalt  }
0x49: {  	_ =	shalt  }
0x4a: {  	_ =	shalt  }
0x4b: {  	_ =	shalt  }
0x4c: {  	_ =	shalt  }
0x4d: {  	_ =	shalt  }
0x4e: {  	_ =	shalt  }
0x4f: {  	_ =	shalt  }
0x50: {  	_ =	shalt  }
0x51: {  	_ =	shalt  }
0x52: {  	_ =	shalt  }
0x53: {  	_ =	shalt  }
0x54: {  	_ =	shalt  }
0x55: {  	_ =	shalt  }
0x56: {  	_ =	shalt  }
0x57: {  	_ =	shalt  }
0x58: {  	_ =	shalt  }
0x59: {  	_ =	shalt  }
0x5a: {  	_ =	shalt  }
0x5b: {  	_ =	shalt  }
0x5c: {  	_ =	shalt  }
0x5d: {  	_ =	shalt  }
0x5e: {  	_ =	shalt  }
0x5f: {  	_ =	shalt  }
0x60: {  	_ =	shalt  }
0x61: {  	_ =	shalt  }
0x62: {  	_ =	shalt  }
0x63: {  	_ =	shalt  }
0x64: {  	_ =	shalt  }
0x65: {  	_ =	shalt  }
0x66: {  	_ =	shalt  }
0x67: {  	_ =	shalt  }
0x68: {  	_ =	shalt  }
0x69: {  	_ =	shalt  }
0x6a: {  	_ =	shalt  }
0x6b: {  	_ =	shalt  }
0x6c: {  	_ =	shalt  }
0x6d: {  	_ =	shalt  }
0x6e: {  	_ =	shalt  }
0x6f: {  	_ =	shalt  }
0x70: {  	_ =	shalt  }
0x71: {  	_ =	shalt  }
0x72: {  	_ =	shalt  }
0x73: {  	_ =	shalt  }
0x74: {  	_ =	shalt  }
0x75: {  	_ =	shalt  }
0x76: {  	_ =	shalt  }
0x77: {  	_ =	shalt  }
0x78: {  	_ =	shalt  }
0x79: {  	_ =	shalt  }
0x7a: {  	_ =	shalt  }
0x7b: {  	_ =	shalt  }
0x7c: {  	_ =	shalt  }
0x7d: {  	_ =	shalt  }
0x7e: {  	_ =	shalt  }
0x7f: {  	_ =	shalt  }
0x80: {  	_ =	shalt  }
0x81: {  	_ =	shalt  }
0x82: {  	_ =	shalt  }
0x83: {  	_ =	shalt  }
0x84: {  	_ =	shalt  }
0x85: {  	_ =	shalt  }
0x86: {  	_ =	shalt  }
0x87: {  	_ =	shalt  }
.Lfunc_end0:
.L_simem_size_0:
called_computation.1_lowered:
.L_overlay_start_0:
0x88: {  	s2 =	sld [smem:$0x3FD9]  }
0x89: {  	s3 =	sld [smem:$0x3FFE];
	_ =	sdelay $0x1  }
0x8a: {  	s1 =	srdreg.scid  }
0x8b: {  	s0 =	sand.u32 $0x1, s1  }
0x8c: {  	s14 =	sshll.u32 s0, $0xA;
	s2 =	sadd.s32 s3, s2  }
0x8d: {  	s2 =	sadd.s32 s2, s14  }
0x8e: {  	[smem:$0x3FB8] =	sst s2  }
0x8f: {  	_ = 	snop  }
0x90: {  	s2 =	sld [smem:$0x3FD0];
	_ =	sdelay $0x2  }
0x91: {  	s15 =	simm.s32 $0xA;
	s4 =	simm.s32 $0x10  }
0x92: {  	[smem:s4], [sflag:s15] =	dma.local [hbm:s2], $0x1  }
0x93: {  	_ =	swait.eq [sflag:s15], $0x1  }
0x94: {  	[sflag:s15] =	ssyncset.done $0x0  }
0x95: {  	[sflag:s15] =	ssyncadd.s32 $0xFFFFFFFF  }
0x96: {  	s16 =	sld [smem:$0x10];
	(tm) =	ssettm $0x1  }
0x97: {  	s17 =	sld [smem:$0x3FFB];
	_ =	sdelay $0x3  }
0x98: {  	_ =	strace s17  }
0x99: {  	s3 =	sld [smem:$0x3FFC];
	_ =	sdelay $0x3  }
0x9a: {  	_ =	strace s3  }
0x9b: {  	s3 =	sld [smem:$0x3FFD];
	_ =	sdelay $0x3  }
0x9c: {  	_ =	strace s3  }
0x9d: {  	_ =	strace $0x8FFFFFFF  }
0x9e: {  	s18 =	sld [smem:$0x3FDB];
	_ =	sdelay $0x1  }
0x9f: {  	s19 =	simm.s32 $_scs_section_size  }
0xa0: {  	s5 =	simm.s32 $_size__tile_overlayer_lowered;
	s6 =	simm.s32 $_tile_overlayer_lowered  }
0xa1: {  	s22 =	simm.s32 $0x1BFF;
	s21 =	sshll.u32 s6, $0x1;
	s3 =	sadd.s32 s19, s18  }
0xa2: {  	s7 =	simm.s32 $0x0;
	s20 =	sshll.u32 s5, $0x1;
	s5 =	sadd.s32 s21, s3  }
0xa3: {  	[timem:s7], [sflag:s22] =	dma.local [hbm:s5], s20  }
0xa4: {  	_ =	swait.ge [sflag:s22], s20  }
0xa5: {  	s4 =	ssub.s32 $0x0, s20;
	[sflag:s22] =	ssyncset.done $0x0  }
0xa6: {  	[sflag:s22] =	ssyncadd.s32 s4;
	_ =	sdelay $0x1  }
0xa7: {  	s23 =	simm.s32 $0x1B8B  }
0xa8: {  	_ =	swait.ge [sflag:s23], $0x1  }
0xa9: {  	[sflag:s23] =	ssyncset.done $0x0  }
0xaa: {  	s25 =	simm.s32 $0x1B8E;
	s24 =	sld [smem:$0x3FFE];
	[sflag:s23] =	ssyncadd.s32 $0xFFFFFFFF  }
0xab: {  	s26 =	simm.s32 $execute0_lowered;
	[smem:$0x3FD2] =	sst s25  }
0xac: {  	s5 =	sshll.u32 s26, $0x1;
	_ =	strace $0x80000049;
	[dreg:$0x1] =	wrdreg $0xFFFFFFFF  }
0xad: {  	s28 =	simm.s32 $_size_execute0_lowered;
	s3 =	sadd.s32 s3, s5;
	[dreg:$0x0] =	wrdreg $0x0  }
0xae: {  	s5 =	sshll.u32 s28, $0x1;
	[dreg:$0x2] =	wrdreg s3  }
0xaf: {  	[dreg:$0x3] =	wrdreg s5  }
0xb0: {  	[dreg:$0x4] =	wrdreg $0xC0  }
0xb1: {  	_ =	task [dreg:s7], $0x5FFFF  }
0xb2: {  	[dreg:$0x1] =	wrdreg $0xFFFFFFFF  }
0xb3: {  	[dreg:$0x0] =	wrdreg $0x60  }
0xb4: {  	[dreg:$0x2] =	wrdreg s16  }
0xb5: {  	[dreg:$0x3] =	wrdreg s24  }
0xb6: {  	[dreg:$0x4] =	wrdreg $0xB1000  }
0xb7: {  	[dreg:$0x5] =	wrdreg $0x9  }
0xb8: {  	_ =	task.clear_ibuf [dreg:s7], $0x6FFFF;
	_ =	strace $0x90000049  }
0xb9: {  	s29 =	simm.s32 $0x9;
	_ =	strace $0x8000004B  }
0xba: {  	_ =	swait.ge [sflag:s29], $0x1  }
0xbb: {  	[sflag:s29] =	ssyncadd.s32 $0xFFFFFFFF  }
0xbc: {  	_ =	strace $0x9000004B  }
0xbd: {  	_ =	sfence  }
0xbe: {  	s30 =	sld [smem:$0x0];
	_ =	sdelay $0x2  }
0xbf: {  	s31 =	sshll.u32 s1, $0xD;
	s1 =	sshrl.u32 s1, $0x2  }
0xc0: {  	s3 =	sand.u32 $0x4000, s31;
	s1 =	sadd.s32 s1, s30  }
0xc1: {  	s0 =	sor.u32 s3, s0;
	s1 =	sshll.u32 s1, $0x11  }
0xc2: {  	s0 =	sor.u32 s1, s0  }
0xc3: {  	s0 =	sadd.s32 $0x8F2B, s0  }
0xc4: {  	[sflag:s0] =	ssyncadd.remote.s32 $0x1  }
0xc5: {  	_ =	sfence.sel $0xFFFF  }
0xc6: {  	[dreg:$0x0] =	wrdreg $0xFFFFFFFF;
	(pc) =	sbr.abs _section_cstart, $3  }
0xc7: {  	[dreg:$0x1] =	wrdreg $0xFFFFFFFF  }
0xc8: {  	_ =	task.clear_ibuf [dreg:s7], $0x2FFFF;
	_ =	strace $0x9FFFFFFF  }
0xc9: {  	(tm) =	ssettm $0x7FFFFFFF  }
tec
execute0_lowered:
.L_overlay_start_1:
0x0: {  	(tag) =	ssettag $0x1  }
0x1: {  	s1 =	rddreg [dreg:$0x0]  }
0x2: {  	s7 =	rddreg [dreg:$0x1]  }
0x3: {  	s2 =	rddreg [dreg:$0x2];
	s3 =	simm.s32 $0x0  }
0x4: {  	s5 =	srdreg.scid;
	s17 =	stileid.u32;
	s21 =	simm.s32 $0x80  }
0x5: {  	s22 =	simm.s32 $0x3100;
	s23 =	simm.s32 $0x0;
	[smem:$0x7FF] =	sst s3  }
0x6: {  	s4 =	sadd.s32 $0xE800, s7;
	s10 =	sand.u32 $0x1, s5;
	s5 =	sadd.s32 $0x4800, s7  }
0x7: {  	s0 =	sadd.s32 $0x18800, s7;
	s14 =	sadd.s32 $0x1B000, s7;
	s26 =	smul.u32 $0x4E000, s17  }
0x8: {  	s13 =	smul.u32 $0x2700, s17;
	s28 =	sshll.u32 s17, $0x6;
	s19 =	sadd.s32 $0x138000, s2  }
0x9: {  	_ =	strace $0x8000004A;
	s8 =	sshll.u32 s10, $0x4;
	s12 =	smul.u32 $0x138800, s10  }
0xa: {  	s9 =	ssub.s32 $0x2, s10;
	s15 =	smul.u32 $0x27100, s10;
	s8 =	sor.u32 s17, s8  }
0xb: {  	[dreg:$0x4] =	wrdreg s0;
	s24 =	sshrl.u32 s9, $0x1;
	s11 =	smul.u32 $0x4E, s8  }
0xc: {  	s16 =	ssub.s32 s9, s24;
	s25 =	smin.u32 s8, $0x4;
	p0 =	slt.u32 s8, $0x4  }
0xd: {  	s8 =	simm.s32 $0x4F;
	s9 =	sshrl.u32 s26, $0x2;
	s20 =	sshrl.u32 s12, $0x3  }
0xe: {  	s15 =	sadd.s32 s13, s15;
	s8 =	simm.s32 @!p0 $0x4E;
	s18 =	sadd.s32 s9, s2  }
0xf: {  	s9 =	sor.u32 $0x1C05, s28;
	s20 =	sadd.s32 s14, s20;
	s29 =	sadd.s32 s14, s15  }
0x10: {  	s31 =	smax.u32 s16, $0x1;
	p0 =	sne.s32 s17, $0x0;
	s7 =	sadd.s32 s25, s11  }
0x11: {  	s10 =	sadd.s32 $0xFFFFFFD3, s8;
	s11 =	sadd.s32 $0xFFFFFFD1, s8;
	s12 =	sadd.s32 $0xFFFFFFD2, s8  }
0x12: {  	s13 =	sadd.s32 $0xFFFFFFFF, s8;
	[dreg:$0x5] =	wrdreg s29;
	s30 =	sadd.s32 $0x27000, s20  }
0x13: {  	[dreg:$0x7] =	wrdreg s31;
	s17 =	sshrl.u32 s18, $0x3;
	s18 =	simm.s32 $0x5  }
0x14: {  	s19 =	sshrl.u32 @!p0 s19, $0x3;
	s20 =	simm.s32 $0x1800;
	[dreg:$0x6] =	wrdreg s30  }
.LBB2_1:
0x15: {  	s0 =	rddreg [dreg:$0x4]  }
0x16: {  	[spmem:s17], [sflag:s9] =	dma.local [hbm:s0], $0x2700  }
0x17: {  	_ =	swait.ge [sflag:s18], $0x2700  }
0x18: {  	[sflag:s18] =	ssyncset.done $0x0  }
0x19: {  	s24 =	simm.s32 @!p0 $0x5;
	[sflag:s18] =	ssyncadd.s32 $0xFFFFD900  }
0x1a: {  	[spmem:s19], [sflag:s9] =	dma.local @!p0 [hbm:s0], $0x100  }
0x1b: {  	_ =	swait.ge @!p0 [sflag:s24], $0x100  }
0x1c: {  	[sflag:s24] =	ssyncset.done @!p0 $0x0  }
0x1d: {  	[sflag:s24] =	ssyncadd.s32 @!p0 $0xFFFFFF00  }
0x1e: {  	p2 =	por $0x1, $0x1;
	s24 =	simm.s32 $0x0;
	[bflag:$0x0] =	sbarrier.arrive $0xFFFF  }
.LBB2_2:
0x1f: {  	s25 =	sadd.s32 s24, s7  }
0x20: {  	s25 =	sshll.u32 s25, $0x4  }
0x21: {  	s25 =	sand.u32 $0x1FFFFFF0, s25  }
0x22: {  	s26 =	sadd.s32 s4, s25  }
0x23: {  	[tilespmem:s3], [sflag:$0x5] =	stream.linear.gather [hbm4b:s26+s3], $0x1800, $0x38;
	[tilespmem:$0x1E980] =	vst v63  }
0x24: {  	_ =	swait.ge [sflag:s18], $0x1800  }
0x25: {  	[sflag:s18] =	ssyncset.done $0x0  }
0x26: {  	s25 =	sadd.s32 s5, s25;
	[sflag:s18] =	ssyncadd.s32 $0xFFFFE800  }
0x27: {  	[tilespmem:s20], [sflag:$0x5] =	stream.linear.gather [hbm4b:s25+s3], $0x1800, $0x38;
	[tilespmem:$0x1E980] =	vst v63  }
0x28: {  	_ =	swait.ge [sflag:s18], $0x1800  }
0x29: {  	[sflag:s18] =	ssyncset.done $0x0  }
0x2a: {  	s25 =	simm.s32 @!p2 $0x3;
	[sflag:s18] =	ssyncadd.s32 $0xFFFFE800  }
0x2b: {  	s15 =	simm.s32 $0x0;
	s16 =	sadd.s32 $0xFFFFFFFF, s24;
	_ =	swait.ge @!p2 [sflag:s25], $0x4000  }
0x2c: {  	p3 =	sge.u32 s16, s8;
	s31 =	sadd.s32 $0x1, s16;
	[sflag:s25] =	ssyncset.done @!p2 $0x0  }
0x2d: {  	s28 =	simm.s32 @!p3 $0x4;
	p4 =	sge.u32 s31, s13;
	[sflag:s25] =	ssyncadd.s32 @!p2 $0xFFFFC000  }
0x2e: {  	[tilespmem:s22], [sflag:$0x1] =	stream.indirect.gather [hbm4b:s1+s21], $0x80, s15, s21, $0xb8;
	[tilespmem:$0x1E980] =	vst v63  }
0x2f: {  	p1 =	por p2, p2;
	s29 =	simm.s32 @!p4 $0x80;
	_ =	swait.ge @!p3 [sflag:s28], $0x4000  }
0x30: {  	s26 =	simm.s32 @!p4 $0x80;
	p2 =	sge.u32 s31, s8;
	[sflag:s28] =	ssyncset.done @!p3 $0x0  }
0x31: {  	s30 =	simm.s32 @!p2 $0x0;
	[sflag:s28] =	ssyncadd.s32 @!p3 $0xFFFFC000;
	s28 =	simm.s32 @!p4 $0x7100  }
0x32: {  	[tilespmem:s28], [sflag:$0x2] =	stream.indirect.gather @!p4 [hbm4b:s1+s26], $0x80, s29, s26, $0xb8;
	[tilespmem:$0x1E980] =	vst v63  }
0x33: {  	v0 =	vld @!p2 [tilespmem:s30+$0x1800];
	_ =	sdelay $0x4  }
0x34: {  	[tilespmem:$0x3000] =	vst @!p2 v0  }
0x35: {  	v0 =	vld @!p2 [tilespmem:s30+$0x1810];
	_ =	sdelay $0x4  }
0x36: {  	[tilespmem:$0x3010] =	vst @!p2 v0  }
0x37: {  	v0 =	vld @!p2 [tilespmem:s30+$0x1820];
	_ =	sdelay $0x4  }
0x38: {  	[tilespmem:$0x3020] =	vst @!p2 v0  }
0x39: {  	v0 =	vld @!p2 [tilespmem:s30+$0x1830];
	_ =	sdelay $0x4  }
0x3a: {  	[tilespmem:$0x3030] =	vst @!p2 v0  }
0x3b: {  	v0 =	vld @!p2 [tilespmem:s30+$0x1840];
	_ =	sdelay $0x4  }
0x3c: {  	[tilespmem:$0x3040] =	vst @!p2 v0  }
0x3d: {  	v0 =	vld @!p2 [tilespmem:s30+$0x1850];
	_ =	sdelay $0x4  }
0x3e: {  	[tilespmem:$0x3050] =	vst @!p2 v0  }
0x3f: {  	v0 =	vld @!p2 [tilespmem:s30+$0x1860];
	_ =	sdelay $0x4  }
0x40: {  	[tilespmem:$0x3060] =	vst @!p2 v0  }
0x41: {  	v0 =	vld @!p2 [tilespmem:s30+$0x1870];
	_ =	sdelay $0x4  }
0x42: {  	s26 =	simm.s32 @!p2 $0x1;
	[tilespmem:$0x3070] =	vst @!p2 v0  }
0x43: {  	s25 =	sadd.s32 $0x2, s16;
	s28 =	simm.s32 @!p2 $0x3100;
	_ =	swait.ge @!p2 [sflag:s26], $0x4000  }
0x44: {  	s29 =	simm.s32 @!p2 $0x80;
	p4 =	sgt.u32 s25, s8;
	[sflag:s26] =	ssyncset.done @!p2 $0x0  }
0x45: {  	s31 =	simm.s32 @!p4 $0x3;
	s30 =	simm.s32 @!p2 $0x3000;
	[sflag:s26] =	ssyncadd.s32 @!p2 $0xFFFFC000  }
0x46: {  	[spmem:s2] =	stream.indirect.scatter.add.f32 @!p2 [tilespmem:s28], [sflag:$0x3], $0x80, s30, s29, $0xb8;
	[tilespmem:$0x1E980] =	vst v63  }
0x47: {  	p3 =	sge.u32 s25, s8;
	p2 =	sge.u32 s25, s13;
	_ =	swait.ge @!p4 [sflag:s31], $0x4000  }
0x48: {  	s26 =	simm.s32 @!p2 $0x100;
	s28 =	simm.s32 @!p2 $0x80;
	[sflag:s31] =	ssyncset.done @!p4 $0x0  }
0x49: {  	s29 =	simm.s32 @!p2 $0x3100;
	[sflag:s31] =	ssyncadd.s32 @!p4 $0xFFFFC000;
	s31 =	simm.s32 @!p3 $0x0  }
0x4a: {  	[tilespmem:s29], [sflag:$0x1] =	stream.indirect.gather @!p2 [hbm4b:s1+s28], $0x80, s26, s28, $0xb8;
	[tilespmem:$0x1E980] =	vst v63  }
0x4b: {  	v0 =	vld @!p3 [tilespmem:s31+$0x1880];
	_ =	sdelay $0x4  }
0x4c: {  	[tilespmem:$0x3080] =	vst @!p3 v0  }
0x4d: {  	v0 =	vld @!p3 [tilespmem:s31+$0x1890];
	_ =	sdelay $0x4  }
0x4e: {  	[tilespmem:$0x3090] =	vst @!p3 v0  }
0x4f: {  	v0 =	vld @!p3 [tilespmem:s31+$0x18A0];
	_ =	sdelay $0x4  }
0x50: {  	[tilespmem:$0x30A0] =	vst @!p3 v0  }
0x51: {  	v0 =	vld @!p3 [tilespmem:s31+$0x18B0];
	_ =	sdelay $0x4  }
0x52: {  	[tilespmem:$0x30B0] =	vst @!p3 v0  }
0x53: {  	v0 =	vld @!p3 [tilespmem:s31+$0x18C0];
	_ =	sdelay $0x4  }
0x54: {  	[tilespmem:$0x30C0] =	vst @!p3 v0  }
0x55: {  	v0 =	vld @!p3 [tilespmem:s31+$0x18D0];
	_ =	sdelay $0x4  }
0x56: {  	[tilespmem:$0x30D0] =	vst @!p3 v0  }
0x57: {  	v0 =	vld @!p3 [tilespmem:s31+$0x18E0];
	_ =	sdelay $0x4  }
0x58: {  	[tilespmem:$0x30E0] =	vst @!p3 v0  }
0x59: {  	v0 =	vld @!p3 [tilespmem:s31+$0x18F0];
	_ =	sdelay $0x1  }
0x5a: {  	s30 =	simm.s32 @!p3 $0x2;
	s26 =	simm.s32 $0x400;
	s28 =	simm.s32 $0x800  }
.LBB2_3:
0x5b: {  	s31 =	sadd.s32 $0x1, s25  }
0x5c: {  	s0 =	simm.s32 @!p3 $0x4;
	s29 =	smov.u32 s28;
	s28 =	sadd.s32 $0x400, s28  }
0x5d: {  	s14 =	simm.s32 @!p3 $0x7100;
	p2 =	sne.s32 s28, $0x5C00;
	p5 =	sge.u32 s31, s13;
	[tilespmem:$0x30F0] =	vst @!p3 v0  }
0x5e: {  	s16 =	simm.s32 @!p3 $0x3080;
	s15 =	sshra.s32 @!p5 s26, $0x2;
	_ =	swait.ge @!p3 [sflag:s30], $0x4000  }
0x5f: {  	s6 =	simm.s32 @!p3 $0x80;
	s15 =	sadd.s32 @!p5 $0x80, s15;
	[sflag:s30] =	ssyncset.done @!p3 $0x0  }
0x60: {  	p4 =	sge.u32 s31, s8;
	[sflag:s30] =	ssyncadd.s32 @!p3 $0xFFFFC000  }
0x61: {  	[spmem:s2] =	stream.indirect.scatter.add.f32 @!p3 [tilespmem:s14], [sflag:$0x4], $0x80, s16, s6, $0xb8;
	[tilespmem:$0x1E980] =	vst v63  }
0x62: {  	s30 =	sshra.s32 @!p4 s26, $0x2;
	s6 =	simm.s32 @!p5 $0x80;
	_ =	swait.ge @!p3 [sflag:s0], $0x4000  }
0x63: {  	[sflag:s0] =	ssyncset.done @!p3 $0x0  }
0x64: {  	[sflag:s0] =	ssyncadd.s32 @!p3 $0xFFFFC000;
	s0 =	simm.s32 @!p5 $0x7100  }
0x65: {  	[tilespmem:s0], [sflag:$0x2] =	stream.indirect.gather @!p5 [hbm4b:s1+s6], $0x80, s15, s6, $0xb8;
	[tilespmem:$0x1E980] =	vst v63  }
0x66: {  	v0 =	vld @!p4 [tilespmem:s30+$0x1800];
	_ =	sdelay $0x4  }
0x67: {  	[tilespmem:$0x3000] =	vst @!p4 v0  }
0x68: {  	v0 =	vld @!p4 [tilespmem:s30+$0x1810];
	_ =	sdelay $0x4  }
0x69: {  	[tilespmem:$0x3010] =	vst @!p4 v0  }
0x6a: {  	v0 =	vld @!p4 [tilespmem:s30+$0x1820];
	_ =	sdelay $0x4  }
0x6b: {  	[tilespmem:$0x3020] =	vst @!p4 v0  }
0x6c: {  	v0 =	vld @!p4 [tilespmem:s30+$0x1830];
	_ =	sdelay $0x4  }
0x6d: {  	[tilespmem:$0x3030] =	vst @!p4 v0  }
0x6e: {  	v0 =	vld @!p4 [tilespmem:s30+$0x1840];
	_ =	sdelay $0x4  }
0x6f: {  	[tilespmem:$0x3040] =	vst @!p4 v0  }
0x70: {  	v0 =	vld @!p4 [tilespmem:s30+$0x1850];
	_ =	sdelay $0x4  }
0x71: {  	[tilespmem:$0x3050] =	vst @!p4 v0  }
0x72: {  	v0 =	vld @!p4 [tilespmem:s30+$0x1860];
	_ =	sdelay $0x4  }
0x73: {  	[tilespmem:$0x3060] =	vst @!p4 v0  }
0x74: {  	v0 =	vld @!p4 [tilespmem:s30+$0x1870];
	_ =	sdelay $0x1  }
0x75: {  	s0 =	simm.s32 @!p4 $0x1;
	_ =	sdelay $0x1  }
0x76: {  	s25 =	sadd.s32 $0x2, s25;
	s6 =	simm.s32 @!p4 $0x3100  }
0x77: {  	s14 =	simm.s32 @!p4 $0x80;
	p3 =	sge.u32 s25, s8;
	[tilespmem:$0x3070] =	vst @!p4 v0  }
0x78: {  	s15 =	simm.s32 @!p4 $0x3000;
	p5 =	sgt.u32 s25, s8;
	_ =	swait.ge @!p4 [sflag:s0], $0x4000  }
0x79: {  	p6 =	sge.u32 s25, s13;
	s16 =	simm.s32 @!p5 $0x3;
	[sflag:s0] =	ssyncset.done @!p4 $0x0  }
0x7a: {  	s30 =	simm.s32 @!p3 $0x2;
	[sflag:s0] =	ssyncadd.s32 @!p4 $0xFFFFC000;
	s0 =	sshra.s32 @!p6 s26, $0x2  }
0x7b: {  	[spmem:s2] =	stream.indirect.scatter.add.f32 @!p4 [tilespmem:s6], [sflag:$0x3], $0x80, s15, s14, $0xb8;
	[tilespmem:$0x1E980] =	vst v63  }
0x7c: {  	s0 =	sadd.s32 @!p6 $0x100, s0;
	_ =	swait.ge @!p5 [sflag:s16], $0x4000  }
0x7d: {  	s6 =	simm.s32 @!p6 $0x80;
	s14 =	simm.s32 @!p6 $0x3100;
	[sflag:s16] =	ssyncset.done @!p5 $0x0  }
0x7e: {  	s15 =	sshra.s32 @!p3 s26, $0x2;
	s26 =	smov.u32 s29;
	[sflag:s16] =	ssyncadd.s32 @!p5 $0xFFFFC000  }
0x7f: {  	[tilespmem:s14], [sflag:$0x1] =	stream.indirect.gather @!p6 [hbm4b:s1+s6], $0x80, s0, s6, $0xb8;
	[tilespmem:$0x1E980] =	vst v63  }
0x80: {  	v0 =	vld @!p3 [tilespmem:s15+$0x1880];
	_ =	sdelay $0x4  }
0x81: {  	[tilespmem:$0x3080] =	vst @!p3 v0  }
0x82: {  	v0 =	vld @!p3 [tilespmem:s15+$0x1890];
	_ =	sdelay $0x4  }
0x83: {  	[tilespmem:$0x3090] =	vst @!p3 v0  }
0x84: {  	v0 =	vld @!p3 [tilespmem:s15+$0x18A0];
	_ =	sdelay $0x4  }
0x85: {  	[tilespmem:$0x30A0] =	vst @!p3 v0  }
0x86: {  	v0 =	vld @!p3 [tilespmem:s15+$0x18B0];
	_ =	sdelay $0x4  }
0x87: {  	[tilespmem:$0x30B0] =	vst @!p3 v0  }
0x88: {  	v0 =	vld @!p3 [tilespmem:s15+$0x18C0];
	_ =	sdelay $0x4  }
0x89: {  	[tilespmem:$0x30C0] =	vst @!p3 v0  }
0x8a: {  	v0 =	vld @!p3 [tilespmem:s15+$0x18D0];
	_ =	sdelay $0x4  }
0x8b: {  	[tilespmem:$0x30D0] =	vst @!p3 v0  }
0x8c: {  	v0 =	vld @!p3 [tilespmem:s15+$0x18E0];
	_ =	sdelay $0x4  }
.Ltmp0:
0x8d: {  	[tilespmem:$0x30E0] =	vst @!p3 v0;
	(pc) =	sbr.rel @p2 .LBB2_3-.Ltmp0, $1  }
0x8e: {  	v0 =	vld @!p3 [tilespmem:s15+$0x18F0];
	_ =	sdelay $0x3  }
0x8f: {  	_ = 	snop  }
0x90: {  	[tilespmem:$0x30F0] =	vst @!p3 v0  }
0x91: {  	s0 =	sadd.s32 $0x1, s25;
	s6 =	simm.s32 @!p3 $0x4;
	_ =	swait.ge @!p3 [sflag:s30], $0x4000  }
0x92: {  	s14 =	simm.s32 @!p3 $0x7100;
	s16 =	simm.s32 @!p3 $0x3080;
	[sflag:s30] =	ssyncset.done @!p3 $0x0  }
0x93: {  	s28 =	simm.s32 @!p3 $0x80;
	p4 =	sge.u32 s0, s13;
	[sflag:s30] =	ssyncadd.s32 @!p3 $0xFFFFC000  }
0x94: {  	[spmem:s2] =	stream.indirect.scatter.add.f32 @!p3 [tilespmem:s14], [sflag:$0x4], $0x80, s16, s28, $0xb8;
	[tilespmem:$0x1E980] =	vst v63  }
0x95: {  	p2 =	sge.u32 s0, s8;
	s15 =	sshra.s32 @!p4 s26, $0x2;
	_ =	swait.ge @!p3 [sflag:s6], $0x4000  }
0x96: {  	s0 =	simm.s32 @!p4 $0x80;
	s14 =	sadd.s32 @!p4 $0x80, s15;
	[sflag:s6] =	ssyncset.done @!p3 $0x0  }
0x97: {  	s15 =	sshra.s32 @!p2 s26, $0x2;
	[sflag:s6] =	ssyncadd.s32 @!p3 $0xFFFFC000;
	s6 =	simm.s32 @!p4 $0x7100  }
0x98: {  	[tilespmem:s6], [sflag:$0x2] =	stream.indirect.gather @!p4 [hbm4b:s1+s0], $0x80, s14, s0, $0xb8;
	[tilespmem:$0x1E980] =	vst v63  }
0x99: {  	v0 =	vld @!p2 [tilespmem:s15+$0x1800];
	_ =	sdelay $0x4  }
0x9a: {  	[tilespmem:$0x3000] =	vst @!p2 v0  }
0x9b: {  	v0 =	vld @!p2 [tilespmem:s15+$0x1810];
	_ =	sdelay $0x4  }
0x9c: {  	[tilespmem:$0x3010] =	vst @!p2 v0  }
0x9d: {  	v0 =	vld @!p2 [tilespmem:s15+$0x1820];
	_ =	sdelay $0x4  }
0x9e: {  	[tilespmem:$0x3020] =	vst @!p2 v0  }
0x9f: {  	v0 =	vld @!p2 [tilespmem:s15+$0x1830];
	_ =	sdelay $0x4  }
0xa0: {  	[tilespmem:$0x3030] =	vst @!p2 v0  }
0xa1: {  	v0 =	vld @!p2 [tilespmem:s15+$0x1840];
	_ =	sdelay $0x4  }
0xa2: {  	[tilespmem:$0x3040] =	vst @!p2 v0  }
0xa3: {  	v0 =	vld @!p2 [tilespmem:s15+$0x1850];
	_ =	sdelay $0x4  }
0xa4: {  	[tilespmem:$0x3050] =	vst @!p2 v0  }
0xa5: {  	v0 =	vld @!p2 [tilespmem:s15+$0x1860];
	_ =	sdelay $0x4  }
0xa6: {  	[tilespmem:$0x3060] =	vst @!p2 v0  }
0xa7: {  	v0 =	vld @!p2 [tilespmem:s15+$0x1870];
	_ =	sdelay $0x4  }
0xa8: {  	s31 =	sadd.s32 $0x2, s25;
	s0 =	simm.s32 @!p2 $0x1;
	[tilespmem:$0x3070] =	vst @!p2 v0  }
0xa9: {  	s16 =	simm.s32 @!p2 $0x3000;
	p3 =	sgt.u32 s31, s8;
	_ =	swait.ge @!p2 [sflag:s0], $0x4000  }
0xaa: {  	s6 =	simm.s32 @!p2 $0x3100;
	s25 =	simm.s32 @!p3 $0x3;
	[sflag:s0] =	ssyncset.done @!p2 $0x0  }
0xab: {  	p4 =	sge.u32 s31, s13;
	s15 =	simm.s32 @!p2 $0x80;
	[sflag:s0] =	ssyncadd.s32 @!p2 $0xFFFFC000  }
0xac: {  	[spmem:s2] =	stream.indirect.scatter.add.f32 @!p2 [tilespmem:s6], [sflag:$0x3], $0x80, s16, s15, $0xb8;
	[tilespmem:$0x1E980] =	vst v63  }
0xad: {  	s14 =	simm.s32 @!p4 $0x3100;
	s0 =	sshra.s32 @!p4 s26, $0x2;
	_ =	swait.ge @!p3 [sflag:s25], $0x4000  }
0xae: {  	p2 =	sge.u32 s31, s8;
	s0 =	sadd.s32 @!p4 $0x100, s0;
	[sflag:s25] =	ssyncset.done @!p3 $0x0  }
0xaf: {  	s6 =	simm.s32 @!p4 $0x80;
	s15 =	sshra.s32 @!p2 s26, $0x2;
	[sflag:s25] =	ssyncadd.s32 @!p3 $0xFFFFC000  }
0xb0: {  	[tilespmem:s14], [sflag:$0x1] =	stream.indirect.gather @!p4 [hbm4b:s1+s6], $0x80, s0, s6, $0xb8;
	[tilespmem:$0x1E980] =	vst v63  }
0xb1: {  	v0 =	vld @!p2 [tilespmem:s15+$0x1880];
	_ =	sdelay $0x4  }
0xb2: {  	[tilespmem:$0x3080] =	vst @!p2 v0  }
0xb3: {  	v0 =	vld @!p2 [tilespmem:s15+$0x1890];
	_ =	sdelay $0x4  }
0xb4: {  	[tilespmem:$0x3090] =	vst @!p2 v0  }
0xb5: {  	v0 =	vld @!p2 [tilespmem:s15+$0x18A0];
	_ =	sdelay $0x4  }
0xb6: {  	[tilespmem:$0x30A0] =	vst @!p2 v0  }
0xb7: {  	v0 =	vld @!p2 [tilespmem:s15+$0x18B0];
	_ =	sdelay $0x4  }
0xb8: {  	[tilespmem:$0x30B0] =	vst @!p2 v0  }
0xb9: {  	v0 =	vld @!p2 [tilespmem:s15+$0x18C0];
	_ =	sdelay $0x4  }
0xba: {  	[tilespmem:$0x30C0] =	vst @!p2 v0  }
0xbb: {  	v0 =	vld @!p2 [tilespmem:s15+$0x18D0];
	_ =	sdelay $0x4  }
0xbc: {  	[tilespmem:$0x30D0] =	vst @!p2 v0  }
0xbd: {  	v0 =	vld @!p2 [tilespmem:s15+$0x18E0];
	_ =	sdelay $0x4  }
0xbe: {  	[tilespmem:$0x30E0] =	vst @!p2 v0  }
0xbf: {  	v0 =	vld @!p2 [tilespmem:s15+$0x18F0];
	_ =	sdelay $0x4  }
0xc0: {  	s0 =	simm.s32 @!p2 $0x2;
	[tilespmem:$0x30F0] =	vst @!p2 v0  }
0xc1: {  	_ =	swait.ge @!p2 [sflag:s0], $0x4000  }
0xc2: {  	s6 =	simm.s32 @!p2 $0x7100;
	[sflag:s0] =	ssyncset.done @!p2 $0x0  }
0xc3: {  	s14 =	simm.s32 @!p2 $0x3080;
	s15 =	simm.s32 @!p2 $0x80;
	[sflag:s0] =	ssyncadd.s32 @!p2 $0xFFFFC000  }
0xc4: {  	[spmem:s2] =	stream.indirect.scatter.add.f32 @!p2 [tilespmem:s6], [sflag:$0x4], $0x80, s14, s15, $0xb8;
	[tilespmem:$0x1E980] =	vst v63  }
0xc5: {  	p2 =	sge.u32 s24, s10  }
0xc6: {  	s0 =	simm.s32 @!p2 $0x4  }
0xc7: {  	_ =	swait.ge @!p2 [sflag:s0], $0x4000  }
0xc8: {  	[sflag:s0] =	ssyncset.done @!p2 $0x0  }
0xc9: {  	p3 =	sge.u32 s24, s12;
	[sflag:s0] =	ssyncadd.s32 @!p2 $0xFFFFC000;
	p2 =	sge.u32 s24, s11  }
0xca: {  	s0 =	simm.s32 @!p2 $0x80;
	s6 =	simm.s32 @!p2 $0x1780;
	s14 =	simm.s32 @!p2 $0x7100  }
0xcb: {  	[tilespmem:s14], [sflag:$0x2] =	stream.indirect.gather @!p2 [hbm4b:s1+s0], $0x80, s6, s0, $0xb8;
	[tilespmem:$0x1E980] =	vst v63  }
0xcc: {  	v0 =	vld @!p3 [tilespmem:$0x2F00]  }
0xcd: {  	v1 =	vld @!p3 [tilespmem:$0x2F10]  }
0xce: {  	v2 =	vld @!p3 [tilespmem:$0x2F20]  }
0xcf: {  	v3 =	vld @!p3 [tilespmem:$0x2F30]  }
0xd0: {  	v4 =	vld @!p3 [tilespmem:$0x2F40]  }
0xd1: {  	[tilespmem:$0x3000] =	vst @!p3 v0;
	v0 =	vld @!p3 [tilespmem:$0x2F50]  }
0xd2: {  	[tilespmem:$0x3010] =	vst @!p3 v1;
	v1 =	vld @!p3 [tilespmem:$0x2F60]  }
0xd3: {  	[tilespmem:$0x3020] =	vst @!p3 v2;
	v2 =	vld @!p3 [tilespmem:$0x2F70]  }
0xd4: {  	[tilespmem:$0x3030] =	vst @!p3 v3  }
0xd5: {  	[tilespmem:$0x3040] =	vst @!p3 v4  }
0xd6: {  	[tilespmem:$0x3050] =	vst @!p3 v0  }
0xd7: {  	[tilespmem:$0x3060] =	vst @!p3 v1  }
0xd8: {  	s6 =	simm.s32 @!p3 $0x1;
	[tilespmem:$0x3070] =	vst @!p3 v2  }
0xd9: {  	_ =	swait.ge @!p3 [sflag:s6], $0x4000  }
0xda: {  	s16 =	simm.s32 @!p3 $0x3100;
	[sflag:s6] =	ssyncset.done @!p3 $0x0  }
0xdb: {  	s15 =	simm.s32 @!p3 $0x3000;
	[sflag:s6] =	ssyncadd.s32 @!p3 $0xFFFFC000;
	s6 =	simm.s32 @!p3 $0x80  }
0xdc: {  	[spmem:s2] =	stream.indirect.scatter.add.f32 @!p3 [tilespmem:s16], [sflag:$0x3], $0x80, s15, s6, $0xb8;
	[tilespmem:$0x1E980] =	vst v63  }
0xdd: {  	v0 =	vld @!p2 [tilespmem:$0x2F80]  }
0xde: {  	v1 =	vld @!p2 [tilespmem:$0x2F90]  }
0xdf: {  	v2 =	vld @!p2 [tilespmem:$0x2FA0]  }
0xe0: {  	v3 =	vld @!p2 [tilespmem:$0x2FB0]  }
0xe1: {  	v4 =	vld @!p2 [tilespmem:$0x2FC0]  }
0xe2: {  	[tilespmem:$0x3080] =	vst @!p2 v0;
	v0 =	vld @!p2 [tilespmem:$0x2FD0]  }
0xe3: {  	[tilespmem:$0x3090] =	vst @!p2 v1;
	v1 =	vld @!p2 [tilespmem:$0x2FE0]  }
0xe4: {  	[tilespmem:$0x30A0] =	vst @!p2 v2;
	v2 =	vld @!p2 [tilespmem:$0x2FF0]  }
0xe5: {  	[tilespmem:$0x30B0] =	vst @!p2 v3  }
0xe6: {  	[tilespmem:$0x30C0] =	vst @!p2 v4  }
0xe7: {  	[tilespmem:$0x30D0] =	vst @!p2 v0  }
0xe8: {  	[tilespmem:$0x30E0] =	vst @!p2 v1  }
0xe9: {  	s6 =	simm.s32 @!p2 $0x2;
	[tilespmem:$0x30F0] =	vst @!p2 v2  }
.Ltmp1:
0xea: {  	_ =	swait.ge @!p2 [sflag:s6], $0x4000;
	(pc) =	sbr.rel @p1 .LBB2_2-.Ltmp1, $4  }
0xeb: {  	[sflag:s6] =	ssyncset.done @!p2 $0x0  }
0xec: {  	[sflag:s6] =	ssyncadd.s32 @!p2 $0xFFFFC000;
	s6 =	simm.s32 @!p2 $0x3080  }
0xed: {  	[spmem:s2] =	stream.indirect.scatter.add.f32 @!p2 [tilespmem:s14], [sflag:$0x4], $0x80, s6, s0, $0xb8;
	[tilespmem:$0x1E980] =	vst v63  }
0xee: {  	s24 =	simm.s32 $0x30;
	p2 =	por $0x0, $0x0  }
0xef: {  	[bflag:$0x0] =	sbarrier.arrive $0xFFFF  }
0xf0: {  	s0 =	rddreg [dreg:$0x5]  }
0xf1: {  	[hbm:s0], [sflag:s9] =	dma.local [spmem:s17], $0x2700  }
0xf2: {  	_ =	swait.ge [sflag:s18], $0x2700  }
0xf3: {  	[sflag:s18] =	ssyncset.done $0x0  }
0xf4: {  	s0 =	rddreg [dreg:$0x6];
	[sflag:s18] =	ssyncadd.s32 $0xFFFFD900  }
0xf5: {  	[hbm:s0], [sflag:s9] =	dma.local @!p0 [spmem:s19], $0x100  }
0xf6: {  	s0 =	simm.s32 @!p0 $0x5  }
0xf7: {  	_ =	swait.ge @!p0 [sflag:s0], $0x100  }
0xf8: {  	s23 =	sadd.s32 $0x1, s23;
	s6 =	rddreg [dreg:$0x7]  }
0xf9: {  	p1 =	sne.s32 s23, s6  }
.Ltmp2:
0xfa: {  	_ = 	snop;
	(pc) =	sbr.rel @p1 .LBB2_1-.Ltmp2, $3  }
0xfb: {  	_ =	sdelay $0x1  }
0xfc: {  	[sflag:s0] =	ssyncset.done @!p0 $0x0  }
0xfd: {  	[sflag:s0] =	ssyncadd.s32 @!p0 $0xFFFFFF00  }
0xfe: {  	_ =	sfence.sel $0x180000  }
0xff: {  	[bflag:$0x0] =	sbarrier.arrive $0xFFFF  }
0x100: {  	_ =	strace $0x9000004A  }
0x101: {  	[bflag:$0x2] =	sbarrier.arrive $0xFFFF  }
0x102: {  	s0 =	rddreg [dreg:$0x3]  }
0x103: {  	s0 =	sadd.s32 @!p0 $0x100000, s0  }
0x104: {  	[sflag:s0] =	ssyncadd.tile.s32 @!p0 $0x1;
	_ =	shalt  }
.Lfunc_end2:
_tile_overlayer_lowered:
.L_overlay_start_2:
0x105: {  	(tag) =	ssettag $0x2  }
0x106: {  	s0 =	rddreg [dreg:$0x0];
	s2 =	stileid.u32  }
0x107: {  	s1 =	rddreg [dreg:$0x1];
	p0 =	sne.s32 s2, $0x0  }
0x108: {  	s3 =	rddreg [dreg:$0x2];
	[bflag:$0x3] =	sbarrier.arrive $0xFFFF;
	s2 =	simm.s32 @!p0 $0x1C05  }
0x109: {  	[timem:s3], [sflag:s2] =	dma.local @!p0 [hbm:s0], s1  }
0x10a: {  	s0 =	simm.s32 @!p0 $0x5  }
0x10b: {  	_ =	swait.ge @!p0 [sflag:s0], s1  }
0x10c: {  	s1 =	ssub.s32 @!p0 $0x0, s1;
	[sflag:s0] =	ssyncset.done @!p0 $0x0  }
0x10d: {  	[sflag:s0] =	ssyncadd.s32 @!p0 s1  }
0x10e: {  	[bflag:$0x3] =	sbarrier.arrive $0xFFFF  }
0x10f: {  	_ =	shalt  }

// kernel: kernel.14.cloned.1.call-start
scs
__scs_entry_jumppad:
0x0: {  	(pc) =	sbr.rel $0x88, $3  }
0x1: {  	(tag) =	ssettag $0x0;
	lr =	simm.s32 $0x1  }
0x2: {  	[smem:$0x3F91] =	sst lr;
	_ =	strace $0xD0000000  }
0x3: {  	_ = 	snop  }
0x4: {  	_ = 	snop  }
0x5: {  	_ = 	snop  }
0x6: {  	_ = 	snop  }
0x7: {  	_ = 	snop  }
__scs_overlays_trampoline_lowered:
0x8: {  	[smem:$0x3FA0] =	sst s0  }
0x9: {  	[smem:$0x3FA1] =	sst s1  }
0xa: {  	[smem:$0x3FA2] =	sst s2  }
0xb: {  	[smem:$0x3FA3] =	sst s3  }
0xc: {  	[smem:$0x3FA4] =	sst s4  }
0xd: {  	[smem:$0x3FA5] =	sst s5  }
0xe: {  	[smem:$0x3FA6] =	sst s6  }
0xf: {  	[smem:$0x3FA7] =	sst s7  }
0x10: {  	[smem:$0x3FA8] =	sst s8  }
0x11: {  	[smem:$0x3FA9] =	sst s9;
	s0 =	simm.s32 @!p0 $0x0  }
0x12: {  	s1 =	sld [smem:$0x3F8F];
	s0 =	simm.s32 @p0 $0x1  }
0x13: {  	[smem:$0x3FAA] =	sst s0;
	s0 =	simm.s32 @!p1 $0x0  }
0x14: {  	s2 =	sld [smem:$0x3F8E];
	s0 =	simm.s32 @p1 $0x1  }
0x15: {  	[smem:$0x3FAB] =	sst s0;
	s0 =	simm.s32 @!p2 $0x0  }
0x16: {  	s3 =	sld [smem:$0x3FDB];
	s0 =	simm.s32 @p2 $0x1  }
0x17: {  	s4 =	simm.s32 $0x1BF5;
	[smem:$0x3FAD] =	sst s0  }
0x18: {  	s0 =	sld [smem:$0x3F90];
	_ =	swait.ge [sflag:s4], $0x0  }
0x19: {  	s7 =	sld [smem:$0x3F91]  }
0x1a: {  	s8 =	sadd.s32 $0xFFFFE003, lr  }
0x1b: {  	s9 =	sadd.s32 $0xFFFFFEF7, lr;
	s5 =	simm.s32 $0xFFFFFFFF;
	p2 =	slt.u32 s8, $0xFFFFF086  }
0x1c: {  	p1 =	slt.u32 s9, $0xF7A;
	s5 =	simm.s32 @!p2 $0x0  }
0x1d: {  	s5 =	simm.s32 @p1 $0x1;
	p0 =	seq.s32 s7, s2  }
0x1e: {  	s7 =	smul.u32 @!p0 $0xF7A, s2;
	p2 =	seq.s32 @!p0 s5, $0x0  }
0x1f: {  	s9 =	smul.u32 $0xF7A, s1;
	s8 =	simm.s32 @!p0 $0x1BF5;
	p2 =	por !p2, p0  }
0x20: {  	[sflag:s8] =	ssyncset.s32 @!p0 $0xFFFFF086;
	s6 =	sadd.s32 @!p0 s3, s7;
	s7 =	simm.s32 @!p0 $0x108  }
0x21: {  	s3 =	sadd.s32 s3, s9;
	s6 =	sadd.s32 @!p0 $0x88, s6;
	s7 =	simm.s32 @p2 $0x1082  }
0x22: {  	[simem:s7], [sflag:s8] =	dma.local @!p0 [hbm:s6], $0xF7A  }
0x23: {  	s9 =	sor.u32 $0xD0000000, s2;
	s6 =	simm.s32 $0x108;
	_ =	swait.ge @!p0 [sflag:s8], $0x0  }
0x24: {  	s3 =	sadd.s32 $0x88, s3;
	s6 =	simm.s32 @!p1 $0x1082;
	[sflag:s4] =	ssyncset.s32 $0xFFFFF086  }
0x25: {  	[simem:s6], [sflag:s4] =	dma.local [hbm:s3], $0xF7A  }
0x26: {  	[smem:$0x3F91] =	sst s1;
	(tag) =	ssettag s2;
	_ =	strace s9  }
0x27: {  	s1 =	sld [smem:$0x3FA1]  }
0x28: {  	s2 =	sld [smem:$0x3FA2]  }
0x29: {  	s4 =	sld [smem:$0x3FA4]  }
0x2a: {  	p0 =	seq.s32 s5, $0x0;
	s5 =	sld [smem:$0x3FA5]  }
0x2b: {  	s6 =	sld [smem:$0x3FA6]  }
0x2c: {  	s7 =	sld [smem:$0x3FA7]  }
0x2d: {  	s3 =	simm.s32 $0x108;
	s8 =	sld [smem:$0x3FA8]  }
0x2e: {  	s3 =	simm.s32 @!p0 $0x1082;
	s9 =	sld [smem:$0x3FA9]  }
0x2f: {  	lr =	sadd.s32 s0, s3;
	s0 =	sld [smem:$0x3FA0]  }
0x30: {  	s3 =	sld [smem:$0x3FA3]  }
0x31: {  	[smem:$0x3FAC] =	sst s10  }
0x32: {  	s10 =	sld [smem:$0x3FAA];
	_ =	sdelay $0x3  }
0x33: {  	p0 =	seq.s32 s10, $0x1;
	s10 =	sld [smem:$0x3FAC];
	_ =	sdelay $0x3  }
0x34: {  	[smem:$0x3FAC] =	sst s10  }
0x35: {  	s10 =	sld [smem:$0x3FAB];
	_ =	sdelay $0x3  }
0x36: {  	p1 =	seq.s32 s10, $0x1;
	s10 =	sld [smem:$0x3FAC];
	_ =	sdelay $0x3  }
0x37: {  	[smem:$0x3FAC] =	sst s10  }
0x38: {  	s10 =	sld [smem:$0x3FAD]  }
0x39: {  	_ = 	snop;
	(pc) =	sbr.ind lr, $3  }
0x3a: {  	_ = 	snop  }
0x3b: {  	_ = 	snop  }
0x3c: {  	p2 =	seq.s32 s10, $0x1;
	s10 =	sld [smem:$0x3FAC]  }
0x3d: {  	_ =	shalt  }
0x3e: {  	_ =	shalt  }
0x3f: {  	_ =	shalt  }
0x40: {  	_ =	shalt  }
0x41: {  	_ =	shalt  }
0x42: {  	_ =	shalt  }
0x43: {  	_ =	shalt  }
0x44: {  	_ =	shalt  }
0x45: {  	_ =	shalt  }
0x46: {  	_ =	shalt  }
0x47: {  	_ =	shalt  }
0x48: {  	_ =	shalt  }
0x49: {  	_ =	shalt  }
0x4a: {  	_ =	shalt  }
0x4b: {  	_ =	shalt  }
0x4c: {  	_ =	shalt  }
0x4d: {  	_ =	shalt  }
0x4e: {  	_ =	shalt  }
0x4f: {  	_ =	shalt  }
0x50: {  	_ =	shalt  }
0x51: {  	_ =	shalt  }
0x52: {  	_ =	shalt  }
0x53: {  	_ =	shalt  }
0x54: {  	_ =	shalt  }
0x55: {  	_ =	shalt  }
0x56: {  	_ =	shalt  }
0x57: {  	_ =	shalt  }
0x58: {  	_ =	shalt  }
0x59: {  	_ =	shalt  }
0x5a: {  	_ =	shalt  }
0x5b: {  	_ =	shalt  }
0x5c: {  	_ =	shalt  }
0x5d: {  	_ =	shalt  }
0x5e: {  	_ =	shalt  }
0x5f: {  	_ =	shalt  }
0x60: {  	_ =	shalt  }
0x61: {  	_ =	shalt  }
0x62: {  	_ =	shalt  }
0x63: {  	_ =	shalt  }
0x64: {  	_ =	shalt  }
0x65: {  	_ =	shalt  }
0x66: {  	_ =	shalt  }
0x67: {  	_ =	shalt  }
0x68: {  	_ =	shalt  }
0x69: {  	_ =	shalt  }
0x6a: {  	_ =	shalt  }
0x6b: {  	_ =	shalt  }
0x6c: {  	_ =	shalt  }
0x6d: {  	_ =	shalt  }
0x6e: {  	_ =	shalt  }
0x6f: {  	_ =	shalt  }
0x70: {  	_ =	shalt  }
0x71: {  	_ =	shalt  }
0x72: {  	_ =	shalt  }
0x73: {  	_ =	shalt  }
0x74: {  	_ =	shalt  }
0x75: {  	_ =	shalt  }
0x76: {  	_ =	shalt  }
0x77: {  	_ =	shalt  }
0x78: {  	_ =	shalt  }
0x79: {  	_ =	shalt  }
0x7a: {  	_ =	shalt  }
0x7b: {  	_ =	shalt  }
0x7c: {  	_ =	shalt  }
0x7d: {  	_ =	shalt  }
0x7e: {  	_ =	shalt  }
0x7f: {  	_ =	shalt  }
0x80: {  	_ =	shalt  }
0x81: {  	_ =	shalt  }
0x82: {  	_ =	shalt  }
0x83: {  	_ =	shalt  }
0x84: {  	_ =	shalt  }
0x85: {  	_ =	shalt  }
0x86: {  	_ =	shalt  }
0x87: {  	_ =	shalt  }
.Lfunc_end0:
.L_simem_size_0:
called_computation.2_lowered:
.L_overlay_start_0:
0x88: {  	s2 =	sld [smem:$0x3FD9]  }
0x89: {  	s3 =	sld [smem:$0x3FFE];
	_ =	sdelay $0x1  }
0x8a: {  	s1 =	srdreg.scid  }
0x8b: {  	s0 =	sand.u32 $0x1, s1  }
0x8c: {  	s16 =	sshll.u32 s0, $0xA;
	s2 =	sadd.s32 s3, s2  }
0x8d: {  	s2 =	sadd.s32 s2, s16  }
0x8e: {  	[smem:$0x3FB8] =	sst s2  }
0x8f: {  	_ = 	snop  }
0x90: {  	(tm) =	ssettm $0x1  }
0x91: {  	s17 =	sld [smem:$0x3FFB];
	_ =	sdelay $0x3  }
0x92: {  	_ =	strace s17  }
0x93: {  	s2 =	sld [smem:$0x3FFC];
	_ =	sdelay $0x3  }
0x94: {  	_ =	strace s2  }
0x95: {  	s2 =	sld [smem:$0x3FFD];
	_ =	sdelay $0x3  }
0x96: {  	_ =	strace s2  }
0x97: {  	_ =	strace $0x8FFFFFFF  }
0x98: {  	s18 =	sld [smem:$0x3FDB];
	_ =	sdelay $0x1  }
0x99: {  	s19 =	simm.s32 $_scs_section_size  }
0x9a: {  	s4 =	simm.s32 $_size__tile_overlayer_lowered;
	s5 =	simm.s32 $_tile_overlayer_lowered  }
0x9b: {  	s22 =	simm.s32 $0x1BFF;
	s21 =	sshll.u32 s5, $0x1;
	s2 =	sadd.s32 s19, s18  }
0x9c: {  	s6 =	simm.s32 $0x0;
	s20 =	sshll.u32 s4, $0x1;
	s4 =	sadd.s32 s21, s2  }
0x9d: {  	[timem:s6], [sflag:s22] =	dma.local [hbm:s4], s20  }
0x9e: {  	_ =	swait.ge [sflag:s22], s20  }
0x9f: {  	s3 =	ssub.s32 $0x0, s20;
	[sflag:s22] =	ssyncset.done $0x0  }
0xa0: {  	[sflag:s22] =	ssyncadd.s32 s3;
	_ =	sdelay $0x1  }
0xa1: {  	s23 =	simm.s32 $0x1B8B  }
0xa2: {  	_ =	swait.ge [sflag:s23], $0x1  }
0xa3: {  	[sflag:s23] =	ssyncset.done $0x0  }
0xa4: {  	s25 =	simm.s32 $0x1B8E;
	s24 =	sld [smem:$0x3FFE];
	[sflag:s23] =	ssyncadd.s32 $0xFFFFFFFF  }
0xa5: {  	s26 =	simm.s32 $execute0_lowered;
	[smem:$0x3FD2] =	sst s25  }
0xa6: {  	s4 =	sshll.u32 s26, $0x1;
	_ =	strace $0x8000004C;
	[dreg:$0x1] =	wrdreg $0xFFFFFFFF  }
0xa7: {  	s28 =	simm.s32 $_size_execute0_lowered;
	s2 =	sadd.s32 s2, s4;
	[dreg:$0x0] =	wrdreg $0x0  }
0xa8: {  	s4 =	sshll.u32 s28, $0x1;
	[dreg:$0x2] =	wrdreg s2  }
0xa9: {  	[dreg:$0x3] =	wrdreg s4  }
0xaa: {  	[dreg:$0x4] =	wrdreg $0xC0  }
0xab: {  	_ =	task [dreg:s6], $0x5FFFF  }
0xac: {  	[dreg:$0x1] =	wrdreg $0xFFFFFFFF  }
0xad: {  	[dreg:$0x0] =	wrdreg $0x60  }
0xae: {  	[dreg:$0x2] =	wrdreg s24  }
0xaf: {  	[dreg:$0x3] =	wrdreg $0xB1000  }
0xb0: {  	[dreg:$0x4] =	wrdreg $0x9  }
0xb1: {  	_ =	task.clear_ibuf [dreg:s6], $0x5FFFF;
	_ =	strace $0x9000004C  }
0xb2: {  	s29 =	simm.s32 $0x9;
	_ =	strace $0x8000004E  }
0xb3: {  	_ =	swait.ge [sflag:s29], $0x1  }
0xb4: {  	[sflag:s29] =	ssyncadd.s32 $0xFFFFFFFF  }
0xb5: {  	_ =	strace $0x9000004E  }
0xb6: {  	_ =	sfence  }
0xb7: {  	s30 =	sld [smem:$0x0];
	_ =	sdelay $0x2  }
0xb8: {  	s31 =	sshll.u32 s1, $0xD;
	s1 =	sshrl.u32 s1, $0x2  }
0xb9: {  	s3 =	sand.u32 $0x4000, s31;
	s1 =	sadd.s32 s1, s30  }
0xba: {  	s0 =	sor.u32 s3, s0;
	s1 =	sshll.u32 s1, $0x11  }
0xbb: {  	s0 =	sor.u32 s1, s0  }
0xbc: {  	s0 =	sadd.s32 $0x8F2B, s0  }
0xbd: {  	[sflag:s0] =	ssyncadd.remote.s32 $0x1  }
0xbe: {  	_ =	sfence.sel $0xFFFF  }
0xbf: {  	[dreg:$0x0] =	wrdreg $0xFFFFFFFF;
	(pc) =	sbr.abs _section_cstart, $3  }
0xc0: {  	[dreg:$0x1] =	wrdreg $0xFFFFFFFF  }
0xc1: {  	_ =	task.clear_ibuf [dreg:s6], $0x2FFFF;
	_ =	strace $0x9FFFFFFF  }
0xc2: {  	(tm) =	ssettm $0x7FFFFFFF  }
0xc3: {  	_ =	shalt  }
tec
execute0_lowered:
.L_overlay_start_1:
0x0: {  	(tag) =	ssettag $0x1  }
0x1: {  	s7 =	rddreg [dreg:$0x0]  }
0x2: {  	s1 =	rddreg [dreg:$0x1];
	s2 =	simm.s32 $0x0  }
0x3: {  	s6 =	srdreg.scid;
	s17 =	stileid.u32;
	s22 =	simm.s32 $0x3100  }
0x4: {  	[smem:$0x7FF] =	sst s2;
	s3 =	sadd.s32 $0x1B000, s7;
	s4 =	sadd.s32 $0xE800, s7  }
0x5: {  	s5 =	sadd.s32 $0x4800, s7;
	s10 =	sand.u32 $0x1, s6;
	s9 =	smul.u32 $0x9C, s17  }
0x6: {  	s0 =	sadd.s32 $0x18800, s7;
	s15 =	sadd.s32 $0x69200, s7;
	s11 =	smul.u32 $0x4E000, s17  }
0x7: {  	s25 =	smin.u32 s17, $0x4;
	p0 =	slt.u32 s17, $0x4;
	s12 =	smul.u32 $0x270, s17  }
0x8: {  	s28 =	sshll.u32 s17, $0x6;
	s19 =	sadd.s32 $0x138000, s1;
	_ =	strace $0x8000004D  }
0x9: {  	[dreg:$0x3] =	wrdreg s0;
	s8 =	ssub.s32 $0x2, s10;
	s20 =	smul.u32 $0x2710, s10  }
0xa: {  	s13 =	smul.u32 $0x138800, s10;
	s24 =	sshrl.u32 s8, $0x1;
	s7 =	sadd.s32 s25, s9  }
0xb: {  	s26 =	sshrl.u32 s11, $0x2;
	s9 =	sor.u32 $0x1C05, s28;
	s16 =	ssub.s32 s8, s24  }
0xc: {  	s8 =	simm.s32 $0x9D;
	s18 =	sadd.s32 s26, s1;
	s14 =	sadd.s32 s12, s20  }
0xd: {  	s21 =	sshrl.u32 s13, $0x3;
	v0 =	vmov s20;
	s20 =	simm.s32 $0x1800;
	s8 =	simm.s32 @!p0 $0x9C  }
0xe: {  	s14 =	sshll.u32 s14, $0x4;
	s31 =	smax.u32 s16, $0x1;
	p0 =	sne.s32 s17, $0x0  }
0xf: {  	s10 =	sadd.s32 $0xFFFFFFD3, s8;
	s11 =	sadd.s32 $0xFFFFFFD1, s8;
	s12 =	sadd.s32 $0xFFFFFFD2, s8  }
0x10: {  	s29 =	sadd.s32 s15, s14;
	s15 =	sadd.s32 s15, s21;
	[dreg:$0x6] =	wrdreg s31  }
0x11: {  	s13 =	sadd.s32 $0xFFFFFFFF, s8;
	[dreg:$0x4] =	wrdreg s29;
	s30 =	sadd.s32 $0x27000, s15  }
0x12: {  	s14 =	sshrl.u32 s18, $0x3;
	s15 =	sshrl.u32 @!p0 s19, $0x3;
	[dreg:$0x5] =	wrdreg s30  }
0x13: {  	s18 =	simm.s32 $0x5;
	s21 =	simm.s32 $0x80;
	[dreg:$0x7] =	wrdreg s15  }
.LBB2_1:
0x14: {  	s0 =	rddreg [dreg:$0x3]  }
0x15: {  	[spmem:s14], [sflag:s9] =	dma.local [hbm:s0], $0x2700  }
0x16: {  	_ =	swait.ge [sflag:s18], $0x2700  }
0x17: {  	[sflag:s18] =	ssyncset.done $0x0  }
0x18: {  	s23 =	simm.s32 @!p0 $0x5;
	[sflag:s18] =	ssyncadd.s32 $0xFFFFD900  }
0x19: {  	[spmem:s15], [sflag:s9] =	dma.local @!p0 [hbm:s0], $0x100  }
0x1a: {  	_ =	swait.ge @!p0 [sflag:s23], $0x100  }
0x1b: {  	[sflag:s23] =	ssyncset.done @!p0 $0x0  }
0x1c: {  	s19 =	smov.u32 s14;
	[sflag:s23] =	ssyncadd.s32 @!p0 $0xFFFFFF00  }
0x1d: {  	s24 =	simm.s32 $0x0;
	s23 =	simm.s32 $0xFFFFFFFF;
	[bflag:$0x0] =	sbarrier.arrive $0xFFFF  }
.LBB2_2:
0x1e: {  	s25 =	smul.u32 $0x30, s24;
	_ =	sdelay $0x1  }
0x1f: {  	s26 =	sadd.s32 s25, s7  }
0x20: {  	s26 =	sshll.u32 s26, $0x4  }
0x21: {  	s29 =	simm.s32 $0x0;
	s28 =	sadd.s32 s4, s26  }
0x22: {  	[tilespmem:s29], [sflag:$0x5] =	stream.linear.gather [hbm4b:s28+s29], $0x1800, $0x38;
	[tilespmem:$0x1E980] =	vst v63  }
0x23: {  	_ =	swait.ge [sflag:s18], $0x1800  }
0x24: {  	[sflag:s18] =	ssyncset.done $0x0  }
0x25: {  	s26 =	sadd.s32 s5, s26;
	[sflag:s18] =	ssyncadd.s32 $0xFFFFE800  }
0x26: {  	[tilespmem:s20], [sflag:$0x5] =	stream.linear.gather [hbm4b:s26+s29], $0x1800, $0x38;
	[tilespmem:$0x1E980] =	vst v63  }
0x27: {  	_ =	swait.ge [sflag:s18], $0x1800  }
0x28: {  	[sflag:s18] =	ssyncset.done $0x0  }
0x29: {  	s28 =	simm.s32 $0x40;
	s26 =	simm.s32 $0x0;
	[sflag:s18] =	ssyncadd.s32 $0xFFFFE800  }
.LBB2_3:
0x2a: {  	p1 =	sne.s32 s28, $0x5FC0;
	v1 =	vld [tilespmem:s26+$0x0];
	_ =	sdelay $0x1  }
.Ltmp0:
0x2b: {  	(pc) =	sbr.rel @p1 .LBB2_3-.Ltmp0, $3  }
0x2c: {  	_ =	sdelay $0x1  }
0x2d: {  	v1 =	vadd.s32 v0, v1  }
0x2e: {  	[tilespmem:s26+$0x0] =	vst v1;
	s26 =	sshra.s32 s28, $0x2;
	s28 =	sadd.s32 $0x40, s28  }
0x2f: {  	v1 =	vld [tilespmem:s26+$0x0];
	_ =	sdelay $0x4  }
0x30: {  	p1 =	seq.s32 s24, $0x0;
	v1 =	vadd.s32 v0, v1  }
0x31: {  	[tilespmem:s26+$0x0] =	vst v1;
	s26 =	simm.s32 @!p1 $0x3  }
0x32: {  	s17 =	simm.s32 $0x0;
	_ =	swait.ge @!p1 [sflag:s26], $0x4000  }
0x33: {  	p2 =	sge.u32 s23, s8;
	s30 =	sadd.s32 $0x1, s23;
	[sflag:s26] =	ssyncset.done @!p1 $0x0  }
0x34: {  	s28 =	simm.s32 @!p2 $0x4;
	p3 =	sge.u32 s30, s13;
	[sflag:s26] =	ssyncadd.s32 @!p1 $0xFFFFC000  }
0x35: {  	[tilespmem:s22], [sflag:$0x1] =	stream.indirect.gather [hbm4b:s3+s21], $0x80, s17, s21, $0xb8;
	[tilespmem:$0x1E980] =	vst v63  }
0x36: {  	s29 =	simm.s32 @!p3 $0x80;
	_ =	swait.ge @!p2 [sflag:s28], $0x4000  }
0x37: {  	p1 =	sge.u32 s30, s8;
	s26 =	simm.s32 @!p3 $0x80;
	[sflag:s28] =	ssyncset.done @!p2 $0x0  }
0x38: {  	s30 =	simm.s32 @!p1 $0x0;
	[sflag:s28] =	ssyncadd.s32 @!p2 $0xFFFFC000;
	s28 =	simm.s32 @!p3 $0x7100  }
0x39: {  	[tilespmem:s28], [sflag:$0x2] =	stream.indirect.gather @!p3 [hbm4b:s3+s26], $0x80, s29, s26, $0xb8;
	[tilespmem:$0x1E980] =	vst v63  }
0x3a: {  	v1 =	vld @!p1 [tilespmem:s30+$0x1800];
	_ =	sdelay $0x4  }
0x3b: {  	[tilespmem:$0x3000] =	vst @!p1 v1  }
0x3c: {  	v1 =	vld @!p1 [tilespmem:s30+$0x1810];
	_ =	sdelay $0x4  }
0x3d: {  	[tilespmem:$0x3010] =	vst @!p1 v1  }
0x3e: {  	v1 =	vld @!p1 [tilespmem:s30+$0x1820];
	_ =	sdelay $0x4  }
0x3f: {  	[tilespmem:$0x3020] =	vst @!p1 v1  }
0x40: {  	v1 =	vld @!p1 [tilespmem:s30+$0x1830];
	_ =	sdelay $0x4  }
0x41: {  	[tilespmem:$0x3030] =	vst @!p1 v1  }
0x42: {  	v1 =	vld @!p1 [tilespmem:s30+$0x1840];
	_ =	sdelay $0x4  }
0x43: {  	[tilespmem:$0x3040] =	vst @!p1 v1  }
0x44: {  	v1 =	vld @!p1 [tilespmem:s30+$0x1850];
	_ =	sdelay $0x4  }
0x45: {  	[tilespmem:$0x3050] =	vst @!p1 v1  }
0x46: {  	v1 =	vld @!p1 [tilespmem:s30+$0x1860];
	_ =	sdelay $0x4  }
0x47: {  	[tilespmem:$0x3060] =	vst @!p1 v1  }
0x48: {  	v1 =	vld @!p1 [tilespmem:s30+$0x1870];
	_ =	sdelay $0x4  }
0x49: {  	s28 =	simm.s32 @!p1 $0x1;
	[tilespmem:$0x3070] =	vst @!p1 v1  }
0x4a: {  	s31 =	simm.s32 @!p1 $0x3000;
	s26 =	sadd.s32 $0x2, s23;
	_ =	swait.ge @!p1 [sflag:s28], $0x4000  }
0x4b: {  	s29 =	simm.s32 @!p1 $0x3100;
	p3 =	sgt.u32 s26, s8;
	[sflag:s28] =	ssyncset.done @!p1 $0x0  }
0x4c: {  	s0 =	simm.s32 @!p3 $0x3;
	s30 =	simm.s32 @!p1 $0x80;
	[sflag:s28] =	ssyncadd.s32 @!p1 $0xFFFFC000  }
0x4d: {  	[spmem:s1] =	stream.indirect.scatter.add.f32 @!p1 [tilespmem:s29], [sflag:$0x3], $0x80, s31, s30, $0xb8;
	[tilespmem:$0x1E980] =	vst v63  }
0x4e: {  	p2 =	sge.u32 s26, s8;
	p1 =	sge.u32 s26, s13;
	_ =	swait.ge @!p3 [sflag:s0], $0x4000  }
0x4f: {  	s28 =	simm.s32 @!p1 $0x100;
	s29 =	simm.s32 @!p1 $0x80;
	[sflag:s0] =	ssyncset.done @!p3 $0x0  }
0x50: {  	s30 =	simm.s32 @!p1 $0x3100;
	[sflag:s0] =	ssyncadd.s32 @!p3 $0xFFFFC000;
	s0 =	simm.s32 @!p2 $0x0  }
0x51: {  	[tilespmem:s30], [sflag:$0x1] =	stream.indirect.gather @!p1 [hbm4b:s3+s29], $0x80, s28, s29, $0xb8;
	[tilespmem:$0x1E980] =	vst v63  }
0x52: {  	v1 =	vld @!p2 [tilespmem:s0+$0x1880];
	_ =	sdelay $0x4  }
0x53: {  	[tilespmem:$0x3080] =	vst @!p2 v1  }
0x54: {  	v1 =	vld @!p2 [tilespmem:s0+$0x1890];
	_ =	sdelay $0x4  }
0x55: {  	[tilespmem:$0x3090] =	vst @!p2 v1  }
0x56: {  	v1 =	vld @!p2 [tilespmem:s0+$0x18A0];
	_ =	sdelay $0x4  }
0x57: {  	[tilespmem:$0x30A0] =	vst @!p2 v1  }
0x58: {  	v1 =	vld @!p2 [tilespmem:s0+$0x18B0];
	_ =	sdelay $0x4  }
0x59: {  	[tilespmem:$0x30B0] =	vst @!p2 v1  }
0x5a: {  	v1 =	vld @!p2 [tilespmem:s0+$0x18C0];
	_ =	sdelay $0x4  }
0x5b: {  	[tilespmem:$0x30C0] =	vst @!p2 v1  }
0x5c: {  	v1 =	vld @!p2 [tilespmem:s0+$0x18D0];
	_ =	sdelay $0x4  }
0x5d: {  	[tilespmem:$0x30D0] =	vst @!p2 v1  }
0x5e: {  	v1 =	vld @!p2 [tilespmem:s0+$0x18E0];
	_ =	sdelay $0x4  }
0x5f: {  	[tilespmem:$0x30E0] =	vst @!p2 v1  }
0x60: {  	v1 =	vld @!p2 [tilespmem:s0+$0x18F0];
	_ =	sdelay $0x1  }
0x61: {  	s31 =	simm.s32 @!p2 $0x2;
	s28 =	simm.s32 $0x400;
	s29 =	simm.s32 $0x800  }
.LBB2_5:
0x62: {  	s0 =	sadd.s32 $0x1, s26  }
0x63: {  	s14 =	simm.s32 @!p2 $0x4;
	s30 =	smov.u32 s29;
	s29 =	sadd.s32 $0x400, s29  }
0x64: {  	s15 =	simm.s32 @!p2 $0x7100;
	p1 =	sne.s32 s29, $0x5C00;
	p4 =	sge.u32 s0, s13;
	[tilespmem:$0x30F0] =	vst @!p2 v1  }
0x65: {  	s6 =	simm.s32 @!p2 $0x3080;
	s16 =	sshra.s32 @!p4 s28, $0x2;
	_ =	swait.ge @!p2 [sflag:s31], $0x4000  }
0x66: {  	s17 =	simm.s32 @!p2 $0x80;
	s16 =	sadd.s32 @!p4 $0x80, s16;
	[sflag:s31] =	ssyncset.done @!p2 $0x0  }
0x67: {  	p3 =	sge.u32 s0, s8;
	[sflag:s31] =	ssyncadd.s32 @!p2 $0xFFFFC000  }
0x68: {  	[spmem:s1] =	stream.indirect.scatter.add.f32 @!p2 [tilespmem:s15], [sflag:$0x4], $0x80, s6, s17, $0xb8;
	[tilespmem:$0x1E980] =	vst v63  }
0x69: {  	s0 =	simm.s32 @!p4 $0x80;
	s31 =	sshra.s32 @!p3 s28, $0x2;
	_ =	swait.ge @!p2 [sflag:s14], $0x4000  }
0x6a: {  	[sflag:s14] =	ssyncset.done @!p2 $0x0  }
0x6b: {  	s6 =	simm.s32 @!p4 $0x7100;
	[sflag:s14] =	ssyncadd.s32 @!p2 $0xFFFFC000  }
0x6c: {  	[tilespmem:s6], [sflag:$0x2] =	stream.indirect.gather @!p4 [hbm4b:s3+s0], $0x80, s16, s0, $0xb8;
	[tilespmem:$0x1E980] =	vst v63  }
0x6d: {  	v1 =	vld @!p3 [tilespmem:s31+$0x1800];
	_ =	sdelay $0x4  }
0x6e: {  	[tilespmem:$0x3000] =	vst @!p3 v1  }
0x6f: {  	v1 =	vld @!p3 [tilespmem:s31+$0x1810];
	_ =	sdelay $0x4  }
0x70: {  	[tilespmem:$0x3010] =	vst @!p3 v1  }
0x71: {  	v1 =	vld @!p3 [tilespmem:s31+$0x1820];
	_ =	sdelay $0x4  }
0x72: {  	[tilespmem:$0x3020] =	vst @!p3 v1  }
0x73: {  	v1 =	vld @!p3 [tilespmem:s31+$0x1830];
	_ =	sdelay $0x4  }
0x74: {  	[tilespmem:$0x3030] =	vst @!p3 v1  }
0x75: {  	v1 =	vld @!p3 [tilespmem:s31+$0x1840];
	_ =	sdelay $0x4  }
0x76: {  	[tilespmem:$0x3040] =	vst @!p3 v1  }
0x77: {  	v1 =	vld @!p3 [tilespmem:s31+$0x1850];
	_ =	sdelay $0x4  }
0x78: {  	[tilespmem:$0x3050] =	vst @!p3 v1  }
0x79: {  	v1 =	vld @!p3 [tilespmem:s31+$0x1860];
	_ =	sdelay $0x4  }
0x7a: {  	[tilespmem:$0x3060] =	vst @!p3 v1  }
0x7b: {  	v1 =	vld @!p3 [tilespmem:s31+$0x1870];
	_ =	sdelay $0x1  }
0x7c: {  	s0 =	simm.s32 @!p3 $0x1;
	_ =	sdelay $0x1  }
0x7d: {  	s26 =	sadd.s32 $0x2, s26;
	s6 =	simm.s32 @!p3 $0x3100  }
0x7e: {  	s14 =	simm.s32 @!p3 $0x80;
	p2 =	sge.u32 s26, s8;
	[tilespmem:$0x3070] =	vst @!p3 v1  }
0x7f: {  	s15 =	simm.s32 @!p3 $0x3000;
	p4 =	sgt.u32 s26, s8;
	_ =	swait.ge @!p3 [sflag:s0], $0x4000  }
0x80: {  	p5 =	sge.u32 s26, s13;
	s16 =	simm.s32 @!p4 $0x3;
	[sflag:s0] =	ssyncset.done @!p3 $0x0  }
0x81: {  	s31 =	simm.s32 @!p2 $0x2;
	[sflag:s0] =	ssyncadd.s32 @!p3 $0xFFFFC000;
	s0 =	sshra.s32 @!p5 s28, $0x2  }
0x82: {  	[spmem:s1] =	stream.indirect.scatter.add.f32 @!p3 [tilespmem:s6], [sflag:$0x3], $0x80, s15, s14, $0xb8;
	[tilespmem:$0x1E980] =	vst v63  }
0x83: {  	s0 =	sadd.s32 @!p5 $0x100, s0;
	_ =	swait.ge @!p4 [sflag:s16], $0x4000  }
0x84: {  	s6 =	simm.s32 @!p5 $0x80;
	s14 =	simm.s32 @!p5 $0x3100;
	[sflag:s16] =	ssyncset.done @!p4 $0x0  }
0x85: {  	s15 =	sshra.s32 @!p2 s28, $0x2;
	s28 =	smov.u32 s30;
	[sflag:s16] =	ssyncadd.s32 @!p4 $0xFFFFC000  }
0x86: {  	[tilespmem:s14], [sflag:$0x1] =	stream.indirect.gather @!p5 [hbm4b:s3+s6], $0x80, s0, s6, $0xb8;
	[tilespmem:$0x1E980] =	vst v63  }
0x87: {  	v1 =	vld @!p2 [tilespmem:s15+$0x1880];
	_ =	sdelay $0x4  }
0x88: {  	[tilespmem:$0x3080] =	vst @!p2 v1  }
0x89: {  	v1 =	vld @!p2 [tilespmem:s15+$0x1890];
	_ =	sdelay $0x4  }
0x8a: {  	[tilespmem:$0x3090] =	vst @!p2 v1  }
0x8b: {  	v1 =	vld @!p2 [tilespmem:s15+$0x18A0];
	_ =	sdelay $0x4  }
0x8c: {  	[tilespmem:$0x30A0] =	vst @!p2 v1  }
0x8d: {  	v1 =	vld @!p2 [tilespmem:s15+$0x18B0];
	_ =	sdelay $0x4  }
0x8e: {  	[tilespmem:$0x30B0] =	vst @!p2 v1  }
0x8f: {  	v1 =	vld @!p2 [tilespmem:s15+$0x18C0];
	_ =	sdelay $0x4  }
0x90: {  	[tilespmem:$0x30C0] =	vst @!p2 v1  }
0x91: {  	v1 =	vld @!p2 [tilespmem:s15+$0x18D0];
	_ =	sdelay $0x4  }
0x92: {  	[tilespmem:$0x30D0] =	vst @!p2 v1  }
0x93: {  	v1 =	vld @!p2 [tilespmem:s15+$0x18E0];
	_ =	sdelay $0x4  }
.Ltmp1:
0x94: {  	[tilespmem:$0x30E0] =	vst @!p2 v1;
	(pc) =	sbr.rel @p1 .LBB2_5-.Ltmp1, $1  }
0x95: {  	v1 =	vld @!p2 [tilespmem:s15+$0x18F0];
	_ =	sdelay $0x3  }
0x96: {  	_ = 	snop  }
0x97: {  	[tilespmem:$0x30F0] =	vst @!p2 v1  }
0x98: {  	s0 =	sadd.s32 $0x1, s26;
	s6 =	simm.s32 @!p2 $0x4;
	_ =	swait.ge @!p2 [sflag:s31], $0x4000  }
0x99: {  	s14 =	simm.s32 @!p2 $0x7100;
	s16 =	simm.s32 @!p2 $0x3080;
	[sflag:s31] =	ssyncset.done @!p2 $0x0  }
0x9a: {  	s17 =	simm.s32 @!p2 $0x80;
	p3 =	sge.u32 s0, s13;
	[sflag:s31] =	ssyncadd.s32 @!p2 $0xFFFFC000  }
0x9b: {  	[spmem:s1] =	stream.indirect.scatter.add.f32 @!p2 [tilespmem:s14], [sflag:$0x4], $0x80, s16, s17, $0xb8;
	[tilespmem:$0x1E980] =	vst v63  }
0x9c: {  	p1 =	sge.u32 s0, s8;
	s15 =	sshra.s32 @!p3 s28, $0x2;
	_ =	swait.ge @!p2 [sflag:s6], $0x4000  }
0x9d: {  	s0 =	simm.s32 @!p3 $0x80;
	s14 =	sadd.s32 @!p3 $0x80, s15;
	[sflag:s6] =	ssyncset.done @!p2 $0x0  }
0x9e: {  	s15 =	sshra.s32 @!p1 s28, $0x2;
	[sflag:s6] =	ssyncadd.s32 @!p2 $0xFFFFC000;
	s6 =	simm.s32 @!p3 $0x7100  }
0x9f: {  	[tilespmem:s6], [sflag:$0x2] =	stream.indirect.gather @!p3 [hbm4b:s3+s0], $0x80, s14, s0, $0xb8;
	[tilespmem:$0x1E980] =	vst v63  }
0xa0: {  	v1 =	vld @!p1 [tilespmem:s15+$0x1800];
	_ =	sdelay $0x4  }
0xa1: {  	[tilespmem:$0x3000] =	vst @!p1 v1  }
0xa2: {  	v1 =	vld @!p1 [tilespmem:s15+$0x1810];
	_ =	sdelay $0x4  }
0xa3: {  	[tilespmem:$0x3010] =	vst @!p1 v1  }
0xa4: {  	v1 =	vld @!p1 [tilespmem:s15+$0x1820];
	_ =	sdelay $0x4  }
0xa5: {  	[tilespmem:$0x3020] =	vst @!p1 v1  }
0xa6: {  	v1 =	vld @!p1 [tilespmem:s15+$0x1830];
	_ =	sdelay $0x4  }
0xa7: {  	[tilespmem:$0x3030] =	vst @!p1 v1  }
0xa8: {  	v1 =	vld @!p1 [tilespmem:s15+$0x1840];
	_ =	sdelay $0x4  }
0xa9: {  	[tilespmem:$0x3040] =	vst @!p1 v1  }
0xaa: {  	v1 =	vld @!p1 [tilespmem:s15+$0x1850];
	_ =	sdelay $0x4  }
0xab: {  	[tilespmem:$0x3050] =	vst @!p1 v1  }
0xac: {  	v1 =	vld @!p1 [tilespmem:s15+$0x1860];
	_ =	sdelay $0x4  }
0xad: {  	[tilespmem:$0x3060] =	vst @!p1 v1  }
0xae: {  	v1 =	vld @!p1 [tilespmem:s15+$0x1870];
	_ =	sdelay $0x4  }
0xaf: {  	s31 =	sadd.s32 $0x2, s26;
	s0 =	simm.s32 @!p1 $0x1;
	[tilespmem:$0x3070] =	vst @!p1 v1  }
0xb0: {  	s16 =	simm.s32 @!p1 $0x3000;
	p2 =	sgt.u32 s31, s8;
	_ =	swait.ge @!p1 [sflag:s0], $0x4000  }
0xb1: {  	s6 =	simm.s32 @!p1 $0x3100;
	s17 =	simm.s32 @!p2 $0x3;
	[sflag:s0] =	ssyncset.done @!p1 $0x0  }
0xb2: {  	p3 =	sge.u32 s31, s13;
	s15 =	simm.s32 @!p1 $0x80;
	[sflag:s0] =	ssyncadd.s32 @!p1 $0xFFFFC000  }
0xb3: {  	[spmem:s1] =	stream.indirect.scatter.add.f32 @!p1 [tilespmem:s6], [sflag:$0x3], $0x80, s16, s15, $0xb8;
	[tilespmem:$0x1E980] =	vst v63  }
0xb4: {  	s14 =	simm.s32 @!p3 $0x3100;
	s0 =	sshra.s32 @!p3 s28, $0x2;
	_ =	swait.ge @!p2 [sflag:s17], $0x4000  }
0xb5: {  	p1 =	sge.u32 s31, s8;
	s0 =	sadd.s32 @!p3 $0x100, s0;
	[sflag:s17] =	ssyncset.done @!p2 $0x0  }
0xb6: {  	s6 =	simm.s32 @!p3 $0x80;
	s15 =	sshra.s32 @!p1 s28, $0x2;
	[sflag:s17] =	ssyncadd.s32 @!p2 $0xFFFFC000  }
0xb7: {  	[tilespmem:s14], [sflag:$0x1] =	stream.indirect.gather @!p3 [hbm4b:s3+s6], $0x80, s0, s6, $0xb8;
	[tilespmem:$0x1E980] =	vst v63  }
0xb8: {  	v1 =	vld @!p1 [tilespmem:s15+$0x1880];
	_ =	sdelay $0x4  }
0xb9: {  	[tilespmem:$0x3080] =	vst @!p1 v1  }
0xba: {  	v1 =	vld @!p1 [tilespmem:s15+$0x1890];
	_ =	sdelay $0x4  }
0xbb: {  	[tilespmem:$0x3090] =	vst @!p1 v1  }
0xbc: {  	v1 =	vld @!p1 [tilespmem:s15+$0x18A0];
	_ =	sdelay $0x4  }
0xbd: {  	[tilespmem:$0x30A0] =	vst @!p1 v1  }
0xbe: {  	v1 =	vld @!p1 [tilespmem:s15+$0x18B0];
	_ =	sdelay $0x4  }
0xbf: {  	[tilespmem:$0x30B0] =	vst @!p1 v1  }
0xc0: {  	v1 =	vld @!p1 [tilespmem:s15+$0x18C0];
	_ =	sdelay $0x4  }
0xc1: {  	[tilespmem:$0x30C0] =	vst @!p1 v1  }
0xc2: {  	v1 =	vld @!p1 [tilespmem:s15+$0x18D0];
	_ =	sdelay $0x4  }
0xc3: {  	[tilespmem:$0x30D0] =	vst @!p1 v1  }
0xc4: {  	v1 =	vld @!p1 [tilespmem:s15+$0x18E0];
	_ =	sdelay $0x4  }
0xc5: {  	[tilespmem:$0x30E0] =	vst @!p1 v1  }
0xc6: {  	v1 =	vld @!p1 [tilespmem:s15+$0x18F0];
	_ =	sdelay $0x4  }
0xc7: {  	s0 =	simm.s32 @!p1 $0x2;
	[tilespmem:$0x30F0] =	vst @!p1 v1  }
0xc8: {  	_ =	swait.ge @!p1 [sflag:s0], $0x4000  }
0xc9: {  	s6 =	simm.s32 @!p1 $0x7100;
	[sflag:s0] =	ssyncset.done @!p1 $0x0  }
0xca: {  	s14 =	simm.s32 @!p1 $0x3080;
	s15 =	simm.s32 @!p1 $0x80;
	[sflag:s0] =	ssyncadd.s32 @!p1 $0xFFFFC000  }
0xcb: {  	[spmem:s1] =	stream.indirect.scatter.add.f32 @!p1 [tilespmem:s6], [sflag:$0x4], $0x80, s14, s15, $0xb8;
	[tilespmem:$0x1E980] =	vst v63  }
0xcc: {  	p1 =	sge.u32 s25, s10  }
0xcd: {  	s0 =	simm.s32 @!p1 $0x4  }
0xce: {  	_ =	swait.ge @!p1 [sflag:s0], $0x4000  }
0xcf: {  	[sflag:s0] =	ssyncset.done @!p1 $0x0  }
0xd0: {  	p2 =	sge.u32 s25, s12;
	[sflag:s0] =	ssyncadd.s32 @!p1 $0xFFFFC000;
	p1 =	sge.u32 s25, s11  }
0xd1: {  	s0 =	simm.s32 @!p1 $0x80;
	s6 =	simm.s32 @!p1 $0x1780;
	s14 =	simm.s32 @!p1 $0x7100  }
0xd2: {  	[tilespmem:s14], [sflag:$0x2] =	stream.indirect.gather @!p1 [hbm4b:s3+s0], $0x80, s6, s0, $0xb8;
	[tilespmem:$0x1E980] =	vst v63  }
0xd3: {  	v1 =	vld @!p2 [tilespmem:$0x2F00]  }
0xd4: {  	v2 =	vld @!p2 [tilespmem:$0x2F10]  }
0xd5: {  	v3 =	vld @!p2 [tilespmem:$0x2F20]  }
0xd6: {  	v4 =	vld @!p2 [tilespmem:$0x2F30]  }
0xd7: {  	v5 =	vld @!p2 [tilespmem:$0x2F40]  }
0xd8: {  	[tilespmem:$0x3000] =	vst @!p2 v1;
	v1 =	vld @!p2 [tilespmem:$0x2F50]  }
0xd9: {  	[tilespmem:$0x3010] =	vst @!p2 v2;
	v2 =	vld @!p2 [tilespmem:$0x2F60]  }
0xda: {  	[tilespmem:$0x3020] =	vst @!p2 v3;
	v3 =	vld @!p2 [tilespmem:$0x2F70]  }
0xdb: {  	[tilespmem:$0x3030] =	vst @!p2 v4  }
0xdc: {  	[tilespmem:$0x3040] =	vst @!p2 v5  }
0xdd: {  	[tilespmem:$0x3050] =	vst @!p2 v1  }
0xde: {  	[tilespmem:$0x3060] =	vst @!p2 v2  }
0xdf: {  	s6 =	simm.s32 @!p2 $0x1;
	[tilespmem:$0x3070] =	vst @!p2 v3  }
0xe0: {  	_ =	swait.ge @!p2 [sflag:s6], $0x4000  }
0xe1: {  	s16 =	simm.s32 @!p2 $0x3100;
	[sflag:s6] =	ssyncset.done @!p2 $0x0  }
0xe2: {  	s15 =	simm.s32 @!p2 $0x3000;
	[sflag:s6] =	ssyncadd.s32 @!p2 $0xFFFFC000;
	s6 =	simm.s32 @!p2 $0x80  }
0xe3: {  	[spmem:s1] =	stream.indirect.scatter.add.f32 @!p2 [tilespmem:s16], [sflag:$0x3], $0x80, s15, s6, $0xb8;
	[tilespmem:$0x1E980] =	vst v63  }
0xe4: {  	v1 =	vld @!p1 [tilespmem:$0x2F80]  }
0xe5: {  	v2 =	vld @!p1 [tilespmem:$0x2F90]  }
0xe6: {  	v3 =	vld @!p1 [tilespmem:$0x2FA0]  }
0xe7: {  	v4 =	vld @!p1 [tilespmem:$0x2FB0]  }
0xe8: {  	v5 =	vld @!p1 [tilespmem:$0x2FC0]  }
0xe9: {  	[tilespmem:$0x3080] =	vst @!p1 v1;
	v1 =	vld @!p1 [tilespmem:$0x2FD0]  }
0xea: {  	[tilespmem:$0x3090] =	vst @!p1 v2;
	v2 =	vld @!p1 [tilespmem:$0x2FE0]  }
0xeb: {  	[tilespmem:$0x30A0] =	vst @!p1 v3;
	v3 =	vld @!p1 [tilespmem:$0x2FF0]  }
0xec: {  	[tilespmem:$0x30B0] =	vst @!p1 v4  }
0xed: {  	[tilespmem:$0x30C0] =	vst @!p1 v5  }
0xee: {  	[tilespmem:$0x30D0] =	vst @!p1 v1  }
0xef: {  	[tilespmem:$0x30E0] =	vst @!p1 v2  }
0xf0: {  	s6 =	simm.s32 @!p1 $0x2;
	[tilespmem:$0x30F0] =	vst @!p1 v3  }
0xf1: {  	_ =	swait.ge @!p1 [sflag:s6], $0x4000  }
0xf2: {  	[sflag:s6] =	ssyncset.done @!p1 $0x0  }
0xf3: {  	s24 =	sadd.s32 $0x1, s24;
	[sflag:s6] =	ssyncadd.s32 @!p1 $0xFFFFC000;
	s6 =	simm.s32 @!p1 $0x3080  }
0xf4: {  	[spmem:s1] =	stream.indirect.scatter.add.f32 @!p1 [tilespmem:s14], [sflag:$0x4], $0x80, s6, s0, $0xb8;
	[tilespmem:$0x1E980] =	vst v63  }
0xf5: {  	p1 =	sne.s32 s24, $0x4  }
.Ltmp2:
0xf6: {  	_ = 	snop;
	(pc) =	sbr.rel @p1 .LBB2_2-.Ltmp2, $2  }
0xf7: {  	_ =	sdelay $0x2  }
0xf8: {  	s23 =	sadd.s32 $0x30, s23  }
0xf9: {  	[bflag:$0x0] =	sbarrier.arrive $0xFFFF  }
0xfa: {  	s0 =	rddreg [dreg:$0x4]  }
0xfb: {  	[hbm:s0], [sflag:s9] =	dma.local [spmem:s19], $0x2700  }
0xfc: {  	_ =	swait.ge [sflag:s18], $0x2700  }
0xfd: {  	[sflag:s18] =	ssyncset.done $0x0;
	s0 =	rddreg [dreg:$0x5]  }
0xfe: {  	s15 =	rddreg [dreg:$0x7];
	[sflag:s18] =	ssyncadd.s32 $0xFFFFD900  }
0xff: {  	[hbm:s0], [sflag:s9] =	dma.local @!p0 [spmem:s15], $0x100  }
0x100: {  	s0 =	simm.s32 @!p0 $0x5  }
0x101: {  	_ =	swait.ge @!p0 [sflag:s0], $0x100  }
0x102: {  	s2 =	sadd.s32 $0x1, s2;
	s6 =	rddreg [dreg:$0x6]  }
0x103: {  	p1 =	sne.s32 s2, s6  }
.Ltmp3:
0x104: {  	_ = 	snop;
	(pc) =	sbr.rel @p1 .LBB2_1-.Ltmp3, $3  }
0x105: {  	_ =	sdelay $0x1  }
0x106: {  	[sflag:s0] =	ssyncset.done @!p0 $0x0  }
0x107: {  	s14 =	smov.u32 s19;
	[sflag:s0] =	ssyncadd.s32 @!p0 $0xFFFFFF00  }
0x108: {  	_ =	sfence.sel $0x180000  }
0x109: {  	[bflag:$0x0] =	sbarrier.arrive $0xFFFF  }
0x10a: {  	_ =	strace $0x9000004D  }
0x10b: {  	[bflag:$0x2] =	sbarrier.arrive $0xFFFF  }
0x10c: {  	s0 =	rddreg [dreg:$0x2]  }
0x10d: {  	s0 =	sadd.s32 @!p0 $0x100000, s0  }
0x10e: {  	[sflag:s0] =	ssyncadd.tile.s32 @!p0 $0x1;
	_ =	shalt  }
.Lfunc_end2:
_tile_overlayer_lowered:
.L_overlay_start_2:
0x10f: {  	(tag) =	ssettag $0x2  }
0x110: {  	s0 =	rddreg [dreg:$0x0];
	s2 =	stileid.u32  }
0x111: {  	s1 =	rddreg [dreg:$0x1];
	p0 =	sne.s32 s2, $0x0  }
0x112: {  	s3 =	rddreg [dreg:$0x2];
	[bflag:$0x3] =	sbarrier.arrive $0xFFFF;
	s2 =	simm.s32 @!p0 $0x1C05  }
0x113: {  	[timem:s3], [sflag:s2] =	dma.local @!p0 [hbm:s0], s1  }
0x114: {  	s0 =	simm.s32 @!p0 $0x5  }
0x115: {  	_ =	swait.ge @!p0 [sflag:s0], s1  }
0x116: {  	s1 =	ssub.s32 @!p0 $0x0, s1;
	[sflag:s0] =	ssyncset.done @!p0 $0x0  }
0x117: {  	[sflag:s0] =	ssyncadd.s32 @!p0 s1  }
0x118: {  	[bflag:$0x3] =	sbarrier.arrive $0xFFFF  }
0x119: {  	_ =	shalt  }

// kernel: kernel.8.cloned.1.call-start
scs
__scs_entry_jumppad:
0x0: {  	(pc) =	sbr.rel $0x88, $3  }
0x1: {  	(tag) =	ssettag $0x0;
	lr =	simm.s32 $0x1  }
0x2: {  	[smem:$0x3F91] =	sst lr;
	_ =	strace $0xD0000000  }
0x3: {  	_ = 	snop  }
0x4: {  	_ = 	snop  }
0x5: {  	_ = 	snop  }
0x6: {  	_ = 	snop  }
0x7: {  	_ = 	snop  }
__scs_overlays_trampoline_lowered:
0x8: {  	[smem:$0x3FA0] =	sst s0  }
0x9: {  	[smem:$0x3FA1] =	sst s1  }
0xa: {  	[smem:$0x3FA2] =	sst s2  }
0xb: {  	[smem:$0x3FA3] =	sst s3  }
0xc: {  	[smem:$0x3FA4] =	sst s4  }
0xd: {  	[smem:$0x3FA5] =	sst s5  }
0xe: {  	[smem:$0x3FA6] =	sst s6  }
0xf: {  	[smem:$0x3FA7] =	sst s7  }
0x10: {  	[smem:$0x3FA8] =	sst s8  }
0x11: {  	[smem:$0x3FA9] =	sst s9;
	s0 =	simm.s32 @!p0 $0x0  }
0x12: {  	s1 =	sld [smem:$0x3F8F];
	s0 =	simm.s32 @p0 $0x1  }
0x13: {  	[smem:$0x3FAA] =	sst s0;
	s0 =	simm.s32 @!p1 $0x0  }
0x14: {  	s2 =	sld [smem:$0x3F8E];
	s0 =	simm.s32 @p1 $0x1  }
0x15: {  	[smem:$0x3FAB] =	sst s0;
	s0 =	simm.s32 @!p2 $0x0  }
0x16: {  	s3 =	sld [smem:$0x3FDB];
	s0 =	simm.s32 @p2 $0x1  }
0x17: {  	s4 =	simm.s32 $0x1BF5;
	[smem:$0x3FAD] =	sst s0  }
0x18: {  	s0 =	sld [smem:$0x3F90];
	_ =	swait.ge [sflag:s4], $0x0  }
0x19: {  	s7 =	sld [smem:$0x3F91]  }
0x1a: {  	s8 =	sadd.s32 $0xFFFFE003, lr  }
0x1b: {  	s9 =	sadd.s32 $0xFFFFFEF7, lr;
	s5 =	simm.s32 $0xFFFFFFFF;
	p2 =	slt.u32 s8, $0xFFFFF086  }
0x1c: {  	p1 =	slt.u32 s9, $0xF7A;
	s5 =	simm.s32 @!p2 $0x0  }
0x1d: {  	s5 =	simm.s32 @p1 $0x1;
	p0 =	seq.s32 s7, s2  }
0x1e: {  	s7 =	smul.u32 @!p0 $0xF7A, s2;
	p2 =	seq.s32 @!p0 s5, $0x0  }
0x1f: {  	s9 =	smul.u32 $0xF7A, s1;
	s8 =	simm.s32 @!p0 $0x1BF5;
	p2 =	por !p2, p0  }
0x20: {  	[sflag:s8] =	ssyncset.s32 @!p0 $0xFFFFF086;
	s6 =	sadd.s32 @!p0 s3, s7;
	s7 =	simm.s32 @!p0 $0x108  }
0x21: {  	s3 =	sadd.s32 s3, s9;
	s6 =	sadd.s32 @!p0 $0x88, s6;
	s7 =	simm.s32 @p2 $0x1082  }
0x22: {  	[simem:s7], [sflag:s8] =	dma.local @!p0 [hbm:s6], $0xF7A  }
0x23: {  	s9 =	sor.u32 $0xD0000000, s2;
	s6 =	simm.s32 $0x108;
	_ =	swait.ge @!p0 [sflag:s8], $0x0  }
0x24: {  	s3 =	sadd.s32 $0x88, s3;
	s6 =	simm.s32 @!p1 $0x1082;
	[sflag:s4] =	ssyncset.s32 $0xFFFFF086  }
0x25: {  	[simem:s6], [sflag:s4] =	dma.local [hbm:s3], $0xF7A  }
0x26: {  	[smem:$0x3F91] =	sst s1;
	(tag) =	ssettag s2;
	_ =	strace s9  }
0x27: {  	s1 =	sld [smem:$0x3FA1]  }
0x28: {  	s2 =	sld [smem:$0x3FA2]  }
0x29: {  	s4 =	sld [smem:$0x3FA4]  }
0x2a: {  	p0 =	seq.s32 s5, $0x0;
	s5 =	sld [smem:$0x3FA5]  }
0x2b: {  	s6 =	sld [smem:$0x3FA6]  }
0x2c: {  	s7 =	sld [smem:$0x3FA7]  }
0x2d: {  	s3 =	simm.s32 $0x108;
	s8 =	sld [smem:$0x3FA8]  }
0x2e: {  	s3 =	simm.s32 @!p0 $0x1082;
	s9 =	sld [smem:$0x3FA9]  }
0x2f: {  	lr =	sadd.s32 s0, s3;
	s0 =	sld [smem:$0x3FA0]  }
0x30: {  	s3 =	sld [smem:$0x3FA3]  }
0x31: {  	[smem:$0x3FAC] =	sst s10  }
0x32: {  	s10 =	sld [smem:$0x3FAA];
	_ =	sdelay $0x3  }
0x33: {  	p0 =	seq.s32 s10, $0x1;
	s10 =	sld [smem:$0x3FAC];
	_ =	sdelay $0x3  }
0x34: {  	[smem:$0x3FAC] =	sst s10  }
0x35: {  	s10 =	sld [smem:$0x3FAB];
	_ =	sdelay $0x3  }
0x36: {  	p1 =	seq.s32 s10, $0x1;
	s10 =	sld [smem:$0x3FAC];
	_ =	sdelay $0x3  }
0x37: {  	[smem:$0x3FAC] =	sst s10  }
0x38: {  	s10 =	sld [smem:$0x3FAD]  }
0x39: {  	_ = 	snop;
	(pc) =	sbr.ind lr, $3  }
0x3a: {  	_ = 	snop  }
0x3b: {  	_ = 	snop  }
0x3c: {  	p2 =	seq.s32 s10, $0x1;
	s10 =	sld [smem:$0x3FAC]  }
0x3d: {  	_ =	shalt  }
0x3e: {  	_ =	shalt  }
0x3f: {  	_ =	shalt  }
0x40: {  	_ =	shalt  }
0x41: {  	_ =	shalt  }
0x42: {  	_ =	shalt  }
0x43: {  	_ =	shalt  }
0x44: {  	_ =	shalt  }
0x45: {  	_ =	shalt  }
0x46: {  	_ =	shalt  }
0x47: {  	_ =	shalt  }
0x48: {  	_ =	shalt  }
0x49: {  	_ =	shalt  }
0x4a: {  	_ =	shalt  }
0x4b: {  	_ =	shalt  }
0x4c: {  	_ =	shalt  }
0x4d: {  	_ =	shalt  }
0x4e: {  	_ =	shalt  }
0x4f: {  	_ =	shalt  }
0x50: {  	_ =	shalt  }
0x51: {  	_ =	shalt  }
0x52: {  	_ =	shalt  }
0x53: {  	_ =	shalt  }
0x54: {  	_ =	shalt  }
0x55: {  	_ =	shalt  }
0x56: {  	_ =	shalt  }
0x57: {  	_ =	shalt  }
0x58: {  	_ =	shalt  }
0x59: {  	_ =	shalt  }
0x5a: {  	_ =	shalt  }
0x5b: {  	_ =	shalt  }
0x5c: {  	_ =	shalt  }
0x5d: {  	_ =	shalt  }
0x5e: {  	_ =	shalt  }
0x5f: {  	_ =	shalt  }
0x60: {  	_ =	shalt  }
0x61: {  	_ =	shalt  }
0x62: {  	_ =	shalt  }
0x63: {  	_ =	shalt  }
0x64: {  	_ =	shalt  }
0x65: {  	_ =	shalt  }
0x66: {  	_ =	shalt  }
0x67: {  	_ =	shalt  }
0x68: {  	_ =	shalt  }
0x69: {  	_ =	shalt  }
0x6a: {  	_ =	shalt  }
0x6b: {  	_ =	shalt  }
0x6c: {  	_ =	shalt  }
0x6d: {  	_ =	shalt  }
0x6e: {  	_ =	shalt  }
0x6f: {  	_ =	shalt  }
0x70: {  	_ =	shalt  }
0x71: {  	_ =	shalt  }
0x72: {  	_ =	shalt  }
0x73: {  	_ =	shalt  }
0x74: {  	_ =	shalt  }
0x75: {  	_ =	shalt  }
0x76: {  	_ =	shalt  }
0x77: {  	_ =	shalt  }
0x78: {  	_ =	shalt  }
0x79: {  	_ =	shalt  }
0x7a: {  	_ =	shalt  }
0x7b: {  	_ =	shalt  }
0x7c: {  	_ =	shalt  }
0x7d: {  	_ =	shalt  }
0x7e: {  	_ =	shalt  }
0x7f: {  	_ =	shalt  }
0x80: {  	_ =	shalt  }
0x81: {  	_ =	shalt  }
0x82: {  	_ =	shalt  }
0x83: {  	_ =	shalt  }
0x84: {  	_ =	shalt  }
0x85: {  	_ =	shalt  }
0x86: {  	_ =	shalt  }
0x87: {  	_ =	shalt  }
.Lfunc_end0:
.L_simem_size_0:
called_computation_lowered:
.L_overlay_start_0:
0x88: {  	s2 =	sld [smem:$0x3FD9]  }
0x89: {  	s3 =	sld [smem:$0x3FFE];
	_ =	sdelay $0x1  }
0x8a: {  	s1 =	srdreg.scid  }
0x8b: {  	s0 =	sand.u32 $0x1, s1  }
0x8c: {  	s17 =	sshll.u32 s0, $0xA;
	s2 =	sadd.s32 s3, s2  }
0x8d: {  	s2 =	sadd.s32 s2, s17  }
0x8e: {  	[smem:$0x3FB8] =	sst s2  }
0x8f: {  	_ = 	snop  }
0x90: {  	s2 =	sld [smem:$0x3FC9];
	(tm) =	ssettm $0x1  }
0x91: {  	s18 =	sld [smem:$0x3FFB];
	_ =	sdelay $0x3  }
0x92: {  	_ =	strace s18  }
0x93: {  	s3 =	sld [smem:$0x3FFC];
	_ =	sdelay $0x3  }
0x94: {  	_ =	strace s3  }
0x95: {  	s3 =	sld [smem:$0x3FFD];
	_ =	sdelay $0x3  }
0x96: {  	_ =	strace s3  }
0x97: {  	_ =	strace $0x8FFFFFFF  }
0x98: {  	s19 =	sld [smem:$0x3FDB];
	_ =	sdelay $0x1  }
0x99: {  	s4 =	simm.s32 $_scs_section_size  }
0x9a: {  	s5 =	simm.s32 $_size__tile_overlayer_lowered;
	s6 =	simm.s32 $_tile_overlayer_lowered  }
0x9b: {  	s22 =	simm.s32 $0x1BFF;
	s21 =	sshll.u32 s6, $0x1;
	s3 =	sadd.s32 s4, s19  }
0x9c: {  	s7 =	simm.s32 $0x0;
	s20 =	sshll.u32 s5, $0x1;
	s5 =	sadd.s32 s21, s3  }
0x9d: {  	[timem:s7], [sflag:s22] =	dma.local [hbm:s5], s20  }
0x9e: {  	_ =	swait.ge [sflag:s22], s20  }
0x9f: {  	s4 =	ssub.s32 $0x0, s20;
	[sflag:s22] =	ssyncset.done $0x0  }
0xa0: {  	[sflag:s22] =	ssyncadd.s32 s4;
	_ =	sdelay $0x1  }
0xa1: {  	s23 =	simm.s32 $0x1B8B  }
0xa2: {  	_ =	swait.ge [sflag:s23], $0x1  }
0xa3: {  	[sflag:s23] =	ssyncset.done $0x0  }
0xa4: {  	s25 =	simm.s32 $0x1B8E;
	s24 =	sld [smem:$0x3FFE];
	[sflag:s23] =	ssyncadd.s32 $0xFFFFFFFF  }
0xa5: {  	s26 =	simm.s32 $execute0_lowered;
	[smem:$0x3FD2] =	sst s25  }
0xa6: {  	s5 =	sshll.u32 s26, $0x1;
	_ =	strace $0x80000046;
	[dreg:$0x1] =	wrdreg $0xFFFFFFFF  }
0xa7: {  	s28 =	simm.s32 $_size_execute0_lowered;
	s3 =	sadd.s32 s3, s5;
	[dreg:$0x0] =	wrdreg $0x0  }
0xa8: {  	s5 =	sshll.u32 s28, $0x1;
	[dreg:$0x2] =	wrdreg s3  }
0xa9: {  	[dreg:$0x3] =	wrdreg s5  }
0xaa: {  	[dreg:$0x4] =	wrdreg $0xC0  }
0xab: {  	_ =	task [dreg:s7], $0x5FFFF  }
0xac: {  	[dreg:$0x1] =	wrdreg $0xFFFFFFFF  }
0xad: {  	[dreg:$0x0] =	wrdreg $0x60  }
0xae: {  	[dreg:$0x2] =	wrdreg s2  }
0xaf: {  	[dreg:$0x3] =	wrdreg s24  }
0xb0: {  	[dreg:$0x4] =	wrdreg $0xB1000  }
0xb1: {  	[dreg:$0x5] =	wrdreg $0x9  }
0xb2: {  	_ =	task.clear_ibuf [dreg:s7], $0x6FFFF;
	_ =	strace $0x90000046  }
0xb3: {  	s29 =	simm.s32 $0x9;
	_ =	strace $0x80000048  }
0xb4: {  	_ =	swait.ge [sflag:s29], $0x1  }
0xb5: {  	[sflag:s29] =	ssyncadd.s32 $0xFFFFFFFF  }
0xb6: {  	_ =	strace $0x90000048  }
0xb7: {  	_ =	sfence  }
0xb8: {  	s30 =	sld [smem:$0x0];
	_ =	sdelay $0x2  }
0xb9: {  	s31 =	sshll.u32 s1, $0xD;
	s1 =	sshrl.u32 s1, $0x2  }
0xba: {  	s3 =	sand.u32 $0x4000, s31;
	s1 =	sadd.s32 s1, s30  }
0xbb: {  	s0 =	sor.u32 s3, s0;
	s1 =	sshll.u32 s1, $0x11  }
0xbc: {  	s0 =	sor.u32 s1, s0  }
0xbd: {  	s0 =	sadd.s32 $0x8F2B, s0  }
0xbe: {  	[sflag:s0] =	ssyncadd.remote.s32 $0x1  }
0xbf: {  	_ =	sfence.sel $0xFFFF  }
0xc0: {  	[dreg:$0x0] =	wrdreg $0xFFFFFFFF;
	(pc) =	sbr.abs _section_cstart, $3  }
0xc1: {  	[dreg:$0x1] =	wrdreg $0xFFFFFFFF  }
0xc2: {  	_ =	task.clear_ibuf [dreg:s7], $0x2FFFF;
	_ =	strace $0x9FFFFFFF  }
0xc3: {  	(tm) =	ssettm $0x7FFFFFFF  }
tec
execute0_lowered:
.L_overlay_start_1:
0x0: {  	(tag) =	ssettag $0x1  }
0x1: {  	s1 =	rddreg [dreg:$0x0]  }
0x2: {  	s7 =	rddreg [dreg:$0x1]  }
0x3: {  	s2 =	rddreg [dreg:$0x2];
	s3 =	simm.s32 $0x0  }
0x4: {  	s5 =	srdreg.scid;
	s17 =	stileid.u32;
	s21 =	simm.s32 $0x80  }
0x5: {  	s22 =	simm.s32 $0x3100;
	s23 =	simm.s32 $0x0;
	[smem:$0x7FF] =	sst s3  }
0x6: {  	s4 =	sadd.s32 $0xE800, s7;
	s10 =	sand.u32 $0x1, s5;
	s5 =	sadd.s32 $0x4800, s7  }
0x7: {  	s0 =	sadd.s32 $0x18800, s7;
	s14 =	sadd.s32 $0x1B000, s7;
	s26 =	smul.u32 $0x4E000, s17  }
0x8: {  	s13 =	smul.u32 $0x2700, s17;
	s28 =	sshll.u32 s17, $0x6;
	s19 =	sadd.s32 $0x138000, s2  }
0x9: {  	_ =	strace $0x80000047;
	s8 =	sshll.u32 s10, $0x4;
	s12 =	smul.u32 $0x138800, s10  }
0xa: {  	s9 =	ssub.s32 $0x2, s10;
	s15 =	smul.u32 $0x27100, s10;
	s8 =	sor.u32 s17, s8  }
0xb: {  	[dreg:$0x4] =	wrdreg s0;
	s24 =	sshrl.u32 s9, $0x1;
	s11 =	smul.u32 $0x4E, s8  }
0xc: {  	s16 =	ssub.s32 s9, s24;
	s25 =	smin.u32 s8, $0x4;
	p0 =	slt.u32 s8, $0x4  }
0xd: {  	s8 =	simm.s32 $0x4F;
	s9 =	sshrl.u32 s26, $0x2;
	s20 =	sshrl.u32 s12, $0x3  }
0xe: {  	s15 =	sadd.s32 s13, s15;
	s8 =	simm.s32 @!p0 $0x4E;
	s18 =	sadd.s32 s9, s2  }
0xf: {  	s9 =	sor.u32 $0x1C05, s28;
	s20 =	sadd.s32 s14, s20;
	s29 =	sadd.s32 s14, s15  }
0x10: {  	s31 =	smax.u32 s16, $0x1;
	p0 =	sne.s32 s17, $0x0;
	s7 =	sadd.s32 s25, s11  }
0x11: {  	s10 =	sadd.s32 $0xFFFFFFD3, s8;
	s11 =	sadd.s32 $0xFFFFFFD1, s8;
	s12 =	sadd.s32 $0xFFFFFFD2, s8  }
0x12: {  	s13 =	sadd.s32 $0xFFFFFFFF, s8;
	[dreg:$0x5] =	wrdreg s29;
	s30 =	sadd.s32 $0x27000, s20  }
0x13: {  	[dreg:$0x7] =	wrdreg s31;
	s17 =	sshrl.u32 s18, $0x3;
	s18 =	simm.s32 $0x5  }
0x14: {  	s19 =	sshrl.u32 @!p0 s19, $0x3;
	s20 =	simm.s32 $0x1800;
	[dreg:$0x6] =	wrdreg s30  }
.LBB2_1:
0x15: {  	s0 =	rddreg [dreg:$0x4]  }
0x16: {  	[spmem:s17], [sflag:s9] =	dma.local [hbm:s0], $0x2700  }
0x17: {  	_ =	swait.ge [sflag:s18], $0x2700  }
0x18: {  	[sflag:s18] =	ssyncset.done $0x0  }
0x19: {  	s24 =	simm.s32 @!p0 $0x5;
	[sflag:s18] =	ssyncadd.s32 $0xFFFFD900  }
0x1a: {  	[spmem:s19], [sflag:s9] =	dma.local @!p0 [hbm:s0], $0x100  }
0x1b: {  	_ =	swait.ge @!p0 [sflag:s24], $0x100  }
0x1c: {  	[sflag:s24] =	ssyncset.done @!p0 $0x0  }
0x1d: {  	[sflag:s24] =	ssyncadd.s32 @!p0 $0xFFFFFF00  }
0x1e: {  	p2 =	por $0x1, $0x1;
	s24 =	simm.s32 $0x0;
	[bflag:$0x0] =	sbarrier.arrive $0xFFFF  }
.LBB2_2:
0x1f: {  	s25 =	sadd.s32 s24, s7  }
0x20: {  	s25 =	sshll.u32 s25, $0x4  }
0x21: {  	s25 =	sand.u32 $0x1FFFFFF0, s25  }
0x22: {  	s26 =	sadd.s32 s4, s25  }
0x23: {  	[tilespmem:s3], [sflag:$0x5] =	stream.linear.gather [hbm4b:s26+s3], $0x1800, $0x38;
	[tilespmem:$0x1E980] =	vst v63  }
0x24: {  	_ =	swait.ge [sflag:s18], $0x1800  }
0x25: {  	[sflag:s18] =	ssyncset.done $0x0  }
0x26: {  	s25 =	sadd.s32 s5, s25;
	[sflag:s18] =	ssyncadd.s32 $0xFFFFE800  }
0x27: {  	[tilespmem:s20], [sflag:$0x5] =	stream.linear.gather [hbm4b:s25+s3], $0x1800, $0x38;
	[tilespmem:$0x1E980] =	vst v63  }
0x28: {  	_ =	swait.ge [sflag:s18], $0x1800  }
0x29: {  	[sflag:s18] =	ssyncset.done $0x0  }
0x2a: {  	s25 =	simm.s32 @!p2 $0x3;
	[sflag:s18] =	ssyncadd.s32 $0xFFFFE800  }
0x2b: {  	s15 =	simm.s32 $0x0;
	s16 =	sadd.s32 $0xFFFFFFFF, s24;
	_ =	swait.ge @!p2 [sflag:s25], $0x4000  }
0x2c: {  	p3 =	sge.u32 s16, s8;
	s31 =	sadd.s32 $0x1, s16;
	[sflag:s25] =	ssyncset.done @!p2 $0x0  }
0x2d: {  	s28 =	simm.s32 @!p3 $0x4;
	p4 =	sge.u32 s31, s13;
	[sflag:s25] =	ssyncadd.s32 @!p2 $0xFFFFC000  }
0x2e: {  	[tilespmem:s22], [sflag:$0x1] =	stream.indirect.gather [hbm4b:s1+s21], $0x80, s15, s21, $0xb8;
	[tilespmem:$0x1E980] =	vst v63  }
0x2f: {  	p1 =	por p2, p2;
	s29 =	simm.s32 @!p4 $0x80;
	_ =	swait.ge @!p3 [sflag:s28], $0x4000  }
0x30: {  	s26 =	simm.s32 @!p4 $0x80;
	p2 =	sge.u32 s31, s8;
	[sflag:s28] =	ssyncset.done @!p3 $0x0  }
0x31: {  	s30 =	simm.s32 @!p2 $0x0;
	[sflag:s28] =	ssyncadd.s32 @!p3 $0xFFFFC000;
	s28 =	simm.s32 @!p4 $0x7100  }
0x32: {  	[tilespmem:s28], [sflag:$0x2] =	stream.indirect.gather @!p4 [hbm4b:s1+s26], $0x80, s29, s26, $0xb8;
	[tilespmem:$0x1E980] =	vst v63  }
0x33: {  	v0 =	vld @!p2 [tilespmem:s30+$0x1800];
	_ =	sdelay $0x4  }
0x34: {  	[tilespmem:$0x3000] =	vst @!p2 v0  }
0x35: {  	v0 =	vld @!p2 [tilespmem:s30+$0x1810];
	_ =	sdelay $0x4  }
0x36: {  	[tilespmem:$0x3010] =	vst @!p2 v0  }
0x37: {  	v0 =	vld @!p2 [tilespmem:s30+$0x1820];
	_ =	sdelay $0x4  }
0x38: {  	[tilespmem:$0x3020] =	vst @!p2 v0  }
0x39: {  	v0 =	vld @!p2 [tilespmem:s30+$0x1830];
	_ =	sdelay $0x4  }
0x3a: {  	[tilespmem:$0x3030] =	vst @!p2 v0  }
0x3b: {  	v0 =	vld @!p2 [tilespmem:s30+$0x1840];
	_ =	sdelay $0x4  }
0x3c: {  	[tilespmem:$0x3040] =	vst @!p2 v0  }
0x3d: {  	v0 =	vld @!p2 [tilespmem:s30+$0x1850];
	_ =	sdelay $0x4  }
0x3e: {  	[tilespmem:$0x3050] =	vst @!p2 v0  }
0x3f: {  	v0 =	vld @!p2 [tilespmem:s30+$0x1860];
	_ =	sdelay $0x4  }
0x40: {  	[tilespmem:$0x3060] =	vst @!p2 v0  }
0x41: {  	v0 =	vld @!p2 [tilespmem:s30+$0x1870];
	_ =	sdelay $0x4  }
0x42: {  	s26 =	simm.s32 @!p2 $0x1;
	[tilespmem:$0x3070] =	vst @!p2 v0  }
0x43: {  	s25 =	sadd.s32 $0x2, s16;
	s28 =	simm.s32 @!p2 $0x3100;
	_ =	swait.ge @!p2 [sflag:s26], $0x4000  }
0x44: {  	s29 =	simm.s32 @!p2 $0x80;
	p4 =	sgt.u32 s25, s8;
	[sflag:s26] =	ssyncset.done @!p2 $0x0  }
0x45: {  	s31 =	simm.s32 @!p4 $0x3;
	s30 =	simm.s32 @!p2 $0x3000;
	[sflag:s26] =	ssyncadd.s32 @!p2 $0xFFFFC000  }
0x46: {  	[spmem:s2] =	stream.indirect.scatter.add.f32 @!p2 [tilespmem:s28], [sflag:$0x3], $0x80, s30, s29, $0xb8;
	[tilespmem:$0x1E980] =	vst v63  }
0x47: {  	p3 =	sge.u32 s25, s8;
	p2 =	sge.u32 s25, s13;
	_ =	swait.ge @!p4 [sflag:s31], $0x4000  }
0x48: {  	s26 =	simm.s32 @!p2 $0x100;
	s28 =	simm.s32 @!p2 $0x80;
	[sflag:s31] =	ssyncset.done @!p4 $0x0  }
0x49: {  	s29 =	simm.s32 @!p2 $0x3100;
	[sflag:s31] =	ssyncadd.s32 @!p4 $0xFFFFC000;
	s31 =	simm.s32 @!p3 $0x0  }
0x4a: {  	[tilespmem:s29], [sflag:$0x1] =	stream.indirect.gather @!p2 [hbm4b:s1+s28], $0x80, s26, s28, $0xb8;
	[tilespmem:$0x1E980] =	vst v63  }
0x4b: {  	v0 =	vld @!p3 [tilespmem:s31+$0x1880];
	_ =	sdelay $0x4  }
0x4c: {  	[tilespmem:$0x3080] =	vst @!p3 v0  }
0x4d: {  	v0 =	vld @!p3 [tilespmem:s31+$0x1890];
	_ =	sdelay $0x4  }
0x4e: {  	[tilespmem:$0x3090] =	vst @!p3 v0  }
0x4f: {  	v0 =	vld @!p3 [tilespmem:s31+$0x18A0];
	_ =	sdelay $0x4  }
0x50: {  	[tilespmem:$0x30A0] =	vst @!p3 v0  }
0x51: {  	v0 =	vld @!p3 [tilespmem:s31+$0x18B0];
	_ =	sdelay $0x4  }
0x52: {  	[tilespmem:$0x30B0] =	vst @!p3 v0  }
0x53: {  	v0 =	vld @!p3 [tilespmem:s31+$0x18C0];
	_ =	sdelay $0x4  }
0x54: {  	[tilespmem:$0x30C0] =	vst @!p3 v0  }
0x55: {  	v0 =	vld @!p3 [tilespmem:s31+$0x18D0];
	_ =	sdelay $0x4  }
0x56: {  	[tilespmem:$0x30D0] =	vst @!p3 v0  }
0x57: {  	v0 =	vld @!p3 [tilespmem:s31+$0x18E0];
	_ =	sdelay $0x4  }
0x58: {  	[tilespmem:$0x30E0] =	vst @!p3 v0  }
0x59: {  	v0 =	vld @!p3 [tilespmem:s31+$0x18F0];
	_ =	sdelay $0x1  }
0x5a: {  	s30 =	simm.s32 @!p3 $0x2;
	s26 =	simm.s32 $0x400;
	s28 =	simm.s32 $0x800  }
.LBB2_3:
0x5b: {  	s31 =	sadd.s32 $0x1, s25  }
0x5c: {  	s0 =	simm.s32 @!p3 $0x4;
	s29 =	smov.u32 s28;
	s28 =	sadd.s32 $0x400, s28  }
0x5d: {  	s14 =	simm.s32 @!p3 $0x7100;
	p2 =	sne.s32 s28, $0x5C00;
	p5 =	sge.u32 s31, s13;
	[tilespmem:$0x30F0] =	vst @!p3 v0  }
0x5e: {  	s16 =	simm.s32 @!p3 $0x3080;
	s15 =	sshra.s32 @!p5 s26, $0x2;
	_ =	swait.ge @!p3 [sflag:s30], $0x4000  }
0x5f: {  	s6 =	simm.s32 @!p3 $0x80;
	s15 =	sadd.s32 @!p5 $0x80, s15;
	[sflag:s30] =	ssyncset.done @!p3 $0x0  }
0x60: {  	p4 =	sge.u32 s31, s8;
	[sflag:s30] =	ssyncadd.s32 @!p3 $0xFFFFC000  }
0x61: {  	[spmem:s2] =	stream.indirect.scatter.add.f32 @!p3 [tilespmem:s14], [sflag:$0x4], $0x80, s16, s6, $0xb8;
	[tilespmem:$0x1E980] =	vst v63  }
0x62: {  	s30 =	sshra.s32 @!p4 s26, $0x2;
	s6 =	simm.s32 @!p5 $0x80;
	_ =	swait.ge @!p3 [sflag:s0], $0x4000  }
0x63: {  	[sflag:s0] =	ssyncset.done @!p3 $0x0  }
0x64: {  	[sflag:s0] =	ssyncadd.s32 @!p3 $0xFFFFC000;
	s0 =	simm.s32 @!p5 $0x7100  }
0x65: {  	[tilespmem:s0], [sflag:$0x2] =	stream.indirect.gather @!p5 [hbm4b:s1+s6], $0x80, s15, s6, $0xb8;
	[tilespmem:$0x1E980] =	vst v63  }
0x66: {  	v0 =	vld @!p4 [tilespmem:s30+$0x1800];
	_ =	sdelay $0x4  }
0x67: {  	[tilespmem:$0x3000] =	vst @!p4 v0  }
0x68: {  	v0 =	vld @!p4 [tilespmem:s30+$0x1810];
	_ =	sdelay $0x4  }
0x69: {  	[tilespmem:$0x3010] =	vst @!p4 v0  }
0x6a: {  	v0 =	vld @!p4 [tilespmem:s30+$0x1820];
	_ =	sdelay $0x4  }
0x6b: {  	[tilespmem:$0x3020] =	vst @!p4 v0  }
0x6c: {  	v0 =	vld @!p4 [tilespmem:s30+$0x1830];
	_ =	sdelay $0x4  }
0x6d: {  	[tilespmem:$0x3030] =	vst @!p4 v0  }
0x6e: {  	v0 =	vld @!p4 [tilespmem:s30+$0x1840];
	_ =	sdelay $0x4  }
0x6f: {  	[tilespmem:$0x3040] =	vst @!p4 v0  }
0x70: {  	v0 =	vld @!p4 [tilespmem:s30+$0x1850];
	_ =	sdelay $0x4  }
0x71: {  	[tilespmem:$0x3050] =	vst @!p4 v0  }
0x72: {  	v0 =	vld @!p4 [tilespmem:s30+$0x1860];
	_ =	sdelay $0x4  }
0x73: {  	[tilespmem:$0x3060] =	vst @!p4 v0  }
0x74: {  	v0 =	vld @!p4 [tilespmem:s30+$0x1870];
	_ =	sdelay $0x1  }
0x75: {  	s0 =	simm.s32 @!p4 $0x1;
	_ =	sdelay $0x1  }
0x76: {  	s25 =	sadd.s32 $0x2, s25;
	s6 =	simm.s32 @!p4 $0x3100  }
0x77: {  	s14 =	simm.s32 @!p4 $0x80;
	p3 =	sge.u32 s25, s8;
	[tilespmem:$0x3070] =	vst @!p4 v0  }
0x78: {  	s15 =	simm.s32 @!p4 $0x3000;
	p5 =	sgt.u32 s25, s8;
	_ =	swait.ge @!p4 [sflag:s0], $0x4000  }
0x79: {  	p6 =	sge.u32 s25, s13;
	s16 =	simm.s32 @!p5 $0x3;
	[sflag:s0] =	ssyncset.done @!p4 $0x0  }
0x7a: {  	s30 =	simm.s32 @!p3 $0x2;
	[sflag:s0] =	ssyncadd.s32 @!p4 $0xFFFFC000;
	s0 =	sshra.s32 @!p6 s26, $0x2  }
0x7b: {  	[spmem:s2] =	stream.indirect.scatter.add.f32 @!p4 [tilespmem:s6], [sflag:$0x3], $0x80, s15, s14, $0xb8;
	[tilespmem:$0x1E980] =	vst v63  }
0x7c: {  	s0 =	sadd.s32 @!p6 $0x100, s0;
	_ =	swait.ge @!p5 [sflag:s16], $0x4000  }
0x7d: {  	s6 =	simm.s32 @!p6 $0x80;
	s14 =	simm.s32 @!p6 $0x3100;
	[sflag:s16] =	ssyncset.done @!p5 $0x0  }
0x7e: {  	s15 =	sshra.s32 @!p3 s26, $0x2;
	s26 =	smov.u32 s29;
	[sflag:s16] =	ssyncadd.s32 @!p5 $0xFFFFC000  }
0x7f: {  	[tilespmem:s14], [sflag:$0x1] =	stream.indirect.gather @!p6 [hbm4b:s1+s6], $0x80, s0, s6, $0xb8;
	[tilespmem:$0x1E980] =	vst v63  }
0x80: {  	v0 =	vld @!p3 [tilespmem:s15+$0x1880];
	_ =	sdelay $0x4  }
0x81: {  	[tilespmem:$0x3080] =	vst @!p3 v0  }
0x82: {  	v0 =	vld @!p3 [tilespmem:s15+$0x1890];
	_ =	sdelay $0x4  }
0x83: {  	[tilespmem:$0x3090] =	vst @!p3 v0  }
0x84: {  	v0 =	vld @!p3 [tilespmem:s15+$0x18A0];
	_ =	sdelay $0x4  }
0x85: {  	[tilespmem:$0x30A0] =	vst @!p3 v0  }
0x86: {  	v0 =	vld @!p3 [tilespmem:s15+$0x18B0];
	_ =	sdelay $0x4  }
0x87: {  	[tilespmem:$0x30B0] =	vst @!p3 v0  }
0x88: {  	v0 =	vld @!p3 [tilespmem:s15+$0x18C0];
	_ =	sdelay $0x4  }
0x89: {  	[tilespmem:$0x30C0] =	vst @!p3 v0  }
0x8a: {  	v0 =	vld @!p3 [tilespmem:s15+$0x18D0];
	_ =	sdelay $0x4  }
0x8b: {  	[tilespmem:$0x30D0] =	vst @!p3 v0  }
0x8c: {  	v0 =	vld @!p3 [tilespmem:s15+$0x18E0];
	_ =	sdelay $0x4  }
.Ltmp0:
0x8d: {  	[tilespmem:$0x30E0] =	vst @!p3 v0;
	(pc) =	sbr.rel @p2 .LBB2_3-.Ltmp0, $1  }
0x8e: {  	v0 =	vld @!p3 [tilespmem:s15+$0x18F0];
	_ =	sdelay $0x3  }
0x8f: {  	_ = 	snop  }
0x90: {  	[tilespmem:$0x30F0] =	vst @!p3 v0  }
0x91: {  	s0 =	sadd.s32 $0x1, s25;
	s6 =	simm.s32 @!p3 $0x4;
	_ =	swait.ge @!p3 [sflag:s30], $0x4000  }
0x92: {  	s14 =	simm.s32 @!p3 $0x7100;
	s16 =	simm.s32 @!p3 $0x3080;
	[sflag:s30] =	ssyncset.done @!p3 $0x0  }
0x93: {  	s28 =	simm.s32 @!p3 $0x80;
	p4 =	sge.u32 s0, s13;
	[sflag:s30] =	ssyncadd.s32 @!p3 $0xFFFFC000  }
0x94: {  	[spmem:s2] =	stream.indirect.scatter.add.f32 @!p3 [tilespmem:s14], [sflag:$0x4], $0x80, s16, s28, $0xb8;
	[tilespmem:$0x1E980] =	vst v63  }
0x95: {  	p2 =	sge.u32 s0, s8;
	s15 =	sshra.s32 @!p4 s26, $0x2;
	_ =	swait.ge @!p3 [sflag:s6], $0x4000  }
0x96: {  	s0 =	simm.s32 @!p4 $0x80;
	s14 =	sadd.s32 @!p4 $0x80, s15;
	[sflag:s6] =	ssyncset.done @!p3 $0x0  }
0x97: {  	s15 =	sshra.s32 @!p2 s26, $0x2;
	[sflag:s6] =	ssyncadd.s32 @!p3 $0xFFFFC000;
	s6 =	simm.s32 @!p4 $0x7100  }
0x98: {  	[tilespmem:s6], [sflag:$0x2] =	stream.indirect.gather @!p4 [hbm4b:s1+s0], $0x80, s14, s0, $0xb8;
	[tilespmem:$0x1E980] =	vst v63  }
0x99: {  	v0 =	vld @!p2 [tilespmem:s15+$0x1800];
	_ =	sdelay $0x4  }
0x9a: {  	[tilespmem:$0x3000] =	vst @!p2 v0  }
0x9b: {  	v0 =	vld @!p2 [tilespmem:s15+$0x1810];
	_ =	sdelay $0x4  }
0x9c: {  	[tilespmem:$0x3010] =	vst @!p2 v0  }
0x9d: {  	v0 =	vld @!p2 [tilespmem:s15+$0x1820];
	_ =	sdelay $0x4  }
0x9e: {  	[tilespmem:$0x3020] =	vst @!p2 v0  }
0x9f: {  	v0 =	vld @!p2 [tilespmem:s15+$0x1830];
	_ =	sdelay $0x4  }
0xa0: {  	[tilespmem:$0x3030] =	vst @!p2 v0  }
0xa1: {  	v0 =	vld @!p2 [tilespmem:s15+$0x1840];
	_ =	sdelay $0x4  }
0xa2: {  	[tilespmem:$0x3040] =	vst @!p2 v0  }
0xa3: {  	v0 =	vld @!p2 [tilespmem:s15+$0x1850];
	_ =	sdelay $0x4  }
0xa4: {  	[tilespmem:$0x3050] =	vst @!p2 v0  }
0xa5: {  	v0 =	vld @!p2 [tilespmem:s15+$0x1860];
	_ =	sdelay $0x4  }
0xa6: {  	[tilespmem:$0x3060] =	vst @!p2 v0  }
0xa7: {  	v0 =	vld @!p2 [tilespmem:s15+$0x1870];
	_ =	sdelay $0x4  }
0xa8: {  	s31 =	sadd.s32 $0x2, s25;
	s0 =	simm.s32 @!p2 $0x1;
	[tilespmem:$0x3070] =	vst @!p2 v0  }
0xa9: {  	s16 =	simm.s32 @!p2 $0x3000;
	p3 =	sgt.u32 s31, s8;
	_ =	swait.ge @!p2 [sflag:s0], $0x4000  }
0xaa: {  	s6 =	simm.s32 @!p2 $0x3100;
	s25 =	simm.s32 @!p3 $0x3;
	[sflag:s0] =	ssyncset.done @!p2 $0x0  }
0xab: {  	p4 =	sge.u32 s31, s13;
	s15 =	simm.s32 @!p2 $0x80;
	[sflag:s0] =	ssyncadd.s32 @!p2 $0xFFFFC000  }
0xac: {  	[spmem:s2] =	stream.indirect.scatter.add.f32 @!p2 [tilespmem:s6], [sflag:$0x3], $0x80, s16, s15, $0xb8;
	[tilespmem:$0x1E980] =	vst v63  }
0xad: {  	s14 =	simm.s32 @!p4 $0x3100;
	s0 =	sshra.s32 @!p4 s26, $0x2;
	_ =	swait.ge @!p3 [sflag:s25], $0x4000  }
0xae: {  	p2 =	sge.u32 s31, s8;
	s0 =	sadd.s32 @!p4 $0x100, s0;
	[sflag:s25] =	ssyncset.done @!p3 $0x0  }
0xaf: {  	s6 =	simm.s32 @!p4 $0x80;
	s15 =	sshra.s32 @!p2 s26, $0x2;
	[sflag:s25] =	ssyncadd.s32 @!p3 $0xFFFFC000  }
0xb0: {  	[tilespmem:s14], [sflag:$0x1] =	stream.indirect.gather @!p4 [hbm4b:s1+s6], $0x80, s0, s6, $0xb8;
	[tilespmem:$0x1E980] =	vst v63  }
0xb1: {  	v0 =	vld @!p2 [tilespmem:s15+$0x1880];
	_ =	sdelay $0x4  }
0xb2: {  	[tilespmem:$0x3080] =	vst @!p2 v0  }
0xb3: {  	v0 =	vld @!p2 [tilespmem:s15+$0x1890];
	_ =	sdelay $0x4  }
0xb4: {  	[tilespmem:$0x3090] =	vst @!p2 v0  }
0xb5: {  	v0 =	vld @!p2 [tilespmem:s15+$0x18A0];
	_ =	sdelay $0x4  }
0xb6: {  	[tilespmem:$0x30A0] =	vst @!p2 v0  }
0xb7: {  	v0 =	vld @!p2 [tilespmem:s15+$0x18B0];
	_ =	sdelay $0x4  }
0xb8: {  	[tilespmem:$0x30B0] =	vst @!p2 v0  }
0xb9: {  	v0 =	vld @!p2 [tilespmem:s15+$0x18C0];
	_ =	sdelay $0x4  }
0xba: {  	[tilespmem:$0x30C0] =	vst @!p2 v0  }
0xbb: {  	v0 =	vld @!p2 [tilespmem:s15+$0x18D0];
	_ =	sdelay $0x4  }
0xbc: {  	[tilespmem:$0x30D0] =	vst @!p2 v0  }
0xbd: {  	v0 =	vld @!p2 [tilespmem:s15+$0x18E0];
	_ =	sdelay $0x4  }
0xbe: {  	[tilespmem:$0x30E0] =	vst @!p2 v0  }
0xbf: {  	v0 =	vld @!p2 [tilespmem:s15+$0x18F0];
	_ =	sdelay $0x4  }
0xc0: {  	s0 =	simm.s32 @!p2 $0x2;
	[tilespmem:$0x30F0] =	vst @!p2 v0  }
0xc1: {  	_ =	swait.ge @!p2 [sflag:s0], $0x4000  }
0xc2: {  	s6 =	simm.s32 @!p2 $0x7100;
	[sflag:s0] =	ssyncset.done @!p2 $0x0  }
0xc3: {  	s14 =	simm.s32 @!p2 $0x3080;
	s15 =	simm.s32 @!p2 $0x80;
	[sflag:s0] =	ssyncadd.s32 @!p2 $0xFFFFC000  }
0xc4: {  	[spmem:s2] =	stream.indirect.scatter.add.f32 @!p2 [tilespmem:s6], [sflag:$0x4], $0x80, s14, s15, $0xb8;
	[tilespmem:$0x1E980] =	vst v63  }
0xc5: {  	p2 =	sge.u32 s24, s10  }
0xc6: {  	s0 =	simm.s32 @!p2 $0x4  }
0xc7: {  	_ =	swait.ge @!p2 [sflag:s0], $0x4000  }
0xc8: {  	[sflag:s0] =	ssyncset.done @!p2 $0x0  }
0xc9: {  	p3 =	sge.u32 s24, s12;
	[sflag:s0] =	ssyncadd.s32 @!p2 $0xFFFFC000;
	p2 =	sge.u32 s24, s11  }
0xca: {  	s0 =	simm.s32 @!p2 $0x80;
	s6 =	simm.s32 @!p2 $0x1780;
	s14 =	simm.s32 @!p2 $0x7100  }
0xcb: {  	[tilespmem:s14], [sflag:$0x2] =	stream.indirect.gather @!p2 [hbm4b:s1+s0], $0x80, s6, s0, $0xb8;
	[tilespmem:$0x1E980] =	vst v63  }
0xcc: {  	v0 =	vld @!p3 [tilespmem:$0x2F00]  }
0xcd: {  	v1 =	vld @!p3 [tilespmem:$0x2F10]  }
0xce: {  	v2 =	vld @!p3 [tilespmem:$0x2F20]  }
0xcf: {  	v3 =	vld @!p3 [tilespmem:$0x2F30]  }
0xd0: {  	v4 =	vld @!p3 [tilespmem:$0x2F40]  }
0xd1: {  	[tilespmem:$0x3000] =	vst @!p3 v0;
	v0 =	vld @!p3 [tilespmem:$0x2F50]  }
0xd2: {  	[tilespmem:$0x3010] =	vst @!p3 v1;
	v1 =	vld @!p3 [tilespmem:$0x2F60]  }
0xd3: {  	[tilespmem:$0x3020] =	vst @!p3 v2;
	v2 =	vld @!p3 [tilespmem:$0x2F70]  }
0xd4: {  	[tilespmem:$0x3030] =	vst @!p3 v3  }
0xd5: {  	[tilespmem:$0x3040] =	vst @!p3 v4  }
0xd6: {  	[tilespmem:$0x3050] =	vst @!p3 v0  }
0xd7: {  	[tilespmem:$0x3060] =	vst @!p3 v1  }
0xd8: {  	s6 =	simm.s32 @!p3 $0x1;
	[tilespmem:$0x3070] =	vst @!p3 v2  }
0xd9: {  	_ =	swait.ge @!p3 [sflag:s6], $0x4000  }
0xda: {  	s16 =	simm.s32 @!p3 $0x3100;
	[sflag:s6] =	ssyncset.done @!p3 $0x0  }
0xdb: {  	s15 =	simm.s32 @!p3 $0x3000;
	[sflag:s6] =	ssyncadd.s32 @!p3 $0xFFFFC000;
	s6 =	simm.s32 @!p3 $0x80  }
0xdc: {  	[spmem:s2] =	stream.indirect.scatter.add.f32 @!p3 [tilespmem:s16], [sflag:$0x3], $0x80, s15, s6, $0xb8;
	[tilespmem:$0x1E980] =	vst v63  }
0xdd: {  	v0 =	vld @!p2 [tilespmem:$0x2F80]  }
0xde: {  	v1 =	vld @!p2 [tilespmem:$0x2F90]  }
0xdf: {  	v2 =	vld @!p2 [tilespmem:$0x2FA0]  }
0xe0: {  	v3 =	vld @!p2 [tilespmem:$0x2FB0]  }
0xe1: {  	v4 =	vld @!p2 [tilespmem:$0x2FC0]  }
0xe2: {  	[tilespmem:$0x3080] =	vst @!p2 v0;
	v0 =	vld @!p2 [tilespmem:$0x2FD0]  }
0xe3: {  	[tilespmem:$0x3090] =	vst @!p2 v1;
	v1 =	vld @!p2 [tilespmem:$0x2FE0]  }
0xe4: {  	[tilespmem:$0x30A0] =	vst @!p2 v2;
	v2 =	vld @!p2 [tilespmem:$0x2FF0]  }
0xe5: {  	[tilespmem:$0x30B0] =	vst @!p2 v3  }
0xe6: {  	[tilespmem:$0x30C0] =	vst @!p2 v4  }
0xe7: {  	[tilespmem:$0x30D0] =	vst @!p2 v0  }
0xe8: {  	[tilespmem:$0x30E0] =	vst @!p2 v1  }
0xe9: {  	s6 =	simm.s32 @!p2 $0x2;
	[tilespmem:$0x30F0] =	vst @!p2 v2  }
.Ltmp1:
0xea: {  	_ =	swait.ge @!p2 [sflag:s6], $0x4000;
	(pc) =	sbr.rel @p1 .LBB2_2-.Ltmp1, $4  }
0xeb: {  	[sflag:s6] =	ssyncset.done @!p2 $0x0  }
0xec: {  	[sflag:s6] =	ssyncadd.s32 @!p2 $0xFFFFC000;
	s6 =	simm.s32 @!p2 $0x3080  }
0xed: {  	[spmem:s2] =	stream.indirect.scatter.add.f32 @!p2 [tilespmem:s14], [sflag:$0x4], $0x80, s6, s0, $0xb8;
	[tilespmem:$0x1E980] =	vst v63  }
0xee: {  	s24 =	simm.s32 $0x30;
	p2 =	por $0x0, $0x0  }
0xef: {  	[bflag:$0x0] =	sbarrier.arrive $0xFFFF  }
0xf0: {  	s0 =	rddreg [dreg:$0x5]  }
0xf1: {  	[hbm:s0], [sflag:s9] =	dma.local [spmem:s17], $0x2700  }
0xf2: {  	_ =	swait.ge [sflag:s18], $0x2700  }
0xf3: {  	[sflag:s18] =	ssyncset.done $0x0  }
0xf4: {  	s0 =	rddreg [dreg:$0x6];
	[sflag:s18] =	ssyncadd.s32 $0xFFFFD900  }
0xf5: {  	[hbm:s0], [sflag:s9] =	dma.local @!p0 [spmem:s19], $0x100  }
0xf6: {  	s0 =	simm.s32 @!p0 $0x5  }
0xf7: {  	_ =	swait.ge @!p0 [sflag:s0], $0x100  }
0xf8: {  	s23 =	sadd.s32 $0x1, s23;
	s6 =	rddreg [dreg:$0x7]  }
0xf9: {  	p1 =	sne.s32 s23, s6  }
.Ltmp2:
0xfa: {  	_ = 	snop;
	(pc) =	sbr.rel @p1 .LBB2_1-.Ltmp2, $3  }
0xfb: {  	_ =	sdelay $0x1  }
0xfc: {  	[sflag:s0] =	ssyncset.done @!p0 $0x0  }
0xfd: {  	[sflag:s0] =	ssyncadd.s32 @!p0 $0xFFFFFF00  }
0xfe: {  	_ =	sfence.sel $0x180000  }
0xff: {  	[bflag:$0x0] =	sbarrier.arrive $0xFFFF  }
0x100: {  	_ =	strace $0x90000047  }
0x101: {  	[bflag:$0x2] =	sbarrier.arrive $0xFFFF  }
0x102: {  	s0 =	rddreg [dreg:$0x3]  }
0x103: {  	s0 =	sadd.s32 @!p0 $0x100000, s0  }
0x104: {  	[sflag:s0] =	ssyncadd.tile.s32 @!p0 $0x1;
	_ =	shalt  }
.Lfunc_end2:
_tile_overlayer_lowered:
.L_overlay_start_2:
0x105: {  	(tag) =	ssettag $0x2  }
0x106: {  	s0 =	rddreg [dreg:$0x0];
	s2 =	stileid.u32  }
0x107: {  	s1 =	rddreg [dreg:$0x1];
	p0 =	sne.s32 s2, $0x0  }
0x108: {  	s3 =	rddreg [dreg:$0x2];
	[bflag:$0x3] =	sbarrier.arrive $0xFFFF;
	s2 =	simm.s32 @!p0 $0x1C05  }
0x109: {  	[timem:s3], [sflag:s2] =	dma.local @!p0 [hbm:s0], s1  }
0x10a: {  	s0 =	simm.s32 @!p0 $0x5  }
0x10b: {  	_ =	swait.ge @!p0 [sflag:s0], s1  }
0x10c: {  	s1 =	ssub.s32 @!p0 $0x0, s1;
	[sflag:s0] =	ssyncset.done @!p0 $0x0  }
0x10d: {  	[sflag:s0] =	ssyncadd.s32 @!p0 s1  }
0x10e: {  	[bflag:$0x3] =	sbarrier.arrive $0xFFFF  }
0x10f: {  	_ =	shalt  }

</sc_bundles>
